<compile_context>
chip_gen: v7x
topology: tpu7x:2x2x1
jax: 0.10.2.dev20260603
libtpu: 0.0.44.dev20260713+nightly
codegen_flags: <defaults>
</compile_context>

<pallas_src>
import functools

import jax
import jax.numpy as jnp
from jax import lax
from jax.experimental import pallas as pl
from jax.experimental.pallas import tpu as pltpu
from jax.experimental.pallas import tpu_sc as plsc

N = 10000
E = 320000
D = 128
OUT = 128
G = 64

NC = 2
NS = 16
NW = NC * NS
L = 16

N_PAD = 10240
CHUNK = 128
E_PAD = 327680
ROWS = E_PAD // CHUNK
RPW = ROWS // NW
ACC_RPT = N_PAD // NS

_MESH = plsc.VectorSubcoreMesh(
    core_axis_name="c", subcore_axis_name="s", num_cores=NC, num_subcores=NS)


DEGW = 16

@functools.partial(
    pl.kernel,
    out_type=jax.ShapeDtypeStruct((NC, N_PAD, DEGW), jnp.float32),
    mesh=_MESH,
    scratch_types=[
        pltpu.VMEM((RPW, CHUNK), jnp.int32),
        pltpu.VMEM((CHUNK, DEGW), jnp.float32),
        pltpu.VMEM_SHARED((N_PAD, DEGW), jnp.float32),
        pltpu.SemaphoreType.DMA,
    ],
)
def _deg_kernel(dst_hbm, deg_hbm, didx_v, ones_v, acc_sh, sem):
    cid = lax.axis_index("c")
    sid = lax.axis_index("s")
    wid = sid * NC + cid
    zeros = jnp.zeros((L,), jnp.float32)
    ones = jnp.ones((L,), jnp.float32)

    def zb(i, _):
        ones_v[i, pl.ds(0, L)] = zeros
        return 0
    lax.fori_loop(0, CHUNK, zb, 0)
    abase = sid * ACC_RPT
    for t in range(ACC_RPT // CHUNK):
        pltpu.sync_copy(
            ones_v, acc_sh.at[pl.ds(pl.multiple_of(abase + t * CHUNK, 8), CHUNK)])

    def ob(i, _):
        ones_v[i, pl.ds(0, L)] = ones
        return 0
    lax.fori_loop(0, CHUNK, ob, 0)

    rbase = pl.multiple_of(wid * RPW, 8)
    pltpu.sync_copy(dst_hbm.at[pl.ds(rbase, RPW)], didx_v)
    plsc.subcore_barrier()

    FAN = 8
    def body(k, _):
        descs = [pltpu.async_copy(ones_v, acc_sh.at[didx_v.at[k * FAN + b]],
                                  sem, add=True)
                 for b in range(FAN)]
        for d in descs:
            d.wait()
        return 0
    lax.fori_loop(0, RPW // FAN, body, 0)

    plsc.subcore_barrier()
    obase = pl.multiple_of(abase, 8)
    pltpu.sync_copy(acc_sh.at[pl.ds(obase, ACC_RPT)],
                    deg_hbm.at[cid, pl.ds(obase, ACC_RPT)])


QTR = RPW // 2
HC = CHUNK // 2

@functools.partial(
    pl.kernel,
    out_type=jax.ShapeDtypeStruct((NC, N_PAD, D), jnp.float32),
    mesh=_MESH,
    scratch_types=[
        pltpu.VMEM((QTR, CHUNK), jnp.int32),
        pltpu.VMEM((QTR, CHUNK), jnp.int32),
        pltpu.VMEM((CHUNK, D), jnp.float32),
        pltpu.VMEM((CHUNK, D), jnp.float32),
        pltpu.VMEM_SHARED((N_PAD, D), jnp.float32),
        pltpu.SemaphoreType.DMA,
        pltpu.SemaphoreType.DMA,
        pltpu.SemaphoreType.DMA,
        pltpu.SemaphoreType.DMA,
    ],
)
def _msg_kernel(y_hbm, src_hbm, dst_hbm, out_hbm,
                sidx_v, didx_v, rows0_v, rows1_v, acc_sh,
                sem0a, sem0b, sem1a, sem1b):
    cid = lax.axis_index("c")
    sid = lax.axis_index("s")
    wid = sid * NC + cid
    zeros = jnp.zeros((L,), jnp.float32)

    def gather(c, buf, sa, sb):
        pltpu.async_copy(y_hbm.at[sidx_v.at[c, pl.ds(0, HC)]],
                         buf.at[pl.ds(0, HC)], sa)
        pltpu.async_copy(y_hbm.at[sidx_v.at[c, pl.ds(HC, HC)]],
                         buf.at[pl.ds(HC, HC)], sb)

    def wait(buf, sa, sb):
        pltpu.make_async_copy(y_hbm.at[pl.ds(0, HC)], buf.at[pl.ds(0, HC)],
                              sa).wait()
        pltpu.make_async_copy(y_hbm.at[pl.ds(0, HC)], buf.at[pl.ds(HC, HC)],
                              sb).wait()

    def zb(i, _):
        for j in range(D // L):
            rows0_v[i, pl.ds(j * L, L)] = zeros
        return 0
    lax.fori_loop(0, CHUNK, zb, 0)
    abase = pl.multiple_of(sid * ACC_RPT, CHUNK)
    for t in range(ACC_RPT // CHUNK):
        pltpu.sync_copy(
            rows0_v,
            acc_sh.at[pl.ds(pl.multiple_of(abase + t * CHUNK, CHUNK), CHUNK)])
    plsc.subcore_barrier()

    for q in range(RPW // QTR):
        qb128 = pl.multiple_of(wid * RPW + q * QTR, 8)
        pltpu.sync_copy(src_hbm.at[pl.ds(qb128, QTR)], sidx_v)
        pltpu.sync_copy(dst_hbm.at[pl.ds(qb128, QTR)], didx_v)

        gather(0, rows0_v, sem0a, sem0b)

        def body(k, _):
            c = 2 * k
            gather(c + 1, rows1_v, sem1a, sem1b)
            wait(rows0_v, sem0a, sem0b)
            pltpu.sync_copy(rows0_v, acc_sh.at[didx_v.at[c]], add=True)
            gather(c + 2, rows0_v, sem0a, sem0b)
            wait(rows1_v, sem1a, sem1b)
            pltpu.sync_copy(rows1_v, acc_sh.at[didx_v.at[c + 1]], add=True)
            return 0
        lax.fori_loop(0, QTR // 2 - 1, body, 0)

        gather(QTR - 1, rows1_v, sem1a, sem1b)
        wait(rows0_v, sem0a, sem0b)
        pltpu.sync_copy(rows0_v, acc_sh.at[didx_v.at[QTR - 2]], add=True)
        wait(rows1_v, sem1a, sem1b)
        pltpu.sync_copy(rows1_v, acc_sh.at[didx_v.at[QTR - 1]], add=True)

    plsc.subcore_barrier()
    pltpu.sync_copy(acc_sh.at[pl.ds(abase, ACC_RPT)],
                    out_hbm.at[cid, pl.ds(abase, ACC_RPT)])


def _tc_pre_body(x_ref, w1_ref, degp_ref, y1_ref, dinv_ref):
    deg = degp_ref[0] + degp_ref[1]
    dinv = lax.rsqrt(deg + 1.0)
    xw = jnp.dot(x_ref[...], w1_ref[...], preferred_element_type=jnp.float32)
    y1_ref[...] = xw * dinv
    dinv_ref[...] = dinv


_tc_pre = pl.pallas_call(
    _tc_pre_body,
    out_shape=[jax.ShapeDtypeStruct((N, D), jnp.float32),
               jax.ShapeDtypeStruct((N, 1), jnp.float32)],
)


def _bn_relu(pre, g, be):
    mu = jnp.mean(pre, axis=0, keepdims=True)
    var = jnp.mean((pre - mu) * (pre - mu), axis=0, keepdims=True)
    return jnp.maximum((pre - mu) * lax.rsqrt(var + 1e-5) * g + be, 0.0)


def _combine(part_ref, y_ref):
    return part_ref[0, :N, :] + part_ref[1, :N, :] + y_ref[...]


def _tc_mid_body(part_ref, y1_ref, dinv_ref, b1_ref, g1_ref, be1_ref, w2_ref,
                 y2_ref):
    pre = _combine(part_ref, y1_ref) * dinv_ref[...] + b1_ref[...]
    h = _bn_relu(pre, g1_ref[...], be1_ref[...])
    y2_ref[...] = jnp.dot(h, w2_ref[...],
                          preferred_element_type=jnp.float32) * dinv_ref[...]


_tc_mid = pl.pallas_call(
    _tc_mid_body,
    out_shape=jax.ShapeDtypeStruct((N, D), jnp.float32),
)


def _tc_post_body(part_ref, y2_ref, dinv_ref, b2_ref, g2_ref, be2_ref,
                  batch_ref, fcw_ref, fcb_ref, out_ref):
    pre = _combine(part_ref, y2_ref) * dinv_ref[...] + b2_ref[...]
    h = _bn_relu(pre, g2_ref[...], be2_ref[...])
    gid = lax.broadcasted_iota(jnp.int32, (G, N), 0)
    oh = (batch_ref[...] == gid).astype(jnp.float32)
    pooled = jnp.dot(oh, h, preferred_element_type=jnp.float32)
    counts = jnp.sum(oh, axis=1, keepdims=True)
    pooled = pooled / jnp.maximum(counts, 1.0)
    out_ref[...] = jnp.dot(pooled, fcw_ref[...],
                           preferred_element_type=jnp.float32) + fcb_ref[...]


_tc_post = pl.pallas_call(
    _tc_post_body,
    out_shape=jax.ShapeDtypeStruct((G, OUT), jnp.float32),
)


def kernel(x, edge_index, batch, W1, b1, g1, be1, W2, b2, g2, be2, fcW, fcb):
    src = edge_index[0].astype(jnp.int32)
    dst = edge_index[1].astype(jnp.int32)
    pad = E_PAD - E
    src_p = jnp.concatenate([src, jnp.zeros((pad,), jnp.int32)])
    dst_p = jnp.concatenate([dst, jnp.full((pad,), N, jnp.int32)])
    src2d = src_p.reshape(ROWS, CHUNK)
    dst2d = dst_p.reshape(ROWS, CHUNK)

    degp = _deg_kernel(dst2d)
    deg_col = degp[:, :N, 0:1]

    y1, dinv = _tc_pre(x, W1, deg_col)
    part1 = _msg_kernel(y1, src2d, dst2d)
    y2 = _tc_mid(part1, y1, dinv,
                 b1.reshape(1, D), g1.reshape(1, D), be1.reshape(1, D), W2)
    part2 = _msg_kernel(y2, src2d, dst2d)
    return _tc_post(part2, y2, dinv,
                    b2.reshape(1, D), g2.reshape(1, D), be2.reshape(1, D),
                    batch.astype(jnp.int32).reshape(1, N), fcW,
                    fcb.reshape(1, OUT))

# --- scband reference (transcript-rebuilt; emitter-appended) ---
"""Pipeline reference for scband-gnn-62294205661279 (READ-ONLY COPY).

The authoritative reference and input builder live on the scoring server;
editing this copy changes nothing except your own understanding.
"""

import jax, jax.numpy as jnp
import numpy as np

N = 10000
E = 320000
D = 128
OUT = 128
NUM_GRAPHS = 64


def gcn_conv(x, src, dst, W, b, n):
    xw = x @ W
    deg = jnp.zeros((n,), jnp.float32).at[dst].add(1.0)
    dinv = jnp.where(deg > 0, jax.lax.rsqrt(jnp.maximum(deg, 1e-12)), 0.0)
    norm = dinv[src] * dinv[dst]
    msg = xw[src] * norm[:, None]
    out = jnp.zeros((n, xw.shape[1]), jnp.float32).at[dst].add(msg)
    return out + b


def batch_norm(x, gamma, beta, eps=1e-5):
    mu = jnp.mean(x, axis=0)
    var = jnp.var(x, axis=0)
    return (x - mu) * jax.lax.rsqrt(var + eps) * gamma + beta


def setup_inputs(seed: int = 0) -> dict:
    key = jax.random.key(seed)
    ks = jax.random.split(key, 16)
    x = jax.random.normal(ks[0], (N, D), jnp.float32)
    edge_index = jax.random.randint(ks[1], (2, E), 0, N)
    batch = jnp.sort(jax.random.randint(ks[2], (N,), 0, NUM_GRAPHS))
    s = 0.05
    W1 = jax.random.normal(ks[3], (D, D), jnp.float32) * s
    b1 = jnp.zeros((D,), jnp.float32)
    g1 = jnp.ones((D,), jnp.float32)
    be1 = jnp.zeros((D,), jnp.float32)
    W2 = jax.random.normal(ks[4], (D, D), jnp.float32) * s
    b2 = jnp.zeros((D,), jnp.float32)
    g2 = jnp.ones((D,), jnp.float32)
    be2 = jnp.zeros((D,), jnp.float32)
    fcW = jax.random.normal(ks[5], (D, OUT), jnp.float32) * s
    fcb = jnp.zeros((OUT,), jnp.float32)
    return {"x": x, "edge_index": edge_index, "batch": batch,
            "W1": W1, "b1": b1, "g1": g1, "be1": be1,
            "W2": W2, "b2": b2, "g2": g2, "be2": be2,
            "fcW": fcW, "fcb": fcb}


def reference(x, edge_index, batch, W1, b1, g1, be1, W2, b2, g2, be2, fcW, fcb):
    src, dst = edge_index[0], edge_index[1]
    loop = jnp.arange(N, dtype=src.dtype)
    src2 = jnp.concatenate([src, loop])
    dst2 = jnp.concatenate([dst, loop])
    h = gcn_conv(x, src2, dst2, W1, b1, N)
    h = jax.nn.relu(batch_norm(h, g1, be1))
    h = gcn_conv(h, src2, dst2, W2, b2, N)
    h = jax.nn.relu(batch_norm(h, g2, be2))
    counts = jnp.zeros((NUM_GRAPHS,), jnp.float32).at[batch].add(1.0)
    pooled = jax.ops.segment_sum(h, batch, num_segments=NUM_GRAPHS)
    pooled = pooled / jnp.maximum(counts, 1.0)[:, None]
    return pooled @ fcW + fcb

if __name__ == "__main__":
    import jax
    _d = setup_inputs()
    print(jax.jit(kernel)(*tuple(_d.values())))

</pallas_src>

<mosaic_0001>
#map = affine_map<(d0, d1) -> (0, 0)>
#map1 = affine_map<(d0, d1) -> (0, 0, 0)>
module attributes {stable_mosaic.version = 14 : i64} {
  func.func @_deg_kernel(%arg0: i32, %arg1: i32, %arg2: memref<2560x128xi32, #tpu.memory_space<hbm>>, %arg3: memref<2x10240x16xf32, #tpu.memory_space<hbm>>, %arg4: memref<80x128xi32, #tpu.memory_space<vmem>>, %arg5: memref<128x16xf32, #tpu.memory_space<vmem>>, %arg6: memref<10240x16xf32, #tpu.memory_space<vmem_shared>>, %arg7: memref<!tpu.dma_semaphore, #tpu.memory_space<semaphore_mem>>) attributes {dimension_semantics = [#tpu.dimension_semantics<core_parallel>, #tpu.dimension_semantics<subcore_parallel>], iteration_bounds = array<i64: 2, 16>, scalar_prefetch = 0 : i64, scratch_operands = 4 : i64, tpu.core_type = #tpu.core_type<sc_vector_subcore>, window_params = [{transform_indices = #map}, {transform_indices = #map1}]} {
    %mul3A = arith.constant 2 : i32
    %mul3A_0 = arith.muli %arg1, %mul3A : i32
    %add3A = arith.addi %mul3A_0, %arg0 : i32
    %broadcast_in_dim3A = arith.constant 0.000000e+00 : f32
    %broadcast_in_dim3A_1 = vector.broadcast %broadcast_in_dim3A : f32 to vector<16xf32>
    %broadcast_in_dim3A_2 = arith.constant 1.000000e+00 : f32
    %broadcast_in_dim3A_3 = vector.broadcast %broadcast_in_dim3A_2 : f32 to vector<16xf32>
    %scan3A = arith.constant 0 : i32
    %scan3A_4 = arith.constant 0 : i32
    %scan3A_5 = arith.constant 128 : i32
    %scan3A_6 = arith.addi %scan3A_4, %scan3A_5 : i32
    %scan3A_7 = arith.constant 1 : i32
    %scan3A_8 = scf.for %scan3A_45 = %scan3A_4 to %scan3A_6 step %scan3A_7 iter_args(%scan3A_46 = %scan3A) -> (i32)  : i32 {
      %swap3A = arith.index_cast %scan3A_45 : i32 to index
      %swap3A_47 = arith.constant 0 : index
      %swap3A_48 = tpu.vector_load %arg5[%swap3A, %swap3A_47] {strides = array<i32>} : memref<128x16xf32, #tpu.memory_space<vmem>>, vector<1x16xf32>,
      %swap3A_49 = vector.shape_cast %swap3A_48 : vector<1x16xf32> to vector<16xf32>
      %swap3A_50 = vector.shape_cast %broadcast_in_dim3A_1 : vector<16xf32> to vector<1x16xf32>
      tpu.vector_store %arg5[%swap3A, %swap3A_47], %swap3A_50 {strides = array<i32>} : memref<128x16xf32, #tpu.memory_space<vmem>>, vector<1x16xf32>,
      %scan3A_51 = arith.constant 0 : i32
      scf.yield %scan3A_51 : i32
    }
    %scan3A_9 = arith.constant 128 : i32
    %mul3A_10 = arith.constant 640 : i32
    %mul3A_11 = arith.muli %arg1, %mul3A_10 : i32
    %add3A_12 = arith.constant 0 : i32
    %add3A_13 = arith.addi %mul3A_11, %add3A_12 : i32
    %multiple_of3A = tpu.assume_multiple %add3A_13, 8 : i32
    "tpu.region"() ({
      %run_scoped3A = tpu.sem_alloc : memref<!tpu.dma_semaphore, #tpu.memory_space<semaphore_mem>>
      %dma_start3A = arith.constant 0 : i32
      %dma_start3A_45 = tpu.memref_slice %arg6[%multiple_of3A, %dma_start3A] : memref<10240x16xf32, #tpu.memory_space<vmem_shared>> -> memref<128x16xf32, #tpu.memory_space<vmem_shared>>
      %dma_start3A_46 = arith.constant 0 : i32
      %dma_start3A_47 = tpu.memref_slice %arg6[%multiple_of3A, %dma_start3A_46] : memref<10240x16xf32, #tpu.memory_space<vmem_shared>> -> memref<128x16xf32, #tpu.memory_space<vmem_shared>>
      tpu.enqueue_dma source(%arg5 : memref<128x16xf32, #tpu.memory_space<vmem>>) target(%dma_start3A_47 : memref<128x16xf32, #tpu.memory_space<vmem_shared>>) target_semaphore(%run_scoped3A : memref<!tpu.dma_semaphore, #tpu.memory_space<semaphore_mem>>)
      %dma_wait3A = arith.constant 0 : i32
      %dma_wait3A_48 = tpu.memref_slice %arg6[%multiple_of3A, %dma_wait3A] : memref<10240x16xf32, #tpu.memory_space<vmem_shared>> -> memref<128x16xf32, #tpu.memory_space<vmem_shared>>
      %dma_wait3A_49 = arith.constant 0 : i32
      %dma_wait3A_50 = tpu.memref_slice %arg6[%multiple_of3A, %dma_wait3A_49] : memref<10240x16xf32, #tpu.memory_space<vmem_shared>> -> memref<128x16xf32, #tpu.memory_space<vmem_shared>>
      tpu.wait_dma2 semaphore(%run_scoped3A : memref<!tpu.dma_semaphore, #tpu.memory_space<semaphore_mem>>) src(%arg5 : memref<128x16xf32, #tpu.memory_space<vmem>>) dst(%dma_wait3A_50 : memref<128x16xf32, #tpu.memory_space<vmem_shared>>)
      tpu.yield
    }) : () -> ()
    %add3A_14 = arith.constant 128 : i32
    %add3A_15 = arith.addi %mul3A_11, %add3A_14 : i32
    %multiple_of3A_16 = tpu.assume_multiple %add3A_15, 8 : i32
    "tpu.region"() ({
      %run_scoped3A = tpu.sem_alloc : memref<!tpu.dma_semaphore, #tpu.memory_space<semaphore_mem>>
      %dma_start3A = arith.constant 0 : i32
      %dma_start3A_45 = tpu.memref_slice %arg6[%multiple_of3A_16, %dma_start3A] : memref<10240x16xf32, #tpu.memory_space<vmem_shared>> -> memref<128x16xf32, #tpu.memory_space<vmem_shared>>
      %dma_start3A_46 = arith.constant 0 : i32
      %dma_start3A_47 = tpu.memref_slice %arg6[%multiple_of3A_16, %dma_start3A_46] : memref<10240x16xf32, #tpu.memory_space<vmem_shared>> -> memref<128x16xf32, #tpu.memory_space<vmem_shared>>
      tpu.enqueue_dma source(%arg5 : memref<128x16xf32, #tpu.memory_space<vmem>>) target(%dma_start3A_47 : memref<128x16xf32, #tpu.memory_space<vmem_shared>>) target_semaphore(%run_scoped3A : memref<!tpu.dma_semaphore, #tpu.memory_space<semaphore_mem>>)
      %dma_wait3A = arith.constant 0 : i32
      %dma_wait3A_48 = tpu.memref_slice %arg6[%multiple_of3A_16, %dma_wait3A] : memref<10240x16xf32, #tpu.memory_space<vmem_shared>> -> memref<128x16xf32, #tpu.memory_space<vmem_shared>>
      %dma_wait3A_49 = arith.constant 0 : i32
      %dma_wait3A_50 = tpu.memref_slice %arg6[%multiple_of3A_16, %dma_wait3A_49] : memref<10240x16xf32, #tpu.memory_space<vmem_shared>> -> memref<128x16xf32, #tpu.memory_space<vmem_shared>>
      tpu.wait_dma2 semaphore(%run_scoped3A : memref<!tpu.dma_semaphore, #tpu.memory_space<semaphore_mem>>) src(%arg5 : memref<128x16xf32, #tpu.memory_space<vmem>>) dst(%dma_wait3A_50 : memref<128x16xf32, #tpu.memory_space<vmem_shared>>)
      tpu.yield
    }) : () -> ()
    %add3A_17 = arith.constant 256 : i32
    %add3A_18 = arith.addi %mul3A_11, %add3A_17 : i32
    %multiple_of3A_19 = tpu.assume_multiple %add3A_18, 8 : i32
    "tpu.region"() ({
      %run_scoped3A = tpu.sem_alloc : memref<!tpu.dma_semaphore, #tpu.memory_space<semaphore_mem>>
      %dma_start3A = arith.constant 0 : i32
      %dma_start3A_45 = tpu.memref_slice %arg6[%multiple_of3A_19, %dma_start3A] : memref<10240x16xf32, #tpu.memory_space<vmem_shared>> -> memref<128x16xf32, #tpu.memory_space<vmem_shared>>
      %dma_start3A_46 = arith.constant 0 : i32
      %dma_start3A_47 = tpu.memref_slice %arg6[%multiple_of3A_19, %dma_start3A_46] : memref<10240x16xf32, #tpu.memory_space<vmem_shared>> -> memref<128x16xf32, #tpu.memory_space<vmem_shared>>
      tpu.enqueue_dma source(%arg5 : memref<128x16xf32, #tpu.memory_space<vmem>>) target(%dma_start3A_47 : memref<128x16xf32, #tpu.memory_space<vmem_shared>>) target_semaphore(%run_scoped3A : memref<!tpu.dma_semaphore, #tpu.memory_space<semaphore_mem>>)
      %dma_wait3A = arith.constant 0 : i32
      %dma_wait3A_48 = tpu.memref_slice %arg6[%multiple_of3A_19, %dma_wait3A] : memref<10240x16xf32, #tpu.memory_space<vmem_shared>> -> memref<128x16xf32, #tpu.memory_space<vmem_shared>>
      %dma_wait3A_49 = arith.constant 0 : i32
      %dma_wait3A_50 = tpu.memref_slice %arg6[%multiple_of3A_19, %dma_wait3A_49] : memref<10240x16xf32, #tpu.memory_space<vmem_shared>> -> memref<128x16xf32, #tpu.memory_space<vmem_shared>>
      tpu.wait_dma2 semaphore(%run_scoped3A : memref<!tpu.dma_semaphore, #tpu.memory_space<semaphore_mem>>) src(%arg5 : memref<128x16xf32, #tpu.memory_space<vmem>>) dst(%dma_wait3A_50 : memref<128x16xf32, #tpu.memory_space<vmem_shared>>)
      tpu.yield
    }) : () -> ()
    %add3A_20 = arith.constant 384 : i32
    %add3A_21 = arith.addi %mul3A_11, %add3A_20 : i32
    %multiple_of3A_22 = tpu.assume_multiple %add3A_21, 8 : i32
    "tpu.region"() ({
      %run_scoped3A = tpu.sem_alloc : memref<!tpu.dma_semaphore, #tpu.memory_space<semaphore_mem>>
      %dma_start3A = arith.constant 0 : i32
      %dma_start3A_45 = tpu.memref_slice %arg6[%multiple_of3A_22, %dma_start3A] : memref<10240x16xf32, #tpu.memory_space<vmem_shared>> -> memref<128x16xf32, #tpu.memory_space<vmem_shared>>
      %dma_start3A_46 = arith.constant 0 : i32
      %dma_start3A_47 = tpu.memref_slice %arg6[%multiple_of3A_22, %dma_start3A_46] : memref<10240x16xf32, #tpu.memory_space<vmem_shared>> -> memref<128x16xf32, #tpu.memory_space<vmem_shared>>
      tpu.enqueue_dma source(%arg5 : memref<128x16xf32, #tpu.memory_space<vmem>>) target(%dma_start3A_47 : memref<128x16xf32, #tpu.memory_space<vmem_shared>>) target_semaphore(%run_scoped3A : memref<!tpu.dma_semaphore, #tpu.memory_space<semaphore_mem>>)
      %dma_wait3A = arith.constant 0 : i32
      %dma_wait3A_48 = tpu.memref_slice %arg6[%multiple_of3A_22, %dma_wait3A] : memref<10240x16xf32, #tpu.memory_space<vmem_shared>> -> memref<128x16xf32, #tpu.memory_space<vmem_shared>>
      %dma_wait3A_49 = arith.constant 0 : i32
      %dma_wait3A_50 = tpu.memref_slice %arg6[%multiple_of3A_22, %dma_wait3A_49] : memref<10240x16xf32, #tpu.memory_space<vmem_shared>> -> memref<128x16xf32, #tpu.memory_space<vmem_shared>>
      tpu.wait_dma2 semaphore(%run_scoped3A : memref<!tpu.dma_semaphore, #tpu.memory_space<semaphore_mem>>) src(%arg5 : memref<128x16xf32, #tpu.memory_space<vmem>>) dst(%dma_wait3A_50 : memref<128x16xf32, #tpu.memory_space<vmem_shared>>)
      tpu.yield
    }) : () -> ()
    %add3A_23 = arith.constant 512 : i32
    %add3A_24 = arith.addi %mul3A_11, %add3A_23 : i32
    %multiple_of3A_25 = tpu.assume_multiple %add3A_24, 8 : i32
    "tpu.region"() ({
      %run_scoped3A = tpu.sem_alloc : memref<!tpu.dma_semaphore, #tpu.memory_space<semaphore_mem>>
      %dma_start3A = arith.constant 0 : i32
      %dma_start3A_45 = tpu.memref_slice %arg6[%multiple_of3A_25, %dma_start3A] : memref<10240x16xf32, #tpu.memory_space<vmem_shared>> -> memref<128x16xf32, #tpu.memory_space<vmem_shared>>
      %dma_start3A_46 = arith.constant 0 : i32
      %dma_start3A_47 = tpu.memref_slice %arg6[%multiple_of3A_25, %dma_start3A_46] : memref<10240x16xf32, #tpu.memory_space<vmem_shared>> -> memref<128x16xf32, #tpu.memory_space<vmem_shared>>
      tpu.enqueue_dma source(%arg5 : memref<128x16xf32, #tpu.memory_space<vmem>>) target(%dma_start3A_47 : memref<128x16xf32, #tpu.memory_space<vmem_shared>>) target_semaphore(%run_scoped3A : memref<!tpu.dma_semaphore, #tpu.memory_space<semaphore_mem>>)
      %dma_wait3A = arith.constant 0 : i32
      %dma_wait3A_48 = tpu.memref_slice %arg6[%multiple_of3A_25, %dma_wait3A] : memref<10240x16xf32, #tpu.memory_space<vmem_shared>> -> memref<128x16xf32, #tpu.memory_space<vmem_shared>>
      %dma_wait3A_49 = arith.constant 0 : i32
      %dma_wait3A_50 = tpu.memref_slice %arg6[%multiple_of3A_25, %dma_wait3A_49] : memref<10240x16xf32, #tpu.memory_space<vmem_shared>> -> memref<128x16xf32, #tpu.memory_space<vmem_shared>>
      tpu.wait_dma2 semaphore(%run_scoped3A : memref<!tpu.dma_semaphore, #tpu.memory_space<semaphore_mem>>) src(%arg5 : memref<128x16xf32, #tpu.memory_space<vmem>>) dst(%dma_wait3A_50 : memref<128x16xf32, #tpu.memory_space<vmem_shared>>)
      tpu.yield
    }) : () -> ()
    %scan3A_26 = arith.constant 0 : i32
    %scan3A_27 = arith.constant 0 : i32
    %scan3A_28 = arith.constant 128 : i32
    %scan3A_29 = arith.addi %scan3A_27, %scan3A_28 : i32
    %scan3A_30 = arith.constant 1 : i32
    %scan3A_31 = scf.for %scan3A_45 = %scan3A_27 to %scan3A_29 step %scan3A_30 iter_args(%scan3A_46 = %scan3A_26) -> (i32)  : i32 {
      %swap3A = arith.index_cast %scan3A_45 : i32 to index
      %swap3A_47 = arith.constant 0 : index
      %swap3A_48 = tpu.vector_load %arg5[%swap3A, %swap3A_47] {strides = array<i32>} : memref<128x16xf32, #tpu.memory_space<vmem>>, vector<1x16xf32>,
      %swap3A_49 = vector.shape_cast %swap3A_48 : vector<1x16xf32> to vector<16xf32>
      %swap3A_50 = vector.shape_cast %broadcast_in_dim3A_3 : vector<16xf32> to vector<1x16xf32>
      tpu.vector_store %arg5[%swap3A, %swap3A_47], %swap3A_50 {strides = array<i32>} : memref<128x16xf32, #tpu.memory_space<vmem>>, vector<1x16xf32>,
      %scan3A_51 = arith.constant 0 : i32
      scf.yield %scan3A_51 : i32
    }
    %scan3A_32 = arith.constant 128 : i32
    %mul3A_33 = arith.constant 80 : i32
    %mul3A_34 = arith.muli %add3A, %mul3A_33 : i32
    %multiple_of3A_35 = tpu.assume_multiple %mul3A_34, 8 : i32
    "tpu.region"() ({
      %run_scoped3A = tpu.sem_alloc : memref<!tpu.dma_semaphore, #tpu.memory_space<semaphore_mem>>
      %dma_start3A = arith.constant 0 : i32
      %dma_start3A_45 = tpu.memref_slice %arg2[%multiple_of3A_35, %dma_start3A] : memref<2560x128xi32, #tpu.memory_space<hbm>> -> memref<80x128xi32, #tpu.memory_space<hbm>>
      %dma_start3A_46 = arith.constant 0 : i32
      %dma_start3A_47 = tpu.memref_slice %arg2[%multiple_of3A_35, %dma_start3A_46] : memref<2560x128xi32, #tpu.memory_space<hbm>> -> memref<80x128xi32, #tpu.memory_space<hbm>>
      tpu.enqueue_dma source(%dma_start3A_47 : memref<80x128xi32, #tpu.memory_space<hbm>>) target(%arg4 : memref<80x128xi32, #tpu.memory_space<vmem>>) target_semaphore(%run_scoped3A : memref<!tpu.dma_semaphore, #tpu.memory_space<semaphore_mem>>)
      %dma_wait3A = arith.constant 0 : i32
      %dma_wait3A_48 = tpu.memref_slice %arg2[%multiple_of3A_35, %dma_wait3A] : memref<2560x128xi32, #tpu.memory_space<hbm>> -> memref<80x128xi32, #tpu.memory_space<hbm>>
      %dma_wait3A_49 = arith.constant 0 : i32
      %dma_wait3A_50 = tpu.memref_slice %arg2[%multiple_of3A_35, %dma_wait3A_49] : memref<2560x128xi32, #tpu.memory_space<hbm>> -> memref<80x128xi32, #tpu.memory_space<hbm>>
      tpu.wait_dma2 semaphore(%run_scoped3A : memref<!tpu.dma_semaphore, #tpu.memory_space<semaphore_mem>>) src(%dma_wait3A_50 : memref<80x128xi32, #tpu.memory_space<hbm>>) dst(%arg4 : memref<80x128xi32, #tpu.memory_space<vmem>>)
      tpu.yield
    }) : () -> ()
    %barrier3A = arith.constant 0 : index
    tpu.barrier barrier_id(%barrier3A)
    %scan3A_36 = arith.constant 0 : i32
    %scan3A_37 = arith.constant 0 : i32
    %scan3A_38 = arith.constant 10 : i32
    %scan3A_39 = arith.addi %scan3A_37, %scan3A_38 : i32
    %scan3A_40 = arith.constant 1 : i32
    %scan3A_41 = scf.for %scan3A_45 = %scan3A_37 to %scan3A_39 step %scan3A_40 iter_args(%scan3A_46 = %scan3A_36) -> (i32)  : i32 {
      %mul3A_47 = arith.constant 8 : i32
      %mul3A_48 = arith.muli %scan3A_45, %mul3A_47 : i32
      %add3A_49 = arith.constant 0 : i32
      %add3A_50 = arith.addi %mul3A_48, %add3A_49 : i32
      %dma_start3A = arith.constant 0 : i32
      %dma_start3A_51 = tpu.memref_slice %arg4[%add3A_50, %dma_start3A] : memref<80x128xi32, #tpu.memory_space<vmem>> -> memref<1x128xi32, #tpu.memory_space<vmem>>
      %dma_start3A_52 = tpu.memref_squeeze %dma_start3A_51 : memref<1x128xi32, #tpu.memory_space<vmem>> -> memref<128xi32, #tpu.memory_space<vmem>>
      %dma_start3A_53 = arith.constant 0 : i32
      %dma_start3A_54 = arith.constant 0 : i32
      %dma_start3A_55 = tpu.memref_slice %arg6[%dma_start3A_53, %dma_start3A_54] : memref<10240x16xf32, #tpu.memory_space<vmem_shared>> -> memref<10240x16xf32, #tpu.memory_space<vmem_shared>>
      tpu.enqueue_indirect_dma source(%arg5 : memref<128x16xf32, #tpu.memory_space<vmem>>) target(%dma_start3A_55 : memref<10240x16xf32, #tpu.memory_space<vmem_shared>>) offsets(%dma_start3A_52 : memref<128xi32, #tpu.memory_space<vmem>>) semaphore(%arg7 : memref<!tpu.dma_semaphore, #tpu.memory_space<semaphore_mem>>) {add = true}
      %mul3A_56 = arith.constant 8 : i32
      %mul3A_57 = arith.muli %scan3A_45, %mul3A_56 : i32
      %add3A_58 = arith.constant 1 : i32
      %add3A_59 = arith.addi %mul3A_57, %add3A_58 : i32
      %dma_start3A_60 = arith.constant 0 : i32
      %dma_start3A_61 = tpu.memref_slice %arg4[%add3A_59, %dma_start3A_60] : memref<80x128xi32, #tpu.memory_space<vmem>> -> memref<1x128xi32, #tpu.memory_space<vmem>>
      %dma_start3A_62 = tpu.memref_squeeze %dma_start3A_61 : memref<1x128xi32, #tpu.memory_space<vmem>> -> memref<128xi32, #tpu.memory_space<vmem>>
      %dma_start3A_63 = arith.constant 0 : i32
      %dma_start3A_64 = arith.constant 0 : i32
      %dma_start3A_65 = tpu.memref_slice %arg6[%dma_start3A_63, %dma_start3A_64] : memref<10240x16xf32, #tpu.memory_space<vmem_shared>> -> memref<10240x16xf32, #tpu.memory_space<vmem_shared>>
      tpu.enqueue_indirect_dma source(%arg5 : memref<128x16xf32, #tpu.memory_space<vmem>>) target(%dma_start3A_65 : memref<10240x16xf32, #tpu.memory_space<vmem_shared>>) offsets(%dma_start3A_62 : memref<128xi32, #tpu.memory_space<vmem>>) semaphore(%arg7 : memref<!tpu.dma_semaphore, #tpu.memory_space<semaphore_mem>>) {add = true}
      %mul3A_66 = arith.constant 8 : i32
      %mul3A_67 = arith.muli %scan3A_45, %mul3A_66 : i32
      %add3A_68 = arith.constant 2 : i32
      %add3A_69 = arith.addi %mul3A_67, %add3A_68 : i32
      %dma_start3A_70 = arith.constant 0 : i32
      %dma_start3A_71 = tpu.memref_slice %arg4[%add3A_69, %dma_start3A_70] : memref<80x128xi32, #tpu.memory_space<vmem>> -> memref<1x128xi32, #tpu.memory_space<vmem>>
      %dma_start3A_72 = tpu.memref_squeeze %dma_start3A_71 : memref<1x128xi32, #tpu.memory_space<vmem>> -> memref<128xi32, #tpu.memory_space<vmem>>
      %dma_start3A_73 = arith.constant 0 : i32
      %dma_start3A_74 = arith.constant 0 : i32
      %dma_start3A_75 = tpu.memref_slice %arg6[%dma_start3A_73, %dma_start3A_74] : memref<10240x16xf32, #tpu.memory_space<vmem_shared>> -> memref<10240x16xf32, #tpu.memory_space<vmem_shared>>
      tpu.enqueue_indirect_dma source(%arg5 : memref<128x16xf32, #tpu.memory_space<vmem>>) target(%dma_start3A_75 : memref<10240x16xf32, #tpu.memory_space<vmem_shared>>) offsets(%dma_start3A_72 : memref<128xi32, #tpu.memory_space<vmem>>) semaphore(%arg7 : memref<!tpu.dma_semaphore, #tpu.memory_space<semaphore_mem>>) {add = true}
      %mul3A_76 = arith.constant 8 : i32
      %mul3A_77 = arith.muli %scan3A_45, %mul3A_76 : i32
      %add3A_78 = arith.constant 3 : i32
      %add3A_79 = arith.addi %mul3A_77, %add3A_78 : i32
      %dma_start3A_80 = arith.constant 0 : i32
      %dma_start3A_81 = tpu.memref_slice %arg4[%add3A_79, %dma_start3A_80] : memref<80x128xi32, #tpu.memory_space<vmem>> -> memref<1x128xi32, #tpu.memory_space<vmem>>
      %dma_start3A_82 = tpu.memref_squeeze %dma_start3A_81 : memref<1x128xi32, #tpu.memory_space<vmem>> -> memref<128xi32, #tpu.memory_space<vmem>>
      %dma_start3A_83 = arith.constant 0 : i32
      %dma_start3A_84 = arith.constant 0 : i32
      %dma_start3A_85 = tpu.memref_slice %arg6[%dma_start3A_83, %dma_start3A_84] : memref<10240x16xf32, #tpu.memory_space<vmem_shared>> -> memref<10240x16xf32, #tpu.memory_space<vmem_shared>>
      tpu.enqueue_indirect_dma source(%arg5 : memref<128x16xf32, #tpu.memory_space<vmem>>) target(%dma_start3A_85 : memref<10240x16xf32, #tpu.memory_space<vmem_shared>>) offsets(%dma_start3A_82 : memref<128xi32, #tpu.memory_space<vmem>>) semaphore(%arg7 : memref<!tpu.dma_semaphore, #tpu.memory_space<semaphore_mem>>) {add = true}
      %mul3A_86 = arith.constant 8 : i32
      %mul3A_87 = arith.muli %scan3A_45, %mul3A_86 : i32
      %add3A_88 = arith.constant 4 : i32
      %add3A_89 = arith.addi %mul3A_87, %add3A_88 : i32
      %dma_start3A_90 = arith.constant 0 : i32
      %dma_start3A_91 = tpu.memref_slice %arg4[%add3A_89, %dma_start3A_90] : memref<80x128xi32, #tpu.memory_space<vmem>> -> memref<1x128xi32, #tpu.memory_space<vmem>>
      %dma_start3A_92 = tpu.memref_squeeze %dma_start3A_91 : memref<1x128xi32, #tpu.memory_space<vmem>> -> memref<128xi32, #tpu.memory_space<vmem>>
      %dma_start3A_93 = arith.constant 0 : i32
      %dma_start3A_94 = arith.constant 0 : i32
      %dma_start3A_95 = tpu.memref_slice %arg6[%dma_start3A_93, %dma_start3A_94] : memref<10240x16xf32, #tpu.memory_space<vmem_shared>> -> memref<10240x16xf32, #tpu.memory_space<vmem_shared>>
      tpu.enqueue_indirect_dma source(%arg5 : memref<128x16xf32, #tpu.memory_space<vmem>>) target(%dma_start3A_95 : memref<10240x16xf32, #tpu.memory_space<vmem_shared>>) offsets(%dma_start3A_92 : memref<128xi32, #tpu.memory_space<vmem>>) semaphore(%arg7 : memref<!tpu.dma_semaphore, #tpu.memory_space<semaphore_mem>>) {add = true}
      %mul3A_96 = arith.constant 8 : i32
      %mul3A_97 = arith.muli %scan3A_45, %mul3A_96 : i32
      %add3A_98 = arith.constant 5 : i32
      %add3A_99 = arith.addi %mul3A_97, %add3A_98 : i32
      %dma_start3A_100 = arith.constant 0 : i32
      %dma_start3A_101 = tpu.memref_slice %arg4[%add3A_99, %dma_start3A_100] : memref<80x128xi32, #tpu.memory_space<vmem>> -> memref<1x128xi32, #tpu.memory_space<vmem>>
      %dma_start3A_102 = tpu.memref_squeeze %dma_start3A_101 : memref<1x128xi32, #tpu.memory_space<vmem>> -> memref<128xi32, #tpu.memory_space<vmem>>
      %dma_start3A_103 = arith.constant 0 : i32
      %dma_start3A_104 = arith.constant 0 : i32
      %dma_start3A_105 = tpu.memref_slice %arg6[%dma_start3A_103, %dma_start3A_104] : memref<10240x16xf32, #tpu.memory_space<vmem_shared>> -> memref<10240x16xf32, #tpu.memory_space<vmem_shared>>
      tpu.enqueue_indirect_dma source(%arg5 : memref<128x16xf32, #tpu.memory_space<vmem>>) target(%dma_start3A_105 : memref<10240x16xf32, #tpu.memory_space<vmem_shared>>) offsets(%dma_start3A_102 : memref<128xi32, #tpu.memory_space<vmem>>) semaphore(%arg7 : memref<!tpu.dma_semaphore, #tpu.memory_space<semaphore_mem>>) {add = true}
      %mul3A_106 = arith.constant 8 : i32
      %mul3A_107 = arith.muli %scan3A_45, %mul3A_106 : i32
      %add3A_108 = arith.constant 6 : i32
      %add3A_109 = arith.addi %mul3A_107, %add3A_108 : i32
      %dma_start3A_110 = arith.constant 0 : i32
      %dma_start3A_111 = tpu.memref_slice %arg4[%add3A_109, %dma_start3A_110] : memref<80x128xi32, #tpu.memory_space<vmem>> -> memref<1x128xi32, #tpu.memory_space<vmem>>
      %dma_start3A_112 = tpu.memref_squeeze %dma_start3A_111 : memref<1x128xi32, #tpu.memory_space<vmem>> -> memref<128xi32, #tpu.memory_space<vmem>>
      %dma_start3A_113 = arith.constant 0 : i32
      %dma_start3A_114 = arith.constant 0 : i32
      %dma_start3A_115 = tpu.memref_slice %arg6[%dma_start3A_113, %dma_start3A_114] : memref<10240x16xf32, #tpu.memory_space<vmem_shared>> -> memref<10240x16xf32, #tpu.memory_space<vmem_shared>>
      tpu.enqueue_indirect_dma source(%arg5 : memref<128x16xf32, #tpu.memory_space<vmem>>) target(%dma_start3A_115 : memref<10240x16xf32, #tpu.memory_space<vmem_shared>>) offsets(%dma_start3A_112 : memref<128xi32, #tpu.memory_space<vmem>>) semaphore(%arg7 : memref<!tpu.dma_semaphore, #tpu.memory_space<semaphore_mem>>) {add = true}
      %mul3A_116 = arith.constant 8 : i32
      %mul3A_117 = arith.muli %scan3A_45, %mul3A_116 : i32
      %add3A_118 = arith.constant 7 : i32
      %add3A_119 = arith.addi %mul3A_117, %add3A_118 : i32
      %dma_start3A_120 = arith.constant 0 : i32
      %dma_start3A_121 = tpu.memref_slice %arg4[%add3A_119, %dma_start3A_120] : memref<80x128xi32, #tpu.memory_space<vmem>> -> memref<1x128xi32, #tpu.memory_space<vmem>>
      %dma_start3A_122 = tpu.memref_squeeze %dma_start3A_121 : memref<1x128xi32, #tpu.memory_space<vmem>> -> memref<128xi32, #tpu.memory_space<vmem>>
      %dma_start3A_123 = arith.constant 0 : i32
      %dma_start3A_124 = arith.constant 0 : i32
      %dma_start3A_125 = tpu.memref_slice %arg6[%dma_start3A_123, %dma_start3A_124] : memref<10240x16xf32, #tpu.memory_space<vmem_shared>> -> memref<10240x16xf32, #tpu.memory_space<vmem_shared>>
      tpu.enqueue_indirect_dma source(%arg5 : memref<128x16xf32, #tpu.memory_space<vmem>>) target(%dma_start3A_125 : memref<10240x16xf32, #tpu.memory_space<vmem_shared>>) offsets(%dma_start3A_122 : memref<128xi32, #tpu.memory_space<vmem>>) semaphore(%arg7 : memref<!tpu.dma_semaphore, #tpu.memory_space<semaphore_mem>>) {add = true}
      %dma_wait3A = arith.constant 0 : i32
      %dma_wait3A_126 = tpu.memref_slice %arg4[%add3A_50, %dma_wait3A] : memref<80x128xi32, #tpu.memory_space<vmem>> -> memref<1x128xi32, #tpu.memory_space<vmem>>
      %dma_wait3A_127 = tpu.memref_squeeze %dma_wait3A_126 : memref<1x128xi32, #tpu.memory_space<vmem>> -> memref<128xi32, #tpu.memory_space<vmem>>
      %dma_wait3A_128 = arith.constant 0 : i32
      %dma_wait3A_129 = arith.constant 0 : i32
      %dma_wait3A_130 = tpu.memref_slice %arg6[%dma_wait3A_128, %dma_wait3A_129] : memref<10240x16xf32, #tpu.memory_space<vmem_shared>> -> memref<10240x16xf32, #tpu.memory_space<vmem_shared>>
      tpu.wait_indirect_dma semaphore(%arg7 : memref<!tpu.dma_semaphore, #tpu.memory_space<semaphore_mem>>) src(%arg5 : memref<128x16xf32, #tpu.memory_space<vmem>>) dst(%dma_wait3A_130 : memref<10240x16xf32, #tpu.memory_space<vmem_shared>>)
      %dma_wait3A_131 = arith.constant 0 : i32
      %dma_wait3A_132 = tpu.memref_slice %arg4[%add3A_59, %dma_wait3A_131] : memref<80x128xi32, #tpu.memory_space<vmem>> -> memref<1x128xi32, #tpu.memory_space<vmem>>
      %dma_wait3A_133 = tpu.memref_squeeze %dma_wait3A_132 : memref<1x128xi32, #tpu.memory_space<vmem>> -> memref<128xi32, #tpu.memory_space<vmem>>
      %dma_wait3A_134 = arith.constant 0 : i32
      %dma_wait3A_135 = arith.constant 0 : i32
      %dma_wait3A_136 = tpu.memref_slice %arg6[%dma_wait3A_134, %dma_wait3A_135] : memref<10240x16xf32, #tpu.memory_space<vmem_shared>> -> memref<10240x16xf32, #tpu.memory_space<vmem_shared>>
      tpu.wait_indirect_dma semaphore(%arg7 : memref<!tpu.dma_semaphore, #tpu.memory_space<semaphore_mem>>) src(%arg5 : memref<128x16xf32, #tpu.memory_space<vmem>>) dst(%dma_wait3A_136 : memref<10240x16xf32, #tpu.memory_space<vmem_shared>>)
      %dma_wait3A_137 = arith.constant 0 : i32
      %dma_wait3A_138 = tpu.memref_slice %arg4[%add3A_69, %dma_wait3A_137] : memref<80x128xi32, #tpu.memory_space<vmem>> -> memref<1x128xi32, #tpu.memory_space<vmem>>
      %dma_wait3A_139 = tpu.memref_squeeze %dma_wait3A_138 : memref<1x128xi32, #tpu.memory_space<vmem>> -> memref<128xi32, #tpu.memory_space<vmem>>
      %dma_wait3A_140 = arith.constant 0 : i32
      %dma_wait3A_141 = arith.constant 0 : i32
      %dma_wait3A_142 = tpu.memref_slice %arg6[%dma_wait3A_140, %dma_wait3A_141] : memref<10240x16xf32, #tpu.memory_space<vmem_shared>> -> memref<10240x16xf32, #tpu.memory_space<vmem_shared>>
      tpu.wait_indirect_dma semaphore(%arg7 : memref<!tpu.dma_semaphore, #tpu.memory_space<semaphore_mem>>) src(%arg5 : memref<128x16xf32, #tpu.memory_space<vmem>>) dst(%dma_wait3A_142 : memref<10240x16xf32, #tpu.memory_space<vmem_shared>>)
      %dma_wait3A_143 = arith.constant 0 : i32
      %dma_wait3A_144 = tpu.memref_slice %arg4[%add3A_79, %dma_wait3A_143] : memref<80x128xi32, #tpu.memory_space<vmem>> -> memref<1x128xi32, #tpu.memory_space<vmem>>
      %dma_wait3A_145 = tpu.memref_squeeze %dma_wait3A_144 : memref<1x128xi32, #tpu.memory_space<vmem>> -> memref<128xi32, #tpu.memory_space<vmem>>
      %dma_wait3A_146 = arith.constant 0 : i32
      %dma_wait3A_147 = arith.constant 0 : i32
      %dma_wait3A_148 = tpu.memref_slice %arg6[%dma_wait3A_146, %dma_wait3A_147] : memref<10240x16xf32, #tpu.memory_space<vmem_shared>> -> memref<10240x16xf32, #tpu.memory_space<vmem_shared>>
      tpu.wait_indirect_dma semaphore(%arg7 : memref<!tpu.dma_semaphore, #tpu.memory_space<semaphore_mem>>) src(%arg5 : memref<128x16xf32, #tpu.memory_space<vmem>>) dst(%dma_wait3A_148 : memref<10240x16xf32, #tpu.memory_space<vmem_shared>>)
      %dma_wait3A_149 = arith.constant 0 : i32
      %dma_wait3A_150 = tpu.memref_slice %arg4[%add3A_89, %dma_wait3A_149] : memref<80x128xi32, #tpu.memory_space<vmem>> -> memref<1x128xi32, #tpu.memory_space<vmem>>
      %dma_wait3A_151 = tpu.memref_squeeze %dma_wait3A_150 : memref<1x128xi32, #tpu.memory_space<vmem>> -> memref<128xi32, #tpu.memory_space<vmem>>
      %dma_wait3A_152 = arith.constant 0 : i32
      %dma_wait3A_153 = arith.constant 0 : i32
      %dma_wait3A_154 = tpu.memref_slice %arg6[%dma_wait3A_152, %dma_wait3A_153] : memref<10240x16xf32, #tpu.memory_space<vmem_shared>> -> memref<10240x16xf32, #tpu.memory_space<vmem_shared>>
      tpu.wait_indirect_dma semaphore(%arg7 : memref<!tpu.dma_semaphore, #tpu.memory_space<semaphore_mem>>) src(%arg5 : memref<128x16xf32, #tpu.memory_space<vmem>>) dst(%dma_wait3A_154 : memref<10240x16xf32, #tpu.memory_space<vmem_shared>>)
      %dma_wait3A_155 = arith.constant 0 : i32
      %dma_wait3A_156 = tpu.memref_slice %arg4[%add3A_99, %dma_wait3A_155] : memref<80x128xi32, #tpu.memory_space<vmem>> -> memref<1x128xi32, #tpu.memory_space<vmem>>
      %dma_wait3A_157 = tpu.memref_squeeze %dma_wait3A_156 : memref<1x128xi32, #tpu.memory_space<vmem>> -> memref<128xi32, #tpu.memory_space<vmem>>
      %dma_wait3A_158 = arith.constant 0 : i32
      %dma_wait3A_159 = arith.constant 0 : i32
      %dma_wait3A_160 = tpu.memref_slice %arg6[%dma_wait3A_158, %dma_wait3A_159] : memref<10240x16xf32, #tpu.memory_space<vmem_shared>> -> memref<10240x16xf32, #tpu.memory_space<vmem_shared>>
      tpu.wait_indirect_dma semaphore(%arg7 : memref<!tpu.dma_semaphore, #tpu.memory_space<semaphore_mem>>) src(%arg5 : memref<128x16xf32, #tpu.memory_space<vmem>>) dst(%dma_wait3A_160 : memref<10240x16xf32, #tpu.memory_space<vmem_shared>>)
      %dma_wait3A_161 = arith.constant 0 : i32
      %dma_wait3A_162 = tpu.memref_slice %arg4[%add3A_109, %dma_wait3A_161] : memref<80x128xi32, #tpu.memory_space<vmem>> -> memref<1x128xi32, #tpu.memory_space<vmem>>
      %dma_wait3A_163 = tpu.memref_squeeze %dma_wait3A_162 : memref<1x128xi32, #tpu.memory_space<vmem>> -> memref<128xi32, #tpu.memory_space<vmem>>
      %dma_wait3A_164 = arith.constant 0 : i32
      %dma_wait3A_165 = arith.constant 0 : i32
      %dma_wait3A_166 = tpu.memref_slice %arg6[%dma_wait3A_164, %dma_wait3A_165] : memref<10240x16xf32, #tpu.memory_space<vmem_shared>> -> memref<10240x16xf32, #tpu.memory_space<vmem_shared>>
      tpu.wait_indirect_dma semaphore(%arg7 : memref<!tpu.dma_semaphore, #tpu.memory_space<semaphore_mem>>) src(%arg5 : memref<128x16xf32, #tpu.memory_space<vmem>>) dst(%dma_wait3A_166 : memref<10240x16xf32, #tpu.memory_space<vmem_shared>>)
      %dma_wait3A_167 = arith.constant 0 : i32
      %dma_wait3A_168 = tpu.memref_slice %arg4[%add3A_119, %dma_wait3A_167] : memref<80x128xi32, #tpu.memory_space<vmem>> -> memref<1x128xi32, #tpu.memory_space<vmem>>
      %dma_wait3A_169 = tpu.memref_squeeze %dma_wait3A_168 : memref<1x128xi32, #tpu.memory_space<vmem>> -> memref<128xi32, #tpu.memory_space<vmem>>
      %dma_wait3A_170 = arith.constant 0 : i32
      %dma_wait3A_171 = arith.constant 0 : i32
      %dma_wait3A_172 = tpu.memref_slice %arg6[%dma_wait3A_170, %dma_wait3A_171] : memref<10240x16xf32, #tpu.memory_space<vmem_shared>> -> memref<10240x16xf32, #tpu.memory_space<vmem_shared>>
      tpu.wait_indirect_dma semaphore(%arg7 : memref<!tpu.dma_semaphore, #tpu.memory_space<semaphore_mem>>) src(%arg5 : memref<128x16xf32, #tpu.memory_space<vmem>>) dst(%dma_wait3A_172 : memref<10240x16xf32, #tpu.memory_space<vmem_shared>>)
      %scan3A_173 = arith.constant 0 : i32
      scf.yield %scan3A_173 : i32
    }
    %scan3A_42 = arith.constant 10 : i32
    %barrier3A_43 = arith.constant 0 : index
    tpu.barrier barrier_id(%barrier3A_43)
    %multiple_of3A_44 = tpu.assume_multiple %mul3A_11, 8 : i32
    "tpu.region"() ({
      %run_scoped3A = tpu.sem_alloc : memref<!tpu.dma_semaphore, #tpu.memory_space<semaphore_mem>>
      %dma_start3A = arith.constant 0 : i32
      %dma_start3A_45 = tpu.memref_slice %arg3[%arg0, %multiple_of3A_44, %dma_start3A] : memref<2x10240x16xf32, #tpu.memory_space<hbm>> -> memref<1x640x16xf32, #tpu.memory_space<hbm>>
      %dma_start3A_46 = tpu.memref_squeeze %dma_start3A_45 : memref<1x640x16xf32, #tpu.memory_space<hbm>> -> memref<640x16xf32, #tpu.memory_space<hbm>>
      %dma_start3A_47 = arith.constant 0 : i32
      %dma_start3A_48 = tpu.memref_slice %arg6[%multiple_of3A_44, %dma_start3A_47] : memref<10240x16xf32, #tpu.memory_space<vmem_shared>> -> memref<640x16xf32, #tpu.memory_space<vmem_shared>>
      tpu.enqueue_dma source(%dma_start3A_48 : memref<640x16xf32, #tpu.memory_space<vmem_shared>>) target(%dma_start3A_46 : memref<640x16xf32, #tpu.memory_space<hbm>>) target_semaphore(%run_scoped3A : memref<!tpu.dma_semaphore, #tpu.memory_space<semaphore_mem>>)
      %dma_wait3A = arith.constant 0 : i32
      %dma_wait3A_49 = tpu.memref_slice %arg3[%arg0, %multiple_of3A_44, %dma_wait3A] : memref<2x10240x16xf32, #tpu.memory_space<hbm>> -> memref<1x640x16xf32, #tpu.memory_space<hbm>>
      %dma_wait3A_50 = tpu.memref_squeeze %dma_wait3A_49 : memref<1x640x16xf32, #tpu.memory_space<hbm>> -> memref<640x16xf32, #tpu.memory_space<hbm>>
      %dma_wait3A_51 = arith.constant 0 : i32
      %dma_wait3A_52 = tpu.memref_slice %arg6[%multiple_of3A_44, %dma_wait3A_51] : memref<10240x16xf32, #tpu.memory_space<vmem_shared>> -> memref<640x16xf32, #tpu.memory_space<vmem_shared>>
      tpu.wait_dma2 semaphore(%run_scoped3A : memref<!tpu.dma_semaphore, #tpu.memory_space<semaphore_mem>>) src(%dma_wait3A_52 : memref<640x16xf32, #tpu.memory_space<vmem_shared>>) dst(%dma_wait3A_50 : memref<640x16xf32, #tpu.memory_space<hbm>>)
      tpu.yield
    }) : () -> ()
    return
  }
}

#map = affine_map<(d0, d1) -> (0, 0)>
#map1 = affine_map<(d0, d1) -> (0, 0, 0)>
module attributes {stable_mosaic.version = 14 : i64} {
  func.func @_msg_kernel(%arg0: i32, %arg1: i32, %arg2: memref<10000x128xf32, #tpu.memory_space<hbm>>, %arg3: memref<2560x128xi32, #tpu.memory_space<hbm>>, %arg4: memref<2560x128xi32, #tpu.memory_space<hbm>>, %arg5: memref<2x10240x128xf32, #tpu.memory_space<hbm>>, %arg6: memref<40x128xi32, #tpu.memory_space<vmem>>, %arg7: memref<40x128xi32, #tpu.memory_space<vmem>>, %arg8: memref<128x128xf32, #tpu.memory_space<vmem>>, %arg9: memref<128x128xf32, #tpu.memory_space<vmem>>, %arg10: memref<10240x128xf32, #tpu.memory_space<vmem_shared>>, %arg11: memref<!tpu.dma_semaphore, #tpu.memory_space<semaphore_mem>>, %arg12: memref<!tpu.dma_semaphore, #tpu.memory_space<semaphore_mem>>, %arg13: memref<!tpu.dma_semaphore, #tpu.memory_space<semaphore_mem>>, %arg14: memref<!tpu.dma_semaphore, #tpu.memory_space<semaphore_mem>>) attributes {dimension_semantics = [#tpu.dimension_semantics<core_parallel>, #tpu.dimension_semantics<subcore_parallel>], iteration_bounds = array<i64: 2, 16>, scalar_prefetch = 0 : i64, scratch_operands = 9 : i64, tpu.core_type = #tpu.core_type<sc_vector_subcore>, window_params = [{transform_indices = #map}, {transform_indices = #map}, {transform_indices = #map}, {transform_indices = #map1}]} {
    %mul3A = arith.constant 2 : i32
    %mul3A_0 = arith.muli %arg1, %mul3A : i32
    %add3A = arith.addi %mul3A_0, %arg0 : i32
    %broadcast_in_dim3A = arith.constant 0.000000e+00 : f32
    %broadcast_in_dim3A_1 = vector.broadcast %broadcast_in_dim3A : f32 to vector<16xf32>
    %scan3A = arith.constant 0 : i32
    %scan3A_2 = arith.constant 0 : i32
    %scan3A_3 = arith.constant 128 : i32
    %scan3A_4 = arith.addi %scan3A_2, %scan3A_3 : i32
    %scan3A_5 = arith.constant 1 : i32
    %scan3A_6 = scf.for %scan3A_227 = %scan3A_2 to %scan3A_4 step %scan3A_5 iter_args(%scan3A_228 = %scan3A) -> (i32)  : i32 {
      %swap3A = arith.index_cast %scan3A_227 : i32 to index
      %swap3A_229 = arith.constant 0 : index
      %swap3A_230 = tpu.vector_load %arg8[%swap3A, %swap3A_229] {strides = array<i32>} : memref<128x128xf32, #tpu.memory_space<vmem>>, vector<1x16xf32>,
      %swap3A_231 = vector.shape_cast %swap3A_230 : vector<1x16xf32> to vector<16xf32>
      %swap3A_232 = vector.shape_cast %broadcast_in_dim3A_1 : vector<16xf32> to vector<1x16xf32>
      tpu.vector_store %arg8[%swap3A, %swap3A_229], %swap3A_232 {strides = array<i32>} : memref<128x128xf32, #tpu.memory_space<vmem>>, vector<1x16xf32>,
      %swap3A_233 = arith.index_cast %scan3A_227 : i32 to index
      %swap3A_234 = arith.constant 16 : index
      %swap3A_235 = tpu.vector_load %arg8[%swap3A_233, %swap3A_234] {strides = array<i32>} : memref<128x128xf32, #tpu.memory_space<vmem>>, vector<1x16xf32>,
      %swap3A_236 = vector.shape_cast %swap3A_235 : vector<1x16xf32> to vector<16xf32>
      %swap3A_237 = vector.shape_cast %broadcast_in_dim3A_1 : vector<16xf32> to vector<1x16xf32>
      tpu.vector_store %arg8[%swap3A_233, %swap3A_234], %swap3A_237 {strides = array<i32>} : memref<128x128xf32, #tpu.memory_space<vmem>>, vector<1x16xf32>,
      %swap3A_238 = arith.index_cast %scan3A_227 : i32 to index
      %swap3A_239 = arith.constant 32 : index
      %swap3A_240 = tpu.vector_load %arg8[%swap3A_238, %swap3A_239] {strides = array<i32>} : memref<128x128xf32, #tpu.memory_space<vmem>>, vector<1x16xf32>,
      %swap3A_241 = vector.shape_cast %swap3A_240 : vector<1x16xf32> to vector<16xf32>
      %swap3A_242 = vector.shape_cast %broadcast_in_dim3A_1 : vector<16xf32> to vector<1x16xf32>
      tpu.vector_store %arg8[%swap3A_238, %swap3A_239], %swap3A_242 {strides = array<i32>} : memref<128x128xf32, #tpu.memory_space<vmem>>, vector<1x16xf32>,
      %swap3A_243 = arith.index_cast %scan3A_227 : i32 to index
      %swap3A_244 = arith.constant 48 : index
      %swap3A_245 = tpu.vector_load %arg8[%swap3A_243, %swap3A_244] {strides = array<i32>} : memref<128x128xf32, #tpu.memory_space<vmem>>, vector<1x16xf32>,
      %swap3A_246 = vector.shape_cast %swap3A_245 : vector<1x16xf32> to vector<16xf32>
      %swap3A_247 = vector.shape_cast %broadcast_in_dim3A_1 : vector<16xf32> to vector<1x16xf32>
      tpu.vector_store %arg8[%swap3A_243, %swap3A_244], %swap3A_247 {strides = array<i32>} : memref<128x128xf32, #tpu.memory_space<vmem>>, vector<1x16xf32>,
      %swap3A_248 = arith.index_cast %scan3A_227 : i32 to index
      %swap3A_249 = arith.constant 64 : index
      %swap3A_250 = tpu.vector_load %arg8[%swap3A_248, %swap3A_249] {strides = array<i32>} : memref<128x128xf32, #tpu.memory_space<vmem>>, vector<1x16xf32>,
      %swap3A_251 = vector.shape_cast %swap3A_250 : vector<1x16xf32> to vector<16xf32>
      %swap3A_252 = vector.shape_cast %broadcast_in_dim3A_1 : vector<16xf32> to vector<1x16xf32>
      tpu.vector_store %arg8[%swap3A_248, %swap3A_249], %swap3A_252 {strides = array<i32>} : memref<128x128xf32, #tpu.memory_space<vmem>>, vector<1x16xf32>,
      %swap3A_253 = arith.index_cast %scan3A_227 : i32 to index
      %swap3A_254 = arith.constant 80 : index
      %swap3A_255 = tpu.vector_load %arg8[%swap3A_253, %swap3A_254] {strides = array<i32>} : memref<128x128xf32, #tpu.memory_space<vmem>>, vector<1x16xf32>,
      %swap3A_256 = vector.shape_cast %swap3A_255 : vector<1x16xf32> to vector<16xf32>
      %swap3A_257 = vector.shape_cast %broadcast_in_dim3A_1 : vector<16xf32> to vector<1x16xf32>
      tpu.vector_store %arg8[%swap3A_253, %swap3A_254], %swap3A_257 {strides = array<i32>} : memref<128x128xf32, #tpu.memory_space<vmem>>, vector<1x16xf32>,
      %swap3A_258 = arith.index_cast %scan3A_227 : i32 to index
      %swap3A_259 = arith.constant 96 : index
      %swap3A_260 = tpu.vector_load %arg8[%swap3A_258, %swap3A_259] {strides = array<i32>} : memref<128x128xf32, #tpu.memory_space<vmem>>, vector<1x16xf32>,
      %swap3A_261 = vector.shape_cast %swap3A_260 : vector<1x16xf32> to vector<16xf32>
      %swap3A_262 = vector.shape_cast %broadcast_in_dim3A_1 : vector<16xf32> to vector<1x16xf32>
      tpu.vector_store %arg8[%swap3A_258, %swap3A_259], %swap3A_262 {strides = array<i32>} : memref<128x128xf32, #tpu.memory_space<vmem>>, vector<1x16xf32>,
      %swap3A_263 = arith.index_cast %scan3A_227 : i32 to index
      %swap3A_264 = arith.constant 112 : index
      %swap3A_265 = tpu.vector_load %arg8[%swap3A_263, %swap3A_264] {strides = array<i32>} : memref<128x128xf32, #tpu.memory_space<vmem>>, vector<1x16xf32>,
      %swap3A_266 = vector.shape_cast %swap3A_265 : vector<1x16xf32> to vector<16xf32>
      %swap3A_267 = vector.shape_cast %broadcast_in_dim3A_1 : vector<16xf32> to vector<1x16xf32>
      tpu.vector_store %arg8[%swap3A_263, %swap3A_264], %swap3A_267 {strides = array<i32>} : memref<128x128xf32, #tpu.memory_space<vmem>>, vector<1x16xf32>,
      %scan3A_268 = arith.constant 0 : i32
      scf.yield %scan3A_268 : i32
    }
    %scan3A_7 = arith.constant 128 : i32
    %mul3A_8 = arith.constant 640 : i32
    %mul3A_9 = arith.muli %arg1, %mul3A_8 : i32
    %multiple_of3A = tpu.assume_multiple %mul3A_9, 128 : i32
    %add3A_10 = arith.constant 0 : i32
    %add3A_11 = arith.addi %multiple_of3A, %add3A_10 : i32
    %multiple_of3A_12 = tpu.assume_multiple %add3A_11, 128 : i32
    "tpu.region"() ({
      %run_scoped3A_227 = tpu.sem_alloc : memref<!tpu.dma_semaphore, #tpu.memory_space<semaphore_mem>>
      %dma_start3A_228 = arith.constant 0 : i32
      %dma_start3A_229 = tpu.memref_slice %arg10[%multiple_of3A_12, %dma_start3A_228] : memref<10240x128xf32, #tpu.memory_space<vmem_shared>> -> memref<128x128xf32, #tpu.memory_space<vmem_shared>>
      %dma_start3A_230 = arith.constant 0 : i32
      %dma_start3A_231 = tpu.memref_slice %arg10[%multiple_of3A_12, %dma_start3A_230] : memref<10240x128xf32, #tpu.memory_space<vmem_shared>> -> memref<128x128xf32, #tpu.memory_space<vmem_shared>>
      tpu.enqueue_dma source(%arg8 : memref<128x128xf32, #tpu.memory_space<vmem>>) target(%dma_start3A_231 : memref<128x128xf32, #tpu.memory_space<vmem_shared>>) target_semaphore(%run_scoped3A_227 : memref<!tpu.dma_semaphore, #tpu.memory_space<semaphore_mem>>)
      %dma_wait3A_232 = arith.constant 0 : i32
      %dma_wait3A_233 = tpu.memref_slice %arg10[%multiple_of3A_12, %dma_wait3A_232] : memref<10240x128xf32, #tpu.memory_space<vmem_shared>> -> memref<128x128xf32, #tpu.memory_space<vmem_shared>>
      %dma_wait3A_234 = arith.constant 0 : i32
      %dma_wait3A_235 = tpu.memref_slice %arg10[%multiple_of3A_12, %dma_wait3A_234] : memref<10240x128xf32, #tpu.memory_space<vmem_shared>> -> memref<128x128xf32, #tpu.memory_space<vmem_shared>>
      tpu.wait_dma2 semaphore(%run_scoped3A_227 : memref<!tpu.dma_semaphore, #tpu.memory_space<semaphore_mem>>) src(%arg8 : memref<128x128xf32, #tpu.memory_space<vmem>>) dst(%dma_wait3A_235 : memref<128x128xf32, #tpu.memory_space<vmem_shared>>)
      tpu.yield
    }) : () -> ()
    %add3A_13 = arith.constant 128 : i32
    %add3A_14 = arith.addi %multiple_of3A, %add3A_13 : i32
    %multiple_of3A_15 = tpu.assume_multiple %add3A_14, 128 : i32
    "tpu.region"() ({
      %run_scoped3A_227 = tpu.sem_alloc : memref<!tpu.dma_semaphore, #tpu.memory_space<semaphore_mem>>
      %dma_start3A_228 = arith.constant 0 : i32
      %dma_start3A_229 = tpu.memref_slice %arg10[%multiple_of3A_15, %dma_start3A_228] : memref<10240x128xf32, #tpu.memory_space<vmem_shared>> -> memref<128x128xf32, #tpu.memory_space<vmem_shared>>
      %dma_start3A_230 = arith.constant 0 : i32
      %dma_start3A_231 = tpu.memref_slice %arg10[%multiple_of3A_15, %dma_start3A_230] : memref<10240x128xf32, #tpu.memory_space<vmem_shared>> -> memref<128x128xf32, #tpu.memory_space<vmem_shared>>
      tpu.enqueue_dma source(%arg8 : memref<128x128xf32, #tpu.memory_space<vmem>>) target(%dma_start3A_231 : memref<128x128xf32, #tpu.memory_space<vmem_shared>>) target_semaphore(%run_scoped3A_227 : memref<!tpu.dma_semaphore, #tpu.memory_space<semaphore_mem>>)
      %dma_wait3A_232 = arith.constant 0 : i32
      %dma_wait3A_233 = tpu.memref_slice %arg10[%multiple_of3A_15, %dma_wait3A_232] : memref<10240x128xf32, #tpu.memory_space<vmem_shared>> -> memref<128x128xf32, #tpu.memory_space<vmem_shared>>
      %dma_wait3A_234 = arith.constant 0 : i32
      %dma_wait3A_235 = tpu.memref_slice %arg10[%multiple_of3A_15, %dma_wait3A_234] : memref<10240x128xf32, #tpu.memory_space<vmem_shared>> -> memref<128x128xf32, #tpu.memory_space<vmem_shared>>
      tpu.wait_dma2 semaphore(%run_scoped3A_227 : memref<!tpu.dma_semaphore, #tpu.memory_space<semaphore_mem>>) src(%arg8 : memref<128x128xf32, #tpu.memory_space<vmem>>) dst(%dma_wait3A_235 : memref<128x128xf32, #tpu.memory_space<vmem_shared>>)
      tpu.yield
    }) : () -> ()
    %add3A_16 = arith.constant 256 : i32
    %add3A_17 = arith.addi %multiple_of3A, %add3A_16 : i32
    %multiple_of3A_18 = tpu.assume_multiple %add3A_17, 128 : i32
    "tpu.region"() ({
      %run_scoped3A_227 = tpu.sem_alloc : memref<!tpu.dma_semaphore, #tpu.memory_space<semaphore_mem>>
      %dma_start3A_228 = arith.constant 0 : i32
      %dma_start3A_229 = tpu.memref_slice %arg10[%multiple_of3A_18, %dma_start3A_228] : memref<10240x128xf32, #tpu.memory_space<vmem_shared>> -> memref<128x128xf32, #tpu.memory_space<vmem_shared>>
      %dma_start3A_230 = arith.constant 0 : i32
      %dma_start3A_231 = tpu.memref_slice %arg10[%multiple_of3A_18, %dma_start3A_230] : memref<10240x128xf32, #tpu.memory_space<vmem_shared>> -> memref<128x128xf32, #tpu.memory_space<vmem_shared>>
      tpu.enqueue_dma source(%arg8 : memref<128x128xf32, #tpu.memory_space<vmem>>) target(%dma_start3A_231 : memref<128x128xf32, #tpu.memory_space<vmem_shared>>) target_semaphore(%run_scoped3A_227 : memref<!tpu.dma_semaphore, #tpu.memory_space<semaphore_mem>>)
      %dma_wait3A_232 = arith.constant 0 : i32
      %dma_wait3A_233 = tpu.memref_slice %arg10[%multiple_of3A_18, %dma_wait3A_232] : memref<10240x128xf32, #tpu.memory_space<vmem_shared>> -> memref<128x128xf32, #tpu.memory_space<vmem_shared>>
      %dma_wait3A_234 = arith.constant 0 : i32
      %dma_wait3A_235 = tpu.memref_slice %arg10[%multiple_of3A_18, %dma_wait3A_234] : memref<10240x128xf32, #tpu.memory_space<vmem_shared>> -> memref<128x128xf32, #tpu.memory_space<vmem_shared>>
      tpu.wait_dma2 semaphore(%run_scoped3A_227 : memref<!tpu.dma_semaphore, #tpu.memory_space<semaphore_mem>>) src(%arg8 : memref<128x128xf32, #tpu.memory_space<vmem>>) dst(%dma_wait3A_235 : memref<128x128xf32, #tpu.memory_space<vmem_shared>>)
      tpu.yield
    }) : () -> ()
    %add3A_19 = arith.constant 384 : i32
    %add3A_20 = arith.addi %multiple_of3A, %add3A_19 : i32
    %multiple_of3A_21 = tpu.assume_multiple %add3A_20, 128 : i32
    "tpu.region"() ({
      %run_scoped3A_227 = tpu.sem_alloc : memref<!tpu.dma_semaphore, #tpu.memory_space<semaphore_mem>>
      %dma_start3A_228 = arith.constant 0 : i32
      %dma_start3A_229 = tpu.memref_slice %arg10[%multiple_of3A_21, %dma_start3A_228] : memref<10240x128xf32, #tpu.memory_space<vmem_shared>> -> memref<128x128xf32, #tpu.memory_space<vmem_shared>>
      %dma_start3A_230 = arith.constant 0 : i32
      %dma_start3A_231 = tpu.memref_slice %arg10[%multiple_of3A_21, %dma_start3A_230] : memref<10240x128xf32, #tpu.memory_space<vmem_shared>> -> memref<128x128xf32, #tpu.memory_space<vmem_shared>>
      tpu.enqueue_dma source(%arg8 : memref<128x128xf32, #tpu.memory_space<vmem>>) target(%dma_start3A_231 : memref<128x128xf32, #tpu.memory_space<vmem_shared>>) target_semaphore(%run_scoped3A_227 : memref<!tpu.dma_semaphore, #tpu.memory_space<semaphore_mem>>)
      %dma_wait3A_232 = arith.constant 0 : i32
      %dma_wait3A_233 = tpu.memref_slice %arg10[%multiple_of3A_21, %dma_wait3A_232] : memref<10240x128xf32, #tpu.memory_space<vmem_shared>> -> memref<128x128xf32, #tpu.memory_space<vmem_shared>>
      %dma_wait3A_234 = arith.constant 0 : i32
      %dma_wait3A_235 = tpu.memref_slice %arg10[%multiple_of3A_21, %dma_wait3A_234] : memref<10240x128xf32, #tpu.memory_space<vmem_shared>> -> memref<128x128xf32, #tpu.memory_space<vmem_shared>>
      tpu.wait_dma2 semaphore(%run_scoped3A_227 : memref<!tpu.dma_semaphore, #tpu.memory_space<semaphore_mem>>) src(%arg8 : memref<128x128xf32, #tpu.memory_space<vmem>>) dst(%dma_wait3A_235 : memref<128x128xf32, #tpu.memory_space<vmem_shared>>)
      tpu.yield
    }) : () -> ()
    %add3A_22 = arith.constant 512 : i32
    %add3A_23 = arith.addi %multiple_of3A, %add3A_22 : i32
    %multiple_of3A_24 = tpu.assume_multiple %add3A_23, 128 : i32
    "tpu.region"() ({
      %run_scoped3A_227 = tpu.sem_alloc : memref<!tpu.dma_semaphore, #tpu.memory_space<semaphore_mem>>
      %dma_start3A_228 = arith.constant 0 : i32
      %dma_start3A_229 = tpu.memref_slice %arg10[%multiple_of3A_24, %dma_start3A_228] : memref<10240x128xf32, #tpu.memory_space<vmem_shared>> -> memref<128x128xf32, #tpu.memory_space<vmem_shared>>
      %dma_start3A_230 = arith.constant 0 : i32
      %dma_start3A_231 = tpu.memref_slice %arg10[%multiple_of3A_24, %dma_start3A_230] : memref<10240x128xf32, #tpu.memory_space<vmem_shared>> -> memref<128x128xf32, #tpu.memory_space<vmem_shared>>
      tpu.enqueue_dma source(%arg8 : memref<128x128xf32, #tpu.memory_space<vmem>>) target(%dma_start3A_231 : memref<128x128xf32, #tpu.memory_space<vmem_shared>>) target_semaphore(%run_scoped3A_227 : memref<!tpu.dma_semaphore, #tpu.memory_space<semaphore_mem>>)
      %dma_wait3A_232 = arith.constant 0 : i32
      %dma_wait3A_233 = tpu.memref_slice %arg10[%multiple_of3A_24, %dma_wait3A_232] : memref<10240x128xf32, #tpu.memory_space<vmem_shared>> -> memref<128x128xf32, #tpu.memory_space<vmem_shared>>
      %dma_wait3A_234 = arith.constant 0 : i32
      %dma_wait3A_235 = tpu.memref_slice %arg10[%multiple_of3A_24, %dma_wait3A_234] : memref<10240x128xf32, #tpu.memory_space<vmem_shared>> -> memref<128x128xf32, #tpu.memory_space<vmem_shared>>
      tpu.wait_dma2 semaphore(%run_scoped3A_227 : memref<!tpu.dma_semaphore, #tpu.memory_space<semaphore_mem>>) src(%arg8 : memref<128x128xf32, #tpu.memory_space<vmem>>) dst(%dma_wait3A_235 : memref<128x128xf32, #tpu.memory_space<vmem_shared>>)
      tpu.yield
    }) : () -> ()
    %barrier3A = arith.constant 0 : index
    tpu.barrier barrier_id(%barrier3A)
    %mul3A_25 = arith.constant 80 : i32
    %mul3A_26 = arith.muli %add3A, %mul3A_25 : i32
    %add3A_27 = arith.constant 0 : i32
    %add3A_28 = arith.addi %mul3A_26, %add3A_27 : i32
    %multiple_of3A_29 = tpu.assume_multiple %add3A_28, 8 : i32
    "tpu.region"() ({
      %run_scoped3A_227 = tpu.sem_alloc : memref<!tpu.dma_semaphore, #tpu.memory_space<semaphore_mem>>
      %dma_start3A_228 = arith.constant 0 : i32
      %dma_start3A_229 = tpu.memref_slice %arg3[%multiple_of3A_29, %dma_start3A_228] : memref<2560x128xi32, #tpu.memory_space<hbm>> -> memref<40x128xi32, #tpu.memory_space<hbm>>
      %dma_start3A_230 = arith.constant 0 : i32
      %dma_start3A_231 = tpu.memref_slice %arg3[%multiple_of3A_29, %dma_start3A_230] : memref<2560x128xi32, #tpu.memory_space<hbm>> -> memref<40x128xi32, #tpu.memory_space<hbm>>
      tpu.enqueue_dma source(%dma_start3A_231 : memref<40x128xi32, #tpu.memory_space<hbm>>) target(%arg6 : memref<40x128xi32, #tpu.memory_space<vmem>>) target_semaphore(%run_scoped3A_227 : memref<!tpu.dma_semaphore, #tpu.memory_space<semaphore_mem>>)
      %dma_wait3A_232 = arith.constant 0 : i32
      %dma_wait3A_233 = tpu.memref_slice %arg3[%multiple_of3A_29, %dma_wait3A_232] : memref<2560x128xi32, #tpu.memory_space<hbm>> -> memref<40x128xi32, #tpu.memory_space<hbm>>
      %dma_wait3A_234 = arith.constant 0 : i32
      %dma_wait3A_235 = tpu.memref_slice %arg3[%multiple_of3A_29, %dma_wait3A_234] : memref<2560x128xi32, #tpu.memory_space<hbm>> -> memref<40x128xi32, #tpu.memory_space<hbm>>
      tpu.wait_dma2 semaphore(%run_scoped3A_227 : memref<!tpu.dma_semaphore, #tpu.memory_space<semaphore_mem>>) src(%dma_wait3A_235 : memref<40x128xi32, #tpu.memory_space<hbm>>) dst(%arg6 : memref<40x128xi32, #tpu.memory_space<vmem>>)
      tpu.yield
    }) : () -> ()
    "tpu.region"() ({
      %run_scoped3A_227 = tpu.sem_alloc : memref<!tpu.dma_semaphore, #tpu.memory_space<semaphore_mem>>
      %dma_start3A_228 = arith.constant 0 : i32
      %dma_start3A_229 = tpu.memref_slice %arg4[%multiple_of3A_29, %dma_start3A_228] : memref<2560x128xi32, #tpu.memory_space<hbm>> -> memref<40x128xi32, #tpu.memory_space<hbm>>
      %dma_start3A_230 = arith.constant 0 : i32
      %dma_start3A_231 = tpu.memref_slice %arg4[%multiple_of3A_29, %dma_start3A_230] : memref<2560x128xi32, #tpu.memory_space<hbm>> -> memref<40x128xi32, #tpu.memory_space<hbm>>
      tpu.enqueue_dma source(%dma_start3A_231 : memref<40x128xi32, #tpu.memory_space<hbm>>) target(%arg7 : memref<40x128xi32, #tpu.memory_space<vmem>>) target_semaphore(%run_scoped3A_227 : memref<!tpu.dma_semaphore, #tpu.memory_space<semaphore_mem>>)
      %dma_wait3A_232 = arith.constant 0 : i32
      %dma_wait3A_233 = tpu.memref_slice %arg4[%multiple_of3A_29, %dma_wait3A_232] : memref<2560x128xi32, #tpu.memory_space<hbm>> -> memref<40x128xi32, #tpu.memory_space<hbm>>
      %dma_wait3A_234 = arith.constant 0 : i32
      %dma_wait3A_235 = tpu.memref_slice %arg4[%multiple_of3A_29, %dma_wait3A_234] : memref<2560x128xi32, #tpu.memory_space<hbm>> -> memref<40x128xi32, #tpu.memory_space<hbm>>
      tpu.wait_dma2 semaphore(%run_scoped3A_227 : memref<!tpu.dma_semaphore, #tpu.memory_space<semaphore_mem>>) src(%dma_wait3A_235 : memref<40x128xi32, #tpu.memory_space<hbm>>) dst(%arg7 : memref<40x128xi32, #tpu.memory_space<vmem>>)
      tpu.yield
    }) : () -> ()
    %dma_start3A = arith.constant 0 : i32
    %dma_start3A_30 = arith.constant 0 : i32
    %dma_start3A_31 = arith.constant 0 : i32
    %dma_start3A_32 = tpu.memref_slice %arg8[%dma_start3A_30, %dma_start3A_31] : memref<128x128xf32, #tpu.memory_space<vmem>> -> memref<64x128xf32, #tpu.memory_space<vmem>>
    %dma_start3A_33 = arith.constant 0 : i32
    %dma_start3A_34 = tpu.memref_slice %arg6[%dma_start3A, %dma_start3A_33] : memref<40x128xi32, #tpu.memory_space<vmem>> -> memref<1x64xi32, #tpu.memory_space<vmem>>
    %dma_start3A_35 = tpu.memref_squeeze %dma_start3A_34 : memref<1x64xi32, #tpu.memory_space<vmem>> -> memref<64xi32, #tpu.memory_space<vmem>>
    %dma_start3A_36 = arith.constant 0 : i32
    %dma_start3A_37 = arith.constant 0 : i32
    %dma_start3A_38 = tpu.memref_slice %arg2[%dma_start3A_36, %dma_start3A_37] : memref<10000x128xf32, #tpu.memory_space<hbm>> -> memref<10000x128xf32, #tpu.memory_space<hbm>>
    tpu.enqueue_indirect_dma source(%dma_start3A_38 : memref<10000x128xf32, #tpu.memory_space<hbm>>) target(%dma_start3A_32 : memref<64x128xf32, #tpu.memory_space<vmem>>) offsets(%dma_start3A_35 : memref<64xi32, #tpu.memory_space<vmem>>) semaphore(%arg11 : memref<!tpu.dma_semaphore, #tpu.memory_space<semaphore_mem>>)
    %dma_start3A_39 = arith.constant 0 : i32
    %dma_start3A_40 = arith.constant 64 : i32
    %dma_start3A_41 = arith.constant 0 : i32
    %dma_start3A_42 = tpu.memref_slice %arg8[%dma_start3A_40, %dma_start3A_41] : memref<128x128xf32, #tpu.memory_space<vmem>> -> memref<64x128xf32, #tpu.memory_space<vmem>>
    %dma_start3A_43 = arith.constant 64 : i32
    %dma_start3A_44 = tpu.memref_slice %arg6[%dma_start3A_39, %dma_start3A_43] : memref<40x128xi32, #tpu.memory_space<vmem>> -> memref<1x64xi32, #tpu.memory_space<vmem>>
    %dma_start3A_45 = tpu.memref_squeeze %dma_start3A_44 : memref<1x64xi32, #tpu.memory_space<vmem>> -> memref<64xi32, #tpu.memory_space<vmem>>
    %dma_start3A_46 = arith.constant 0 : i32
    %dma_start3A_47 = arith.constant 0 : i32
    %dma_start3A_48 = tpu.memref_slice %arg2[%dma_start3A_46, %dma_start3A_47] : memref<10000x128xf32, #tpu.memory_space<hbm>> -> memref<10000x128xf32, #tpu.memory_space<hbm>>
    tpu.enqueue_indirect_dma source(%dma_start3A_48 : memref<10000x128xf32, #tpu.memory_space<hbm>>) target(%dma_start3A_42 : memref<64x128xf32, #tpu.memory_space<vmem>>) offsets(%dma_start3A_45 : memref<64xi32, #tpu.memory_space<vmem>>) semaphore(%arg12 : memref<!tpu.dma_semaphore, #tpu.memory_space<semaphore_mem>>)
    %scan3A_49 = arith.constant 0 : i32
    %scan3A_50 = arith.constant 0 : i32
    %scan3A_51 = arith.constant 19 : i32
    %scan3A_52 = arith.addi %scan3A_50, %scan3A_51 : i32
    %scan3A_53 = arith.constant 1 : i32
    %scan3A_54 = scf.for %scan3A_227 = %scan3A_50 to %scan3A_52 step %scan3A_53 iter_args(%scan3A_228 = %scan3A_49) -> (i32)  : i32 {
      %mul3A_229 = arith.constant 2 : i32
      %mul3A_230 = arith.muli %mul3A_229, %scan3A_227 : i32
      %add3A_231 = arith.constant 1 : i32
      %add3A_232 = arith.addi %mul3A_230, %add3A_231 : i32
      %dma_start3A_233 = arith.constant 0 : i32
      %dma_start3A_234 = arith.constant 0 : i32
      %dma_start3A_235 = tpu.memref_slice %arg9[%dma_start3A_233, %dma_start3A_234] : memref<128x128xf32, #tpu.memory_space<vmem>> -> memref<64x128xf32, #tpu.memory_space<vmem>>
      %dma_start3A_236 = arith.constant 0 : i32
      %dma_start3A_237 = tpu.memref_slice %arg6[%add3A_232, %dma_start3A_236] : memref<40x128xi32, #tpu.memory_space<vmem>> -> memref<1x64xi32, #tpu.memory_space<vmem>>
      %dma_start3A_238 = tpu.memref_squeeze %dma_start3A_237 : memref<1x64xi32, #tpu.memory_space<vmem>> -> memref<64xi32, #tpu.memory_space<vmem>>
      %dma_start3A_239 = arith.constant 0 : i32
      %dma_start3A_240 = arith.constant 0 : i32
      %dma_start3A_241 = tpu.memref_slice %arg2[%dma_start3A_239, %dma_start3A_240] : memref<10000x128xf32, #tpu.memory_space<hbm>> -> memref<10000x128xf32, #tpu.memory_space<hbm>>
      tpu.enqueue_indirect_dma source(%dma_start3A_241 : memref<10000x128xf32, #tpu.memory_space<hbm>>) target(%dma_start3A_235 : memref<64x128xf32, #tpu.memory_space<vmem>>) offsets(%dma_start3A_238 : memref<64xi32, #tpu.memory_space<vmem>>) semaphore(%arg13 : memref<!tpu.dma_semaphore, #tpu.memory_space<semaphore_mem>>)
      %dma_start3A_242 = arith.constant 64 : i32
      %dma_start3A_243 = arith.constant 0 : i32
      %dma_start3A_244 = tpu.memref_slice %arg9[%dma_start3A_242, %dma_start3A_243] : memref<128x128xf32, #tpu.memory_space<vmem>> -> memref<64x128xf32, #tpu.memory_space<vmem>>
      %dma_start3A_245 = arith.constant 64 : i32
      %dma_start3A_246 = tpu.memref_slice %arg6[%add3A_232, %dma_start3A_245] : memref<40x128xi32, #tpu.memory_space<vmem>> -> memref<1x64xi32, #tpu.memory_space<vmem>>
      %dma_start3A_247 = tpu.memref_squeeze %dma_start3A_246 : memref<1x64xi32, #tpu.memory_space<vmem>> -> memref<64xi32, #tpu.memory_space<vmem>>
      %dma_start3A_248 = arith.constant 0 : i32
      %dma_start3A_249 = arith.constant 0 : i32
      %dma_start3A_250 = tpu.memref_slice %arg2[%dma_start3A_248, %dma_start3A_249] : memref<10000x128xf32, #tpu.memory_space<hbm>> -> memref<10000x128xf32, #tpu.memory_space<hbm>>
      tpu.enqueue_indirect_dma source(%dma_start3A_250 : memref<10000x128xf32, #tpu.memory_space<hbm>>) target(%dma_start3A_244 : memref<64x128xf32, #tpu.memory_space<vmem>>) offsets(%dma_start3A_247 : memref<64xi32, #tpu.memory_space<vmem>>) semaphore(%arg14 : memref<!tpu.dma_semaphore, #tpu.memory_space<semaphore_mem>>)
      %dma_wait3A_251 = arith.constant 0 : i32
      %dma_wait3A_252 = arith.constant 0 : i32
      %dma_wait3A_253 = tpu.memref_slice %arg8[%dma_wait3A_251, %dma_wait3A_252] : memref<128x128xf32, #tpu.memory_space<vmem>> -> memref<64x128xf32, #tpu.memory_space<vmem>>
      %dma_wait3A_254 = arith.constant 0 : i32
      %dma_wait3A_255 = arith.constant 0 : i32
      %dma_wait3A_256 = tpu.memref_slice %arg2[%dma_wait3A_254, %dma_wait3A_255] : memref<10000x128xf32, #tpu.memory_space<hbm>> -> memref<64x128xf32, #tpu.memory_space<hbm>>
      %dma_wait3A_257 = arith.constant 0 : i32
      %dma_wait3A_258 = arith.constant 0 : i32
      %dma_wait3A_259 = tpu.memref_slice %arg8[%dma_wait3A_257, %dma_wait3A_258] : memref<128x128xf32, #tpu.memory_space<vmem>> -> memref<64x128xf32, #tpu.memory_space<vmem>>
      %dma_wait3A_260 = arith.constant 0 : i32
      %dma_wait3A_261 = arith.constant 0 : i32
      %dma_wait3A_262 = tpu.memref_slice %arg2[%dma_wait3A_260, %dma_wait3A_261] : memref<10000x128xf32, #tpu.memory_space<hbm>> -> memref<64x128xf32, #tpu.memory_space<hbm>>
      tpu.wait_dma2 semaphore(%arg11 : memref<!tpu.dma_semaphore, #tpu.memory_space<semaphore_mem>>) src(%dma_wait3A_262 : memref<64x128xf32, #tpu.memory_space<hbm>>) dst(%dma_wait3A_259 : memref<64x128xf32, #tpu.memory_space<vmem>>)
      %dma_wait3A_263 = arith.constant 64 : i32
      %dma_wait3A_264 = arith.constant 0 : i32
      %dma_wait3A_265 = tpu.memref_slice %arg8[%dma_wait3A_263, %dma_wait3A_264] : memref<128x128xf32, #tpu.memory_space<vmem>> -> memref<64x128xf32, #tpu.memory_space<vmem>>
      %dma_wait3A_266 = arith.constant 0 : i32
      %dma_wait3A_267 = arith.constant 0 : i32
      %dma_wait3A_268 = tpu.memref_slice %arg2[%dma_wait3A_266, %dma_wait3A_267] : memref<10000x128xf32, #tpu.memory_space<hbm>> -> memref<64x128xf32, #tpu.memory_space<hbm>>
      %dma_wait3A_269 = arith.constant 64 : i32
      %dma_wait3A_270 = arith.constant 0 : i32
      %dma_wait3A_271 = tpu.memref_slice %arg8[%dma_wait3A_269, %dma_wait3A_270] : memref<128x128xf32, #tpu.memory_space<vmem>> -> memref<64x128xf32, #tpu.memory_space<vmem>>
      %dma_wait3A_272 = arith.constant 0 : i32
      %dma_wait3A_273 = arith.constant 0 : i32
      %dma_wait3A_274 = tpu.memref_slice %arg2[%dma_wait3A_272, %dma_wait3A_273] : memref<10000x128xf32, #tpu.memory_space<hbm>> -> memref<64x128xf32, #tpu.memory_space<hbm>>
      tpu.wait_dma2 semaphore(%arg12 : memref<!tpu.dma_semaphore, #tpu.memory_space<semaphore_mem>>) src(%dma_wait3A_274 : memref<64x128xf32, #tpu.memory_space<hbm>>) dst(%dma_wait3A_271 : memref<64x128xf32, #tpu.memory_space<vmem>>)
      "tpu.region"() ({
        %run_scoped3A_322 = tpu.sem_alloc : memref<!tpu.dma_semaphore, #tpu.memory_space<semaphore_mem>>
        %dma_start3A_323 = arith.constant 0 : i32
        %dma_start3A_324 = tpu.memref_slice %arg7[%mul3A_230, %dma_start3A_323] : memref<40x128xi32, #tpu.memory_space<vmem>> -> memref<1x128xi32, #tpu.memory_space<vmem>>
        %dma_start3A_325 = tpu.memref_squeeze %dma_start3A_324 : memref<1x128xi32, #tpu.memory_space<vmem>> -> memref<128xi32, #tpu.memory_space<vmem>>
        %dma_start3A_326 = arith.constant 0 : i32
        %dma_start3A_327 = arith.constant 0 : i32
        %dma_start3A_328 = tpu.memref_slice %arg10[%dma_start3A_326, %dma_start3A_327] : memref<10240x128xf32, #tpu.memory_space<vmem_shared>> -> memref<10240x128xf32, #tpu.memory_space<vmem_shared>>
        tpu.enqueue_indirect_dma source(%arg8 : memref<128x128xf32, #tpu.memory_space<vmem>>) target(%dma_start3A_328 : memref<10240x128xf32, #tpu.memory_space<vmem_shared>>) offsets(%dma_start3A_325 : memref<128xi32, #tpu.memory_space<vmem>>) semaphore(%run_scoped3A_322 : memref<!tpu.dma_semaphore, #tpu.memory_space<semaphore_mem>>) {add = true}
        %dma_wait3A_329 = arith.constant 0 : i32
        %dma_wait3A_330 = tpu.memref_slice %arg7[%mul3A_230, %dma_wait3A_329] : memref<40x128xi32, #tpu.memory_space<vmem>> -> memref<1x128xi32, #tpu.memory_space<vmem>>
        %dma_wait3A_331 = tpu.memref_squeeze %dma_wait3A_330 : memref<1x128xi32, #tpu.memory_space<vmem>> -> memref<128xi32, #tpu.memory_space<vmem>>
        %dma_wait3A_332 = arith.constant 0 : i32
        %dma_wait3A_333 = arith.constant 0 : i32
        %dma_wait3A_334 = tpu.memref_slice %arg10[%dma_wait3A_332, %dma_wait3A_333] : memref<10240x128xf32, #tpu.memory_space<vmem_shared>> -> memref<10240x128xf32, #tpu.memory_space<vmem_shared>>
        tpu.wait_indirect_dma semaphore(%run_scoped3A_322 : memref<!tpu.dma_semaphore, #tpu.memory_space<semaphore_mem>>) src(%arg8 : memref<128x128xf32, #tpu.memory_space<vmem>>) dst(%dma_wait3A_334 : memref<10240x128xf32, #tpu.memory_space<vmem_shared>>)
        tpu.yield
      }) : () -> ()
      %add3A_275 = arith.constant 2 : i32
      %add3A_276 = arith.addi %mul3A_230, %add3A_275 : i32
      %dma_start3A_277 = arith.constant 0 : i32
      %dma_start3A_278 = arith.constant 0 : i32
      %dma_start3A_279 = tpu.memref_slice %arg8[%dma_start3A_277, %dma_start3A_278] : memref<128x128xf32, #tpu.memory_space<vmem>> -> memref<64x128xf32, #tpu.memory_space<vmem>>
      %dma_start3A_280 = arith.constant 0 : i32
      %dma_start3A_281 = tpu.memref_slice %arg6[%add3A_276, %dma_start3A_280] : memref<40x128xi32, #tpu.memory_space<vmem>> -> memref<1x64xi32, #tpu.memory_space<vmem>>
      %dma_start3A_282 = tpu.memref_squeeze %dma_start3A_281 : memref<1x64xi32, #tpu.memory_space<vmem>> -> memref<64xi32, #tpu.memory_space<vmem>>
      %dma_start3A_283 = arith.constant 0 : i32
      %dma_start3A_284 = arith.constant 0 : i32
      %dma_start3A_285 = tpu.memref_slice %arg2[%dma_start3A_283, %dma_start3A_284] : memref<10000x128xf32, #tpu.memory_space<hbm>> -> memref<10000x128xf32, #tpu.memory_space<hbm>>
      tpu.enqueue_indirect_dma source(%dma_start3A_285 : memref<10000x128xf32, #tpu.memory_space<hbm>>) target(%dma_start3A_279 : memref<64x128xf32, #tpu.memory_space<vmem>>) offsets(%dma_start3A_282 : memref<64xi32, #tpu.memory_space<vmem>>) semaphore(%arg11 : memref<!tpu.dma_semaphore, #tpu.memory_space<semaphore_mem>>)
      %dma_start3A_286 = arith.constant 64 : i32
      %dma_start3A_287 = arith.constant 0 : i32
      %dma_start3A_288 = tpu.memref_slice %arg8[%dma_start3A_286, %dma_start3A_287] : memref<128x128xf32, #tpu.memory_space<vmem>> -> memref<64x128xf32, #tpu.memory_space<vmem>>
      %dma_start3A_289 = arith.constant 64 : i32
      %dma_start3A_290 = tpu.memref_slice %arg6[%add3A_276, %dma_start3A_289] : memref<40x128xi32, #tpu.memory_space<vmem>> -> memref<1x64xi32, #tpu.memory_space<vmem>>
      %dma_start3A_291 = tpu.memref_squeeze %dma_start3A_290 : memref<1x64xi32, #tpu.memory_space<vmem>> -> memref<64xi32, #tpu.memory_space<vmem>>
      %dma_start3A_292 = arith.constant 0 : i32
      %dma_start3A_293 = arith.constant 0 : i32
      %dma_start3A_294 = tpu.memref_slice %arg2[%dma_start3A_292, %dma_start3A_293] : memref<10000x128xf32, #tpu.memory_space<hbm>> -> memref<10000x128xf32, #tpu.memory_space<hbm>>
      tpu.enqueue_indirect_dma source(%dma_start3A_294 : memref<10000x128xf32, #tpu.memory_space<hbm>>) target(%dma_start3A_288 : memref<64x128xf32, #tpu.memory_space<vmem>>) offsets(%dma_start3A_291 : memref<64xi32, #tpu.memory_space<vmem>>) semaphore(%arg12 : memref<!tpu.dma_semaphore, #tpu.memory_space<semaphore_mem>>)
      %dma_wait3A_295 = arith.constant 0 : i32
      %dma_wait3A_296 = arith.constant 0 : i32
      %dma_wait3A_297 = tpu.memref_slice %arg9[%dma_wait3A_295, %dma_wait3A_296] : memref<128x128xf32, #tpu.memory_space<vmem>> -> memref<64x128xf32, #tpu.memory_space<vmem>>
      %dma_wait3A_298 = arith.constant 0 : i32
      %dma_wait3A_299 = arith.constant 0 : i32
      %dma_wait3A_300 = tpu.memref_slice %arg2[%dma_wait3A_298, %dma_wait3A_299] : memref<10000x128xf32, #tpu.memory_space<hbm>> -> memref<64x128xf32, #tpu.memory_space<hbm>>
      %dma_wait3A_301 = arith.constant 0 : i32
      %dma_wait3A_302 = arith.constant 0 : i32
      %dma_wait3A_303 = tpu.memref_slice %arg9[%dma_wait3A_301, %dma_wait3A_302] : memref<128x128xf32, #tpu.memory_space<vmem>> -> memref<64x128xf32, #tpu.memory_space<vmem>>
      %dma_wait3A_304 = arith.constant 0 : i32
      %dma_wait3A_305 = arith.constant 0 : i32
      %dma_wait3A_306 = tpu.memref_slice %arg2[%dma_wait3A_304, %dma_wait3A_305] : memref<10000x128xf32, #tpu.memory_space<hbm>> -> memref<64x128xf32, #tpu.memory_space<hbm>>
      tpu.wait_dma2 semaphore(%arg13 : memref<!tpu.dma_semaphore, #tpu.memory_space<semaphore_mem>>) src(%dma_wait3A_306 : memref<64x128xf32, #tpu.memory_space<hbm>>) dst(%dma_wait3A_303 : memref<64x128xf32, #tpu.memory_space<vmem>>)
      %dma_wait3A_307 = arith.constant 64 : i32
      %dma_wait3A_308 = arith.constant 0 : i32
      %dma_wait3A_309 = tpu.memref_slice %arg9[%dma_wait3A_307, %dma_wait3A_308] : memref<128x128xf32, #tpu.memory_space<vmem>> -> memref<64x128xf32, #tpu.memory_space<vmem>>
      %dma_wait3A_310 = arith.constant 0 : i32
      %dma_wait3A_311 = arith.constant 0 : i32
      %dma_wait3A_312 = tpu.memref_slice %arg2[%dma_wait3A_310, %dma_wait3A_311] : memref<10000x128xf32, #tpu.memory_space<hbm>> -> memref<64x128xf32, #tpu.memory_space<hbm>>
      %dma_wait3A_313 = arith.constant 64 : i32
      %dma_wait3A_314 = arith.constant 0 : i32
      %dma_wait3A_315 = tpu.memref_slice %arg9[%dma_wait3A_313, %dma_wait3A_314] : memref<128x128xf32, #tpu.memory_space<vmem>> -> memref<64x128xf32, #tpu.memory_space<vmem>>
      %dma_wait3A_316 = arith.constant 0 : i32
      %dma_wait3A_317 = arith.constant 0 : i32
      %dma_wait3A_318 = tpu.memref_slice %arg2[%dma_wait3A_316, %dma_wait3A_317] : memref<10000x128xf32, #tpu.memory_space<hbm>> -> memref<64x128xf32, #tpu.memory_space<hbm>>
      tpu.wait_dma2 semaphore(%arg14 : memref<!tpu.dma_semaphore, #tpu.memory_space<semaphore_mem>>) src(%dma_wait3A_318 : memref<64x128xf32, #tpu.memory_space<hbm>>) dst(%dma_wait3A_315 : memref<64x128xf32, #tpu.memory_space<vmem>>)
      %add3A_319 = arith.constant 1 : i32
      %add3A_320 = arith.addi %mul3A_230, %add3A_319 : i32
      "tpu.region"() ({
        %run_scoped3A_322 = tpu.sem_alloc : memref<!tpu.dma_semaphore, #tpu.memory_space<semaphore_mem>>
        %dma_start3A_323 = arith.constant 0 : i32
        %dma_start3A_324 = tpu.memref_slice %arg7[%add3A_320, %dma_start3A_323] : memref<40x128xi32, #tpu.memory_space<vmem>> -> memref<1x128xi32, #tpu.memory_space<vmem>>
        %dma_start3A_325 = tpu.memref_squeeze %dma_start3A_324 : memref<1x128xi32, #tpu.memory_space<vmem>> -> memref<128xi32, #tpu.memory_space<vmem>>
        %dma_start3A_326 = arith.constant 0 : i32
        %dma_start3A_327 = arith.constant 0 : i32
        %dma_start3A_328 = tpu.memref_slice %arg10[%dma_start3A_326, %dma_start3A_327] : memref<10240x128xf32, #tpu.memory_space<vmem_shared>> -> memref<10240x128xf32, #tpu.memory_space<vmem_shared>>
        tpu.enqueue_indirect_dma source(%arg9 : memref<128x128xf32, #tpu.memory_space<vmem>>) target(%dma_start3A_328 : memref<10240x128xf32, #tpu.memory_space<vmem_shared>>) offsets(%dma_start3A_325 : memref<128xi32, #tpu.memory_space<vmem>>) semaphore(%run_scoped3A_322 : memref<!tpu.dma_semaphore, #tpu.memory_space<semaphore_mem>>) {add = true}
        %dma_wait3A_329 = arith.constant 0 : i32
        %dma_wait3A_330 = tpu.memref_slice %arg7[%add3A_320, %dma_wait3A_329] : memref<40x128xi32, #tpu.memory_space<vmem>> -> memref<1x128xi32, #tpu.memory_space<vmem>>
        %dma_wait3A_331 = tpu.memref_squeeze %dma_wait3A_330 : memref<1x128xi32, #tpu.memory_space<vmem>> -> memref<128xi32, #tpu.memory_space<vmem>>
        %dma_wait3A_332 = arith.constant 0 : i32
        %dma_wait3A_333 = arith.constant 0 : i32
        %dma_wait3A_334 = tpu.memref_slice %arg10[%dma_wait3A_332, %dma_wait3A_333] : memref<10240x128xf32, #tpu.memory_space<vmem_shared>> -> memref<10240x128xf32, #tpu.memory_space<vmem_shared>>
        tpu.wait_indirect_dma semaphore(%run_scoped3A_322 : memref<!tpu.dma_semaphore, #tpu.memory_space<semaphore_mem>>) src(%arg9 : memref<128x128xf32, #tpu.memory_space<vmem>>) dst(%dma_wait3A_334 : memref<10240x128xf32, #tpu.memory_space<vmem_shared>>)
        tpu.yield
      }) : () -> ()
      %scan3A_321 = arith.constant 0 : i32
      scf.yield %scan3A_321 : i32
    }
    %scan3A_55 = arith.constant 19 : i32
    %dma_start3A_56 = arith.constant 39 : i32
    %dma_start3A_57 = arith.constant 0 : i32
    %dma_start3A_58 = arith.constant 0 : i32
    %dma_start3A_59 = tpu.memref_slice %arg9[%dma_start3A_57, %dma_start3A_58] : memref<128x128xf32, #tpu.memory_space<vmem>> -> memref<64x128xf32, #tpu.memory_space<vmem>>
    %dma_start3A_60 = arith.constant 0 : i32
    %dma_start3A_61 = tpu.memref_slice %arg6[%dma_start3A_56, %dma_start3A_60] : memref<40x128xi32, #tpu.memory_space<vmem>> -> memref<1x64xi32, #tpu.memory_space<vmem>>
    %dma_start3A_62 = tpu.memref_squeeze %dma_start3A_61 : memref<1x64xi32, #tpu.memory_space<vmem>> -> memref<64xi32, #tpu.memory_space<vmem>>
    %dma_start3A_63 = arith.constant 0 : i32
    %dma_start3A_64 = arith.constant 0 : i32
    %dma_start3A_65 = tpu.memref_slice %arg2[%dma_start3A_63, %dma_start3A_64] : memref<10000x128xf32, #tpu.memory_space<hbm>> -> memref<10000x128xf32, #tpu.memory_space<hbm>>
    tpu.enqueue_indirect_dma source(%dma_start3A_65 : memref<10000x128xf32, #tpu.memory_space<hbm>>) target(%dma_start3A_59 : memref<64x128xf32, #tpu.memory_space<vmem>>) offsets(%dma_start3A_62 : memref<64xi32, #tpu.memory_space<vmem>>) semaphore(%arg13 : memref<!tpu.dma_semaphore, #tpu.memory_space<semaphore_mem>>)
    %dma_start3A_66 = arith.constant 39 : i32
    %dma_start3A_67 = arith.constant 64 : i32
    %dma_start3A_68 = arith.constant 0 : i32
    %dma_start3A_69 = tpu.memref_slice %arg9[%dma_start3A_67, %dma_start3A_68] : memref<128x128xf32, #tpu.memory_space<vmem>> -> memref<64x128xf32, #tpu.memory_space<vmem>>
    %dma_start3A_70 = arith.constant 64 : i32
    %dma_start3A_71 = tpu.memref_slice %arg6[%dma_start3A_66, %dma_start3A_70] : memref<40x128xi32, #tpu.memory_space<vmem>> -> memref<1x64xi32, #tpu.memory_space<vmem>>
    %dma_start3A_72 = tpu.memref_squeeze %dma_start3A_71 : memref<1x64xi32, #tpu.memory_space<vmem>> -> memref<64xi32, #tpu.memory_space<vmem>>
    %dma_start3A_73 = arith.constant 0 : i32
    %dma_start3A_74 = arith.constant 0 : i32
    %dma_start3A_75 = tpu.memref_slice %arg2[%dma_start3A_73, %dma_start3A_74] : memref<10000x128xf32, #tpu.memory_space<hbm>> -> memref<10000x128xf32, #tpu.memory_space<hbm>>
    tpu.enqueue_indirect_dma source(%dma_start3A_75 : memref<10000x128xf32, #tpu.memory_space<hbm>>) target(%dma_start3A_69 : memref<64x128xf32, #tpu.memory_space<vmem>>) offsets(%dma_start3A_72 : memref<64xi32, #tpu.memory_space<vmem>>) semaphore(%arg14 : memref<!tpu.dma_semaphore, #tpu.memory_space<semaphore_mem>>)
    %dma_wait3A = arith.constant 0 : i32
    %dma_wait3A_76 = arith.constant 0 : i32
    %dma_wait3A_77 = tpu.memref_slice %arg8[%dma_wait3A, %dma_wait3A_76] : memref<128x128xf32, #tpu.memory_space<vmem>> -> memref<64x128xf32, #tpu.memory_space<vmem>>
    %dma_wait3A_78 = arith.constant 0 : i32
    %dma_wait3A_79 = arith.constant 0 : i32
    %dma_wait3A_80 = tpu.memref_slice %arg2[%dma_wait3A_78, %dma_wait3A_79] : memref<10000x128xf32, #tpu.memory_space<hbm>> -> memref<64x128xf32, #tpu.memory_space<hbm>>
    %dma_wait3A_81 = arith.constant 0 : i32
    %dma_wait3A_82 = arith.constant 0 : i32
    %dma_wait3A_83 = tpu.memref_slice %arg8[%dma_wait3A_81, %dma_wait3A_82] : memref<128x128xf32, #tpu.memory_space<vmem>> -> memref<64x128xf32, #tpu.memory_space<vmem>>
    %dma_wait3A_84 = arith.constant 0 : i32
    %dma_wait3A_85 = arith.constant 0 : i32
    %dma_wait3A_86 = tpu.memref_slice %arg2[%dma_wait3A_84, %dma_wait3A_85] : memref<10000x128xf32, #tpu.memory_space<hbm>> -> memref<64x128xf32, #tpu.memory_space<hbm>>
    tpu.wait_dma2 semaphore(%arg11 : memref<!tpu.dma_semaphore, #tpu.memory_space<semaphore_mem>>) src(%dma_wait3A_86 : memref<64x128xf32, #tpu.memory_space<hbm>>) dst(%dma_wait3A_83 : memref<64x128xf32, #tpu.memory_space<vmem>>)
    %dma_wait3A_87 = arith.constant 64 : i32
    %dma_wait3A_88 = arith.constant 0 : i32
    %dma_wait3A_89 = tpu.memref_slice %arg8[%dma_wait3A_87, %dma_wait3A_88] : memref<128x128xf32, #tpu.memory_space<vmem>> -> memref<64x128xf32, #tpu.memory_space<vmem>>
    %dma_wait3A_90 = arith.constant 0 : i32
    %dma_wait3A_91 = arith.constant 0 : i32
    %dma_wait3A_92 = tpu.memref_slice %arg2[%dma_wait3A_90, %dma_wait3A_91] : memref<10000x128xf32, #tpu.memory_space<hbm>> -> memref<64x128xf32, #tpu.memory_space<hbm>>
    %dma_wait3A_93 = arith.constant 64 : i32
    %dma_wait3A_94 = arith.constant 0 : i32
    %dma_wait3A_95 = tpu.memref_slice %arg8[%dma_wait3A_93, %dma_wait3A_94] : memref<128x128xf32, #tpu.memory_space<vmem>> -> memref<64x128xf32, #tpu.memory_space<vmem>>
    %dma_wait3A_96 = arith.constant 0 : i32
    %dma_wait3A_97 = arith.constant 0 : i32
    %dma_wait3A_98 = tpu.memref_slice %arg2[%dma_wait3A_96, %dma_wait3A_97] : memref<10000x128xf32, #tpu.memory_space<hbm>> -> memref<64x128xf32, #tpu.memory_space<hbm>>
    tpu.wait_dma2 semaphore(%arg12 : memref<!tpu.dma_semaphore, #tpu.memory_space<semaphore_mem>>) src(%dma_wait3A_98 : memref<64x128xf32, #tpu.memory_space<hbm>>) dst(%dma_wait3A_95 : memref<64x128xf32, #tpu.memory_space<vmem>>)
    %run_scoped3A = arith.constant 38 : i32
    "tpu.region"() ({
      %run_scoped3A_227 = tpu.sem_alloc : memref<!tpu.dma_semaphore, #tpu.memory_space<semaphore_mem>>
      %dma_start3A_228 = arith.constant 0 : i32
      %dma_start3A_229 = tpu.memref_slice %arg7[%run_scoped3A, %dma_start3A_228] : memref<40x128xi32, #tpu.memory_space<vmem>> -> memref<1x128xi32, #tpu.memory_space<vmem>>
      %dma_start3A_230 = tpu.memref_squeeze %dma_start3A_229 : memref<1x128xi32, #tpu.memory_space<vmem>> -> memref<128xi32, #tpu.memory_space<vmem>>
      %dma_start3A_231 = arith.constant 0 : i32
      %dma_start3A_232 = arith.constant 0 : i32
      %dma_start3A_233 = tpu.memref_slice %arg10[%dma_start3A_231, %dma_start3A_232] : memref<10240x128xf32, #tpu.memory_space<vmem_shared>> -> memref<10240x128xf32, #tpu.memory_space<vmem_shared>>
      tpu.enqueue_indirect_dma source(%arg8 : memref<128x128xf32, #tpu.memory_space<vmem>>) target(%dma_start3A_233 : memref<10240x128xf32, #tpu.memory_space<vmem_shared>>) offsets(%dma_start3A_230 : memref<128xi32, #tpu.memory_space<vmem>>) semaphore(%run_scoped3A_227 : memref<!tpu.dma_semaphore, #tpu.memory_space<semaphore_mem>>) {add = true}
      %dma_wait3A_234 = arith.constant 0 : i32
      %dma_wait3A_235 = tpu.memref_slice %arg7[%run_scoped3A, %dma_wait3A_234] : memref<40x128xi32, #tpu.memory_space<vmem>> -> memref<1x128xi32, #tpu.memory_space<vmem>>
      %dma_wait3A_236 = tpu.memref_squeeze %dma_wait3A_235 : memref<1x128xi32, #tpu.memory_space<vmem>> -> memref<128xi32, #tpu.memory_space<vmem>>
      %dma_wait3A_237 = arith.constant 0 : i32
      %dma_wait3A_238 = arith.constant 0 : i32
      %dma_wait3A_239 = tpu.memref_slice %arg10[%dma_wait3A_237, %dma_wait3A_238] : memref<10240x128xf32, #tpu.memory_space<vmem_shared>> -> memref<10240x128xf32, #tpu.memory_space<vmem_shared>>
      tpu.wait_indirect_dma semaphore(%run_scoped3A_227 : memref<!tpu.dma_semaphore, #tpu.memory_space<semaphore_mem>>) src(%arg8 : memref<128x128xf32, #tpu.memory_space<vmem>>) dst(%dma_wait3A_239 : memref<10240x128xf32, #tpu.memory_space<vmem_shared>>)
      tpu.yield
    }) : () -> ()
    %dma_wait3A_99 = arith.constant 0 : i32
    %dma_wait3A_100 = arith.constant 0 : i32
    %dma_wait3A_101 = tpu.memref_slice %arg9[%dma_wait3A_99, %dma_wait3A_100] : memref<128x128xf32, #tpu.memory_space<vmem>> -> memref<64x128xf32, #tpu.memory_space<vmem>>
    %dma_wait3A_102 = arith.constant 0 : i32
    %dma_wait3A_103 = arith.constant 0 : i32
    %dma_wait3A_104 = tpu.memref_slice %arg2[%dma_wait3A_102, %dma_wait3A_103] : memref<10000x128xf32, #tpu.memory_space<hbm>> -> memref<64x128xf32, #tpu.memory_space<hbm>>
    %dma_wait3A_105 = arith.constant 0 : i32
    %dma_wait3A_106 = arith.constant 0 : i32
    %dma_wait3A_107 = tpu.memref_slice %arg9[%dma_wait3A_105, %dma_wait3A_106] : memref<128x128xf32, #tpu.memory_space<vmem>> -> memref<64x128xf32, #tpu.memory_space<vmem>>
    %dma_wait3A_108 = arith.constant 0 : i32
    %dma_wait3A_109 = arith.constant 0 : i32
    %dma_wait3A_110 = tpu.memref_slice %arg2[%dma_wait3A_108, %dma_wait3A_109] : memref<10000x128xf32, #tpu.memory_space<hbm>> -> memref<64x128xf32, #tpu.memory_space<hbm>>
    tpu.wait_dma2 semaphore(%arg13 : memref<!tpu.dma_semaphore, #tpu.memory_space<semaphore_mem>>) src(%dma_wait3A_110 : memref<64x128xf32, #tpu.memory_space<hbm>>) dst(%dma_wait3A_107 : memref<64x128xf32, #tpu.memory_space<vmem>>)
    %dma_wait3A_111 = arith.constant 64 : i32
    %dma_wait3A_112 = arith.constant 0 : i32
    %dma_wait3A_113 = tpu.memref_slice %arg9[%dma_wait3A_111, %dma_wait3A_112] : memref<128x128xf32, #tpu.memory_space<vmem>> -> memref<64x128xf32, #tpu.memory_space<vmem>>
    %dma_wait3A_114 = arith.constant 0 : i32
    %dma_wait3A_115 = arith.constant 0 : i32
    %dma_wait3A_116 = tpu.memref_slice %arg2[%dma_wait3A_114, %dma_wait3A_115] : memref<10000x128xf32, #tpu.memory_space<hbm>> -> memref<64x128xf32, #tpu.memory_space<hbm>>
    %dma_wait3A_117 = arith.constant 64 : i32
    %dma_wait3A_118 = arith.constant 0 : i32
    %dma_wait3A_119 = tpu.memref_slice %arg9[%dma_wait3A_117, %dma_wait3A_118] : memref<128x128xf32, #tpu.memory_space<vmem>> -> memref<64x128xf32, #tpu.memory_space<vmem>>
    %dma_wait3A_120 = arith.constant 0 : i32
    %dma_wait3A_121 = arith.constant 0 : i32
    %dma_wait3A_122 = tpu.memref_slice %arg2[%dma_wait3A_120, %dma_wait3A_121] : memref<10000x128xf32, #tpu.memory_space<hbm>> -> memref<64x128xf32, #tpu.memory_space<hbm>>
    tpu.wait_dma2 semaphore(%arg14 : memref<!tpu.dma_semaphore, #tpu.memory_space<semaphore_mem>>) src(%dma_wait3A_122 : memref<64x128xf32, #tpu.memory_space<hbm>>) dst(%dma_wait3A_119 : memref<64x128xf32, #tpu.memory_space<vmem>>)
    %run_scoped3A_123 = arith.constant 39 : i32
    "tpu.region"() ({
      %run_scoped3A_227 = tpu.sem_alloc : memref<!tpu.dma_semaphore, #tpu.memory_space<semaphore_mem>>
      %dma_start3A_228 = arith.constant 0 : i32
      %dma_start3A_229 = tpu.memref_slice %arg7[%run_scoped3A_123, %dma_start3A_228] : memref<40x128xi32, #tpu.memory_space<vmem>> -> memref<1x128xi32, #tpu.memory_space<vmem>>
      %dma_start3A_230 = tpu.memref_squeeze %dma_start3A_229 : memref<1x128xi32, #tpu.memory_space<vmem>> -> memref<128xi32, #tpu.memory_space<vmem>>
      %dma_start3A_231 = arith.constant 0 : i32
      %dma_start3A_232 = arith.constant 0 : i32
      %dma_start3A_233 = tpu.memref_slice %arg10[%dma_start3A_231, %dma_start3A_232] : memref<10240x128xf32, #tpu.memory_space<vmem_shared>> -> memref<10240x128xf32, #tpu.memory_space<vmem_shared>>
      tpu.enqueue_indirect_dma source(%arg9 : memref<128x128xf32, #tpu.memory_space<vmem>>) target(%dma_start3A_233 : memref<10240x128xf32, #tpu.memory_space<vmem_shared>>) offsets(%dma_start3A_230 : memref<128xi32, #tpu.memory_space<vmem>>) semaphore(%run_scoped3A_227 : memref<!tpu.dma_semaphore, #tpu.memory_space<semaphore_mem>>) {add = true}
      %dma_wait3A_234 = arith.constant 0 : i32
      %dma_wait3A_235 = tpu.memref_slice %arg7[%run_scoped3A_123, %dma_wait3A_234] : memref<40x128xi32, #tpu.memory_space<vmem>> -> memref<1x128xi32, #tpu.memory_space<vmem>>
      %dma_wait3A_236 = tpu.memref_squeeze %dma_wait3A_235 : memref<1x128xi32, #tpu.memory_space<vmem>> -> memref<128xi32, #tpu.memory_space<vmem>>
      %dma_wait3A_237 = arith.constant 0 : i32
      %dma_wait3A_238 = arith.constant 0 : i32
      %dma_wait3A_239 = tpu.memref_slice %arg10[%dma_wait3A_237, %dma_wait3A_238] : memref<10240x128xf32, #tpu.memory_space<vmem_shared>> -> memref<10240x128xf32, #tpu.memory_space<vmem_shared>>
      tpu.wait_indirect_dma semaphore(%run_scoped3A_227 : memref<!tpu.dma_semaphore, #tpu.memory_space<semaphore_mem>>) src(%arg9 : memref<128x128xf32, #tpu.memory_space<vmem>>) dst(%dma_wait3A_239 : memref<10240x128xf32, #tpu.memory_space<vmem_shared>>)
      tpu.yield
    }) : () -> ()
    %mul3A_124 = arith.constant 80 : i32
    %mul3A_125 = arith.muli %add3A, %mul3A_124 : i32
    %add3A_126 = arith.constant 40 : i32
    %add3A_127 = arith.addi %mul3A_125, %add3A_126 : i32
    %multiple_of3A_128 = tpu.assume_multiple %add3A_127, 8 : i32
    "tpu.region"() ({
      %run_scoped3A_227 = tpu.sem_alloc : memref<!tpu.dma_semaphore, #tpu.memory_space<semaphore_mem>>
      %dma_start3A_228 = arith.constant 0 : i32
      %dma_start3A_229 = tpu.memref_slice %arg3[%multiple_of3A_128, %dma_start3A_228] : memref<2560x128xi32, #tpu.memory_space<hbm>> -> memref<40x128xi32, #tpu.memory_space<hbm>>
      %dma_start3A_230 = arith.constant 0 : i32
      %dma_start3A_231 = tpu.memref_slice %arg3[%multiple_of3A_128, %dma_start3A_230] : memref<2560x128xi32, #tpu.memory_space<hbm>> -> memref<40x128xi32, #tpu.memory_space<hbm>>
      tpu.enqueue_dma source(%dma_start3A_231 : memref<40x128xi32, #tpu.memory_space<hbm>>) target(%arg6 : memref<40x128xi32, #tpu.memory_space<vmem>>) target_semaphore(%run_scoped3A_227 : memref<!tpu.dma_semaphore, #tpu.memory_space<semaphore_mem>>)
      %dma_wait3A_232 = arith.constant 0 : i32
      %dma_wait3A_233 = tpu.memref_slice %arg3[%multiple_of3A_128, %dma_wait3A_232] : memref<2560x128xi32, #tpu.memory_space<hbm>> -> memref<40x128xi32, #tpu.memory_space<hbm>>
      %dma_wait3A_234 = arith.constant 0 : i32
      %dma_wait3A_235 = tpu.memref_slice %arg3[%multiple_of3A_128, %dma_wait3A_234] : memref<2560x128xi32, #tpu.memory_space<hbm>> -> memref<40x128xi32, #tpu.memory_space<hbm>>
      tpu.wait_dma2 semaphore(%run_scoped3A_227 : memref<!tpu.dma_semaphore, #tpu.memory_space<semaphore_mem>>) src(%dma_wait3A_235 : memref<40x128xi32, #tpu.memory_space<hbm>>) dst(%arg6 : memref<40x128xi32, #tpu.memory_space<vmem>>)
      tpu.yield
    }) : () -> ()
    "tpu.region"() ({
      %run_scoped3A_227 = tpu.sem_alloc : memref<!tpu.dma_semaphore, #tpu.memory_space<semaphore_mem>>
      %dma_start3A_228 = arith.constant 0 : i32
      %dma_start3A_229 = tpu.memref_slice %arg4[%multiple_of3A_128, %dma_start3A_228] : memref<2560x128xi32, #tpu.memory_space<hbm>> -> memref<40x128xi32, #tpu.memory_space<hbm>>
      %dma_start3A_230 = arith.constant 0 : i32
      %dma_start3A_231 = tpu.memref_slice %arg4[%multiple_of3A_128, %dma_start3A_230] : memref<2560x128xi32, #tpu.memory_space<hbm>> -> memref<40x128xi32, #tpu.memory_space<hbm>>
      tpu.enqueue_dma source(%dma_start3A_231 : memref<40x128xi32, #tpu.memory_space<hbm>>) target(%arg7 : memref<40x128xi32, #tpu.memory_space<vmem>>) target_semaphore(%run_scoped3A_227 : memref<!tpu.dma_semaphore, #tpu.memory_space<semaphore_mem>>)
      %dma_wait3A_232 = arith.constant 0 : i32
      %dma_wait3A_233 = tpu.memref_slice %arg4[%multiple_of3A_128, %dma_wait3A_232] : memref<2560x128xi32, #tpu.memory_space<hbm>> -> memref<40x128xi32, #tpu.memory_space<hbm>>
      %dma_wait3A_234 = arith.constant 0 : i32
      %dma_wait3A_235 = tpu.memref_slice %arg4[%multiple_of3A_128, %dma_wait3A_234] : memref<2560x128xi32, #tpu.memory_space<hbm>> -> memref<40x128xi32, #tpu.memory_space<hbm>>
      tpu.wait_dma2 semaphore(%run_scoped3A_227 : memref<!tpu.dma_semaphore, #tpu.memory_space<semaphore_mem>>) src(%dma_wait3A_235 : memref<40x128xi32, #tpu.memory_space<hbm>>) dst(%arg7 : memref<40x128xi32, #tpu.memory_space<vmem>>)
      tpu.yield
    }) : () -> ()
    %dma_start3A_129 = arith.constant 0 : i32
    %dma_start3A_130 = arith.constant 0 : i32
    %dma_start3A_131 = arith.constant 0 : i32
    %dma_start3A_132 = tpu.memref_slice %arg8[%dma_start3A_130, %dma_start3A_131] : memref<128x128xf32, #tpu.memory_space<vmem>> -> memref<64x128xf32, #tpu.memory_space<vmem>>
    %dma_start3A_133 = arith.constant 0 : i32
    %dma_start3A_134 = tpu.memref_slice %arg6[%dma_start3A_129, %dma_start3A_133] : memref<40x128xi32, #tpu.memory_space<vmem>> -> memref<1x64xi32, #tpu.memory_space<vmem>>
    %dma_start3A_135 = tpu.memref_squeeze %dma_start3A_134 : memref<1x64xi32, #tpu.memory_space<vmem>> -> memref<64xi32, #tpu.memory_space<vmem>>
    %dma_start3A_136 = arith.constant 0 : i32
    %dma_start3A_137 = arith.constant 0 : i32
    %dma_start3A_138 = tpu.memref_slice %arg2[%dma_start3A_136, %dma_start3A_137] : memref<10000x128xf32, #tpu.memory_space<hbm>> -> memref<10000x128xf32, #tpu.memory_space<hbm>>
    tpu.enqueue_indirect_dma source(%dma_start3A_138 : memref<10000x128xf32, #tpu.memory_space<hbm>>) target(%dma_start3A_132 : memref<64x128xf32, #tpu.memory_space<vmem>>) offsets(%dma_start3A_135 : memref<64xi32, #tpu.memory_space<vmem>>) semaphore(%arg11 : memref<!tpu.dma_semaphore, #tpu.memory_space<semaphore_mem>>)
    %dma_start3A_139 = arith.constant 0 : i32
    %dma_start3A_140 = arith.constant 64 : i32
    %dma_start3A_141 = arith.constant 0 : i32
    %dma_start3A_142 = tpu.memref_slice %arg8[%dma_start3A_140, %dma_start3A_141] : memref<128x128xf32, #tpu.memory_space<vmem>> -> memref<64x128xf32, #tpu.memory_space<vmem>>
    %dma_start3A_143 = arith.constant 64 : i32
    %dma_start3A_144 = tpu.memref_slice %arg6[%dma_start3A_139, %dma_start3A_143] : memref<40x128xi32, #tpu.memory_space<vmem>> -> memref<1x64xi32, #tpu.memory_space<vmem>>
    %dma_start3A_145 = tpu.memref_squeeze %dma_start3A_144 : memref<1x64xi32, #tpu.memory_space<vmem>> -> memref<64xi32, #tpu.memory_space<vmem>>
    %dma_start3A_146 = arith.constant 0 : i32
    %dma_start3A_147 = arith.constant 0 : i32
    %dma_start3A_148 = tpu.memref_slice %arg2[%dma_start3A_146, %dma_start3A_147] : memref<10000x128xf32, #tpu.memory_space<hbm>> -> memref<10000x128xf32, #tpu.memory_space<hbm>>
    tpu.enqueue_indirect_dma source(%dma_start3A_148 : memref<10000x128xf32, #tpu.memory_space<hbm>>) target(%dma_start3A_142 : memref<64x128xf32, #tpu.memory_space<vmem>>) offsets(%dma_start3A_145 : memref<64xi32, #tpu.memory_space<vmem>>) semaphore(%arg12 : memref<!tpu.dma_semaphore, #tpu.memory_space<semaphore_mem>>)
    %scan3A_149 = arith.constant 0 : i32
    %scan3A_150 = arith.constant 0 : i32
    %scan3A_151 = arith.constant 19 : i32
    %scan3A_152 = arith.addi %scan3A_150, %scan3A_151 : i32
    %scan3A_153 = arith.constant 1 : i32
    %scan3A_154 = scf.for %scan3A_227 = %scan3A_150 to %scan3A_152 step %scan3A_153 iter_args(%scan3A_228 = %scan3A_149) -> (i32)  : i32 {
      %mul3A_229 = arith.constant 2 : i32
      %mul3A_230 = arith.muli %mul3A_229, %scan3A_227 : i32
      %add3A_231 = arith.constant 1 : i32
      %add3A_232 = arith.addi %mul3A_230, %add3A_231 : i32
      %dma_start3A_233 = arith.constant 0 : i32
      %dma_start3A_234 = arith.constant 0 : i32
      %dma_start3A_235 = tpu.memref_slice %arg9[%dma_start3A_233, %dma_start3A_234] : memref<128x128xf32, #tpu.memory_space<vmem>> -> memref<64x128xf32, #tpu.memory_space<vmem>>
      %dma_start3A_236 = arith.constant 0 : i32
      %dma_start3A_237 = tpu.memref_slice %arg6[%add3A_232, %dma_start3A_236] : memref<40x128xi32, #tpu.memory_space<vmem>> -> memref<1x64xi32, #tpu.memory_space<vmem>>
      %dma_start3A_238 = tpu.memref_squeeze %dma_start3A_237 : memref<1x64xi32, #tpu.memory_space<vmem>> -> memref<64xi32, #tpu.memory_space<vmem>>
      %dma_start3A_239 = arith.constant 0 : i32
      %dma_start3A_240 = arith.constant 0 : i32
      %dma_start3A_241 = tpu.memref_slice %arg2[%dma_start3A_239, %dma_start3A_240] : memref<10000x128xf32, #tpu.memory_space<hbm>> -> memref<10000x128xf32, #tpu.memory_space<hbm>>
      tpu.enqueue_indirect_dma source(%dma_start3A_241 : memref<10000x128xf32, #tpu.memory_space<hbm>>) target(%dma_start3A_235 : memref<64x128xf32, #tpu.memory_space<vmem>>) offsets(%dma_start3A_238 : memref<64xi32, #tpu.memory_space<vmem>>) semaphore(%arg13 : memref<!tpu.dma_semaphore, #tpu.memory_space<semaphore_mem>>)
      %dma_start3A_242 = arith.constant 64 : i32
      %dma_start3A_243 = arith.constant 0 : i32
      %dma_start3A_244 = tpu.memref_slice %arg9[%dma_start3A_242, %dma_start3A_243] : memref<128x128xf32, #tpu.memory_space<vmem>> -> memref<64x128xf32, #tpu.memory_space<vmem>>
      %dma_start3A_245 = arith.constant 64 : i32
      %dma_start3A_246 = tpu.memref_slice %arg6[%add3A_232, %dma_start3A_245] : memref<40x128xi32, #tpu.memory_space<vmem>> -> memref<1x64xi32, #tpu.memory_space<vmem>>
      %dma_start3A_247 = tpu.memref_squeeze %dma_start3A_246 : memref<1x64xi32, #tpu.memory_space<vmem>> -> memref<64xi32, #tpu.memory_space<vmem>>
      %dma_start3A_248 = arith.constant 0 : i32
      %dma_start3A_249 = arith.constant 0 : i32
      %dma_start3A_250 = tpu.memref_slice %arg2[%dma_start3A_248, %dma_start3A_249] : memref<10000x128xf32, #tpu.memory_space<hbm>> -> memref<10000x128xf32, #tpu.memory_space<hbm>>
      tpu.enqueue_indirect_dma source(%dma_start3A_250 : memref<10000x128xf32, #tpu.memory_space<hbm>>) target(%dma_start3A_244 : memref<64x128xf32, #tpu.memory_space<vmem>>) offsets(%dma_start3A_247 : memref<64xi32, #tpu.memory_space<vmem>>) semaphore(%arg14 : memref<!tpu.dma_semaphore, #tpu.memory_space<semaphore_mem>>)
      %dma_wait3A_251 = arith.constant 0 : i32
      %dma_wait3A_252 = arith.constant 0 : i32
      %dma_wait3A_253 = tpu.memref_slice %arg8[%dma_wait3A_251, %dma_wait3A_252] : memref<128x128xf32, #tpu.memory_space<vmem>> -> memref<64x128xf32, #tpu.memory_space<vmem>>
      %dma_wait3A_254 = arith.constant 0 : i32
      %dma_wait3A_255 = arith.constant 0 : i32
      %dma_wait3A_256 = tpu.memref_slice %arg2[%dma_wait3A_254, %dma_wait3A_255] : memref<10000x128xf32, #tpu.memory_space<hbm>> -> memref<64x128xf32, #tpu.memory_space<hbm>>
      %dma_wait3A_257 = arith.constant 0 : i32
      %dma_wait3A_258 = arith.constant 0 : i32
      %dma_wait3A_259 = tpu.memref_slice %arg8[%dma_wait3A_257, %dma_wait3A_258] : memref<128x128xf32, #tpu.memory_space<vmem>> -> memref<64x128xf32, #tpu.memory_space<vmem>>
      %dma_wait3A_260 = arith.constant 0 : i32
      %dma_wait3A_261 = arith.constant 0 : i32
      %dma_wait3A_262 = tpu.memref_slice %arg2[%dma_wait3A_260, %dma_wait3A_261] : memref<10000x128xf32, #tpu.memory_space<hbm>> -> memref<64x128xf32, #tpu.memory_space<hbm>>
      tpu.wait_dma2 semaphore(%arg11 : memref<!tpu.dma_semaphore, #tpu.memory_space<semaphore_mem>>) src(%dma_wait3A_262 : memref<64x128xf32, #tpu.memory_space<hbm>>) dst(%dma_wait3A_259 : memref<64x128xf32, #tpu.memory_space<vmem>>)
      %dma_wait3A_263 = arith.constant 64 : i32
      %dma_wait3A_264 = arith.constant 0 : i32
      %dma_wait3A_265 = tpu.memref_slice %arg8[%dma_wait3A_263, %dma_wait3A_264] : memref<128x128xf32, #tpu.memory_space<vmem>> -> memref<64x128xf32, #tpu.memory_space<vmem>>
      %dma_wait3A_266 = arith.constant 0 : i32
      %dma_wait3A_267 = arith.constant 0 : i32
      %dma_wait3A_268 = tpu.memref_slice %arg2[%dma_wait3A_266, %dma_wait3A_267] : memref<10000x128xf32, #tpu.memory_space<hbm>> -> memref<64x128xf32, #tpu.memory_space<hbm>>
      %dma_wait3A_269 = arith.constant 64 : i32
      %dma_wait3A_270 = arith.constant 0 : i32
      %dma_wait3A_271 = tpu.memref_slice %arg8[%dma_wait3A_269, %dma_wait3A_270] : memref<128x128xf32, #tpu.memory_space<vmem>> -> memref<64x128xf32, #tpu.memory_space<vmem>>
      %dma_wait3A_272 = arith.constant 0 : i32
      %dma_wait3A_273 = arith.constant 0 : i32
      %dma_wait3A_274 = tpu.memref_slice %arg2[%dma_wait3A_272, %dma_wait3A_273] : memref<10000x128xf32, #tpu.memory_space<hbm>> -> memref<64x128xf32, #tpu.memory_space<hbm>>
      tpu.wait_dma2 semaphore(%arg12 : memref<!tpu.dma_semaphore, #tpu.memory_space<semaphore_mem>>) src(%dma_wait3A_274 : memref<64x128xf32, #tpu.memory_space<hbm>>) dst(%dma_wait3A_271 : memref<64x128xf32, #tpu.memory_space<vmem>>)
      "tpu.region"() ({
        %run_scoped3A_322 = tpu.sem_alloc : memref<!tpu.dma_semaphore, #tpu.memory_space<semaphore_mem>>
        %dma_start3A_323 = arith.constant 0 : i32
        %dma_start3A_324 = tpu.memref_slice %arg7[%mul3A_230, %dma_start3A_323] : memref<40x128xi32, #tpu.memory_space<vmem>> -> memref<1x128xi32, #tpu.memory_space<vmem>>
        %dma_start3A_325 = tpu.memref_squeeze %dma_start3A_324 : memref<1x128xi32, #tpu.memory_space<vmem>> -> memref<128xi32, #tpu.memory_space<vmem>>
        %dma_start3A_326 = arith.constant 0 : i32
        %dma_start3A_327 = arith.constant 0 : i32
        %dma_start3A_328 = tpu.memref_slice %arg10[%dma_start3A_326, %dma_start3A_327] : memref<10240x128xf32, #tpu.memory_space<vmem_shared>> -> memref<10240x128xf32, #tpu.memory_space<vmem_shared>>
        tpu.enqueue_indirect_dma source(%arg8 : memref<128x128xf32, #tpu.memory_space<vmem>>) target(%dma_start3A_328 : memref<10240x128xf32, #tpu.memory_space<vmem_shared>>) offsets(%dma_start3A_325 : memref<128xi32, #tpu.memory_space<vmem>>) semaphore(%run_scoped3A_322 : memref<!tpu.dma_semaphore, #tpu.memory_space<semaphore_mem>>) {add = true}
        %dma_wait3A_329 = arith.constant 0 : i32
        %dma_wait3A_330 = tpu.memref_slice %arg7[%mul3A_230, %dma_wait3A_329] : memref<40x128xi32, #tpu.memory_space<vmem>> -> memref<1x128xi32, #tpu.memory_space<vmem>>
        %dma_wait3A_331 = tpu.memref_squeeze %dma_wait3A_330 : memref<1x128xi32, #tpu.memory_space<vmem>> -> memref<128xi32, #tpu.memory_space<vmem>>
        %dma_wait3A_332 = arith.constant 0 : i32
        %dma_wait3A_333 = arith.constant 0 : i32
        %dma_wait3A_334 = tpu.memref_slice %arg10[%dma_wait3A_332, %dma_wait3A_333] : memref<10240x128xf32, #tpu.memory_space<vmem_shared>> -> memref<10240x128xf32, #tpu.memory_space<vmem_shared>>
        tpu.wait_indirect_dma semaphore(%run_scoped3A_322 : memref<!tpu.dma_semaphore, #tpu.memory_space<semaphore_mem>>) src(%arg8 : memref<128x128xf32, #tpu.memory_space<vmem>>) dst(%dma_wait3A_334 : memref<10240x128xf32, #tpu.memory_space<vmem_shared>>)
        tpu.yield
      }) : () -> ()
      %add3A_275 = arith.constant 2 : i32
      %add3A_276 = arith.addi %mul3A_230, %add3A_275 : i32
      %dma_start3A_277 = arith.constant 0 : i32
      %dma_start3A_278 = arith.constant 0 : i32
      %dma_start3A_279 = tpu.memref_slice %arg8[%dma_start3A_277, %dma_start3A_278] : memref<128x128xf32, #tpu.memory_space<vmem>> -> memref<64x128xf32, #tpu.memory_space<vmem>>
      %dma_start3A_280 = arith.constant 0 : i32
      %dma_start3A_281 = tpu.memref_slice %arg6[%add3A_276, %dma_start3A_280] : memref<40x128xi32, #tpu.memory_space<vmem>> -> memref<1x64xi32, #tpu.memory_space<vmem>>
      %dma_start3A_282 = tpu.memref_squeeze %dma_start3A_281 : memref<1x64xi32, #tpu.memory_space<vmem>> -> memref<64xi32, #tpu.memory_space<vmem>>
      %dma_start3A_283 = arith.constant 0 : i32
      %dma_start3A_284 = arith.constant 0 : i32
      %dma_start3A_285 = tpu.memref_slice %arg2[%dma_start3A_283, %dma_start3A_284] : memref<10000x128xf32, #tpu.memory_space<hbm>> -> memref<10000x128xf32, #tpu.memory_space<hbm>>
      tpu.enqueue_indirect_dma source(%dma_start3A_285 : memref<10000x128xf32, #tpu.memory_space<hbm>>) target(%dma_start3A_279 : memref<64x128xf32, #tpu.memory_space<vmem>>) offsets(%dma_start3A_282 : memref<64xi32, #tpu.memory_space<vmem>>) semaphore(%arg11 : memref<!tpu.dma_semaphore, #tpu.memory_space<semaphore_mem>>)
      %dma_start3A_286 = arith.constant 64 : i32
      %dma_start3A_287 = arith.constant 0 : i32
      %dma_start3A_288 = tpu.memref_slice %arg8[%dma_start3A_286, %dma_start3A_287] : memref<128x128xf32, #tpu.memory_space<vmem>> -> memref<64x128xf32, #tpu.memory_space<vmem>>
      %dma_start3A_289 = arith.constant 64 : i32
      %dma_start3A_290 = tpu.memref_slice %arg6[%add3A_276, %dma_start3A_289] : memref<40x128xi32, #tpu.memory_space<vmem>> -> memref<1x64xi32, #tpu.memory_space<vmem>>
      %dma_start3A_291 = tpu.memref_squeeze %dma_start3A_290 : memref<1x64xi32, #tpu.memory_space<vmem>> -> memref<64xi32, #tpu.memory_space<vmem>>
      %dma_start3A_292 = arith.constant 0 : i32
      %dma_start3A_293 = arith.constant 0 : i32
      %dma_start3A_294 = tpu.memref_slice %arg2[%dma_start3A_292, %dma_start3A_293] : memref<10000x128xf32, #tpu.memory_space<hbm>> -> memref<10000x128xf32, #tpu.memory_space<hbm>>
      tpu.enqueue_indirect_dma source(%dma_start3A_294 : memref<10000x128xf32, #tpu.memory_space<hbm>>) target(%dma_start3A_288 : memref<64x128xf32, #tpu.memory_space<vmem>>) offsets(%dma_start3A_291 : memref<64xi32, #tpu.memory_space<vmem>>) semaphore(%arg12 : memref<!tpu.dma_semaphore, #tpu.memory_space<semaphore_mem>>)
      %dma_wait3A_295 = arith.constant 0 : i32
      %dma_wait3A_296 = arith.constant 0 : i32
      %dma_wait3A_297 = tpu.memref_slice %arg9[%dma_wait3A_295, %dma_wait3A_296] : memref<128x128xf32, #tpu.memory_space<vmem>> -> memref<64x128xf32, #tpu.memory_space<vmem>>
      %dma_wait3A_298 = arith.constant 0 : i32
      %dma_wait3A_299 = arith.constant 0 : i32
      %dma_wait3A_300 = tpu.memref_slice %arg2[%dma_wait3A_298, %dma_wait3A_299] : memref<10000x128xf32, #tpu.memory_space<hbm>> -> memref<64x128xf32, #tpu.memory_space<hbm>>
      %dma_wait3A_301 = arith.constant 0 : i32
      %dma_wait3A_302 = arith.constant 0 : i32
      %dma_wait3A_303 = tpu.memref_slice %arg9[%dma_wait3A_301, %dma_wait3A_302] : memref<128x128xf32, #tpu.memory_space<vmem>> -> memref<64x128xf32, #tpu.memory_space<vmem>>
      %dma_wait3A_304 = arith.constant 0 : i32
      %dma_wait3A_305 = arith.constant 0 : i32
      %dma_wait3A_306 = tpu.memref_slice %arg2[%dma_wait3A_304, %dma_wait3A_305] : memref<10000x128xf32, #tpu.memory_space<hbm>> -> memref<64x128xf32, #tpu.memory_space<hbm>>
      tpu.wait_dma2 semaphore(%arg13 : memref<!tpu.dma_semaphore, #tpu.memory_space<semaphore_mem>>) src(%dma_wait3A_306 : memref<64x128xf32, #tpu.memory_space<hbm>>) dst(%dma_wait3A_303 : memref<64x128xf32, #tpu.memory_space<vmem>>)
      %dma_wait3A_307 = arith.constant 64 : i32
      %dma_wait3A_308 = arith.constant 0 : i32
      %dma_wait3A_309 = tpu.memref_slice %arg9[%dma_wait3A_307, %dma_wait3A_308] : memref<128x128xf32, #tpu.memory_space<vmem>> -> memref<64x128xf32, #tpu.memory_space<vmem>>
      %dma_wait3A_310 = arith.constant 0 : i32
      %dma_wait3A_311 = arith.constant 0 : i32
      %dma_wait3A_312 = tpu.memref_slice %arg2[%dma_wait3A_310, %dma_wait3A_311] : memref<10000x128xf32, #tpu.memory_space<hbm>> -> memref<64x128xf32, #tpu.memory_space<hbm>>
      %dma_wait3A_313 = arith.constant 64 : i32
      %dma_wait3A_314 = arith.constant 0 : i32
      %dma_wait3A_315 = tpu.memref_slice %arg9[%dma_wait3A_313, %dma_wait3A_314] : memref<128x128xf32, #tpu.memory_space<vmem>> -> memref<64x128xf32, #tpu.memory_space<vmem>>
      %dma_wait3A_316 = arith.constant 0 : i32
      %dma_wait3A_317 = arith.constant 0 : i32
      %dma_wait3A_318 = tpu.memref_slice %arg2[%dma_wait3A_316, %dma_wait3A_317] : memref<10000x128xf32, #tpu.memory_space<hbm>> -> memref<64x128xf32, #tpu.memory_space<hbm>>
      tpu.wait_dma2 semaphore(%arg14 : memref<!tpu.dma_semaphore, #tpu.memory_space<semaphore_mem>>) src(%dma_wait3A_318 : memref<64x128xf32, #tpu.memory_space<hbm>>) dst(%dma_wait3A_315 : memref<64x128xf32, #tpu.memory_space<vmem>>)
      %add3A_319 = arith.constant 1 : i32
      %add3A_320 = arith.addi %mul3A_230, %add3A_319 : i32
      "tpu.region"() ({
        %run_scoped3A_322 = tpu.sem_alloc : memref<!tpu.dma_semaphore, #tpu.memory_space<semaphore_mem>>
        %dma_start3A_323 = arith.constant 0 : i32
        %dma_start3A_324 = tpu.memref_slice %arg7[%add3A_320, %dma_start3A_323] : memref<40x128xi32, #tpu.memory_space<vmem>> -> memref<1x128xi32, #tpu.memory_space<vmem>>
        %dma_start3A_325 = tpu.memref_squeeze %dma_start3A_324 : memref<1x128xi32, #tpu.memory_space<vmem>> -> memref<128xi32, #tpu.memory_space<vmem>>
        %dma_start3A_326 = arith.constant 0 : i32
        %dma_start3A_327 = arith.constant 0 : i32
        %dma_start3A_328 = tpu.memref_slice %arg10[%dma_start3A_326, %dma_start3A_327] : memref<10240x128xf32, #tpu.memory_space<vmem_shared>> -> memref<10240x128xf32, #tpu.memory_space<vmem_shared>>
        tpu.enqueue_indirect_dma source(%arg9 : memref<128x128xf32, #tpu.memory_space<vmem>>) target(%dma_start3A_328 : memref<10240x128xf32, #tpu.memory_space<vmem_shared>>) offsets(%dma_start3A_325 : memref<128xi32, #tpu.memory_space<vmem>>) semaphore(%run_scoped3A_322 : memref<!tpu.dma_semaphore, #tpu.memory_space<semaphore_mem>>) {add = true}
        %dma_wait3A_329 = arith.constant 0 : i32
        %dma_wait3A_330 = tpu.memref_slice %arg7[%add3A_320, %dma_wait3A_329] : memref<40x128xi32, #tpu.memory_space<vmem>> -> memref<1x128xi32, #tpu.memory_space<vmem>>
        %dma_wait3A_331 = tpu.memref_squeeze %dma_wait3A_330 : memref<1x128xi32, #tpu.memory_space<vmem>> -> memref<128xi32, #tpu.memory_space<vmem>>
        %dma_wait3A_332 = arith.constant 0 : i32
        %dma_wait3A_333 = arith.constant 0 : i32
        %dma_wait3A_334 = tpu.memref_slice %arg10[%dma_wait3A_332, %dma_wait3A_333] : memref<10240x128xf32, #tpu.memory_space<vmem_shared>> -> memref<10240x128xf32, #tpu.memory_space<vmem_shared>>
        tpu.wait_indirect_dma semaphore(%run_scoped3A_322 : memref<!tpu.dma_semaphore, #tpu.memory_space<semaphore_mem>>) src(%arg9 : memref<128x128xf32, #tpu.memory_space<vmem>>) dst(%dma_wait3A_334 : memref<10240x128xf32, #tpu.memory_space<vmem_shared>>)
        tpu.yield
      }) : () -> ()
      %scan3A_321 = arith.constant 0 : i32
      scf.yield %scan3A_321 : i32
    }
    %scan3A_155 = arith.constant 19 : i32
    %dma_start3A_156 = arith.constant 39 : i32
    %dma_start3A_157 = arith.constant 0 : i32
    %dma_start3A_158 = arith.constant 0 : i32
    %dma_start3A_159 = tpu.memref_slice %arg9[%dma_start3A_157, %dma_start3A_158] : memref<128x128xf32, #tpu.memory_space<vmem>> -> memref<64x128xf32, #tpu.memory_space<vmem>>
    %dma_start3A_160 = arith.constant 0 : i32
    %dma_start3A_161 = tpu.memref_slice %arg6[%dma_start3A_156, %dma_start3A_160] : memref<40x128xi32, #tpu.memory_space<vmem>> -> memref<1x64xi32, #tpu.memory_space<vmem>>
    %dma_start3A_162 = tpu.memref_squeeze %dma_start3A_161 : memref<1x64xi32, #tpu.memory_space<vmem>> -> memref<64xi32, #tpu.memory_space<vmem>>
    %dma_start3A_163 = arith.constant 0 : i32
    %dma_start3A_164 = arith.constant 0 : i32
    %dma_start3A_165 = tpu.memref_slice %arg2[%dma_start3A_163, %dma_start3A_164] : memref<10000x128xf32, #tpu.memory_space<hbm>> -> memref<10000x128xf32, #tpu.memory_space<hbm>>
    tpu.enqueue_indirect_dma source(%dma_start3A_165 : memref<10000x128xf32, #tpu.memory_space<hbm>>) target(%dma_start3A_159 : memref<64x128xf32, #tpu.memory_space<vmem>>) offsets(%dma_start3A_162 : memref<64xi32, #tpu.memory_space<vmem>>) semaphore(%arg13 : memref<!tpu.dma_semaphore, #tpu.memory_space<semaphore_mem>>)
    %dma_start3A_166 = arith.constant 39 : i32
    %dma_start3A_167 = arith.constant 64 : i32
    %dma_start3A_168 = arith.constant 0 : i32
    %dma_start3A_169 = tpu.memref_slice %arg9[%dma_start3A_167, %dma_start3A_168] : memref<128x128xf32, #tpu.memory_space<vmem>> -> memref<64x128xf32, #tpu.memory_space<vmem>>
    %dma_start3A_170 = arith.constant 64 : i32
    %dma_start3A_171 = tpu.memref_slice %arg6[%dma_start3A_166, %dma_start3A_170] : memref<40x128xi32, #tpu.memory_space<vmem>> -> memref<1x64xi32, #tpu.memory_space<vmem>>
    %dma_start3A_172 = tpu.memref_squeeze %dma_start3A_171 : memref<1x64xi32, #tpu.memory_space<vmem>> -> memref<64xi32, #tpu.memory_space<vmem>>
    %dma_start3A_173 = arith.constant 0 : i32
    %dma_start3A_174 = arith.constant 0 : i32
    %dma_start3A_175 = tpu.memref_slice %arg2[%dma_start3A_173, %dma_start3A_174] : memref<10000x128xf32, #tpu.memory_space<hbm>> -> memref<10000x128xf32, #tpu.memory_space<hbm>>
    tpu.enqueue_indirect_dma source(%dma_start3A_175 : memref<10000x128xf32, #tpu.memory_space<hbm>>) target(%dma_start3A_169 : memref<64x128xf32, #tpu.memory_space<vmem>>) offsets(%dma_start3A_172 : memref<64xi32, #tpu.memory_space<vmem>>) semaphore(%arg14 : memref<!tpu.dma_semaphore, #tpu.memory_space<semaphore_mem>>)
    %dma_wait3A_176 = arith.constant 0 : i32
    %dma_wait3A_177 = arith.constant 0 : i32
    %dma_wait3A_178 = tpu.memref_slice %arg8[%dma_wait3A_176, %dma_wait3A_177] : memref<128x128xf32, #tpu.memory_space<vmem>> -> memref<64x128xf32, #tpu.memory_space<vmem>>
    %dma_wait3A_179 = arith.constant 0 : i32
    %dma_wait3A_180 = arith.constant 0 : i32
    %dma_wait3A_181 = tpu.memref_slice %arg2[%dma_wait3A_179, %dma_wait3A_180] : memref<10000x128xf32, #tpu.memory_space<hbm>> -> memref<64x128xf32, #tpu.memory_space<hbm>>
    %dma_wait3A_182 = arith.constant 0 : i32
    %dma_wait3A_183 = arith.constant 0 : i32
    %dma_wait3A_184 = tpu.memref_slice %arg8[%dma_wait3A_182, %dma_wait3A_183] : memref<128x128xf32, #tpu.memory_space<vmem>> -> memref<64x128xf32, #tpu.memory_space<vmem>>
    %dma_wait3A_185 = arith.constant 0 : i32
    %dma_wait3A_186 = arith.constant 0 : i32
    %dma_wait3A_187 = tpu.memref_slice %arg2[%dma_wait3A_185, %dma_wait3A_186] : memref<10000x128xf32, #tpu.memory_space<hbm>> -> memref<64x128xf32, #tpu.memory_space<hbm>>
    tpu.wait_dma2 semaphore(%arg11 : memref<!tpu.dma_semaphore, #tpu.memory_space<semaphore_mem>>) src(%dma_wait3A_187 : memref<64x128xf32, #tpu.memory_space<hbm>>) dst(%dma_wait3A_184 : memref<64x128xf32, #tpu.memory_space<vmem>>)
    %dma_wait3A_188 = arith.constant 64 : i32
    %dma_wait3A_189 = arith.constant 0 : i32
    %dma_wait3A_190 = tpu.memref_slice %arg8[%dma_wait3A_188, %dma_wait3A_189] : memref<128x128xf32, #tpu.memory_space<vmem>> -> memref<64x128xf32, #tpu.memory_space<vmem>>
    %dma_wait3A_191 = arith.constant 0 : i32
    %dma_wait3A_192 = arith.constant 0 : i32
    %dma_wait3A_193 = tpu.memref_slice %arg2[%dma_wait3A_191, %dma_wait3A_192] : memref<10000x128xf32, #tpu.memory_space<hbm>> -> memref<64x128xf32, #tpu.memory_space<hbm>>
    %dma_wait3A_194 = arith.constant 64 : i32
    %dma_wait3A_195 = arith.constant 0 : i32
    %dma_wait3A_196 = tpu.memref_slice %arg8[%dma_wait3A_194, %dma_wait3A_195] : memref<128x128xf32, #tpu.memory_space<vmem>> -> memref<64x128xf32, #tpu.memory_space<vmem>>
    %dma_wait3A_197 = arith.constant 0 : i32
    %dma_wait3A_198 = arith.constant 0 : i32
    %dma_wait3A_199 = tpu.memref_slice %arg2[%dma_wait3A_197, %dma_wait3A_198] : memref<10000x128xf32, #tpu.memory_space<hbm>> -> memref<64x128xf32, #tpu.memory_space<hbm>>
    tpu.wait_dma2 semaphore(%arg12 : memref<!tpu.dma_semaphore, #tpu.memory_space<semaphore_mem>>) src(%dma_wait3A_199 : memref<64x128xf32, #tpu.memory_space<hbm>>) dst(%dma_wait3A_196 : memref<64x128xf32, #tpu.memory_space<vmem>>)
    %run_scoped3A_200 = arith.constant 38 : i32
    "tpu.region"() ({
      %run_scoped3A_227 = tpu.sem_alloc : memref<!tpu.dma_semaphore, #tpu.memory_space<semaphore_mem>>
      %dma_start3A_228 = arith.constant 0 : i32
      %dma_start3A_229 = tpu.memref_slice %arg7[%run_scoped3A_200, %dma_start3A_228] : memref<40x128xi32, #tpu.memory_space<vmem>> -> memref<1x128xi32, #tpu.memory_space<vmem>>
      %dma_start3A_230 = tpu.memref_squeeze %dma_start3A_229 : memref<1x128xi32, #tpu.memory_space<vmem>> -> memref<128xi32, #tpu.memory_space<vmem>>
      %dma_start3A_231 = arith.constant 0 : i32
      %dma_start3A_232 = arith.constant 0 : i32
      %dma_start3A_233 = tpu.memref_slice %arg10[%dma_start3A_231, %dma_start3A_232] : memref<10240x128xf32, #tpu.memory_space<vmem_shared>> -> memref<10240x128xf32, #tpu.memory_space<vmem_shared>>
      tpu.enqueue_indirect_dma source(%arg8 : memref<128x128xf32, #tpu.memory_space<vmem>>) target(%dma_start3A_233 : memref<10240x128xf32, #tpu.memory_space<vmem_shared>>) offsets(%dma_start3A_230 : memref<128xi32, #tpu.memory_space<vmem>>) semaphore(%run_scoped3A_227 : memref<!tpu.dma_semaphore, #tpu.memory_space<semaphore_mem>>) {add = true}
      %dma_wait3A_234 = arith.constant 0 : i32
      %dma_wait3A_235 = tpu.memref_slice %arg7[%run_scoped3A_200, %dma_wait3A_234] : memref<40x128xi32, #tpu.memory_space<vmem>> -> memref<1x128xi32, #tpu.memory_space<vmem>>
      %dma_wait3A_236 = tpu.memref_squeeze %dma_wait3A_235 : memref<1x128xi32, #tpu.memory_space<vmem>> -> memref<128xi32, #tpu.memory_space<vmem>>
      %dma_wait3A_237 = arith.constant 0 : i32
      %dma_wait3A_238 = arith.constant 0 : i32
      %dma_wait3A_239 = tpu.memref_slice %arg10[%dma_wait3A_237, %dma_wait3A_238] : memref<10240x128xf32, #tpu.memory_space<vmem_shared>> -> memref<10240x128xf32, #tpu.memory_space<vmem_shared>>
      tpu.wait_indirect_dma semaphore(%run_scoped3A_227 : memref<!tpu.dma_semaphore, #tpu.memory_space<semaphore_mem>>) src(%arg8 : memref<128x128xf32, #tpu.memory_space<vmem>>) dst(%dma_wait3A_239 : memref<10240x128xf32, #tpu.memory_space<vmem_shared>>)
      tpu.yield
    }) : () -> ()
    %dma_wait3A_201 = arith.constant 0 : i32
    %dma_wait3A_202 = arith.constant 0 : i32
    %dma_wait3A_203 = tpu.memref_slice %arg9[%dma_wait3A_201, %dma_wait3A_202] : memref<128x128xf32, #tpu.memory_space<vmem>> -> memref<64x128xf32, #tpu.memory_space<vmem>>
    %dma_wait3A_204 = arith.constant 0 : i32
    %dma_wait3A_205 = arith.constant 0 : i32
    %dma_wait3A_206 = tpu.memref_slice %arg2[%dma_wait3A_204, %dma_wait3A_205] : memref<10000x128xf32, #tpu.memory_space<hbm>> -> memref<64x128xf32, #tpu.memory_space<hbm>>
    %dma_wait3A_207 = arith.constant 0 : i32
    %dma_wait3A_208 = arith.constant 0 : i32
    %dma_wait3A_209 = tpu.memref_slice %arg9[%dma_wait3A_207, %dma_wait3A_208] : memref<128x128xf32, #tpu.memory_space<vmem>> -> memref<64x128xf32, #tpu.memory_space<vmem>>
    %dma_wait3A_210 = arith.constant 0 : i32
    %dma_wait3A_211 = arith.constant 0 : i32
    %dma_wait3A_212 = tpu.memref_slice %arg2[%dma_wait3A_210, %dma_wait3A_211] : memref<10000x128xf32, #tpu.memory_space<hbm>> -> memref<64x128xf32, #tpu.memory_space<hbm>>
    tpu.wait_dma2 semaphore(%arg13 : memref<!tpu.dma_semaphore, #tpu.memory_space<semaphore_mem>>) src(%dma_wait3A_212 : memref<64x128xf32, #tpu.memory_space<hbm>>) dst(%dma_wait3A_209 : memref<64x128xf32, #tpu.memory_space<vmem>>)
    %dma_wait3A_213 = arith.constant 64 : i32
    %dma_wait3A_214 = arith.constant 0 : i32
    %dma_wait3A_215 = tpu.memref_slice %arg9[%dma_wait3A_213, %dma_wait3A_214] : memref<128x128xf32, #tpu.memory_space<vmem>> -> memref<64x128xf32, #tpu.memory_space<vmem>>
    %dma_wait3A_216 = arith.constant 0 : i32
    %dma_wait3A_217 = arith.constant 0 : i32
    %dma_wait3A_218 = tpu.memref_slice %arg2[%dma_wait3A_216, %dma_wait3A_217] : memref<10000x128xf32, #tpu.memory_space<hbm>> -> memref<64x128xf32, #tpu.memory_space<hbm>>
    %dma_wait3A_219 = arith.constant 64 : i32
    %dma_wait3A_220 = arith.constant 0 : i32
    %dma_wait3A_221 = tpu.memref_slice %arg9[%dma_wait3A_219, %dma_wait3A_220] : memref<128x128xf32, #tpu.memory_space<vmem>> -> memref<64x128xf32, #tpu.memory_space<vmem>>
    %dma_wait3A_222 = arith.constant 0 : i32
    %dma_wait3A_223 = arith.constant 0 : i32
    %dma_wait3A_224 = tpu.memref_slice %arg2[%dma_wait3A_222, %dma_wait3A_223] : memref<10000x128xf32, #tpu.memory_space<hbm>> -> memref<64x128xf32, #tpu.memory_space<hbm>>
    tpu.wait_dma2 semaphore(%arg14 : memref<!tpu.dma_semaphore, #tpu.memory_space<semaphore_mem>>) src(%dma_wait3A_224 : memref<64x128xf32, #tpu.memory_space<hbm>>) dst(%dma_wait3A_221 : memref<64x128xf32, #tpu.memory_space<vmem>>)
    %run_scoped3A_225 = arith.constant 39 : i32
    "tpu.region"() ({
      %run_scoped3A_227 = tpu.sem_alloc : memref<!tpu.dma_semaphore, #tpu.memory_space<semaphore_mem>>
      %dma_start3A_228 = arith.constant 0 : i32
      %dma_start3A_229 = tpu.memref_slice %arg7[%run_scoped3A_225, %dma_start3A_228] : memref<40x128xi32, #tpu.memory_space<vmem>> -> memref<1x128xi32, #tpu.memory_space<vmem>>
      %dma_start3A_230 = tpu.memref_squeeze %dma_start3A_229 : memref<1x128xi32, #tpu.memory_space<vmem>> -> memref<128xi32, #tpu.memory_space<vmem>>
      %dma_start3A_231 = arith.constant 0 : i32
      %dma_start3A_232 = arith.constant 0 : i32
      %dma_start3A_233 = tpu.memref_slice %arg10[%dma_start3A_231, %dma_start3A_232] : memref<10240x128xf32, #tpu.memory_space<vmem_shared>> -> memref<10240x128xf32, #tpu.memory_space<vmem_shared>>
      tpu.enqueue_indirect_dma source(%arg9 : memref<128x128xf32, #tpu.memory_space<vmem>>) target(%dma_start3A_233 : memref<10240x128xf32, #tpu.memory_space<vmem_shared>>) offsets(%dma_start3A_230 : memref<128xi32, #tpu.memory_space<vmem>>) semaphore(%run_scoped3A_227 : memref<!tpu.dma_semaphore, #tpu.memory_space<semaphore_mem>>) {add = true}
      %dma_wait3A_234 = arith.constant 0 : i32
      %dma_wait3A_235 = tpu.memref_slice %arg7[%run_scoped3A_225, %dma_wait3A_234] : memref<40x128xi32, #tpu.memory_space<vmem>> -> memref<1x128xi32, #tpu.memory_space<vmem>>
      %dma_wait3A_236 = tpu.memref_squeeze %dma_wait3A_235 : memref<1x128xi32, #tpu.memory_space<vmem>> -> memref<128xi32, #tpu.memory_space<vmem>>
      %dma_wait3A_237 = arith.constant 0 : i32
      %dma_wait3A_238 = arith.constant 0 : i32
      %dma_wait3A_239 = tpu.memref_slice %arg10[%dma_wait3A_237, %dma_wait3A_238] : memref<10240x128xf32, #tpu.memory_space<vmem_shared>> -> memref<10240x128xf32, #tpu.memory_space<vmem_shared>>
      tpu.wait_indirect_dma semaphore(%run_scoped3A_227 : memref<!tpu.dma_semaphore, #tpu.memory_space<semaphore_mem>>) src(%arg9 : memref<128x128xf32, #tpu.memory_space<vmem>>) dst(%dma_wait3A_239 : memref<10240x128xf32, #tpu.memory_space<vmem_shared>>)
      tpu.yield
    }) : () -> ()
    %barrier3A_226 = arith.constant 0 : index
    tpu.barrier barrier_id(%barrier3A_226)
    "tpu.region"() ({
      %run_scoped3A_227 = tpu.sem_alloc : memref<!tpu.dma_semaphore, #tpu.memory_space<semaphore_mem>>
      %dma_start3A_228 = arith.constant 0 : i32
      %dma_start3A_229 = tpu.memref_slice %arg5[%arg0, %multiple_of3A, %dma_start3A_228] : memref<2x10240x128xf32, #tpu.memory_space<hbm>> -> memref<1x640x128xf32, #tpu.memory_space<hbm>>
      %dma_start3A_230 = tpu.memref_squeeze %dma_start3A_229 : memref<1x640x128xf32, #tpu.memory_space<hbm>> -> memref<640x128xf32, #tpu.memory_space<hbm>>
      %dma_start3A_231 = arith.constant 0 : i32
      %dma_start3A_232 = tpu.memref_slice %arg10[%multiple_of3A, %dma_start3A_231] : memref<10240x128xf32, #tpu.memory_space<vmem_shared>> -> memref<640x128xf32, #tpu.memory_space<vmem_shared>>
      tpu.enqueue_dma source(%dma_start3A_232 : memref<640x128xf32, #tpu.memory_space<vmem_shared>>) target(%dma_start3A_230 : memref<640x128xf32, #tpu.memory_space<hbm>>) target_semaphore(%run_scoped3A_227 : memref<!tpu.dma_semaphore, #tpu.memory_space<semaphore_mem>>)
      %dma_wait3A_233 = arith.constant 0 : i32
      %dma_wait3A_234 = tpu.memref_slice %arg5[%arg0, %multiple_of3A, %dma_wait3A_233] : memref<2x10240x128xf32, #tpu.memory_space<hbm>> -> memref<1x640x128xf32, #tpu.memory_space<hbm>>
      %dma_wait3A_235 = tpu.memref_squeeze %dma_wait3A_234 : memref<1x640x128xf32, #tpu.memory_space<hbm>> -> memref<640x128xf32, #tpu.memory_space<hbm>>
      %dma_wait3A_236 = arith.constant 0 : i32
      %dma_wait3A_237 = tpu.memref_slice %arg10[%multiple_of3A, %dma_wait3A_236] : memref<10240x128xf32, #tpu.memory_space<vmem_shared>> -> memref<640x128xf32, #tpu.memory_space<vmem_shared>>
      tpu.wait_dma2 semaphore(%run_scoped3A_227 : memref<!tpu.dma_semaphore, #tpu.memory_space<semaphore_mem>>) src(%dma_wait3A_237 : memref<640x128xf32, #tpu.memory_space<vmem_shared>>) dst(%dma_wait3A_235 : memref<640x128xf32, #tpu.memory_space<hbm>>)
      tpu.yield
    }) : () -> ()
    return
  }
}

#map = affine_map<(d0, d1) -> (0, 0)>
#map1 = affine_map<(d0, d1) -> (0, 0, 0)>
module attributes {stable_mosaic.version = 14 : i64} {
  func.func @_msg_kernel(%arg0: i32, %arg1: i32, %arg2: memref<10000x128xf32, #tpu.memory_space<hbm>>, %arg3: memref<2560x128xi32, #tpu.memory_space<hbm>>, %arg4: memref<2560x128xi32, #tpu.memory_space<hbm>>, %arg5: memref<2x10240x128xf32, #tpu.memory_space<hbm>>, %arg6: memref<40x128xi32, #tpu.memory_space<vmem>>, %arg7: memref<40x128xi32, #tpu.memory_space<vmem>>, %arg8: memref<128x128xf32, #tpu.memory_space<vmem>>, %arg9: memref<128x128xf32, #tpu.memory_space<vmem>>, %arg10: memref<10240x128xf32, #tpu.memory_space<vmem_shared>>, %arg11: memref<!tpu.dma_semaphore, #tpu.memory_space<semaphore_mem>>, %arg12: memref<!tpu.dma_semaphore, #tpu.memory_space<semaphore_mem>>, %arg13: memref<!tpu.dma_semaphore, #tpu.memory_space<semaphore_mem>>, %arg14: memref<!tpu.dma_semaphore, #tpu.memory_space<semaphore_mem>>) attributes {dimension_semantics = [#tpu.dimension_semantics<core_parallel>, #tpu.dimension_semantics<subcore_parallel>], iteration_bounds = array<i64: 2, 16>, scalar_prefetch = 0 : i64, scratch_operands = 9 : i64, tpu.core_type = #tpu.core_type<sc_vector_subcore>, window_params = [{transform_indices = #map}, {transform_indices = #map}, {transform_indices = #map}, {transform_indices = #map1}]} {
    %mul3A = arith.constant 2 : i32
    %mul3A_0 = arith.muli %arg1, %mul3A : i32
    %add3A = arith.addi %mul3A_0, %arg0 : i32
    %broadcast_in_dim3A = arith.constant 0.000000e+00 : f32
    %broadcast_in_dim3A_1 = vector.broadcast %broadcast_in_dim3A : f32 to vector<16xf32>
    %scan3A = arith.constant 0 : i32
    %scan3A_2 = arith.constant 0 : i32
    %scan3A_3 = arith.constant 128 : i32
    %scan3A_4 = arith.addi %scan3A_2, %scan3A_3 : i32
    %scan3A_5 = arith.constant 1 : i32
    %scan3A_6 = scf.for %scan3A_227 = %scan3A_2 to %scan3A_4 step %scan3A_5 iter_args(%scan3A_228 = %scan3A) -> (i32)  : i32 {
      %swap3A = arith.index_cast %scan3A_227 : i32 to index
      %swap3A_229 = arith.constant 0 : index
      %swap3A_230 = tpu.vector_load %arg8[%swap3A, %swap3A_229] {strides = array<i32>} : memref<128x128xf32, #tpu.memory_space<vmem>>, vector<1x16xf32>,
      %swap3A_231 = vector.shape_cast %swap3A_230 : vector<1x16xf32> to vector<16xf32>
      %swap3A_232 = vector.shape_cast %broadcast_in_dim3A_1 : vector<16xf32> to vector<1x16xf32>
      tpu.vector_store %arg8[%swap3A, %swap3A_229], %swap3A_232 {strides = array<i32>} : memref<128x128xf32, #tpu.memory_space<vmem>>, vector<1x16xf32>,
      %swap3A_233 = arith.index_cast %scan3A_227 : i32 to index
      %swap3A_234 = arith.constant 16 : index
      %swap3A_235 = tpu.vector_load %arg8[%swap3A_233, %swap3A_234] {strides = array<i32>} : memref<128x128xf32, #tpu.memory_space<vmem>>, vector<1x16xf32>,
      %swap3A_236 = vector.shape_cast %swap3A_235 : vector<1x16xf32> to vector<16xf32>
      %swap3A_237 = vector.shape_cast %broadcast_in_dim3A_1 : vector<16xf32> to vector<1x16xf32>
      tpu.vector_store %arg8[%swap3A_233, %swap3A_234], %swap3A_237 {strides = array<i32>} : memref<128x128xf32, #tpu.memory_space<vmem>>, vector<1x16xf32>,
      %swap3A_238 = arith.index_cast %scan3A_227 : i32 to index
      %swap3A_239 = arith.constant 32 : index
      %swap3A_240 = tpu.vector_load %arg8[%swap3A_238, %swap3A_239] {strides = array<i32>} : memref<128x128xf32, #tpu.memory_space<vmem>>, vector<1x16xf32>,
      %swap3A_241 = vector.shape_cast %swap3A_240 : vector<1x16xf32> to vector<16xf32>
      %swap3A_242 = vector.shape_cast %broadcast_in_dim3A_1 : vector<16xf32> to vector<1x16xf32>
      tpu.vector_store %arg8[%swap3A_238, %swap3A_239], %swap3A_242 {strides = array<i32>} : memref<128x128xf32, #tpu.memory_space<vmem>>, vector<1x16xf32>,
      %swap3A_243 = arith.index_cast %scan3A_227 : i32 to index
      %swap3A_244 = arith.constant 48 : index
      %swap3A_245 = tpu.vector_load %arg8[%swap3A_243, %swap3A_244] {strides = array<i32>} : memref<128x128xf32, #tpu.memory_space<vmem>>, vector<1x16xf32>,
      %swap3A_246 = vector.shape_cast %swap3A_245 : vector<1x16xf32> to vector<16xf32>
      %swap3A_247 = vector.shape_cast %broadcast_in_dim3A_1 : vector<16xf32> to vector<1x16xf32>
      tpu.vector_store %arg8[%swap3A_243, %swap3A_244], %swap3A_247 {strides = array<i32>} : memref<128x128xf32, #tpu.memory_space<vmem>>, vector<1x16xf32>,
      %swap3A_248 = arith.index_cast %scan3A_227 : i32 to index
      %swap3A_249 = arith.constant 64 : index
      %swap3A_250 = tpu.vector_load %arg8[%swap3A_248, %swap3A_249] {strides = array<i32>} : memref<128x128xf32, #tpu.memory_space<vmem>>, vector<1x16xf32>,
      %swap3A_251 = vector.shape_cast %swap3A_250 : vector<1x16xf32> to vector<16xf32>
      %swap3A_252 = vector.shape_cast %broadcast_in_dim3A_1 : vector<16xf32> to vector<1x16xf32>
      tpu.vector_store %arg8[%swap3A_248, %swap3A_249], %swap3A_252 {strides = array<i32>} : memref<128x128xf32, #tpu.memory_space<vmem>>, vector<1x16xf32>,
      %swap3A_253 = arith.index_cast %scan3A_227 : i32 to index
      %swap3A_254 = arith.constant 80 : index
      %swap3A_255 = tpu.vector_load %arg8[%swap3A_253, %swap3A_254] {strides = array<i32>} : memref<128x128xf32, #tpu.memory_space<vmem>>, vector<1x16xf32>,
      %swap3A_256 = vector.shape_cast %swap3A_255 : vector<1x16xf32> to vector<16xf32>
      %swap3A_257 = vector.shape_cast %broadcast_in_dim3A_1 : vector<16xf32> to vector<1x16xf32>
      tpu.vector_store %arg8[%swap3A_253, %swap3A_254], %swap3A_257 {strides = array<i32>} : memref<128x128xf32, #tpu.memory_space<vmem>>, vector<1x16xf32>,
      %swap3A_258 = arith.index_cast %scan3A_227 : i32 to index
      %swap3A_259 = arith.constant 96 : index
      %swap3A_260 = tpu.vector_load %arg8[%swap3A_258, %swap3A_259] {strides = array<i32>} : memref<128x128xf32, #tpu.memory_space<vmem>>, vector<1x16xf32>,
      %swap3A_261 = vector.shape_cast %swap3A_260 : vector<1x16xf32> to vector<16xf32>
      %swap3A_262 = vector.shape_cast %broadcast_in_dim3A_1 : vector<16xf32> to vector<1x16xf32>
      tpu.vector_store %arg8[%swap3A_258, %swap3A_259], %swap3A_262 {strides = array<i32>} : memref<128x128xf32, #tpu.memory_space<vmem>>, vector<1x16xf32>,
      %swap3A_263 = arith.index_cast %scan3A_227 : i32 to index
      %swap3A_264 = arith.constant 112 : index
      %swap3A_265 = tpu.vector_load %arg8[%swap3A_263, %swap3A_264] {strides = array<i32>} : memref<128x128xf32, #tpu.memory_space<vmem>>, vector<1x16xf32>,
      %swap3A_266 = vector.shape_cast %swap3A_265 : vector<1x16xf32> to vector<16xf32>
      %swap3A_267 = vector.shape_cast %broadcast_in_dim3A_1 : vector<16xf32> to vector<1x16xf32>
      tpu.vector_store %arg8[%swap3A_263, %swap3A_264], %swap3A_267 {strides = array<i32>} : memref<128x128xf32, #tpu.memory_space<vmem>>, vector<1x16xf32>,
      %scan3A_268 = arith.constant 0 : i32
      scf.yield %scan3A_268 : i32
    }
    %scan3A_7 = arith.constant 128 : i32
    %mul3A_8 = arith.constant 640 : i32
    %mul3A_9 = arith.muli %arg1, %mul3A_8 : i32
    %multiple_of3A = tpu.assume_multiple %mul3A_9, 128 : i32
    %add3A_10 = arith.constant 0 : i32
    %add3A_11 = arith.addi %multiple_of3A, %add3A_10 : i32
    %multiple_of3A_12 = tpu.assume_multiple %add3A_11, 128 : i32
    "tpu.region"() ({
      %run_scoped3A_227 = tpu.sem_alloc : memref<!tpu.dma_semaphore, #tpu.memory_space<semaphore_mem>>
      %dma_start3A_228 = arith.constant 0 : i32
      %dma_start3A_229 = tpu.memref_slice %arg10[%multiple_of3A_12, %dma_start3A_228] : memref<10240x128xf32, #tpu.memory_space<vmem_shared>> -> memref<128x128xf32, #tpu.memory_space<vmem_shared>>
      %dma_start3A_230 = arith.constant 0 : i32
      %dma_start3A_231 = tpu.memref_slice %arg10[%multiple_of3A_12, %dma_start3A_230] : memref<10240x128xf32, #tpu.memory_space<vmem_shared>> -> memref<128x128xf32, #tpu.memory_space<vmem_shared>>
      tpu.enqueue_dma source(%arg8 : memref<128x128xf32, #tpu.memory_space<vmem>>) target(%dma_start3A_231 : memref<128x128xf32, #tpu.memory_space<vmem_shared>>) target_semaphore(%run_scoped3A_227 : memref<!tpu.dma_semaphore, #tpu.memory_space<semaphore_mem>>)
      %dma_wait3A_232 = arith.constant 0 : i32
      %dma_wait3A_233 = tpu.memref_slice %arg10[%multiple_of3A_12, %dma_wait3A_232] : memref<10240x128xf32, #tpu.memory_space<vmem_shared>> -> memref<128x128xf32, #tpu.memory_space<vmem_shared>>
      %dma_wait3A_234 = arith.constant 0 : i32
      %dma_wait3A_235 = tpu.memref_slice %arg10[%multiple_of3A_12, %dma_wait3A_234] : memref<10240x128xf32, #tpu.memory_space<vmem_shared>> -> memref<128x128xf32, #tpu.memory_space<vmem_shared>>
      tpu.wait_dma2 semaphore(%run_scoped3A_227 : memref<!tpu.dma_semaphore, #tpu.memory_space<semaphore_mem>>) src(%arg8 : memref<128x128xf32, #tpu.memory_space<vmem>>) dst(%dma_wait3A_235 : memref<128x128xf32, #tpu.memory_space<vmem_shared>>)
      tpu.yield
    }) : () -> ()
    %add3A_13 = arith.constant 128 : i32
    %add3A_14 = arith.addi %multiple_of3A, %add3A_13 : i32
    %multiple_of3A_15 = tpu.assume_multiple %add3A_14, 128 : i32
    "tpu.region"() ({
      %run_scoped3A_227 = tpu.sem_alloc : memref<!tpu.dma_semaphore, #tpu.memory_space<semaphore_mem>>
      %dma_start3A_228 = arith.constant 0 : i32
      %dma_start3A_229 = tpu.memref_slice %arg10[%multiple_of3A_15, %dma_start3A_228] : memref<10240x128xf32, #tpu.memory_space<vmem_shared>> -> memref<128x128xf32, #tpu.memory_space<vmem_shared>>
      %dma_start3A_230 = arith.constant 0 : i32
      %dma_start3A_231 = tpu.memref_slice %arg10[%multiple_of3A_15, %dma_start3A_230] : memref<10240x128xf32, #tpu.memory_space<vmem_shared>> -> memref<128x128xf32, #tpu.memory_space<vmem_shared>>
      tpu.enqueue_dma source(%arg8 : memref<128x128xf32, #tpu.memory_space<vmem>>) target(%dma_start3A_231 : memref<128x128xf32, #tpu.memory_space<vmem_shared>>) target_semaphore(%run_scoped3A_227 : memref<!tpu.dma_semaphore, #tpu.memory_space<semaphore_mem>>)
      %dma_wait3A_232 = arith.constant 0 : i32
      %dma_wait3A_233 = tpu.memref_slice %arg10[%multiple_of3A_15, %dma_wait3A_232] : memref<10240x128xf32, #tpu.memory_space<vmem_shared>> -> memref<128x128xf32, #tpu.memory_space<vmem_shared>>
      %dma_wait3A_234 = arith.constant 0 : i32
      %dma_wait3A_235 = tpu.memref_slice %arg10[%multiple_of3A_15, %dma_wait3A_234] : memref<10240x128xf32, #tpu.memory_space<vmem_shared>> -> memref<128x128xf32, #tpu.memory_space<vmem_shared>>
      tpu.wait_dma2 semaphore(%run_scoped3A_227 : memref<!tpu.dma_semaphore, #tpu.memory_space<semaphore_mem>>) src(%arg8 : memref<128x128xf32, #tpu.memory_space<vmem>>) dst(%dma_wait3A_235 : memref<128x128xf32, #tpu.memory_space<vmem_shared>>)
      tpu.yield
    }) : () -> ()
    %add3A_16 = arith.constant 256 : i32
    %add3A_17 = arith.addi %multiple_of3A, %add3A_16 : i32
    %multiple_of3A_18 = tpu.assume_multiple %add3A_17, 128 : i32
    "tpu.region"() ({
      %run_scoped3A_227 = tpu.sem_alloc : memref<!tpu.dma_semaphore, #tpu.memory_space<semaphore_mem>>
      %dma_start3A_228 = arith.constant 0 : i32
      %dma_start3A_229 = tpu.memref_slice %arg10[%multiple_of3A_18, %dma_start3A_228] : memref<10240x128xf32, #tpu.memory_space<vmem_shared>> -> memref<128x128xf32, #tpu.memory_space<vmem_shared>>
      %dma_start3A_230 = arith.constant 0 : i32
      %dma_start3A_231 = tpu.memref_slice %arg10[%multiple_of3A_18, %dma_start3A_230] : memref<10240x128xf32, #tpu.memory_space<vmem_shared>> -> memref<128x128xf32, #tpu.memory_space<vmem_shared>>
      tpu.enqueue_dma source(%arg8 : memref<128x128xf32, #tpu.memory_space<vmem>>) target(%dma_start3A_231 : memref<128x128xf32, #tpu.memory_space<vmem_shared>>) target_semaphore(%run_scoped3A_227 : memref<!tpu.dma_semaphore, #tpu.memory_space<semaphore_mem>>)
      %dma_wait3A_232 = arith.constant 0 : i32
      %dma_wait3A_233 = tpu.memref_slice %arg10[%multiple_of3A_18, %dma_wait3A_232] : memref<10240x128xf32, #tpu.memory_space<vmem_shared>> -> memref<128x128xf32, #tpu.memory_space<vmem_shared>>
      %dma_wait3A_234 = arith.constant 0 : i32
      %dma_wait3A_235 = tpu.memref_slice %arg10[%multiple_of3A_18, %dma_wait3A_234] : memref<10240x128xf32, #tpu.memory_space<vmem_shared>> -> memref<128x128xf32, #tpu.memory_space<vmem_shared>>
      tpu.wait_dma2 semaphore(%run_scoped3A_227 : memref<!tpu.dma_semaphore, #tpu.memory_space<semaphore_mem>>) src(%arg8 : memref<128x128xf32, #tpu.memory_space<vmem>>) dst(%dma_wait3A_235 : memref<128x128xf32, #tpu.memory_space<vmem_shared>>)
      tpu.yield
    }) : () -> ()
    %add3A_19 = arith.constant 384 : i32
    %add3A_20 = arith.addi %multiple_of3A, %add3A_19 : i32
    %multiple_of3A_21 = tpu.assume_multiple %add3A_20, 128 : i32
    "tpu.region"() ({
      %run_scoped3A_227 = tpu.sem_alloc : memref<!tpu.dma_semaphore, #tpu.memory_space<semaphore_mem>>
      %dma_start3A_228 = arith.constant 0 : i32
      %dma_start3A_229 = tpu.memref_slice %arg10[%multiple_of3A_21, %dma_start3A_228] : memref<10240x128xf32, #tpu.memory_space<vmem_shared>> -> memref<128x128xf32, #tpu.memory_space<vmem_shared>>
      %dma_start3A_230 = arith.constant 0 : i32
      %dma_start3A_231 = tpu.memref_slice %arg10[%multiple_of3A_21, %dma_start3A_230] : memref<10240x128xf32, #tpu.memory_space<vmem_shared>> -> memref<128x128xf32, #tpu.memory_space<vmem_shared>>
      tpu.enqueue_dma source(%arg8 : memref<128x128xf32, #tpu.memory_space<vmem>>) target(%dma_start3A_231 : memref<128x128xf32, #tpu.memory_space<vmem_shared>>) target_semaphore(%run_scoped3A_227 : memref<!tpu.dma_semaphore, #tpu.memory_space<semaphore_mem>>)
      %dma_wait3A_232 = arith.constant 0 : i32
      %dma_wait3A_233 = tpu.memref_slice %arg10[%multiple_of3A_21, %dma_wait3A_232] : memref<10240x128xf32, #tpu.memory_space<vmem_shared>> -> memref<128x128xf32, #tpu.memory_space<vmem_shared>>
      %dma_wait3A_234 = arith.constant 0 : i32
      %dma_wait3A_235 = tpu.memref_slice %arg10[%multiple_of3A_21, %dma_wait3A_234] : memref<10240x128xf32, #tpu.memory_space<vmem_shared>> -> memref<128x128xf32, #tpu.memory_space<vmem_shared>>
      tpu.wait_dma2 semaphore(%run_scoped3A_227 : memref<!tpu.dma_semaphore, #tpu.memory_space<semaphore_mem>>) src(%arg8 : memref<128x128xf32, #tpu.memory_space<vmem>>) dst(%dma_wait3A_235 : memref<128x128xf32, #tpu.memory_space<vmem_shared>>)
      tpu.yield
    }) : () -> ()
    %add3A_22 = arith.constant 512 : i32
    %add3A_23 = arith.addi %multiple_of3A, %add3A_22 : i32
    %multiple_of3A_24 = tpu.assume_multiple %add3A_23, 128 : i32
    "tpu.region"() ({
      %run_scoped3A_227 = tpu.sem_alloc : memref<!tpu.dma_semaphore, #tpu.memory_space<semaphore_mem>>
      %dma_start3A_228 = arith.constant 0 : i32
      %dma_start3A_229 = tpu.memref_slice %arg10[%multiple_of3A_24, %dma_start3A_228] : memref<10240x128xf32, #tpu.memory_space<vmem_shared>> -> memref<128x128xf32, #tpu.memory_space<vmem_shared>>
      %dma_start3A_230 = arith.constant 0 : i32
      %dma_start3A_231 = tpu.memref_slice %arg10[%multiple_of3A_24, %dma_start3A_230] : memref<10240x128xf32, #tpu.memory_space<vmem_shared>> -> memref<128x128xf32, #tpu.memory_space<vmem_shared>>
      tpu.enqueue_dma source(%arg8 : memref<128x128xf32, #tpu.memory_space<vmem>>) target(%dma_start3A_231 : memref<128x128xf32, #tpu.memory_space<vmem_shared>>) target_semaphore(%run_scoped3A_227 : memref<!tpu.dma_semaphore, #tpu.memory_space<semaphore_mem>>)
      %dma_wait3A_232 = arith.constant 0 : i32
      %dma_wait3A_233 = tpu.memref_slice %arg10[%multiple_of3A_24, %dma_wait3A_232] : memref<10240x128xf32, #tpu.memory_space<vmem_shared>> -> memref<128x128xf32, #tpu.memory_space<vmem_shared>>
      %dma_wait3A_234 = arith.constant 0 : i32
      %dma_wait3A_235 = tpu.memref_slice %arg10[%multiple_of3A_24, %dma_wait3A_234] : memref<10240x128xf32, #tpu.memory_space<vmem_shared>> -> memref<128x128xf32, #tpu.memory_space<vmem_shared>>
      tpu.wait_dma2 semaphore(%run_scoped3A_227 : memref<!tpu.dma_semaphore, #tpu.memory_space<semaphore_mem>>) src(%arg8 : memref<128x128xf32, #tpu.memory_space<vmem>>) dst(%dma_wait3A_235 : memref<128x128xf32, #tpu.memory_space<vmem_shared>>)
      tpu.yield
    }) : () -> ()
    %barrier3A = arith.constant 0 : index
    tpu.barrier barrier_id(%barrier3A)
    %mul3A_25 = arith.constant 80 : i32
    %mul3A_26 = arith.muli %add3A, %mul3A_25 : i32
    %add3A_27 = arith.constant 0 : i32
    %add3A_28 = arith.addi %mul3A_26, %add3A_27 : i32
    %multiple_of3A_29 = tpu.assume_multiple %add3A_28, 8 : i32
    "tpu.region"() ({
      %run_scoped3A_227 = tpu.sem_alloc : memref<!tpu.dma_semaphore, #tpu.memory_space<semaphore_mem>>
      %dma_start3A_228 = arith.constant 0 : i32
      %dma_start3A_229 = tpu.memref_slice %arg3[%multiple_of3A_29, %dma_start3A_228] : memref<2560x128xi32, #tpu.memory_space<hbm>> -> memref<40x128xi32, #tpu.memory_space<hbm>>
      %dma_start3A_230 = arith.constant 0 : i32
      %dma_start3A_231 = tpu.memref_slice %arg3[%multiple_of3A_29, %dma_start3A_230] : memref<2560x128xi32, #tpu.memory_space<hbm>> -> memref<40x128xi32, #tpu.memory_space<hbm>>
      tpu.enqueue_dma source(%dma_start3A_231 : memref<40x128xi32, #tpu.memory_space<hbm>>) target(%arg6 : memref<40x128xi32, #tpu.memory_space<vmem>>) target_semaphore(%run_scoped3A_227 : memref<!tpu.dma_semaphore, #tpu.memory_space<semaphore_mem>>)
      %dma_wait3A_232 = arith.constant 0 : i32
      %dma_wait3A_233 = tpu.memref_slice %arg3[%multiple_of3A_29, %dma_wait3A_232] : memref<2560x128xi32, #tpu.memory_space<hbm>> -> memref<40x128xi32, #tpu.memory_space<hbm>>
      %dma_wait3A_234 = arith.constant 0 : i32
      %dma_wait3A_235 = tpu.memref_slice %arg3[%multiple_of3A_29, %dma_wait3A_234] : memref<2560x128xi32, #tpu.memory_space<hbm>> -> memref<40x128xi32, #tpu.memory_space<hbm>>
      tpu.wait_dma2 semaphore(%run_scoped3A_227 : memref<!tpu.dma_semaphore, #tpu.memory_space<semaphore_mem>>) src(%dma_wait3A_235 : memref<40x128xi32, #tpu.memory_space<hbm>>) dst(%arg6 : memref<40x128xi32, #tpu.memory_space<vmem>>)
      tpu.yield
    }) : () -> ()
    "tpu.region"() ({
      %run_scoped3A_227 = tpu.sem_alloc : memref<!tpu.dma_semaphore, #tpu.memory_space<semaphore_mem>>
      %dma_start3A_228 = arith.constant 0 : i32
      %dma_start3A_229 = tpu.memref_slice %arg4[%multiple_of3A_29, %dma_start3A_228] : memref<2560x128xi32, #tpu.memory_space<hbm>> -> memref<40x128xi32, #tpu.memory_space<hbm>>
      %dma_start3A_230 = arith.constant 0 : i32
      %dma_start3A_231 = tpu.memref_slice %arg4[%multiple_of3A_29, %dma_start3A_230] : memref<2560x128xi32, #tpu.memory_space<hbm>> -> memref<40x128xi32, #tpu.memory_space<hbm>>
      tpu.enqueue_dma source(%dma_start3A_231 : memref<40x128xi32, #tpu.memory_space<hbm>>) target(%arg7 : memref<40x128xi32, #tpu.memory_space<vmem>>) target_semaphore(%run_scoped3A_227 : memref<!tpu.dma_semaphore, #tpu.memory_space<semaphore_mem>>)
      %dma_wait3A_232 = arith.constant 0 : i32
      %dma_wait3A_233 = tpu.memref_slice %arg4[%multiple_of3A_29, %dma_wait3A_232] : memref<2560x128xi32, #tpu.memory_space<hbm>> -> memref<40x128xi32, #tpu.memory_space<hbm>>
      %dma_wait3A_234 = arith.constant 0 : i32
      %dma_wait3A_235 = tpu.memref_slice %arg4[%multiple_of3A_29, %dma_wait3A_234] : memref<2560x128xi32, #tpu.memory_space<hbm>> -> memref<40x128xi32, #tpu.memory_space<hbm>>
      tpu.wait_dma2 semaphore(%run_scoped3A_227 : memref<!tpu.dma_semaphore, #tpu.memory_space<semaphore_mem>>) src(%dma_wait3A_235 : memref<40x128xi32, #tpu.memory_space<hbm>>) dst(%arg7 : memref<40x128xi32, #tpu.memory_space<vmem>>)
      tpu.yield
    }) : () -> ()
    %dma_start3A = arith.constant 0 : i32
    %dma_start3A_30 = arith.constant 0 : i32
    %dma_start3A_31 = arith.constant 0 : i32
    %dma_start3A_32 = tpu.memref_slice %arg8[%dma_start3A_30, %dma_start3A_31] : memref<128x128xf32, #tpu.memory_space<vmem>> -> memref<64x128xf32, #tpu.memory_space<vmem>>
    %dma_start3A_33 = arith.constant 0 : i32
    %dma_start3A_34 = tpu.memref_slice %arg6[%dma_start3A, %dma_start3A_33] : memref<40x128xi32, #tpu.memory_space<vmem>> -> memref<1x64xi32, #tpu.memory_space<vmem>>
    %dma_start3A_35 = tpu.memref_squeeze %dma_start3A_34 : memref<1x64xi32, #tpu.memory_space<vmem>> -> memref<64xi32, #tpu.memory_space<vmem>>
    %dma_start3A_36 = arith.constant 0 : i32
    %dma_start3A_37 = arith.constant 0 : i32
    %dma_start3A_38 = tpu.memref_slice %arg2[%dma_start3A_36, %dma_start3A_37] : memref<10000x128xf32, #tpu.memory_space<hbm>> -> memref<10000x128xf32, #tpu.memory_space<hbm>>
    tpu.enqueue_indirect_dma source(%dma_start3A_38 : memref<10000x128xf32, #tpu.memory_space<hbm>>) target(%dma_start3A_32 : memref<64x128xf32, #tpu.memory_space<vmem>>) offsets(%dma_start3A_35 : memref<64xi32, #tpu.memory_space<vmem>>) semaphore(%arg11 : memref<!tpu.dma_semaphore, #tpu.memory_space<semaphore_mem>>)
    %dma_start3A_39 = arith.constant 0 : i32
    %dma_start3A_40 = arith.constant 64 : i32
    %dma_start3A_41 = arith.constant 0 : i32
    %dma_start3A_42 = tpu.memref_slice %arg8[%dma_start3A_40, %dma_start3A_41] : memref<128x128xf32, #tpu.memory_space<vmem>> -> memref<64x128xf32, #tpu.memory_space<vmem>>
    %dma_start3A_43 = arith.constant 64 : i32
    %dma_start3A_44 = tpu.memref_slice %arg6[%dma_start3A_39, %dma_start3A_43] : memref<40x128xi32, #tpu.memory_space<vmem>> -> memref<1x64xi32, #tpu.memory_space<vmem>>
    %dma_start3A_45 = tpu.memref_squeeze %dma_start3A_44 : memref<1x64xi32, #tpu.memory_space<vmem>> -> memref<64xi32, #tpu.memory_space<vmem>>
    %dma_start3A_46 = arith.constant 0 : i32
    %dma_start3A_47 = arith.constant 0 : i32
    %dma_start3A_48 = tpu.memref_slice %arg2[%dma_start3A_46, %dma_start3A_47] : memref<10000x128xf32, #tpu.memory_space<hbm>> -> memref<10000x128xf32, #tpu.memory_space<hbm>>
    tpu.enqueue_indirect_dma source(%dma_start3A_48 : memref<10000x128xf32, #tpu.memory_space<hbm>>) target(%dma_start3A_42 : memref<64x128xf32, #tpu.memory_space<vmem>>) offsets(%dma_start3A_45 : memref<64xi32, #tpu.memory_space<vmem>>) semaphore(%arg12 : memref<!tpu.dma_semaphore, #tpu.memory_space<semaphore_mem>>)
    %scan3A_49 = arith.constant 0 : i32
    %scan3A_50 = arith.constant 0 : i32
    %scan3A_51 = arith.constant 19 : i32
    %scan3A_52 = arith.addi %scan3A_50, %scan3A_51 : i32
    %scan3A_53 = arith.constant 1 : i32
    %scan3A_54 = scf.for %scan3A_227 = %scan3A_50 to %scan3A_52 step %scan3A_53 iter_args(%scan3A_228 = %scan3A_49) -> (i32)  : i32 {
      %mul3A_229 = arith.constant 2 : i32
      %mul3A_230 = arith.muli %mul3A_229, %scan3A_227 : i32
      %add3A_231 = arith.constant 1 : i32
      %add3A_232 = arith.addi %mul3A_230, %add3A_231 : i32
      %dma_start3A_233 = arith.constant 0 : i32
      %dma_start3A_234 = arith.constant 0 : i32
      %dma_start3A_235 = tpu.memref_slice %arg9[%dma_start3A_233, %dma_start3A_234] : memref<128x128xf32, #tpu.memory_space<vmem>> -> memref<64x128xf32, #tpu.memory_space<vmem>>
      %dma_start3A_236 = arith.constant 0 : i32
      %dma_start3A_237 = tpu.memref_slice %arg6[%add3A_232, %dma_start3A_236] : memref<40x128xi32, #tpu.memory_space<vmem>> -> memref<1x64xi32, #tpu.memory_space<vmem>>
      %dma_start3A_238 = tpu.memref_squeeze %dma_start3A_237 : memref<1x64xi32, #tpu.memory_space<vmem>> -> memref<64xi32, #tpu.memory_space<vmem>>
      %dma_start3A_239 = arith.constant 0 : i32
      %dma_start3A_240 = arith.constant 0 : i32
      %dma_start3A_241 = tpu.memref_slice %arg2[%dma_start3A_239, %dma_start3A_240] : memref<10000x128xf32, #tpu.memory_space<hbm>> -> memref<10000x128xf32, #tpu.memory_space<hbm>>
      tpu.enqueue_indirect_dma source(%dma_start3A_241 : memref<10000x128xf32, #tpu.memory_space<hbm>>) target(%dma_start3A_235 : memref<64x128xf32, #tpu.memory_space<vmem>>) offsets(%dma_start3A_238 : memref<64xi32, #tpu.memory_space<vmem>>) semaphore(%arg13 : memref<!tpu.dma_semaphore, #tpu.memory_space<semaphore_mem>>)
      %dma_start3A_242 = arith.constant 64 : i32
      %dma_start3A_243 = arith.constant 0 : i32
      %dma_start3A_244 = tpu.memref_slice %arg9[%dma_start3A_242, %dma_start3A_243] : memref<128x128xf32, #tpu.memory_space<vmem>> -> memref<64x128xf32, #tpu.memory_space<vmem>>
      %dma_start3A_245 = arith.constant 64 : i32
      %dma_start3A_246 = tpu.memref_slice %arg6[%add3A_232, %dma_start3A_245] : memref<40x128xi32, #tpu.memory_space<vmem>> -> memref<1x64xi32, #tpu.memory_space<vmem>>
      %dma_start3A_247 = tpu.memref_squeeze %dma_start3A_246 : memref<1x64xi32, #tpu.memory_space<vmem>> -> memref<64xi32, #tpu.memory_space<vmem>>
      %dma_start3A_248 = arith.constant 0 : i32
      %dma_start3A_249 = arith.constant 0 : i32
      %dma_start3A_250 = tpu.memref_slice %arg2[%dma_start3A_248, %dma_start3A_249] : memref<10000x128xf32, #tpu.memory_space<hbm>> -> memref<10000x128xf32, #tpu.memory_space<hbm>>
      tpu.enqueue_indirect_dma source(%dma_start3A_250 : memref<10000x128xf32, #tpu.memory_space<hbm>>) target(%dma_start3A_244 : memref<64x128xf32, #tpu.memory_space<vmem>>) offsets(%dma_start3A_247 : memref<64xi32, #tpu.memory_space<vmem>>) semaphore(%arg14 : memref<!tpu.dma_semaphore, #tpu.memory_space<semaphore_mem>>)
      %dma_wait3A_251 = arith.constant 0 : i32
      %dma_wait3A_252 = arith.constant 0 : i32
      %dma_wait3A_253 = tpu.memref_slice %arg8[%dma_wait3A_251, %dma_wait3A_252] : memref<128x128xf32, #tpu.memory_space<vmem>> -> memref<64x128xf32, #tpu.memory_space<vmem>>
      %dma_wait3A_254 = arith.constant 0 : i32
      %dma_wait3A_255 = arith.constant 0 : i32
      %dma_wait3A_256 = tpu.memref_slice %arg2[%dma_wait3A_254, %dma_wait3A_255] : memref<10000x128xf32, #tpu.memory_space<hbm>> -> memref<64x128xf32, #tpu.memory_space<hbm>>
      %dma_wait3A_257 = arith.constant 0 : i32
      %dma_wait3A_258 = arith.constant 0 : i32
      %dma_wait3A_259 = tpu.memref_slice %arg8[%dma_wait3A_257, %dma_wait3A_258] : memref<128x128xf32, #tpu.memory_space<vmem>> -> memref<64x128xf32, #tpu.memory_space<vmem>>
      %dma_wait3A_260 = arith.constant 0 : i32
      %dma_wait3A_261 = arith.constant 0 : i32
      %dma_wait3A_262 = tpu.memref_slice %arg2[%dma_wait3A_260, %dma_wait3A_261] : memref<10000x128xf32, #tpu.memory_space<hbm>> -> memref<64x128xf32, #tpu.memory_space<hbm>>
      tpu.wait_dma2 semaphore(%arg11 : memref<!tpu.dma_semaphore, #tpu.memory_space<semaphore_mem>>) src(%dma_wait3A_262 : memref<64x128xf32, #tpu.memory_space<hbm>>) dst(%dma_wait3A_259 : memref<64x128xf32, #tpu.memory_space<vmem>>)
      %dma_wait3A_263 = arith.constant 64 : i32
      %dma_wait3A_264 = arith.constant 0 : i32
      %dma_wait3A_265 = tpu.memref_slice %arg8[%dma_wait3A_263, %dma_wait3A_264] : memref<128x128xf32, #tpu.memory_space<vmem>> -> memref<64x128xf32, #tpu.memory_space<vmem>>
      %dma_wait3A_266 = arith.constant 0 : i32
      %dma_wait3A_267 = arith.constant 0 : i32
      %dma_wait3A_268 = tpu.memref_slice %arg2[%dma_wait3A_266, %dma_wait3A_267] : memref<10000x128xf32, #tpu.memory_space<hbm>> -> memref<64x128xf32, #tpu.memory_space<hbm>>
      %dma_wait3A_269 = arith.constant 64 : i32
      %dma_wait3A_270 = arith.constant 0 : i32
      %dma_wait3A_271 = tpu.memref_slice %arg8[%dma_wait3A_269, %dma_wait3A_270] : memref<128x128xf32, #tpu.memory_space<vmem>> -> memref<64x128xf32, #tpu.memory_space<vmem>>
      %dma_wait3A_272 = arith.constant 0 : i32
      %dma_wait3A_273 = arith.constant 0 : i32
      %dma_wait3A_274 = tpu.memref_slice %arg2[%dma_wait3A_272, %dma_wait3A_273] : memref<10000x128xf32, #tpu.memory_space<hbm>> -> memref<64x128xf32, #tpu.memory_space<hbm>>
      tpu.wait_dma2 semaphore(%arg12 : memref<!tpu.dma_semaphore, #tpu.memory_space<semaphore_mem>>) src(%dma_wait3A_274 : memref<64x128xf32, #tpu.memory_space<hbm>>) dst(%dma_wait3A_271 : memref<64x128xf32, #tpu.memory_space<vmem>>)
      "tpu.region"() ({
        %run_scoped3A_322 = tpu.sem_alloc : memref<!tpu.dma_semaphore, #tpu.memory_space<semaphore_mem>>
        %dma_start3A_323 = arith.constant 0 : i32
        %dma_start3A_324 = tpu.memref_slice %arg7[%mul3A_230, %dma_start3A_323] : memref<40x128xi32, #tpu.memory_space<vmem>> -> memref<1x128xi32, #tpu.memory_space<vmem>>
        %dma_start3A_325 = tpu.memref_squeeze %dma_start3A_324 : memref<1x128xi32, #tpu.memory_space<vmem>> -> memref<128xi32, #tpu.memory_space<vmem>>
        %dma_start3A_326 = arith.constant 0 : i32
        %dma_start3A_327 = arith.constant 0 : i32
        %dma_start3A_328 = tpu.memref_slice %arg10[%dma_start3A_326, %dma_start3A_327] : memref<10240x128xf32, #tpu.memory_space<vmem_shared>> -> memref<10240x128xf32, #tpu.memory_space<vmem_shared>>
        tpu.enqueue_indirect_dma source(%arg8 : memref<128x128xf32, #tpu.memory_space<vmem>>) target(%dma_start3A_328 : memref<10240x128xf32, #tpu.memory_space<vmem_shared>>) offsets(%dma_start3A_325 : memref<128xi32, #tpu.memory_space<vmem>>) semaphore(%run_scoped3A_322 : memref<!tpu.dma_semaphore, #tpu.memory_space<semaphore_mem>>) {add = true}
        %dma_wait3A_329 = arith.constant 0 : i32
        %dma_wait3A_330 = tpu.memref_slice %arg7[%mul3A_230, %dma_wait3A_329] : memref<40x128xi32, #tpu.memory_space<vmem>> -> memref<1x128xi32, #tpu.memory_space<vmem>>
        %dma_wait3A_331 = tpu.memref_squeeze %dma_wait3A_330 : memref<1x128xi32, #tpu.memory_space<vmem>> -> memref<128xi32, #tpu.memory_space<vmem>>
        %dma_wait3A_332 = arith.constant 0 : i32
        %dma_wait3A_333 = arith.constant 0 : i32
        %dma_wait3A_334 = tpu.memref_slice %arg10[%dma_wait3A_332, %dma_wait3A_333] : memref<10240x128xf32, #tpu.memory_space<vmem_shared>> -> memref<10240x128xf32, #tpu.memory_space<vmem_shared>>
        tpu.wait_indirect_dma semaphore(%run_scoped3A_322 : memref<!tpu.dma_semaphore, #tpu.memory_space<semaphore_mem>>) src(%arg8 : memref<128x128xf32, #tpu.memory_space<vmem>>) dst(%dma_wait3A_334 : memref<10240x128xf32, #tpu.memory_space<vmem_shared>>)
        tpu.yield
      }) : () -> ()
      %add3A_275 = arith.constant 2 : i32
      %add3A_276 = arith.addi %mul3A_230, %add3A_275 : i32
      %dma_start3A_277 = arith.constant 0 : i32
      %dma_start3A_278 = arith.constant 0 : i32
      %dma_start3A_279 = tpu.memref_slice %arg8[%dma_start3A_277, %dma_start3A_278] : memref<128x128xf32, #tpu.memory_space<vmem>> -> memref<64x128xf32, #tpu.memory_space<vmem>>
      %dma_start3A_280 = arith.constant 0 : i32
      %dma_start3A_281 = tpu.memref_slice %arg6[%add3A_276, %dma_start3A_280] : memref<40x128xi32, #tpu.memory_space<vmem>> -> memref<1x64xi32, #tpu.memory_space<vmem>>
      %dma_start3A_282 = tpu.memref_squeeze %dma_start3A_281 : memref<1x64xi32, #tpu.memory_space<vmem>> -> memref<64xi32, #tpu.memory_space<vmem>>
      %dma_start3A_283 = arith.constant 0 : i32
      %dma_start3A_284 = arith.constant 0 : i32
      %dma_start3A_285 = tpu.memref_slice %arg2[%dma_start3A_283, %dma_start3A_284] : memref<10000x128xf32, #tpu.memory_space<hbm>> -> memref<10000x128xf32, #tpu.memory_space<hbm>>
      tpu.enqueue_indirect_dma source(%dma_start3A_285 : memref<10000x128xf32, #tpu.memory_space<hbm>>) target(%dma_start3A_279 : memref<64x128xf32, #tpu.memory_space<vmem>>) offsets(%dma_start3A_282 : memref<64xi32, #tpu.memory_space<vmem>>) semaphore(%arg11 : memref<!tpu.dma_semaphore, #tpu.memory_space<semaphore_mem>>)
      %dma_start3A_286 = arith.constant 64 : i32
      %dma_start3A_287 = arith.constant 0 : i32
      %dma_start3A_288 = tpu.memref_slice %arg8[%dma_start3A_286, %dma_start3A_287] : memref<128x128xf32, #tpu.memory_space<vmem>> -> memref<64x128xf32, #tpu.memory_space<vmem>>
      %dma_start3A_289 = arith.constant 64 : i32
      %dma_start3A_290 = tpu.memref_slice %arg6[%add3A_276, %dma_start3A_289] : memref<40x128xi32, #tpu.memory_space<vmem>> -> memref<1x64xi32, #tpu.memory_space<vmem>>
      %dma_start3A_291 = tpu.memref_squeeze %dma_start3A_290 : memref<1x64xi32, #tpu.memory_space<vmem>> -> memref<64xi32, #tpu.memory_space<vmem>>
      %dma_start3A_292 = arith.constant 0 : i32
      %dma_start3A_293 = arith.constant 0 : i32
      %dma_start3A_294 = tpu.memref_slice %arg2[%dma_start3A_292, %dma_start3A_293] : memref<10000x128xf32, #tpu.memory_space<hbm>> -> memref<10000x128xf32, #tpu.memory_space<hbm>>
      tpu.enqueue_indirect_dma source(%dma_start3A_294 : memref<10000x128xf32, #tpu.memory_space<hbm>>) target(%dma_start3A_288 : memref<64x128xf32, #tpu.memory_space<vmem>>) offsets(%dma_start3A_291 : memref<64xi32, #tpu.memory_space<vmem>>) semaphore(%arg12 : memref<!tpu.dma_semaphore, #tpu.memory_space<semaphore_mem>>)
      %dma_wait3A_295 = arith.constant 0 : i32
      %dma_wait3A_296 = arith.constant 0 : i32
      %dma_wait3A_297 = tpu.memref_slice %arg9[%dma_wait3A_295, %dma_wait3A_296] : memref<128x128xf32, #tpu.memory_space<vmem>> -> memref<64x128xf32, #tpu.memory_space<vmem>>
      %dma_wait3A_298 = arith.constant 0 : i32
      %dma_wait3A_299 = arith.constant 0 : i32
      %dma_wait3A_300 = tpu.memref_slice %arg2[%dma_wait3A_298, %dma_wait3A_299] : memref<10000x128xf32, #tpu.memory_space<hbm>> -> memref<64x128xf32, #tpu.memory_space<hbm>>
      %dma_wait3A_301 = arith.constant 0 : i32
      %dma_wait3A_302 = arith.constant 0 : i32
      %dma_wait3A_303 = tpu.memref_slice %arg9[%dma_wait3A_301, %dma_wait3A_302] : memref<128x128xf32, #tpu.memory_space<vmem>> -> memref<64x128xf32, #tpu.memory_space<vmem>>
      %dma_wait3A_304 = arith.constant 0 : i32
      %dma_wait3A_305 = arith.constant 0 : i32
      %dma_wait3A_306 = tpu.memref_slice %arg2[%dma_wait3A_304, %dma_wait3A_305] : memref<10000x128xf32, #tpu.memory_space<hbm>> -> memref<64x128xf32, #tpu.memory_space<hbm>>
      tpu.wait_dma2 semaphore(%arg13 : memref<!tpu.dma_semaphore, #tpu.memory_space<semaphore_mem>>) src(%dma_wait3A_306 : memref<64x128xf32, #tpu.memory_space<hbm>>) dst(%dma_wait3A_303 : memref<64x128xf32, #tpu.memory_space<vmem>>)
      %dma_wait3A_307 = arith.constant 64 : i32
      %dma_wait3A_308 = arith.constant 0 : i32
      %dma_wait3A_309 = tpu.memref_slice %arg9[%dma_wait3A_307, %dma_wait3A_308] : memref<128x128xf32, #tpu.memory_space<vmem>> -> memref<64x128xf32, #tpu.memory_space<vmem>>
      %dma_wait3A_310 = arith.constant 0 : i32
      %dma_wait3A_311 = arith.constant 0 : i32
      %dma_wait3A_312 = tpu.memref_slice %arg2[%dma_wait3A_310, %dma_wait3A_311] : memref<10000x128xf32, #tpu.memory_space<hbm>> -> memref<64x128xf32, #tpu.memory_space<hbm>>
      %dma_wait3A_313 = arith.constant 64 : i32
      %dma_wait3A_314 = arith.constant 0 : i32
      %dma_wait3A_315 = tpu.memref_slice %arg9[%dma_wait3A_313, %dma_wait3A_314] : memref<128x128xf32, #tpu.memory_space<vmem>> -> memref<64x128xf32, #tpu.memory_space<vmem>>
      %dma_wait3A_316 = arith.constant 0 : i32
      %dma_wait3A_317 = arith.constant 0 : i32
      %dma_wait3A_318 = tpu.memref_slice %arg2[%dma_wait3A_316, %dma_wait3A_317] : memref<10000x128xf32, #tpu.memory_space<hbm>> -> memref<64x128xf32, #tpu.memory_space<hbm>>
      tpu.wait_dma2 semaphore(%arg14 : memref<!tpu.dma_semaphore, #tpu.memory_space<semaphore_mem>>) src(%dma_wait3A_318 : memref<64x128xf32, #tpu.memory_space<hbm>>) dst(%dma_wait3A_315 : memref<64x128xf32, #tpu.memory_space<vmem>>)
      %add3A_319 = arith.constant 1 : i32
      %add3A_320 = arith.addi %mul3A_230, %add3A_319 : i32
      "tpu.region"() ({
        %run_scoped3A_322 = tpu.sem_alloc : memref<!tpu.dma_semaphore, #tpu.memory_space<semaphore_mem>>
        %dma_start3A_323 = arith.constant 0 : i32
        %dma_start3A_324 = tpu.memref_slice %arg7[%add3A_320, %dma_start3A_323] : memref<40x128xi32, #tpu.memory_space<vmem>> -> memref<1x128xi32, #tpu.memory_space<vmem>>
        %dma_start3A_325 = tpu.memref_squeeze %dma_start3A_324 : memref<1x128xi32, #tpu.memory_space<vmem>> -> memref<128xi32, #tpu.memory_space<vmem>>
        %dma_start3A_326 = arith.constant 0 : i32
        %dma_start3A_327 = arith.constant 0 : i32
        %dma_start3A_328 = tpu.memref_slice %arg10[%dma_start3A_326, %dma_start3A_327] : memref<10240x128xf32, #tpu.memory_space<vmem_shared>> -> memref<10240x128xf32, #tpu.memory_space<vmem_shared>>
        tpu.enqueue_indirect_dma source(%arg9 : memref<128x128xf32, #tpu.memory_space<vmem>>) target(%dma_start3A_328 : memref<10240x128xf32, #tpu.memory_space<vmem_shared>>) offsets(%dma_start3A_325 : memref<128xi32, #tpu.memory_space<vmem>>) semaphore(%run_scoped3A_322 : memref<!tpu.dma_semaphore, #tpu.memory_space<semaphore_mem>>) {add = true}
        %dma_wait3A_329 = arith.constant 0 : i32
        %dma_wait3A_330 = tpu.memref_slice %arg7[%add3A_320, %dma_wait3A_329] : memref<40x128xi32, #tpu.memory_space<vmem>> -> memref<1x128xi32, #tpu.memory_space<vmem>>
        %dma_wait3A_331 = tpu.memref_squeeze %dma_wait3A_330 : memref<1x128xi32, #tpu.memory_space<vmem>> -> memref<128xi32, #tpu.memory_space<vmem>>
        %dma_wait3A_332 = arith.constant 0 : i32
        %dma_wait3A_333 = arith.constant 0 : i32
        %dma_wait3A_334 = tpu.memref_slice %arg10[%dma_wait3A_332, %dma_wait3A_333] : memref<10240x128xf32, #tpu.memory_space<vmem_shared>> -> memref<10240x128xf32, #tpu.memory_space<vmem_shared>>
        tpu.wait_indirect_dma semaphore(%run_scoped3A_322 : memref<!tpu.dma_semaphore, #tpu.memory_space<semaphore_mem>>) src(%arg9 : memref<128x128xf32, #tpu.memory_space<vmem>>) dst(%dma_wait3A_334 : memref<10240x128xf32, #tpu.memory_space<vmem_shared>>)
        tpu.yield
      }) : () -> ()
      %scan3A_321 = arith.constant 0 : i32
      scf.yield %scan3A_321 : i32
    }
    %scan3A_55 = arith.constant 19 : i32
    %dma_start3A_56 = arith.constant 39 : i32
    %dma_start3A_57 = arith.constant 0 : i32
    %dma_start3A_58 = arith.constant 0 : i32
    %dma_start3A_59 = tpu.memref_slice %arg9[%dma_start3A_57, %dma_start3A_58] : memref<128x128xf32, #tpu.memory_space<vmem>> -> memref<64x128xf32, #tpu.memory_space<vmem>>
    %dma_start3A_60 = arith.constant 0 : i32
    %dma_start3A_61 = tpu.memref_slice %arg6[%dma_start3A_56, %dma_start3A_60] : memref<40x128xi32, #tpu.memory_space<vmem>> -> memref<1x64xi32, #tpu.memory_space<vmem>>
    %dma_start3A_62 = tpu.memref_squeeze %dma_start3A_61 : memref<1x64xi32, #tpu.memory_space<vmem>> -> memref<64xi32, #tpu.memory_space<vmem>>
    %dma_start3A_63 = arith.constant 0 : i32
    %dma_start3A_64 = arith.constant 0 : i32
    %dma_start3A_65 = tpu.memref_slice %arg2[%dma_start3A_63, %dma_start3A_64] : memref<10000x128xf32, #tpu.memory_space<hbm>> -> memref<10000x128xf32, #tpu.memory_space<hbm>>
    tpu.enqueue_indirect_dma source(%dma_start3A_65 : memref<10000x128xf32, #tpu.memory_space<hbm>>) target(%dma_start3A_59 : memref<64x128xf32, #tpu.memory_space<vmem>>) offsets(%dma_start3A_62 : memref<64xi32, #tpu.memory_space<vmem>>) semaphore(%arg13 : memref<!tpu.dma_semaphore, #tpu.memory_space<semaphore_mem>>)
    %dma_start3A_66 = arith.constant 39 : i32
    %dma_start3A_67 = arith.constant 64 : i32
    %dma_start3A_68 = arith.constant 0 : i32
    %dma_start3A_69 = tpu.memref_slice %arg9[%dma_start3A_67, %dma_start3A_68] : memref<128x128xf32, #tpu.memory_space<vmem>> -> memref<64x128xf32, #tpu.memory_space<vmem>>
    %dma_start3A_70 = arith.constant 64 : i32
    %dma_start3A_71 = tpu.memref_slice %arg6[%dma_start3A_66, %dma_start3A_70] : memref<40x128xi32, #tpu.memory_space<vmem>> -> memref<1x64xi32, #tpu.memory_space<vmem>>
    %dma_start3A_72 = tpu.memref_squeeze %dma_start3A_71 : memref<1x64xi32, #tpu.memory_space<vmem>> -> memref<64xi32, #tpu.memory_space<vmem>>
    %dma_start3A_73 = arith.constant 0 : i32
    %dma_start3A_74 = arith.constant 0 : i32
    %dma_start3A_75 = tpu.memref_slice %arg2[%dma_start3A_73, %dma_start3A_74] : memref<10000x128xf32, #tpu.memory_space<hbm>> -> memref<10000x128xf32, #tpu.memory_space<hbm>>
    tpu.enqueue_indirect_dma source(%dma_start3A_75 : memref<10000x128xf32, #tpu.memory_space<hbm>>) target(%dma_start3A_69 : memref<64x128xf32, #tpu.memory_space<vmem>>) offsets(%dma_start3A_72 : memref<64xi32, #tpu.memory_space<vmem>>) semaphore(%arg14 : memref<!tpu.dma_semaphore, #tpu.memory_space<semaphore_mem>>)
    %dma_wait3A = arith.constant 0 : i32
    %dma_wait3A_76 = arith.constant 0 : i32
    %dma_wait3A_77 = tpu.memref_slice %arg8[%dma_wait3A, %dma_wait3A_76] : memref<128x128xf32, #tpu.memory_space<vmem>> -> memref<64x128xf32, #tpu.memory_space<vmem>>
    %dma_wait3A_78 = arith.constant 0 : i32
    %dma_wait3A_79 = arith.constant 0 : i32
    %dma_wait3A_80 = tpu.memref_slice %arg2[%dma_wait3A_78, %dma_wait3A_79] : memref<10000x128xf32, #tpu.memory_space<hbm>> -> memref<64x128xf32, #tpu.memory_space<hbm>>
    %dma_wait3A_81 = arith.constant 0 : i32
    %dma_wait3A_82 = arith.constant 0 : i32
    %dma_wait3A_83 = tpu.memref_slice %arg8[%dma_wait3A_81, %dma_wait3A_82] : memref<128x128xf32, #tpu.memory_space<vmem>> -> memref<64x128xf32, #tpu.memory_space<vmem>>
    %dma_wait3A_84 = arith.constant 0 : i32
    %dma_wait3A_85 = arith.constant 0 : i32
    %dma_wait3A_86 = tpu.memref_slice %arg2[%dma_wait3A_84, %dma_wait3A_85] : memref<10000x128xf32, #tpu.memory_space<hbm>> -> memref<64x128xf32, #tpu.memory_space<hbm>>
    tpu.wait_dma2 semaphore(%arg11 : memref<!tpu.dma_semaphore, #tpu.memory_space<semaphore_mem>>) src(%dma_wait3A_86 : memref<64x128xf32, #tpu.memory_space<hbm>>) dst(%dma_wait3A_83 : memref<64x128xf32, #tpu.memory_space<vmem>>)
    %dma_wait3A_87 = arith.constant 64 : i32
    %dma_wait3A_88 = arith.constant 0 : i32
    %dma_wait3A_89 = tpu.memref_slice %arg8[%dma_wait3A_87, %dma_wait3A_88] : memref<128x128xf32, #tpu.memory_space<vmem>> -> memref<64x128xf32, #tpu.memory_space<vmem>>
    %dma_wait3A_90 = arith.constant 0 : i32
    %dma_wait3A_91 = arith.constant 0 : i32
    %dma_wait3A_92 = tpu.memref_slice %arg2[%dma_wait3A_90, %dma_wait3A_91] : memref<10000x128xf32, #tpu.memory_space<hbm>> -> memref<64x128xf32, #tpu.memory_space<hbm>>
    %dma_wait3A_93 = arith.constant 64 : i32
    %dma_wait3A_94 = arith.constant 0 : i32
    %dma_wait3A_95 = tpu.memref_slice %arg8[%dma_wait3A_93, %dma_wait3A_94] : memref<128x128xf32, #tpu.memory_space<vmem>> -> memref<64x128xf32, #tpu.memory_space<vmem>>
    %dma_wait3A_96 = arith.constant 0 : i32
    %dma_wait3A_97 = arith.constant 0 : i32
    %dma_wait3A_98 = tpu.memref_slice %arg2[%dma_wait3A_96, %dma_wait3A_97] : memref<10000x128xf32, #tpu.memory_space<hbm>> -> memref<64x128xf32, #tpu.memory_space<hbm>>
    tpu.wait_dma2 semaphore(%arg12 : memref<!tpu.dma_semaphore, #tpu.memory_space<semaphore_mem>>) src(%dma_wait3A_98 : memref<64x128xf32, #tpu.memory_space<hbm>>) dst(%dma_wait3A_95 : memref<64x128xf32, #tpu.memory_space<vmem>>)
    %run_scoped3A = arith.constant 38 : i32
    "tpu.region"() ({
      %run_scoped3A_227 = tpu.sem_alloc : memref<!tpu.dma_semaphore, #tpu.memory_space<semaphore_mem>>
      %dma_start3A_228 = arith.constant 0 : i32
      %dma_start3A_229 = tpu.memref_slice %arg7[%run_scoped3A, %dma_start3A_228] : memref<40x128xi32, #tpu.memory_space<vmem>> -> memref<1x128xi32, #tpu.memory_space<vmem>>
      %dma_start3A_230 = tpu.memref_squeeze %dma_start3A_229 : memref<1x128xi32, #tpu.memory_space<vmem>> -> memref<128xi32, #tpu.memory_space<vmem>>
      %dma_start3A_231 = arith.constant 0 : i32
      %dma_start3A_232 = arith.constant 0 : i32
      %dma_start3A_233 = tpu.memref_slice %arg10[%dma_start3A_231, %dma_start3A_232] : memref<10240x128xf32, #tpu.memory_space<vmem_shared>> -> memref<10240x128xf32, #tpu.memory_space<vmem_shared>>
      tpu.enqueue_indirect_dma source(%arg8 : memref<128x128xf32, #tpu.memory_space<vmem>>) target(%dma_start3A_233 : memref<10240x128xf32, #tpu.memory_space<vmem_shared>>) offsets(%dma_start3A_230 : memref<128xi32, #tpu.memory_space<vmem>>) semaphore(%run_scoped3A_227 : memref<!tpu.dma_semaphore, #tpu.memory_space<semaphore_mem>>) {add = true}
      %dma_wait3A_234 = arith.constant 0 : i32
      %dma_wait3A_235 = tpu.memref_slice %arg7[%run_scoped3A, %dma_wait3A_234] : memref<40x128xi32, #tpu.memory_space<vmem>> -> memref<1x128xi32, #tpu.memory_space<vmem>>
      %dma_wait3A_236 = tpu.memref_squeeze %dma_wait3A_235 : memref<1x128xi32, #tpu.memory_space<vmem>> -> memref<128xi32, #tpu.memory_space<vmem>>
      %dma_wait3A_237 = arith.constant 0 : i32
      %dma_wait3A_238 = arith.constant 0 : i32
      %dma_wait3A_239 = tpu.memref_slice %arg10[%dma_wait3A_237, %dma_wait3A_238] : memref<10240x128xf32, #tpu.memory_space<vmem_shared>> -> memref<10240x128xf32, #tpu.memory_space<vmem_shared>>
      tpu.wait_indirect_dma semaphore(%run_scoped3A_227 : memref<!tpu.dma_semaphore, #tpu.memory_space<semaphore_mem>>) src(%arg8 : memref<128x128xf32, #tpu.memory_space<vmem>>) dst(%dma_wait3A_239 : memref<10240x128xf32, #tpu.memory_space<vmem_shared>>)
      tpu.yield
    }) : () -> ()
    %dma_wait3A_99 = arith.constant 0 : i32
    %dma_wait3A_100 = arith.constant 0 : i32
    %dma_wait3A_101 = tpu.memref_slice %arg9[%dma_wait3A_99, %dma_wait3A_100] : memref<128x128xf32, #tpu.memory_space<vmem>> -> memref<64x128xf32, #tpu.memory_space<vmem>>
    %dma_wait3A_102 = arith.constant 0 : i32
    %dma_wait3A_103 = arith.constant 0 : i32
    %dma_wait3A_104 = tpu.memref_slice %arg2[%dma_wait3A_102, %dma_wait3A_103] : memref<10000x128xf32, #tpu.memory_space<hbm>> -> memref<64x128xf32, #tpu.memory_space<hbm>>
    %dma_wait3A_105 = arith.constant 0 : i32
    %dma_wait3A_106 = arith.constant 0 : i32
    %dma_wait3A_107 = tpu.memref_slice %arg9[%dma_wait3A_105, %dma_wait3A_106] : memref<128x128xf32, #tpu.memory_space<vmem>> -> memref<64x128xf32, #tpu.memory_space<vmem>>
    %dma_wait3A_108 = arith.constant 0 : i32
    %dma_wait3A_109 = arith.constant 0 : i32
    %dma_wait3A_110 = tpu.memref_slice %arg2[%dma_wait3A_108, %dma_wait3A_109] : memref<10000x128xf32, #tpu.memory_space<hbm>> -> memref<64x128xf32, #tpu.memory_space<hbm>>
    tpu.wait_dma2 semaphore(%arg13 : memref<!tpu.dma_semaphore, #tpu.memory_space<semaphore_mem>>) src(%dma_wait3A_110 : memref<64x128xf32, #tpu.memory_space<hbm>>) dst(%dma_wait3A_107 : memref<64x128xf32, #tpu.memory_space<vmem>>)
    %dma_wait3A_111 = arith.constant 64 : i32
    %dma_wait3A_112 = arith.constant 0 : i32
    %dma_wait3A_113 = tpu.memref_slice %arg9[%dma_wait3A_111, %dma_wait3A_112] : memref<128x128xf32, #tpu.memory_space<vmem>> -> memref<64x128xf32, #tpu.memory_space<vmem>>
    %dma_wait3A_114 = arith.constant 0 : i32
    %dma_wait3A_115 = arith.constant 0 : i32
    %dma_wait3A_116 = tpu.memref_slice %arg2[%dma_wait3A_114, %dma_wait3A_115] : memref<10000x128xf32, #tpu.memory_space<hbm>> -> memref<64x128xf32, #tpu.memory_space<hbm>>
    %dma_wait3A_117 = arith.constant 64 : i32
    %dma_wait3A_118 = arith.constant 0 : i32
    %dma_wait3A_119 = tpu.memref_slice %arg9[%dma_wait3A_117, %dma_wait3A_118] : memref<128x128xf32, #tpu.memory_space<vmem>> -> memref<64x128xf32, #tpu.memory_space<vmem>>
    %dma_wait3A_120 = arith.constant 0 : i32
    %dma_wait3A_121 = arith.constant 0 : i32
    %dma_wait3A_122 = tpu.memref_slice %arg2[%dma_wait3A_120, %dma_wait3A_121] : memref<10000x128xf32, #tpu.memory_space<hbm>> -> memref<64x128xf32, #tpu.memory_space<hbm>>
    tpu.wait_dma2 semaphore(%arg14 : memref<!tpu.dma_semaphore, #tpu.memory_space<semaphore_mem>>) src(%dma_wait3A_122 : memref<64x128xf32, #tpu.memory_space<hbm>>) dst(%dma_wait3A_119 : memref<64x128xf32, #tpu.memory_space<vmem>>)
    %run_scoped3A_123 = arith.constant 39 : i32
    "tpu.region"() ({
      %run_scoped3A_227 = tpu.sem_alloc : memref<!tpu.dma_semaphore, #tpu.memory_space<semaphore_mem>>
      %dma_start3A_228 = arith.constant 0 : i32
      %dma_start3A_229 = tpu.memref_slice %arg7[%run_scoped3A_123, %dma_start3A_228] : memref<40x128xi32, #tpu.memory_space<vmem>> -> memref<1x128xi32, #tpu.memory_space<vmem>>
      %dma_start3A_230 = tpu.memref_squeeze %dma_start3A_229 : memref<1x128xi32, #tpu.memory_space<vmem>> -> memref<128xi32, #tpu.memory_space<vmem>>
      %dma_start3A_231 = arith.constant 0 : i32
      %dma_start3A_232 = arith.constant 0 : i32
      %dma_start3A_233 = tpu.memref_slice %arg10[%dma_start3A_231, %dma_start3A_232] : memref<10240x128xf32, #tpu.memory_space<vmem_shared>> -> memref<10240x128xf32, #tpu.memory_space<vmem_shared>>
      tpu.enqueue_indirect_dma source(%arg9 : memref<128x128xf32, #tpu.memory_space<vmem>>) target(%dma_start3A_233 : memref<10240x128xf32, #tpu.memory_space<vmem_shared>>) offsets(%dma_start3A_230 : memref<128xi32, #tpu.memory_space<vmem>>) semaphore(%run_scoped3A_227 : memref<!tpu.dma_semaphore, #tpu.memory_space<semaphore_mem>>) {add = true}
      %dma_wait3A_234 = arith.constant 0 : i32
      %dma_wait3A_235 = tpu.memref_slice %arg7[%run_scoped3A_123, %dma_wait3A_234] : memref<40x128xi32, #tpu.memory_space<vmem>> -> memref<1x128xi32, #tpu.memory_space<vmem>>
      %dma_wait3A_236 = tpu.memref_squeeze %dma_wait3A_235 : memref<1x128xi32, #tpu.memory_space<vmem>> -> memref<128xi32, #tpu.memory_space<vmem>>
      %dma_wait3A_237 = arith.constant 0 : i32
      %dma_wait3A_238 = arith.constant 0 : i32
      %dma_wait3A_239 = tpu.memref_slice %arg10[%dma_wait3A_237, %dma_wait3A_238] : memref<10240x128xf32, #tpu.memory_space<vmem_shared>> -> memref<10240x128xf32, #tpu.memory_space<vmem_shared>>
      tpu.wait_indirect_dma semaphore(%run_scoped3A_227 : memref<!tpu.dma_semaphore, #tpu.memory_space<semaphore_mem>>) src(%arg9 : memref<128x128xf32, #tpu.memory_space<vmem>>) dst(%dma_wait3A_239 : memref<10240x128xf32, #tpu.memory_space<vmem_shared>>)
      tpu.yield
    }) : () -> ()
    %mul3A_124 = arith.constant 80 : i32
    %mul3A_125 = arith.muli %add3A, %mul3A_124 : i32
    %add3A_126 = arith.constant 40 : i32
    %add3A_127 = arith.addi %mul3A_125, %add3A_126 : i32
    %multiple_of3A_128 = tpu.assume_multiple %add3A_127, 8 : i32
    "tpu.region"() ({
      %run_scoped3A_227 = tpu.sem_alloc : memref<!tpu.dma_semaphore, #tpu.memory_space<semaphore_mem>>
      %dma_start3A_228 = arith.constant 0 : i32
      %dma_start3A_229 = tpu.memref_slice %arg3[%multiple_of3A_128, %dma_start3A_228] : memref<2560x128xi32, #tpu.memory_space<hbm>> -> memref<40x128xi32, #tpu.memory_space<hbm>>
      %dma_start3A_230 = arith.constant 0 : i32
      %dma_start3A_231 = tpu.memref_slice %arg3[%multiple_of3A_128, %dma_start3A_230] : memref<2560x128xi32, #tpu.memory_space<hbm>> -> memref<40x128xi32, #tpu.memory_space<hbm>>
      tpu.enqueue_dma source(%dma_start3A_231 : memref<40x128xi32, #tpu.memory_space<hbm>>) target(%arg6 : memref<40x128xi32, #tpu.memory_space<vmem>>) target_semaphore(%run_scoped3A_227 : memref<!tpu.dma_semaphore, #tpu.memory_space<semaphore_mem>>)
      %dma_wait3A_232 = arith.constant 0 : i32
      %dma_wait3A_233 = tpu.memref_slice %arg3[%multiple_of3A_128, %dma_wait3A_232] : memref<2560x128xi32, #tpu.memory_space<hbm>> -> memref<40x128xi32, #tpu.memory_space<hbm>>
      %dma_wait3A_234 = arith.constant 0 : i32
      %dma_wait3A_235 = tpu.memref_slice %arg3[%multiple_of3A_128, %dma_wait3A_234] : memref<2560x128xi32, #tpu.memory_space<hbm>> -> memref<40x128xi32, #tpu.memory_space<hbm>>
      tpu.wait_dma2 semaphore(%run_scoped3A_227 : memref<!tpu.dma_semaphore, #tpu.memory_space<semaphore_mem>>) src(%dma_wait3A_235 : memref<40x128xi32, #tpu.memory_space<hbm>>) dst(%arg6 : memref<40x128xi32, #tpu.memory_space<vmem>>)
      tpu.yield
    }) : () -> ()
    "tpu.region"() ({
      %run_scoped3A_227 = tpu.sem_alloc : memref<!tpu.dma_semaphore, #tpu.memory_space<semaphore_mem>>
      %dma_start3A_228 = arith.constant 0 : i32
      %dma_start3A_229 = tpu.memref_slice %arg4[%multiple_of3A_128, %dma_start3A_228] : memref<2560x128xi32, #tpu.memory_space<hbm>> -> memref<40x128xi32, #tpu.memory_space<hbm>>
      %dma_start3A_230 = arith.constant 0 : i32
      %dma_start3A_231 = tpu.memref_slice %arg4[%multiple_of3A_128, %dma_start3A_230] : memref<2560x128xi32, #tpu.memory_space<hbm>> -> memref<40x128xi32, #tpu.memory_space<hbm>>
      tpu.enqueue_dma source(%dma_start3A_231 : memref<40x128xi32, #tpu.memory_space<hbm>>) target(%arg7 : memref<40x128xi32, #tpu.memory_space<vmem>>) target_semaphore(%run_scoped3A_227 : memref<!tpu.dma_semaphore, #tpu.memory_space<semaphore_mem>>)
      %dma_wait3A_232 = arith.constant 0 : i32
      %dma_wait3A_233 = tpu.memref_slice %arg4[%multiple_of3A_128, %dma_wait3A_232] : memref<2560x128xi32, #tpu.memory_space<hbm>> -> memref<40x128xi32, #tpu.memory_space<hbm>>
      %dma_wait3A_234 = arith.constant 0 : i32
      %dma_wait3A_235 = tpu.memref_slice %arg4[%multiple_of3A_128, %dma_wait3A_234] : memref<2560x128xi32, #tpu.memory_space<hbm>> -> memref<40x128xi32, #tpu.memory_space<hbm>>
      tpu.wait_dma2 semaphore(%run_scoped3A_227 : memref<!tpu.dma_semaphore, #tpu.memory_space<semaphore_mem>>) src(%dma_wait3A_235 : memref<40x128xi32, #tpu.memory_space<hbm>>) dst(%arg7 : memref<40x128xi32, #tpu.memory_space<vmem>>)
      tpu.yield
    }) : () -> ()
    %dma_start3A_129 = arith.constant 0 : i32
    %dma_start3A_130 = arith.constant 0 : i32
    %dma_start3A_131 = arith.constant 0 : i32
    %dma_start3A_132 = tpu.memref_slice %arg8[%dma_start3A_130, %dma_start3A_131] : memref<128x128xf32, #tpu.memory_space<vmem>> -> memref<64x128xf32, #tpu.memory_space<vmem>>
    %dma_start3A_133 = arith.constant 0 : i32
    %dma_start3A_134 = tpu.memref_slice %arg6[%dma_start3A_129, %dma_start3A_133] : memref<40x128xi32, #tpu.memory_space<vmem>> -> memref<1x64xi32, #tpu.memory_space<vmem>>
    %dma_start3A_135 = tpu.memref_squeeze %dma_start3A_134 : memref<1x64xi32, #tpu.memory_space<vmem>> -> memref<64xi32, #tpu.memory_space<vmem>>
    %dma_start3A_136 = arith.constant 0 : i32
    %dma_start3A_137 = arith.constant 0 : i32
    %dma_start3A_138 = tpu.memref_slice %arg2[%dma_start3A_136, %dma_start3A_137] : memref<10000x128xf32, #tpu.memory_space<hbm>> -> memref<10000x128xf32, #tpu.memory_space<hbm>>
    tpu.enqueue_indirect_dma source(%dma_start3A_138 : memref<10000x128xf32, #tpu.memory_space<hbm>>) target(%dma_start3A_132 : memref<64x128xf32, #tpu.memory_space<vmem>>) offsets(%dma_start3A_135 : memref<64xi32, #tpu.memory_space<vmem>>) semaphore(%arg11 : memref<!tpu.dma_semaphore, #tpu.memory_space<semaphore_mem>>)
    %dma_start3A_139 = arith.constant 0 : i32
    %dma_start3A_140 = arith.constant 64 : i32
    %dma_start3A_141 = arith.constant 0 : i32
    %dma_start3A_142 = tpu.memref_slice %arg8[%dma_start3A_140, %dma_start3A_141] : memref<128x128xf32, #tpu.memory_space<vmem>> -> memref<64x128xf32, #tpu.memory_space<vmem>>
    %dma_start3A_143 = arith.constant 64 : i32
    %dma_start3A_144 = tpu.memref_slice %arg6[%dma_start3A_139, %dma_start3A_143] : memref<40x128xi32, #tpu.memory_space<vmem>> -> memref<1x64xi32, #tpu.memory_space<vmem>>
    %dma_start3A_145 = tpu.memref_squeeze %dma_start3A_144 : memref<1x64xi32, #tpu.memory_space<vmem>> -> memref<64xi32, #tpu.memory_space<vmem>>
    %dma_start3A_146 = arith.constant 0 : i32
    %dma_start3A_147 = arith.constant 0 : i32
    %dma_start3A_148 = tpu.memref_slice %arg2[%dma_start3A_146, %dma_start3A_147] : memref<10000x128xf32, #tpu.memory_space<hbm>> -> memref<10000x128xf32, #tpu.memory_space<hbm>>
    tpu.enqueue_indirect_dma source(%dma_start3A_148 : memref<10000x128xf32, #tpu.memory_space<hbm>>) target(%dma_start3A_142 : memref<64x128xf32, #tpu.memory_space<vmem>>) offsets(%dma_start3A_145 : memref<64xi32, #tpu.memory_space<vmem>>) semaphore(%arg12 : memref<!tpu.dma_semaphore, #tpu.memory_space<semaphore_mem>>)
    %scan3A_149 = arith.constant 0 : i32
    %scan3A_150 = arith.constant 0 : i32
    %scan3A_151 = arith.constant 19 : i32
    %scan3A_152 = arith.addi %scan3A_150, %scan3A_151 : i32
    %scan3A_153 = arith.constant 1 : i32
    %scan3A_154 = scf.for %scan3A_227 = %scan3A_150 to %scan3A_152 step %scan3A_153 iter_args(%scan3A_228 = %scan3A_149) -> (i32)  : i32 {
      %mul3A_229 = arith.constant 2 : i32
      %mul3A_230 = arith.muli %mul3A_229, %scan3A_227 : i32
      %add3A_231 = arith.constant 1 : i32
      %add3A_232 = arith.addi %mul3A_230, %add3A_231 : i32
      %dma_start3A_233 = arith.constant 0 : i32
      %dma_start3A_234 = arith.constant 0 : i32
      %dma_start3A_235 = tpu.memref_slice %arg9[%dma_start3A_233, %dma_start3A_234] : memref<128x128xf32, #tpu.memory_space<vmem>> -> memref<64x128xf32, #tpu.memory_space<vmem>>
      %dma_start3A_236 = arith.constant 0 : i32
      %dma_start3A_237 = tpu.memref_slice %arg6[%add3A_232, %dma_start3A_236] : memref<40x128xi32, #tpu.memory_space<vmem>> -> memref<1x64xi32, #tpu.memory_space<vmem>>
      %dma_start3A_238 = tpu.memref_squeeze %dma_start3A_237 : memref<1x64xi32, #tpu.memory_space<vmem>> -> memref<64xi32, #tpu.memory_space<vmem>>
      %dma_start3A_239 = arith.constant 0 : i32
      %dma_start3A_240 = arith.constant 0 : i32
      %dma_start3A_241 = tpu.memref_slice %arg2[%dma_start3A_239, %dma_start3A_240] : memref<10000x128xf32, #tpu.memory_space<hbm>> -> memref<10000x128xf32, #tpu.memory_space<hbm>>
      tpu.enqueue_indirect_dma source(%dma_start3A_241 : memref<10000x128xf32, #tpu.memory_space<hbm>>) target(%dma_start3A_235 : memref<64x128xf32, #tpu.memory_space<vmem>>) offsets(%dma_start3A_238 : memref<64xi32, #tpu.memory_space<vmem>>) semaphore(%arg13 : memref<!tpu.dma_semaphore, #tpu.memory_space<semaphore_mem>>)
      %dma_start3A_242 = arith.constant 64 : i32
      %dma_start3A_243 = arith.constant 0 : i32
      %dma_start3A_244 = tpu.memref_slice %arg9[%dma_start3A_242, %dma_start3A_243] : memref<128x128xf32, #tpu.memory_space<vmem>> -> memref<64x128xf32, #tpu.memory_space<vmem>>
      %dma_start3A_245 = arith.constant 64 : i32
      %dma_start3A_246 = tpu.memref_slice %arg6[%add3A_232, %dma_start3A_245] : memref<40x128xi32, #tpu.memory_space<vmem>> -> memref<1x64xi32, #tpu.memory_space<vmem>>
      %dma_start3A_247 = tpu.memref_squeeze %dma_start3A_246 : memref<1x64xi32, #tpu.memory_space<vmem>> -> memref<64xi32, #tpu.memory_space<vmem>>
      %dma_start3A_248 = arith.constant 0 : i32
      %dma_start3A_249 = arith.constant 0 : i32
      %dma_start3A_250 = tpu.memref_slice %arg2[%dma_start3A_248, %dma_start3A_249] : memref<10000x128xf32, #tpu.memory_space<hbm>> -> memref<10000x128xf32, #tpu.memory_space<hbm>>
      tpu.enqueue_indirect_dma source(%dma_start3A_250 : memref<10000x128xf32, #tpu.memory_space<hbm>>) target(%dma_start3A_244 : memref<64x128xf32, #tpu.memory_space<vmem>>) offsets(%dma_start3A_247 : memref<64xi32, #tpu.memory_space<vmem>>) semaphore(%arg14 : memref<!tpu.dma_semaphore, #tpu.memory_space<semaphore_mem>>)
      %dma_wait3A_251 = arith.constant 0 : i32
      %dma_wait3A_252 = arith.constant 0 : i32
      %dma_wait3A_253 = tpu.memref_slice %arg8[%dma_wait3A_251, %dma_wait3A_252] : memref<128x128xf32, #tpu.memory_space<vmem>> -> memref<64x128xf32, #tpu.memory_space<vmem>>
      %dma_wait3A_254 = arith.constant 0 : i32
      %dma_wait3A_255 = arith.constant 0 : i32
      %dma_wait3A_256 = tpu.memref_slice %arg2[%dma_wait3A_254, %dma_wait3A_255] : memref<10000x128xf32, #tpu.memory_space<hbm>> -> memref<64x128xf32, #tpu.memory_space<hbm>>
      %dma_wait3A_257 = arith.constant 0 : i32
      %dma_wait3A_258 = arith.constant 0 : i32
      %dma_wait3A_259 = tpu.memref_slice %arg8[%dma_wait3A_257, %dma_wait3A_258] : memref<128x128xf32, #tpu.memory_space<vmem>> -> memref<64x128xf32, #tpu.memory_space<vmem>>
      %dma_wait3A_260 = arith.constant 0 : i32
      %dma_wait3A_261 = arith.constant 0 : i32
      %dma_wait3A_262 = tpu.memref_slice %arg2[%dma_wait3A_260, %dma_wait3A_261] : memref<10000x128xf32, #tpu.memory_space<hbm>> -> memref<64x128xf32, #tpu.memory_space<hbm>>
      tpu.wait_dma2 semaphore(%arg11 : memref<!tpu.dma_semaphore, #tpu.memory_space<semaphore_mem>>) src(%dma_wait3A_262 : memref<64x128xf32, #tpu.memory_space<hbm>>) dst(%dma_wait3A_259 : memref<64x128xf32, #tpu.memory_space<vmem>>)
      %dma_wait3A_263 = arith.constant 64 : i32
      %dma_wait3A_264 = arith.constant 0 : i32
      %dma_wait3A_265 = tpu.memref_slice %arg8[%dma_wait3A_263, %dma_wait3A_264] : memref<128x128xf32, #tpu.memory_space<vmem>> -> memref<64x128xf32, #tpu.memory_space<vmem>>
      %dma_wait3A_266 = arith.constant 0 : i32
      %dma_wait3A_267 = arith.constant 0 : i32
      %dma_wait3A_268 = tpu.memref_slice %arg2[%dma_wait3A_266, %dma_wait3A_267] : memref<10000x128xf32, #tpu.memory_space<hbm>> -> memref<64x128xf32, #tpu.memory_space<hbm>>
      %dma_wait3A_269 = arith.constant 64 : i32
      %dma_wait3A_270 = arith.constant 0 : i32
      %dma_wait3A_271 = tpu.memref_slice %arg8[%dma_wait3A_269, %dma_wait3A_270] : memref<128x128xf32, #tpu.memory_space<vmem>> -> memref<64x128xf32, #tpu.memory_space<vmem>>
      %dma_wait3A_272 = arith.constant 0 : i32
      %dma_wait3A_273 = arith.constant 0 : i32
      %dma_wait3A_274 = tpu.memref_slice %arg2[%dma_wait3A_272, %dma_wait3A_273] : memref<10000x128xf32, #tpu.memory_space<hbm>> -> memref<64x128xf32, #tpu.memory_space<hbm>>
      tpu.wait_dma2 semaphore(%arg12 : memref<!tpu.dma_semaphore, #tpu.memory_space<semaphore_mem>>) src(%dma_wait3A_274 : memref<64x128xf32, #tpu.memory_space<hbm>>) dst(%dma_wait3A_271 : memref<64x128xf32, #tpu.memory_space<vmem>>)
      "tpu.region"() ({
        %run_scoped3A_322 = tpu.sem_alloc : memref<!tpu.dma_semaphore, #tpu.memory_space<semaphore_mem>>
        %dma_start3A_323 = arith.constant 0 : i32
        %dma_start3A_324 = tpu.memref_slice %arg7[%mul3A_230, %dma_start3A_323] : memref<40x128xi32, #tpu.memory_space<vmem>> -> memref<1x128xi32, #tpu.memory_space<vmem>>
        %dma_start3A_325 = tpu.memref_squeeze %dma_start3A_324 : memref<1x128xi32, #tpu.memory_space<vmem>> -> memref<128xi32, #tpu.memory_space<vmem>>
        %dma_start3A_326 = arith.constant 0 : i32
        %dma_start3A_327 = arith.constant 0 : i32
        %dma_start3A_328 = tpu.memref_slice %arg10[%dma_start3A_326, %dma_start3A_327] : memref<10240x128xf32, #tpu.memory_space<vmem_shared>> -> memref<10240x128xf32, #tpu.memory_space<vmem_shared>>
        tpu.enqueue_indirect_dma source(%arg8 : memref<128x128xf32, #tpu.memory_space<vmem>>) target(%dma_start3A_328 : memref<10240x128xf32, #tpu.memory_space<vmem_shared>>) offsets(%dma_start3A_325 : memref<128xi32, #tpu.memory_space<vmem>>) semaphore(%run_scoped3A_322 : memref<!tpu.dma_semaphore, #tpu.memory_space<semaphore_mem>>) {add = true}
        %dma_wait3A_329 = arith.constant 0 : i32
        %dma_wait3A_330 = tpu.memref_slice %arg7[%mul3A_230, %dma_wait3A_329] : memref<40x128xi32, #tpu.memory_space<vmem>> -> memref<1x128xi32, #tpu.memory_space<vmem>>
        %dma_wait3A_331 = tpu.memref_squeeze %dma_wait3A_330 : memref<1x128xi32, #tpu.memory_space<vmem>> -> memref<128xi32, #tpu.memory_space<vmem>>
        %dma_wait3A_332 = arith.constant 0 : i32
        %dma_wait3A_333 = arith.constant 0 : i32
        %dma_wait3A_334 = tpu.memref_slice %arg10[%dma_wait3A_332, %dma_wait3A_333] : memref<10240x128xf32, #tpu.memory_space<vmem_shared>> -> memref<10240x128xf32, #tpu.memory_space<vmem_shared>>
        tpu.wait_indirect_dma semaphore(%run_scoped3A_322 : memref<!tpu.dma_semaphore, #tpu.memory_space<semaphore_mem>>) src(%arg8 : memref<128x128xf32, #tpu.memory_space<vmem>>) dst(%dma_wait3A_334 : memref<10240x128xf32, #tpu.memory_space<vmem_shared>>)
        tpu.yield
      }) : () -> ()
      %add3A_275 = arith.constant 2 : i32
      %add3A_276 = arith.addi %mul3A_230, %add3A_275 : i32
      %dma_start3A_277 = arith.constant 0 : i32
      %dma_start3A_278 = arith.constant 0 : i32
      %dma_start3A_279 = tpu.memref_slice %arg8[%dma_start3A_277, %dma_start3A_278] : memref<128x128xf32, #tpu.memory_space<vmem>> -> memref<64x128xf32, #tpu.memory_space<vmem>>
      %dma_start3A_280 = arith.constant 0 : i32
      %dma_start3A_281 = tpu.memref_slice %arg6[%add3A_276, %dma_start3A_280] : memref<40x128xi32, #tpu.memory_space<vmem>> -> memref<1x64xi32, #tpu.memory_space<vmem>>
      %dma_start3A_282 = tpu.memref_squeeze %dma_start3A_281 : memref<1x64xi32, #tpu.memory_space<vmem>> -> memref<64xi32, #tpu.memory_space<vmem>>
      %dma_start3A_283 = arith.constant 0 : i32
      %dma_start3A_284 = arith.constant 0 : i32
      %dma_start3A_285 = tpu.memref_slice %arg2[%dma_start3A_283, %dma_start3A_284] : memref<10000x128xf32, #tpu.memory_space<hbm>> -> memref<10000x128xf32, #tpu.memory_space<hbm>>
      tpu.enqueue_indirect_dma source(%dma_start3A_285 : memref<10000x128xf32, #tpu.memory_space<hbm>>) target(%dma_start3A_279 : memref<64x128xf32, #tpu.memory_space<vmem>>) offsets(%dma_start3A_282 : memref<64xi32, #tpu.memory_space<vmem>>) semaphore(%arg11 : memref<!tpu.dma_semaphore, #tpu.memory_space<semaphore_mem>>)
      %dma_start3A_286 = arith.constant 64 : i32
      %dma_start3A_287 = arith.constant 0 : i32
      %dma_start3A_288 = tpu.memref_slice %arg8[%dma_start3A_286, %dma_start3A_287] : memref<128x128xf32, #tpu.memory_space<vmem>> -> memref<64x128xf32, #tpu.memory_space<vmem>>
      %dma_start3A_289 = arith.constant 64 : i32
      %dma_start3A_290 = tpu.memref_slice %arg6[%add3A_276, %dma_start3A_289] : memref<40x128xi32, #tpu.memory_space<vmem>> -> memref<1x64xi32, #tpu.memory_space<vmem>>
      %dma_start3A_291 = tpu.memref_squeeze %dma_start3A_290 : memref<1x64xi32, #tpu.memory_space<vmem>> -> memref<64xi32, #tpu.memory_space<vmem>>
      %dma_start3A_292 = arith.constant 0 : i32
      %dma_start3A_293 = arith.constant 0 : i32
      %dma_start3A_294 = tpu.memref_slice %arg2[%dma_start3A_292, %dma_start3A_293] : memref<10000x128xf32, #tpu.memory_space<hbm>> -> memref<10000x128xf32, #tpu.memory_space<hbm>>
      tpu.enqueue_indirect_dma source(%dma_start3A_294 : memref<10000x128xf32, #tpu.memory_space<hbm>>) target(%dma_start3A_288 : memref<64x128xf32, #tpu.memory_space<vmem>>) offsets(%dma_start3A_291 : memref<64xi32, #tpu.memory_space<vmem>>) semaphore(%arg12 : memref<!tpu.dma_semaphore, #tpu.memory_space<semaphore_mem>>)
      %dma_wait3A_295 = arith.constant 0 : i32
      %dma_wait3A_296 = arith.constant 0 : i32
      %dma_wait3A_297 = tpu.memref_slice %arg9[%dma_wait3A_295, %dma_wait3A_296] : memref<128x128xf32, #tpu.memory_space<vmem>> -> memref<64x128xf32, #tpu.memory_space<vmem>>
      %dma_wait3A_298 = arith.constant 0 : i32
      %dma_wait3A_299 = arith.constant 0 : i32
      %dma_wait3A_300 = tpu.memref_slice %arg2[%dma_wait3A_298, %dma_wait3A_299] : memref<10000x128xf32, #tpu.memory_space<hbm>> -> memref<64x128xf32, #tpu.memory_space<hbm>>
      %dma_wait3A_301 = arith.constant 0 : i32
      %dma_wait3A_302 = arith.constant 0 : i32
      %dma_wait3A_303 = tpu.memref_slice %arg9[%dma_wait3A_301, %dma_wait3A_302] : memref<128x128xf32, #tpu.memory_space<vmem>> -> memref<64x128xf32, #tpu.memory_space<vmem>>
      %dma_wait3A_304 = arith.constant 0 : i32
      %dma_wait3A_305 = arith.constant 0 : i32
      %dma_wait3A_306 = tpu.memref_slice %arg2[%dma_wait3A_304, %dma_wait3A_305] : memref<10000x128xf32, #tpu.memory_space<hbm>> -> memref<64x128xf32, #tpu.memory_space<hbm>>
      tpu.wait_dma2 semaphore(%arg13 : memref<!tpu.dma_semaphore, #tpu.memory_space<semaphore_mem>>) src(%dma_wait3A_306 : memref<64x128xf32, #tpu.memory_space<hbm>>) dst(%dma_wait3A_303 : memref<64x128xf32, #tpu.memory_space<vmem>>)
      %dma_wait3A_307 = arith.constant 64 : i32
      %dma_wait3A_308 = arith.constant 0 : i32
      %dma_wait3A_309 = tpu.memref_slice %arg9[%dma_wait3A_307, %dma_wait3A_308] : memref<128x128xf32, #tpu.memory_space<vmem>> -> memref<64x128xf32, #tpu.memory_space<vmem>>
      %dma_wait3A_310 = arith.constant 0 : i32
      %dma_wait3A_311 = arith.constant 0 : i32
      %dma_wait3A_312 = tpu.memref_slice %arg2[%dma_wait3A_310, %dma_wait3A_311] : memref<10000x128xf32, #tpu.memory_space<hbm>> -> memref<64x128xf32, #tpu.memory_space<hbm>>
      %dma_wait3A_313 = arith.constant 64 : i32
      %dma_wait3A_314 = arith.constant 0 : i32
      %dma_wait3A_315 = tpu.memref_slice %arg9[%dma_wait3A_313, %dma_wait3A_314] : memref<128x128xf32, #tpu.memory_space<vmem>> -> memref<64x128xf32, #tpu.memory_space<vmem>>
      %dma_wait3A_316 = arith.constant 0 : i32
      %dma_wait3A_317 = arith.constant 0 : i32
      %dma_wait3A_318 = tpu.memref_slice %arg2[%dma_wait3A_316, %dma_wait3A_317] : memref<10000x128xf32, #tpu.memory_space<hbm>> -> memref<64x128xf32, #tpu.memory_space<hbm>>
      tpu.wait_dma2 semaphore(%arg14 : memref<!tpu.dma_semaphore, #tpu.memory_space<semaphore_mem>>) src(%dma_wait3A_318 : memref<64x128xf32, #tpu.memory_space<hbm>>) dst(%dma_wait3A_315 : memref<64x128xf32, #tpu.memory_space<vmem>>)
      %add3A_319 = arith.constant 1 : i32
      %add3A_320 = arith.addi %mul3A_230, %add3A_319 : i32
      "tpu.region"() ({
        %run_scoped3A_322 = tpu.sem_alloc : memref<!tpu.dma_semaphore, #tpu.memory_space<semaphore_mem>>
        %dma_start3A_323 = arith.constant 0 : i32
        %dma_start3A_324 = tpu.memref_slice %arg7[%add3A_320, %dma_start3A_323] : memref<40x128xi32, #tpu.memory_space<vmem>> -> memref<1x128xi32, #tpu.memory_space<vmem>>
        %dma_start3A_325 = tpu.memref_squeeze %dma_start3A_324 : memref<1x128xi32, #tpu.memory_space<vmem>> -> memref<128xi32, #tpu.memory_space<vmem>>
        %dma_start3A_326 = arith.constant 0 : i32
        %dma_start3A_327 = arith.constant 0 : i32
        %dma_start3A_328 = tpu.memref_slice %arg10[%dma_start3A_326, %dma_start3A_327] : memref<10240x128xf32, #tpu.memory_space<vmem_shared>> -> memref<10240x128xf32, #tpu.memory_space<vmem_shared>>
        tpu.enqueue_indirect_dma source(%arg9 : memref<128x128xf32, #tpu.memory_space<vmem>>) target(%dma_start3A_328 : memref<10240x128xf32, #tpu.memory_space<vmem_shared>>) offsets(%dma_start3A_325 : memref<128xi32, #tpu.memory_space<vmem>>) semaphore(%run_scoped3A_322 : memref<!tpu.dma_semaphore, #tpu.memory_space<semaphore_mem>>) {add = true}
        %dma_wait3A_329 = arith.constant 0 : i32
        %dma_wait3A_330 = tpu.memref_slice %arg7[%add3A_320, %dma_wait3A_329] : memref<40x128xi32, #tpu.memory_space<vmem>> -> memref<1x128xi32, #tpu.memory_space<vmem>>
        %dma_wait3A_331 = tpu.memref_squeeze %dma_wait3A_330 : memref<1x128xi32, #tpu.memory_space<vmem>> -> memref<128xi32, #tpu.memory_space<vmem>>
        %dma_wait3A_332 = arith.constant 0 : i32
        %dma_wait3A_333 = arith.constant 0 : i32
        %dma_wait3A_334 = tpu.memref_slice %arg10[%dma_wait3A_332, %dma_wait3A_333] : memref<10240x128xf32, #tpu.memory_space<vmem_shared>> -> memref<10240x128xf32, #tpu.memory_space<vmem_shared>>
        tpu.wait_indirect_dma semaphore(%run_scoped3A_322 : memref<!tpu.dma_semaphore, #tpu.memory_space<semaphore_mem>>) src(%arg9 : memref<128x128xf32, #tpu.memory_space<vmem>>) dst(%dma_wait3A_334 : memref<10240x128xf32, #tpu.memory_space<vmem_shared>>)
        tpu.yield
      }) : () -> ()
      %scan3A_321 = arith.constant 0 : i32
      scf.yield %scan3A_321 : i32
    }
    %scan3A_155 = arith.constant 19 : i32
    %dma_start3A_156 = arith.constant 39 : i32
    %dma_start3A_157 = arith.constant 0 : i32
    %dma_start3A_158 = arith.constant 0 : i32
    %dma_start3A_159 = tpu.memref_slice %arg9[%dma_start3A_157, %dma_start3A_158] : memref<128x128xf32, #tpu.memory_space<vmem>> -> memref<64x128xf32, #tpu.memory_space<vmem>>
    %dma_start3A_160 = arith.constant 0 : i32
    %dma_start3A_161 = tpu.memref_slice %arg6[%dma_start3A_156, %dma_start3A_160] : memref<40x128xi32, #tpu.memory_space<vmem>> -> memref<1x64xi32, #tpu.memory_space<vmem>>
    %dma_start3A_162 = tpu.memref_squeeze %dma_start3A_161 : memref<1x64xi32, #tpu.memory_space<vmem>> -> memref<64xi32, #tpu.memory_space<vmem>>
    %dma_start3A_163 = arith.constant 0 : i32
    %dma_start3A_164 = arith.constant 0 : i32
    %dma_start3A_165 = tpu.memref_slice %arg2[%dma_start3A_163, %dma_start3A_164] : memref<10000x128xf32, #tpu.memory_space<hbm>> -> memref<10000x128xf32, #tpu.memory_space<hbm>>
    tpu.enqueue_indirect_dma source(%dma_start3A_165 : memref<10000x128xf32, #tpu.memory_space<hbm>>) target(%dma_start3A_159 : memref<64x128xf32, #tpu.memory_space<vmem>>) offsets(%dma_start3A_162 : memref<64xi32, #tpu.memory_space<vmem>>) semaphore(%arg13 : memref<!tpu.dma_semaphore, #tpu.memory_space<semaphore_mem>>)
    %dma_start3A_166 = arith.constant 39 : i32
    %dma_start3A_167 = arith.constant 64 : i32
    %dma_start3A_168 = arith.constant 0 : i32
    %dma_start3A_169 = tpu.memref_slice %arg9[%dma_start3A_167, %dma_start3A_168] : memref<128x128xf32, #tpu.memory_space<vmem>> -> memref<64x128xf32, #tpu.memory_space<vmem>>
    %dma_start3A_170 = arith.constant 64 : i32
    %dma_start3A_171 = tpu.memref_slice %arg6[%dma_start3A_166, %dma_start3A_170] : memref<40x128xi32, #tpu.memory_space<vmem>> -> memref<1x64xi32, #tpu.memory_space<vmem>>
    %dma_start3A_172 = tpu.memref_squeeze %dma_start3A_171 : memref<1x64xi32, #tpu.memory_space<vmem>> -> memref<64xi32, #tpu.memory_space<vmem>>
    %dma_start3A_173 = arith.constant 0 : i32
    %dma_start3A_174 = arith.constant 0 : i32
    %dma_start3A_175 = tpu.memref_slice %arg2[%dma_start3A_173, %dma_start3A_174] : memref<10000x128xf32, #tpu.memory_space<hbm>> -> memref<10000x128xf32, #tpu.memory_space<hbm>>
    tpu.enqueue_indirect_dma source(%dma_start3A_175 : memref<10000x128xf32, #tpu.memory_space<hbm>>) target(%dma_start3A_169 : memref<64x128xf32, #tpu.memory_space<vmem>>) offsets(%dma_start3A_172 : memref<64xi32, #tpu.memory_space<vmem>>) semaphore(%arg14 : memref<!tpu.dma_semaphore, #tpu.memory_space<semaphore_mem>>)
    %dma_wait3A_176 = arith.constant 0 : i32
    %dma_wait3A_177 = arith.constant 0 : i32
    %dma_wait3A_178 = tpu.memref_slice %arg8[%dma_wait3A_176, %dma_wait3A_177] : memref<128x128xf32, #tpu.memory_space<vmem>> -> memref<64x128xf32, #tpu.memory_space<vmem>>
    %dma_wait3A_179 = arith.constant 0 : i32
    %dma_wait3A_180 = arith.constant 0 : i32
    %dma_wait3A_181 = tpu.memref_slice %arg2[%dma_wait3A_179, %dma_wait3A_180] : memref<10000x128xf32, #tpu.memory_space<hbm>> -> memref<64x128xf32, #tpu.memory_space<hbm>>
    %dma_wait3A_182 = arith.constant 0 : i32
    %dma_wait3A_183 = arith.constant 0 : i32
    %dma_wait3A_184 = tpu.memref_slice %arg8[%dma_wait3A_182, %dma_wait3A_183] : memref<128x128xf32, #tpu.memory_space<vmem>> -> memref<64x128xf32, #tpu.memory_space<vmem>>
    %dma_wait3A_185 = arith.constant 0 : i32
    %dma_wait3A_186 = arith.constant 0 : i32
    %dma_wait3A_187 = tpu.memref_slice %arg2[%dma_wait3A_185, %dma_wait3A_186] : memref<10000x128xf32, #tpu.memory_space<hbm>> -> memref<64x128xf32, #tpu.memory_space<hbm>>
    tpu.wait_dma2 semaphore(%arg11 : memref<!tpu.dma_semaphore, #tpu.memory_space<semaphore_mem>>) src(%dma_wait3A_187 : memref<64x128xf32, #tpu.memory_space<hbm>>) dst(%dma_wait3A_184 : memref<64x128xf32, #tpu.memory_space<vmem>>)
    %dma_wait3A_188 = arith.constant 64 : i32
    %dma_wait3A_189 = arith.constant 0 : i32
    %dma_wait3A_190 = tpu.memref_slice %arg8[%dma_wait3A_188, %dma_wait3A_189] : memref<128x128xf32, #tpu.memory_space<vmem>> -> memref<64x128xf32, #tpu.memory_space<vmem>>
    %dma_wait3A_191 = arith.constant 0 : i32
    %dma_wait3A_192 = arith.constant 0 : i32
    %dma_wait3A_193 = tpu.memref_slice %arg2[%dma_wait3A_191, %dma_wait3A_192] : memref<10000x128xf32, #tpu.memory_space<hbm>> -> memref<64x128xf32, #tpu.memory_space<hbm>>
    %dma_wait3A_194 = arith.constant 64 : i32
    %dma_wait3A_195 = arith.constant 0 : i32
    %dma_wait3A_196 = tpu.memref_slice %arg8[%dma_wait3A_194, %dma_wait3A_195] : memref<128x128xf32, #tpu.memory_space<vmem>> -> memref<64x128xf32, #tpu.memory_space<vmem>>
    %dma_wait3A_197 = arith.constant 0 : i32
    %dma_wait3A_198 = arith.constant 0 : i32
    %dma_wait3A_199 = tpu.memref_slice %arg2[%dma_wait3A_197, %dma_wait3A_198] : memref<10000x128xf32, #tpu.memory_space<hbm>> -> memref<64x128xf32, #tpu.memory_space<hbm>>
    tpu.wait_dma2 semaphore(%arg12 : memref<!tpu.dma_semaphore, #tpu.memory_space<semaphore_mem>>) src(%dma_wait3A_199 : memref<64x128xf32, #tpu.memory_space<hbm>>) dst(%dma_wait3A_196 : memref<64x128xf32, #tpu.memory_space<vmem>>)
    %run_scoped3A_200 = arith.constant 38 : i32
    "tpu.region"() ({
      %run_scoped3A_227 = tpu.sem_alloc : memref<!tpu.dma_semaphore, #tpu.memory_space<semaphore_mem>>
      %dma_start3A_228 = arith.constant 0 : i32
      %dma_start3A_229 = tpu.memref_slice %arg7[%run_scoped3A_200, %dma_start3A_228] : memref<40x128xi32, #tpu.memory_space<vmem>> -> memref<1x128xi32, #tpu.memory_space<vmem>>
      %dma_start3A_230 = tpu.memref_squeeze %dma_start3A_229 : memref<1x128xi32, #tpu.memory_space<vmem>> -> memref<128xi32, #tpu.memory_space<vmem>>
      %dma_start3A_231 = arith.constant 0 : i32
      %dma_start3A_232 = arith.constant 0 : i32
      %dma_start3A_233 = tpu.memref_slice %arg10[%dma_start3A_231, %dma_start3A_232] : memref<10240x128xf32, #tpu.memory_space<vmem_shared>> -> memref<10240x128xf32, #tpu.memory_space<vmem_shared>>
      tpu.enqueue_indirect_dma source(%arg8 : memref<128x128xf32, #tpu.memory_space<vmem>>) target(%dma_start3A_233 : memref<10240x128xf32, #tpu.memory_space<vmem_shared>>) offsets(%dma_start3A_230 : memref<128xi32, #tpu.memory_space<vmem>>) semaphore(%run_scoped3A_227 : memref<!tpu.dma_semaphore, #tpu.memory_space<semaphore_mem>>) {add = true}
      %dma_wait3A_234 = arith.constant 0 : i32
      %dma_wait3A_235 = tpu.memref_slice %arg7[%run_scoped3A_200, %dma_wait3A_234] : memref<40x128xi32, #tpu.memory_space<vmem>> -> memref<1x128xi32, #tpu.memory_space<vmem>>
      %dma_wait3A_236 = tpu.memref_squeeze %dma_wait3A_235 : memref<1x128xi32, #tpu.memory_space<vmem>> -> memref<128xi32, #tpu.memory_space<vmem>>
      %dma_wait3A_237 = arith.constant 0 : i32
      %dma_wait3A_238 = arith.constant 0 : i32
      %dma_wait3A_239 = tpu.memref_slice %arg10[%dma_wait3A_237, %dma_wait3A_238] : memref<10240x128xf32, #tpu.memory_space<vmem_shared>> -> memref<10240x128xf32, #tpu.memory_space<vmem_shared>>
      tpu.wait_indirect_dma semaphore(%run_scoped3A_227 : memref<!tpu.dma_semaphore, #tpu.memory_space<semaphore_mem>>) src(%arg8 : memref<128x128xf32, #tpu.memory_space<vmem>>) dst(%dma_wait3A_239 : memref<10240x128xf32, #tpu.memory_space<vmem_shared>>)
      tpu.yield
    }) : () -> ()
    %dma_wait3A_201 = arith.constant 0 : i32
    %dma_wait3A_202 = arith.constant 0 : i32
    %dma_wait3A_203 = tpu.memref_slice %arg9[%dma_wait3A_201, %dma_wait3A_202] : memref<128x128xf32, #tpu.memory_space<vmem>> -> memref<64x128xf32, #tpu.memory_space<vmem>>
    %dma_wait3A_204 = arith.constant 0 : i32
    %dma_wait3A_205 = arith.constant 0 : i32
    %dma_wait3A_206 = tpu.memref_slice %arg2[%dma_wait3A_204, %dma_wait3A_205] : memref<10000x128xf32, #tpu.memory_space<hbm>> -> memref<64x128xf32, #tpu.memory_space<hbm>>
    %dma_wait3A_207 = arith.constant 0 : i32
    %dma_wait3A_208 = arith.constant 0 : i32
    %dma_wait3A_209 = tpu.memref_slice %arg9[%dma_wait3A_207, %dma_wait3A_208] : memref<128x128xf32, #tpu.memory_space<vmem>> -> memref<64x128xf32, #tpu.memory_space<vmem>>
    %dma_wait3A_210 = arith.constant 0 : i32
    %dma_wait3A_211 = arith.constant 0 : i32
    %dma_wait3A_212 = tpu.memref_slice %arg2[%dma_wait3A_210, %dma_wait3A_211] : memref<10000x128xf32, #tpu.memory_space<hbm>> -> memref<64x128xf32, #tpu.memory_space<hbm>>
    tpu.wait_dma2 semaphore(%arg13 : memref<!tpu.dma_semaphore, #tpu.memory_space<semaphore_mem>>) src(%dma_wait3A_212 : memref<64x128xf32, #tpu.memory_space<hbm>>) dst(%dma_wait3A_209 : memref<64x128xf32, #tpu.memory_space<vmem>>)
    %dma_wait3A_213 = arith.constant 64 : i32
    %dma_wait3A_214 = arith.constant 0 : i32
    %dma_wait3A_215 = tpu.memref_slice %arg9[%dma_wait3A_213, %dma_wait3A_214] : memref<128x128xf32, #tpu.memory_space<vmem>> -> memref<64x128xf32, #tpu.memory_space<vmem>>
    %dma_wait3A_216 = arith.constant 0 : i32
    %dma_wait3A_217 = arith.constant 0 : i32
    %dma_wait3A_218 = tpu.memref_slice %arg2[%dma_wait3A_216, %dma_wait3A_217] : memref<10000x128xf32, #tpu.memory_space<hbm>> -> memref<64x128xf32, #tpu.memory_space<hbm>>
    %dma_wait3A_219 = arith.constant 64 : i32
    %dma_wait3A_220 = arith.constant 0 : i32
    %dma_wait3A_221 = tpu.memref_slice %arg9[%dma_wait3A_219, %dma_wait3A_220] : memref<128x128xf32, #tpu.memory_space<vmem>> -> memref<64x128xf32, #tpu.memory_space<vmem>>
    %dma_wait3A_222 = arith.constant 0 : i32
    %dma_wait3A_223 = arith.constant 0 : i32
    %dma_wait3A_224 = tpu.memref_slice %arg2[%dma_wait3A_222, %dma_wait3A_223] : memref<10000x128xf32, #tpu.memory_space<hbm>> -> memref<64x128xf32, #tpu.memory_space<hbm>>
    tpu.wait_dma2 semaphore(%arg14 : memref<!tpu.dma_semaphore, #tpu.memory_space<semaphore_mem>>) src(%dma_wait3A_224 : memref<64x128xf32, #tpu.memory_space<hbm>>) dst(%dma_wait3A_221 : memref<64x128xf32, #tpu.memory_space<vmem>>)
    %run_scoped3A_225 = arith.constant 39 : i32
    "tpu.region"() ({
      %run_scoped3A_227 = tpu.sem_alloc : memref<!tpu.dma_semaphore, #tpu.memory_space<semaphore_mem>>
      %dma_start3A_228 = arith.constant 0 : i32
      %dma_start3A_229 = tpu.memref_slice %arg7[%run_scoped3A_225, %dma_start3A_228] : memref<40x128xi32, #tpu.memory_space<vmem>> -> memref<1x128xi32, #tpu.memory_space<vmem>>
      %dma_start3A_230 = tpu.memref_squeeze %dma_start3A_229 : memref<1x128xi32, #tpu.memory_space<vmem>> -> memref<128xi32, #tpu.memory_space<vmem>>
      %dma_start3A_231 = arith.constant 0 : i32
      %dma_start3A_232 = arith.constant 0 : i32
      %dma_start3A_233 = tpu.memref_slice %arg10[%dma_start3A_231, %dma_start3A_232] : memref<10240x128xf32, #tpu.memory_space<vmem_shared>> -> memref<10240x128xf32, #tpu.memory_space<vmem_shared>>
      tpu.enqueue_indirect_dma source(%arg9 : memref<128x128xf32, #tpu.memory_space<vmem>>) target(%dma_start3A_233 : memref<10240x128xf32, #tpu.memory_space<vmem_shared>>) offsets(%dma_start3A_230 : memref<128xi32, #tpu.memory_space<vmem>>) semaphore(%run_scoped3A_227 : memref<!tpu.dma_semaphore, #tpu.memory_space<semaphore_mem>>) {add = true}
      %dma_wait3A_234 = arith.constant 0 : i32
      %dma_wait3A_235 = tpu.memref_slice %arg7[%run_scoped3A_225, %dma_wait3A_234] : memref<40x128xi32, #tpu.memory_space<vmem>> -> memref<1x128xi32, #tpu.memory_space<vmem>>
      %dma_wait3A_236 = tpu.memref_squeeze %dma_wait3A_235 : memref<1x128xi32, #tpu.memory_space<vmem>> -> memref<128xi32, #tpu.memory_space<vmem>>
      %dma_wait3A_237 = arith.constant 0 : i32
      %dma_wait3A_238 = arith.constant 0 : i32
      %dma_wait3A_239 = tpu.memref_slice %arg10[%dma_wait3A_237, %dma_wait3A_238] : memref<10240x128xf32, #tpu.memory_space<vmem_shared>> -> memref<10240x128xf32, #tpu.memory_space<vmem_shared>>
      tpu.wait_indirect_dma semaphore(%run_scoped3A_227 : memref<!tpu.dma_semaphore, #tpu.memory_space<semaphore_mem>>) src(%arg9 : memref<128x128xf32, #tpu.memory_space<vmem>>) dst(%dma_wait3A_239 : memref<10240x128xf32, #tpu.memory_space<vmem_shared>>)
      tpu.yield
    }) : () -> ()
    %barrier3A_226 = arith.constant 0 : index
    tpu.barrier barrier_id(%barrier3A_226)
    "tpu.region"() ({
      %run_scoped3A_227 = tpu.sem_alloc : memref<!tpu.dma_semaphore, #tpu.memory_space<semaphore_mem>>
      %dma_start3A_228 = arith.constant 0 : i32
      %dma_start3A_229 = tpu.memref_slice %arg5[%arg0, %multiple_of3A, %dma_start3A_228] : memref<2x10240x128xf32, #tpu.memory_space<hbm>> -> memref<1x640x128xf32, #tpu.memory_space<hbm>>
      %dma_start3A_230 = tpu.memref_squeeze %dma_start3A_229 : memref<1x640x128xf32, #tpu.memory_space<hbm>> -> memref<640x128xf32, #tpu.memory_space<hbm>>
      %dma_start3A_231 = arith.constant 0 : i32
      %dma_start3A_232 = tpu.memref_slice %arg10[%multiple_of3A, %dma_start3A_231] : memref<10240x128xf32, #tpu.memory_space<vmem_shared>> -> memref<640x128xf32, #tpu.memory_space<vmem_shared>>
      tpu.enqueue_dma source(%dma_start3A_232 : memref<640x128xf32, #tpu.memory_space<vmem_shared>>) target(%dma_start3A_230 : memref<640x128xf32, #tpu.memory_space<hbm>>) target_semaphore(%run_scoped3A_227 : memref<!tpu.dma_semaphore, #tpu.memory_space<semaphore_mem>>)
      %dma_wait3A_233 = arith.constant 0 : i32
      %dma_wait3A_234 = tpu.memref_slice %arg5[%arg0, %multiple_of3A, %dma_wait3A_233] : memref<2x10240x128xf32, #tpu.memory_space<hbm>> -> memref<1x640x128xf32, #tpu.memory_space<hbm>>
      %dma_wait3A_235 = tpu.memref_squeeze %dma_wait3A_234 : memref<1x640x128xf32, #tpu.memory_space<hbm>> -> memref<640x128xf32, #tpu.memory_space<hbm>>
      %dma_wait3A_236 = arith.constant 0 : i32
      %dma_wait3A_237 = tpu.memref_slice %arg10[%multiple_of3A, %dma_wait3A_236] : memref<10240x128xf32, #tpu.memory_space<vmem_shared>> -> memref<640x128xf32, #tpu.memory_space<vmem_shared>>
      tpu.wait_dma2 semaphore(%run_scoped3A_227 : memref<!tpu.dma_semaphore, #tpu.memory_space<semaphore_mem>>) src(%dma_wait3A_237 : memref<640x128xf32, #tpu.memory_space<vmem_shared>>) dst(%dma_wait3A_235 : memref<640x128xf32, #tpu.memory_space<hbm>>)
      tpu.yield
    }) : () -> ()
    return
  }
}

module attributes {stable_mosaic.version = 14 : i64} {
  func.func @_tc_pre_body(%arg0: memref<10000x128xf32, #tpu.memory_space<vmem>>, %arg1: memref<128x128xf32, #tpu.memory_space<vmem>>, %arg2: memref<2x10000x1xf32, #tpu.memory_space<vmem>>, %arg3: memref<10000x128xf32, #tpu.memory_space<vmem>>, %arg4: memref<10000x1xf32, #tpu.memory_space<vmem>>) attributes {dimension_semantics = [], scalar_prefetch = 0 : i64, scratch_operands = 0 : i64, tpu.core_type = #tpu.core_type<tc>} {
    %get3A = arith.constant 0 : index
    %get3A_0 = arith.constant 0 : index
    %get3A_1 = arith.constant 0 : index
    %get3A_2 = vector.load %arg2[%get3A, %get3A_0, %get3A_1] : memref<2x10000x1xf32, #tpu.memory_space<vmem>>, vector<1x10000x1xf32>
    %get3A_3 = vector.shape_cast %get3A_2 : vector<1x10000x1xf32> to vector<10000x1xf32>
    %get3A_4 = arith.constant 1 : index
    %get3A_5 = arith.constant 0 : index
    %get3A_6 = arith.constant 0 : index
    %get3A_7 = vector.load %arg2[%get3A_4, %get3A_5, %get3A_6] : memref<2x10000x1xf32, #tpu.memory_space<vmem>>, vector<1x10000x1xf32>
    %get3A_8 = vector.shape_cast %get3A_7 : vector<1x10000x1xf32> to vector<10000x1xf32>
    %add3A = arith.addf %get3A_3, %get3A_8 : vector<10000x1xf32>
    %add3A_9 = arith.constant 1.000000e+00 : f32
    %add3A_10 = vector.broadcast %add3A_9 : f32 to vector<10000x1xf32>
    %add3A_11 = arith.addf %add3A, %add3A_10 : vector<10000x1xf32>
    %rsqrt3A = math.rsqrt %add3A_11 : vector<10000x1xf32>
    %get3A_12 = arith.constant 0 : index
    %get3A_13 = arith.constant 0 : index
    %get3A_14 = vector.load %arg0[%get3A_12, %get3A_13] : memref<10000x128xf32, #tpu.memory_space<vmem>>, vector<10000x128xf32>
    %get3A_15 = arith.constant 0 : index
    %get3A_16 = arith.constant 0 : index
    %get3A_17 = vector.load %arg1[%get3A_15, %get3A_16] : memref<128x128xf32, #tpu.memory_space<vmem>>, vector<128x128xf32>
    %dot_general3A = arith.constant dense<0.000000e+00> : vector<10000x128xf32>
    %dot_general3A_18 = tpu.matmul %get3A_14, %get3A_17, %dot_general3A {dimension_numbers = #tpu.dot_dimension_numbers<[1], [0], [0], [1], [0, 0, 1, 1], [], []>, transpose_lhs_hint = false} : vector<10000x128xf32>, vector<128x128xf32>, vector<10000x128xf32> -> vector<10000x128xf32>
    %mul3A = vector.broadcast %rsqrt3A : vector<10000x1xf32> to vector<10000x128xf32>
    %mul3A_19 = arith.mulf %dot_general3A_18, %mul3A : vector<10000x128xf32>
    %swap3A = arith.constant 0 : index
    %swap3A_20 = arith.constant 0 : index
    %swap3A_21 = vector.load %arg3[%swap3A, %swap3A_20] : memref<10000x128xf32, #tpu.memory_space<vmem>>, vector<10000x128xf32>
    tpu.vector_store %arg3[%swap3A, %swap3A_20], %mul3A_19 {strides = array<i32>} : memref<10000x128xf32, #tpu.memory_space<vmem>>, vector<10000x128xf32>,
    %swap3A_22 = arith.constant 0 : index
    %swap3A_23 = arith.constant 0 : index
    %swap3A_24 = vector.load %arg4[%swap3A_22, %swap3A_23] : memref<10000x1xf32, #tpu.memory_space<vmem>>, vector<10000x1xf32>
    tpu.vector_store %arg4[%swap3A_22, %swap3A_23], %rsqrt3A {strides = array<i32>} : memref<10000x1xf32, #tpu.memory_space<vmem>>, vector<10000x1xf32>,
    return
  }
}

module attributes {stable_mosaic.version = 14 : i64} {
  func.func @_tc_mid_body(%arg0: memref<2x10240x128xf32, #tpu.memory_space<vmem>>, %arg1: memref<10000x128xf32, #tpu.memory_space<vmem>>, %arg2: memref<10000x1xf32, #tpu.memory_space<vmem>>, %arg3: memref<1x128xf32, #tpu.memory_space<vmem>>, %arg4: memref<1x128xf32, #tpu.memory_space<vmem>>, %arg5: memref<1x128xf32, #tpu.memory_space<vmem>>, %arg6: memref<128x128xf32, #tpu.memory_space<vmem>>, %arg7: memref<10000x128xf32, #tpu.memory_space<vmem>>) attributes {dimension_semantics = [], scalar_prefetch = 0 : i64, scratch_operands = 0 : i64, tpu.core_type = #tpu.core_type<tc>} {
    %get3A = arith.constant 0 : index
    %get3A_0 = arith.constant 0 : index
    %get3A_1 = arith.constant 0 : index
    %get3A_2 = vector.load %arg0[%get3A, %get3A_0, %get3A_1] : memref<2x10240x128xf32, #tpu.memory_space<vmem>>, vector<1x10000x128xf32>
    %get3A_3 = vector.shape_cast %get3A_2 : vector<1x10000x128xf32> to vector<10000x128xf32>
    %get3A_4 = arith.constant 1 : index
    %get3A_5 = arith.constant 0 : index
    %get3A_6 = arith.constant 0 : index
    %get3A_7 = vector.load %arg0[%get3A_4, %get3A_5, %get3A_6] : memref<2x10240x128xf32, #tpu.memory_space<vmem>>, vector<1x10000x128xf32>
    %get3A_8 = vector.shape_cast %get3A_7 : vector<1x10000x128xf32> to vector<10000x128xf32>
    %add3A = arith.addf %get3A_3, %get3A_8 : vector<10000x128xf32>
    %get3A_9 = arith.constant 0 : index
    %get3A_10 = arith.constant 0 : index
    %get3A_11 = vector.load %arg1[%get3A_9, %get3A_10] : memref<10000x128xf32, #tpu.memory_space<vmem>>, vector<10000x128xf32>
    %add3A_12 = arith.addf %add3A, %get3A_11 : vector<10000x128xf32>
    %get3A_13 = arith.constant 0 : index
    %get3A_14 = arith.constant 0 : index
    %get3A_15 = vector.load %arg2[%get3A_13, %get3A_14] : memref<10000x1xf32, #tpu.memory_space<vmem>>, vector<10000x1xf32>
    %mul3A = vector.broadcast %get3A_15 : vector<10000x1xf32> to vector<10000x128xf32>
    %mul3A_16 = arith.mulf %add3A_12, %mul3A : vector<10000x128xf32>
    %get3A_17 = arith.constant 0 : index
    %get3A_18 = arith.constant 0 : index
    %get3A_19 = vector.load %arg3[%get3A_17, %get3A_18] : memref<1x128xf32, #tpu.memory_space<vmem>>, vector<1x128xf32>
    %add3A_20 = vector.broadcast %get3A_19 : vector<1x128xf32> to vector<10000x128xf32>
    %add3A_21 = arith.addf %mul3A_16, %add3A_20 : vector<10000x128xf32>
    %get3A_22 = arith.constant 0 : index
    %get3A_23 = arith.constant 0 : index
    %get3A_24 = vector.load %arg4[%get3A_22, %get3A_23] : memref<1x128xf32, #tpu.memory_space<vmem>>, vector<1x128xf32>
    %get3A_25 = arith.constant 0 : index
    %get3A_26 = arith.constant 0 : index
    %get3A_27 = vector.load %arg5[%get3A_25, %get3A_26] : memref<1x128xf32, #tpu.memory_space<vmem>>, vector<1x128xf32>
    %reduce_sum3A = arith.constant dense<0.000000e+00> : vector<128xf32>
    %reduce_sum3A_28 = vector.multi_reduction <add>, %add3A_21, %reduce_sum3A [0] : vector<10000x128xf32> to vector<128xf32>
    %broadcast_in_dim3A = vector.shape_cast %reduce_sum3A_28 : vector<128xf32> to vector<1x128xf32>
    %div3A = arith.constant 1.000000e+04 : f32
    %div3A_29 = vector.broadcast %div3A : f32 to vector<1x128xf32>
    %div3A_30 = arith.divf %broadcast_in_dim3A, %div3A_29 : vector<1x128xf32>
    %sub3A = vector.broadcast %div3A_30 : vector<1x128xf32> to vector<10000x128xf32>
    %sub3A_31 = arith.subf %add3A_21, %sub3A : vector<10000x128xf32>
    %sub3A_32 = vector.broadcast %div3A_30 : vector<1x128xf32> to vector<10000x128xf32>
    %sub3A_33 = arith.subf %add3A_21, %sub3A_32 : vector<10000x128xf32>
    %mul3A_34 = arith.mulf %sub3A_31, %sub3A_33 : vector<10000x128xf32>
    %reduce_sum3A_35 = arith.constant dense<0.000000e+00> : vector<128xf32>
    %reduce_sum3A_36 = vector.multi_reduction <add>, %mul3A_34, %reduce_sum3A_35 [0] : vector<10000x128xf32> to vector<128xf32>
    %broadcast_in_dim3A_37 = vector.shape_cast %reduce_sum3A_36 : vector<128xf32> to vector<1x128xf32>
    %div3A_38 = arith.constant 1.000000e+04 : f32
    %div3A_39 = vector.broadcast %div3A_38 : f32 to vector<1x128xf32>
    %div3A_40 = arith.divf %broadcast_in_dim3A_37, %div3A_39 : vector<1x128xf32>
    %sub3A_41 = vector.broadcast %div3A_30 : vector<1x128xf32> to vector<10000x128xf32>
    %sub3A_42 = arith.subf %add3A_21, %sub3A_41 : vector<10000x128xf32>
    %add3A_43 = arith.constant 9.99999974E-6 : f32
    %add3A_44 = vector.broadcast %add3A_43 : f32 to vector<1x128xf32>
    %add3A_45 = arith.addf %div3A_40, %add3A_44 : vector<1x128xf32>
    %rsqrt3A = math.rsqrt %add3A_45 : vector<1x128xf32>
    %mul3A_46 = vector.broadcast %rsqrt3A : vector<1x128xf32> to vector<10000x128xf32>
    %mul3A_47 = arith.mulf %sub3A_42, %mul3A_46 : vector<10000x128xf32>
    %mul3A_48 = vector.broadcast %get3A_24 : vector<1x128xf32> to vector<10000x128xf32>
    %mul3A_49 = arith.mulf %mul3A_47, %mul3A_48 : vector<10000x128xf32>
    %add3A_50 = vector.broadcast %get3A_27 : vector<1x128xf32> to vector<10000x128xf32>
    %add3A_51 = arith.addf %mul3A_49, %add3A_50 : vector<10000x128xf32>
    %max3A = arith.constant 0.000000e+00 : f32
    %max3A_52 = vector.broadcast %max3A : f32 to vector<10000x128xf32>
    %max3A_53 = arith.maximumf %add3A_51, %max3A_52 : vector<10000x128xf32>
    %get3A_54 = arith.constant 0 : index
    %get3A_55 = arith.constant 0 : index
    %get3A_56 = vector.load %arg6[%get3A_54, %get3A_55] : memref<128x128xf32, #tpu.memory_space<vmem>>, vector<128x128xf32>
    %dot_general3A = arith.constant dense<0.000000e+00> : vector<10000x128xf32>
    %dot_general3A_57 = tpu.matmul %max3A_53, %get3A_56, %dot_general3A {dimension_numbers = #tpu.dot_dimension_numbers<[1], [0], [0], [1], [0, 0, 1, 1], [], []>, transpose_lhs_hint = false} : vector<10000x128xf32>, vector<128x128xf32>, vector<10000x128xf32> -> vector<10000x128xf32>
    %get3A_58 = arith.constant 0 : index
    %get3A_59 = arith.constant 0 : index
    %get3A_60 = vector.load %arg2[%get3A_58, %get3A_59] : memref<10000x1xf32, #tpu.memory_space<vmem>>, vector<10000x1xf32>
    %mul3A_61 = vector.broadcast %get3A_60 : vector<10000x1xf32> to vector<10000x128xf32>
    %mul3A_62 = arith.mulf %dot_general3A_57, %mul3A_61 : vector<10000x128xf32>
    %swap3A = arith.constant 0 : index
    %swap3A_63 = arith.constant 0 : index
    %swap3A_64 = vector.load %arg7[%swap3A, %swap3A_63] : memref<10000x128xf32, #tpu.memory_space<vmem>>, vector<10000x128xf32>
    tpu.vector_store %arg7[%swap3A, %swap3A_63], %mul3A_62 {strides = array<i32>} : memref<10000x128xf32, #tpu.memory_space<vmem>>, vector<10000x128xf32>,
    return
  }
}

module attributes {stable_mosaic.version = 14 : i64} {
  func.func @_tc_post_body(%arg0: memref<2x10240x128xf32, #tpu.memory_space<vmem>>, %arg1: memref<10000x128xf32, #tpu.memory_space<vmem>>, %arg2: memref<10000x1xf32, #tpu.memory_space<vmem>>, %arg3: memref<1x128xf32, #tpu.memory_space<vmem>>, %arg4: memref<1x128xf32, #tpu.memory_space<vmem>>, %arg5: memref<1x128xf32, #tpu.memory_space<vmem>>, %arg6: memref<1x10000xi32, #tpu.memory_space<vmem>>, %arg7: memref<128x128xf32, #tpu.memory_space<vmem>>, %arg8: memref<1x128xf32, #tpu.memory_space<vmem>>, %arg9: memref<64x128xf32, #tpu.memory_space<vmem>>) attributes {dimension_semantics = [], scalar_prefetch = 0 : i64, scratch_operands = 0 : i64, tpu.core_type = #tpu.core_type<tc>} {
    %get3A = arith.constant 0 : index
    %get3A_0 = arith.constant 0 : index
    %get3A_1 = arith.constant 0 : index
    %get3A_2 = vector.load %arg0[%get3A, %get3A_0, %get3A_1] : memref<2x10240x128xf32, #tpu.memory_space<vmem>>, vector<1x10000x128xf32>
    %get3A_3 = vector.shape_cast %get3A_2 : vector<1x10000x128xf32> to vector<10000x128xf32>
    %get3A_4 = arith.constant 1 : index
    %get3A_5 = arith.constant 0 : index
    %get3A_6 = arith.constant 0 : index
    %get3A_7 = vector.load %arg0[%get3A_4, %get3A_5, %get3A_6] : memref<2x10240x128xf32, #tpu.memory_space<vmem>>, vector<1x10000x128xf32>
    %get3A_8 = vector.shape_cast %get3A_7 : vector<1x10000x128xf32> to vector<10000x128xf32>
    %add3A = arith.addf %get3A_3, %get3A_8 : vector<10000x128xf32>
    %get3A_9 = arith.constant 0 : index
    %get3A_10 = arith.constant 0 : index
    %get3A_11 = vector.load %arg1[%get3A_9, %get3A_10] : memref<10000x128xf32, #tpu.memory_space<vmem>>, vector<10000x128xf32>
    %add3A_12 = arith.addf %add3A, %get3A_11 : vector<10000x128xf32>
    %get3A_13 = arith.constant 0 : index
    %get3A_14 = arith.constant 0 : index
    %get3A_15 = vector.load %arg2[%get3A_13, %get3A_14] : memref<10000x1xf32, #tpu.memory_space<vmem>>, vector<10000x1xf32>
    %mul3A = vector.broadcast %get3A_15 : vector<10000x1xf32> to vector<10000x128xf32>
    %mul3A_16 = arith.mulf %add3A_12, %mul3A : vector<10000x128xf32>
    %get3A_17 = arith.constant 0 : index
    %get3A_18 = arith.constant 0 : index
    %get3A_19 = vector.load %arg3[%get3A_17, %get3A_18] : memref<1x128xf32, #tpu.memory_space<vmem>>, vector<1x128xf32>
    %add3A_20 = vector.broadcast %get3A_19 : vector<1x128xf32> to vector<10000x128xf32>
    %add3A_21 = arith.addf %mul3A_16, %add3A_20 : vector<10000x128xf32>
    %get3A_22 = arith.constant 0 : index
    %get3A_23 = arith.constant 0 : index
    %get3A_24 = vector.load %arg4[%get3A_22, %get3A_23] : memref<1x128xf32, #tpu.memory_space<vmem>>, vector<1x128xf32>
    %get3A_25 = arith.constant 0 : index
    %get3A_26 = arith.constant 0 : index
    %get3A_27 = vector.load %arg5[%get3A_25, %get3A_26] : memref<1x128xf32, #tpu.memory_space<vmem>>, vector<1x128xf32>
    %reduce_sum3A = arith.constant dense<0.000000e+00> : vector<128xf32>
    %reduce_sum3A_28 = vector.multi_reduction <add>, %add3A_21, %reduce_sum3A [0] : vector<10000x128xf32> to vector<128xf32>
    %broadcast_in_dim3A = vector.shape_cast %reduce_sum3A_28 : vector<128xf32> to vector<1x128xf32>
    %div3A = arith.constant 1.000000e+04 : f32
    %div3A_29 = vector.broadcast %div3A : f32 to vector<1x128xf32>
    %div3A_30 = arith.divf %broadcast_in_dim3A, %div3A_29 : vector<1x128xf32>
    %sub3A = vector.broadcast %div3A_30 : vector<1x128xf32> to vector<10000x128xf32>
    %sub3A_31 = arith.subf %add3A_21, %sub3A : vector<10000x128xf32>
    %sub3A_32 = vector.broadcast %div3A_30 : vector<1x128xf32> to vector<10000x128xf32>
    %sub3A_33 = arith.subf %add3A_21, %sub3A_32 : vector<10000x128xf32>
    %mul3A_34 = arith.mulf %sub3A_31, %sub3A_33 : vector<10000x128xf32>
    %reduce_sum3A_35 = arith.constant dense<0.000000e+00> : vector<128xf32>
    %reduce_sum3A_36 = vector.multi_reduction <add>, %mul3A_34, %reduce_sum3A_35 [0] : vector<10000x128xf32> to vector<128xf32>
    %broadcast_in_dim3A_37 = vector.shape_cast %reduce_sum3A_36 : vector<128xf32> to vector<1x128xf32>
    %div3A_38 = arith.constant 1.000000e+04 : f32
    %div3A_39 = vector.broadcast %div3A_38 : f32 to vector<1x128xf32>
    %div3A_40 = arith.divf %broadcast_in_dim3A_37, %div3A_39 : vector<1x128xf32>
    %sub3A_41 = vector.broadcast %div3A_30 : vector<1x128xf32> to vector<10000x128xf32>
    %sub3A_42 = arith.subf %add3A_21, %sub3A_41 : vector<10000x128xf32>
    %add3A_43 = arith.constant 9.99999974E-6 : f32
    %add3A_44 = vector.broadcast %add3A_43 : f32 to vector<1x128xf32>
    %add3A_45 = arith.addf %div3A_40, %add3A_44 : vector<1x128xf32>
    %rsqrt3A = math.rsqrt %add3A_45 : vector<1x128xf32>
    %mul3A_46 = vector.broadcast %rsqrt3A : vector<1x128xf32> to vector<10000x128xf32>
    %mul3A_47 = arith.mulf %sub3A_42, %mul3A_46 : vector<10000x128xf32>
    %mul3A_48 = vector.broadcast %get3A_24 : vector<1x128xf32> to vector<10000x128xf32>
    %mul3A_49 = arith.mulf %mul3A_47, %mul3A_48 : vector<10000x128xf32>
    %add3A_50 = vector.broadcast %get3A_27 : vector<1x128xf32> to vector<10000x128xf32>
    %add3A_51 = arith.addf %mul3A_49, %add3A_50 : vector<10000x128xf32>
    %max3A = arith.constant 0.000000e+00 : f32
    %max3A_52 = vector.broadcast %max3A : f32 to vector<10000x128xf32>
    %max3A_53 = arith.maximumf %add3A_51, %max3A_52 : vector<10000x128xf32>
    %iota3A = tpu.iota {dimensions = array<i32: 0>} : vector<64x10000xi32>
    %get3A_54 = arith.constant 0 : index
    %get3A_55 = arith.constant 0 : index
    %get3A_56 = vector.load %arg6[%get3A_54, %get3A_55] : memref<1x10000xi32, #tpu.memory_space<vmem>>, vector<1x10000xi32>
    %eq3A = vector.broadcast %get3A_56 : vector<1x10000xi32> to vector<64x10000xi32>
    %eq3A_57 = arith.cmpi eq, %eq3A, %iota3A : vector<64x10000xi32>
    %convert_element_type3A = arith.extui %eq3A_57 : vector<64x10000xi1> to vector<64x10000xi32>
    %convert_element_type3A_58 = arith.sitofp %convert_element_type3A : vector<64x10000xi32> to vector<64x10000xf32>
    %dot_general3A = arith.constant dense<0.000000e+00> : vector<64x128xf32>
    %dot_general3A_59 = tpu.matmul %convert_element_type3A_58, %max3A_53, %dot_general3A {dimension_numbers = #tpu.dot_dimension_numbers<[1], [0], [0], [1], [0, 0, 1, 1], [], []>, transpose_lhs_hint = false} : vector<64x10000xf32>, vector<10000x128xf32>, vector<64x128xf32> -> vector<64x128xf32>
    %reduce_sum3A_60 = arith.constant dense<0.000000e+00> : vector<64xf32>
    %reduce_sum3A_61 = vector.multi_reduction <add>, %convert_element_type3A_58, %reduce_sum3A_60 [1] : vector<64x10000xf32> to vector<64xf32>
    %broadcast_in_dim3A_62 = vector.shape_cast %reduce_sum3A_61 : vector<64xf32> to vector<64x1xf32>
    %max3A_63 = arith.constant 1.000000e+00 : f32
    %max3A_64 = vector.broadcast %max3A_63 : f32 to vector<64x1xf32>
    %max3A_65 = arith.maximumf %broadcast_in_dim3A_62, %max3A_64 : vector<64x1xf32>
    %div3A_66 = vector.broadcast %max3A_65 : vector<64x1xf32> to vector<64x128xf32>
    %div3A_67 = arith.divf %dot_general3A_59, %div3A_66 : vector<64x128xf32>
    %get3A_68 = arith.constant 0 : index
    %get3A_69 = arith.constant 0 : index
    %get3A_70 = vector.load %arg7[%get3A_68, %get3A_69] : memref<128x128xf32, #tpu.memory_space<vmem>>, vector<128x128xf32>
    %dot_general3A_71 = arith.constant dense<0.000000e+00> : vector<64x128xf32>
    %dot_general3A_72 = tpu.matmul %div3A_67, %get3A_70, %dot_general3A_71 {dimension_numbers = #tpu.dot_dimension_numbers<[1], [0], [0], [1], [0, 0, 1, 1], [], []>, transpose_lhs_hint = false} : vector<64x128xf32>, vector<128x128xf32>, vector<64x128xf32> -> vector<64x128xf32>
    %get3A_73 = arith.constant 0 : index
    %get3A_74 = arith.constant 0 : index
    %get3A_75 = vector.load %arg8[%get3A_73, %get3A_74] : memref<1x128xf32, #tpu.memory_space<vmem>>, vector<1x128xf32>
    %add3A_76 = vector.broadcast %get3A_75 : vector<1x128xf32> to vector<64x128xf32>
    %add3A_77 = arith.addf %dot_general3A_72, %add3A_76 : vector<64x128xf32>
    %swap3A = arith.constant 0 : index
    %swap3A_78 = arith.constant 0 : index
    %swap3A_79 = vector.load %arg9[%swap3A, %swap3A_78] : memref<64x128xf32, #tpu.memory_space<vmem>>, vector<64x128xf32>
    tpu.vector_store %arg9[%swap3A, %swap3A_78], %add3A_77 {strides = array<i32>} : memref<64x128xf32, #tpu.memory_space<vmem>>, vector<64x128xf32>,
    return
  }
}

</mosaic_0001>

<sc_bundles>
// kernel: kernel.11.cloned.1.call-start
scs
__scs_entry_jumppad:
0x0: {  	(pc) =	sbr.rel $0x88, $3  }
0x1: {  	(tag) =	ssettag $0x0;
	lr =	simm.s32 $0x1  }
0x2: {  	[smem:$0x3F94] =	sst lr;
	_ =	strace $0xD0000000  }
0x3: {  	_ = 	snop  }
0x4: {  	_ = 	snop  }
0x5: {  	_ = 	snop  }
0x6: {  	_ = 	snop  }
0x7: {  	_ = 	snop  }
__scs_overlays_trampoline_lowered:
0x8: {  	[smem:$0x3FA3] =	sst s0  }
0x9: {  	[smem:$0x3FA4] =	sst s1  }
0xa: {  	[smem:$0x3FA5] =	sst s2  }
0xb: {  	[smem:$0x3FA6] =	sst s3  }
0xc: {  	[smem:$0x3FA7] =	sst s4  }
0xd: {  	[smem:$0x3FA8] =	sst s5  }
0xe: {  	[smem:$0x3FA9] =	sst s6  }
0xf: {  	[smem:$0x3FAA] =	sst s7  }
0x10: {  	[smem:$0x3FAB] =	sst s8  }
0x11: {  	[smem:$0x3FAC] =	sst s9;
	s0 =	simm.s32 @!p0 $0x0  }
0x12: {  	s1 =	sld [smem:$0x3F92];
	s0 =	simm.s32 @p0 $0x1  }
0x13: {  	[smem:$0x3FAD] =	sst s0;
	s0 =	simm.s32 @!p1 $0x0  }
0x14: {  	s2 =	sld [smem:$0x3F91];
	s0 =	simm.s32 @p1 $0x1  }
0x15: {  	[smem:$0x3FAE] =	sst s0;
	s0 =	simm.s32 @!p2 $0x0  }
0x16: {  	s3 =	sld [smem:$0x3FDB];
	s0 =	simm.s32 @p2 $0x1  }
0x17: {  	s4 =	simm.s32 $0x1BF5;
	[smem:$0x3FB0] =	sst s0  }
0x18: {  	s0 =	sld [smem:$0x3F93];
	_ =	swait.ge [sflag:s4], $0x0  }
0x19: {  	s7 =	sld [smem:$0x3F94]  }
0x1a: {  	s8 =	sadd.s32 $0xFFFFE003, lr  }
0x1b: {  	s9 =	sadd.s32 $0xFFFFFEF7, lr;
	s5 =	simm.s32 $0xFFFFFFFF;
	p2 =	slt.u32 s8, $0xFFFFF086  }
0x1c: {  	p1 =	slt.u32 s9, $0xF7A;
	s5 =	simm.s32 @!p2 $0x0  }
0x1d: {  	s5 =	simm.s32 @p1 $0x1;
	p0 =	seq.s32 s7, s2  }
0x1e: {  	s7 =	smul.u32 @!p0 $0xF7A, s2;
	p2 =	seq.s32 @!p0 s5, $0x0  }
0x1f: {  	s9 =	smul.u32 $0xF7A, s1;
	s8 =	simm.s32 @!p0 $0x1BF5;
	p2 =	por !p2, p0  }
0x20: {  	[sflag:s8] =	ssyncset.s32 @!p0 $0xFFFFF086;
	s6 =	sadd.s32 @!p0 s3, s7;
	s7 =	simm.s32 @!p0 $0x108  }
0x21: {  	s3 =	sadd.s32 s3, s9;
	s6 =	sadd.s32 @!p0 $0x88, s6;
	s7 =	simm.s32 @p2 $0x1082  }
0x22: {  	[simem:s7], [sflag:s8] =	dma.local @!p0 [hbm:s6], $0xF7A  }
0x23: {  	s9 =	sor.u32 $0xD0000000, s2;
	s6 =	simm.s32 $0x108;
	_ =	swait.ge @!p0 [sflag:s8], $0x0  }
0x24: {  	s3 =	sadd.s32 $0x88, s3;
	s6 =	simm.s32 @!p1 $0x1082;
	[sflag:s4] =	ssyncset.s32 $0xFFFFF086  }
0x25: {  	[simem:s6], [sflag:s4] =	dma.local [hbm:s3], $0xF7A  }
0x26: {  	[smem:$0x3F94] =	sst s1;
	(tag) =	ssettag s2;
	_ =	strace s9  }
0x27: {  	s1 =	sld [smem:$0x3FA4]  }
0x28: {  	s2 =	sld [smem:$0x3FA5]  }
0x29: {  	s4 =	sld [smem:$0x3FA7]  }
0x2a: {  	p0 =	seq.s32 s5, $0x0;
	s5 =	sld [smem:$0x3FA8]  }
0x2b: {  	s6 =	sld [smem:$0x3FA9]  }
0x2c: {  	s7 =	sld [smem:$0x3FAA]  }
0x2d: {  	s3 =	simm.s32 $0x108;
	s8 =	sld [smem:$0x3FAB]  }
0x2e: {  	s3 =	simm.s32 @!p0 $0x1082;
	s9 =	sld [smem:$0x3FAC]  }
0x2f: {  	lr =	sadd.s32 s0, s3;
	s0 =	sld [smem:$0x3FA3]  }
0x30: {  	s3 =	sld [smem:$0x3FA6]  }
0x31: {  	[smem:$0x3FAF] =	sst s10  }
0x32: {  	s10 =	sld [smem:$0x3FAD];
	_ =	sdelay $0x3  }
0x33: {  	p0 =	seq.s32 s10, $0x1;
	s10 =	sld [smem:$0x3FAF];
	_ =	sdelay $0x3  }
0x34: {  	[smem:$0x3FAF] =	sst s10  }
0x35: {  	s10 =	sld [smem:$0x3FAE];
	_ =	sdelay $0x3  }
0x36: {  	p1 =	seq.s32 s10, $0x1;
	s10 =	sld [smem:$0x3FAF];
	_ =	sdelay $0x3  }
0x37: {  	[smem:$0x3FAF] =	sst s10  }
0x38: {  	s10 =	sld [smem:$0x3FB0]  }
0x39: {  	_ = 	snop;
	(pc) =	sbr.ind lr, $3  }
0x3a: {  	_ = 	snop  }
0x3b: {  	_ = 	snop  }
0x3c: {  	p2 =	seq.s32 s10, $0x1;
	s10 =	sld [smem:$0x3FAF]  }
0x3d: {  	_ =	shalt  }
0x3e: {  	_ =	shalt  }
0x3f: {  	_ =	shalt  }
0x40: {  	_ =	shalt  }
0x41: {  	_ =	shalt  }
0x42: {  	_ =	shalt  }
0x43: {  	_ =	shalt  }
0x44: {  	_ =	shalt  }
0x45: {  	_ =	shalt  }
0x46: {  	_ =	shalt  }
0x47: {  	_ =	shalt  }
0x48: {  	_ =	shalt  }
0x49: {  	_ =	shalt  }
0x4a: {  	_ =	shalt  }
0x4b: {  	_ =	shalt  }
0x4c: {  	_ =	shalt  }
0x4d: {  	_ =	shalt  }
0x4e: {  	_ =	shalt  }
0x4f: {  	_ =	shalt  }
0x50: {  	_ =	shalt  }
0x51: {  	_ =	shalt  }
0x52: {  	_ =	shalt  }
0x53: {  	_ =	shalt  }
0x54: {  	_ =	shalt  }
0x55: {  	_ =	shalt  }
0x56: {  	_ =	shalt  }
0x57: {  	_ =	shalt  }
0x58: {  	_ =	shalt  }
0x59: {  	_ =	shalt  }
0x5a: {  	_ =	shalt  }
0x5b: {  	_ =	shalt  }
0x5c: {  	_ =	shalt  }
0x5d: {  	_ =	shalt  }
0x5e: {  	_ =	shalt  }
0x5f: {  	_ =	shalt  }
0x60: {  	_ =	shalt  }
0x61: {  	_ =	shalt  }
0x62: {  	_ =	shalt  }
0x63: {  	_ =	shalt  }
0x64: {  	_ =	shalt  }
0x65: {  	_ =	shalt  }
0x66: {  	_ =	shalt  }
0x67: {  	_ =	shalt  }
0x68: {  	_ =	shalt  }
0x69: {  	_ =	shalt  }
0x6a: {  	_ =	shalt  }
0x6b: {  	_ =	shalt  }
0x6c: {  	_ =	shalt  }
0x6d: {  	_ =	shalt  }
0x6e: {  	_ =	shalt  }
0x6f: {  	_ =	shalt  }
0x70: {  	_ =	shalt  }
0x71: {  	_ =	shalt  }
0x72: {  	_ =	shalt  }
0x73: {  	_ =	shalt  }
0x74: {  	_ =	shalt  }
0x75: {  	_ =	shalt  }
0x76: {  	_ =	shalt  }
0x77: {  	_ =	shalt  }
0x78: {  	_ =	shalt  }
0x79: {  	_ =	shalt  }
0x7a: {  	_ =	shalt  }
0x7b: {  	_ =	shalt  }
0x7c: {  	_ =	shalt  }
0x7d: {  	_ =	shalt  }
0x7e: {  	_ =	shalt  }
0x7f: {  	_ =	shalt  }
0x80: {  	_ =	shalt  }
0x81: {  	_ =	shalt  }
0x82: {  	_ =	shalt  }
0x83: {  	_ =	shalt  }
0x84: {  	_ =	shalt  }
0x85: {  	_ =	shalt  }
0x86: {  	_ =	shalt  }
0x87: {  	_ =	shalt  }
.Lfunc_end0:
.L_simem_size_0:
called_computation.1_lowered:
.L_overlay_start_0:
0x88: {  	s2 =	sld [smem:$0x3FD9]  }
0x89: {  	s3 =	sld [smem:$0x3FFE];
	_ =	sdelay $0x1  }
0x8a: {  	s1 =	srdreg.scid  }
0x8b: {  	s0 =	sand.u32 $0x1, s1  }
0x8c: {  	s16 =	sshll.u32 s0, $0xA;
	s2 =	sadd.s32 s3, s2  }
0x8d: {  	s2 =	sadd.s32 s2, s16  }
0x8e: {  	[smem:$0x3FBB] =	sst s2  }
0x8f: {  	_ = 	snop  }
0x90: {  	(tm) =	ssettm $0x1  }
0x91: {  	s17 =	sld [smem:$0x3FFB];
	_ =	sdelay $0x3  }
0x92: {  	_ =	strace s17  }
0x93: {  	s2 =	sld [smem:$0x3FFC];
	_ =	sdelay $0x3  }
0x94: {  	_ =	strace s2  }
0x95: {  	s2 =	sld [smem:$0x3FFD];
	_ =	sdelay $0x3  }
0x96: {  	_ =	strace s2  }
0x97: {  	_ =	strace $0x8FFFFFFF  }
0x98: {  	s18 =	sld [smem:$0x3FDB];
	_ =	sdelay $0x1  }
0x99: {  	s19 =	simm.s32 $_scs_section_size  }
0x9a: {  	s4 =	simm.s32 $_size__tile_overlayer_lowered;
	s5 =	simm.s32 $_tile_overlayer_lowered  }
0x9b: {  	s22 =	simm.s32 $0x1BFF;
	s21 =	sshll.u32 s5, $0x1;
	s2 =	sadd.s32 s19, s18  }
0x9c: {  	s6 =	simm.s32 $0x0;
	s20 =	sshll.u32 s4, $0x1;
	s4 =	sadd.s32 s21, s2  }
0x9d: {  	[timem:s6], [sflag:s22] =	dma.local [hbm:s4], s20  }
0x9e: {  	_ =	swait.ge [sflag:s22], s20  }
0x9f: {  	s3 =	ssub.s32 $0x0, s20;
	[sflag:s22] =	ssyncset.done $0x0  }
0xa0: {  	[sflag:s22] =	ssyncadd.s32 s3;
	_ =	sdelay $0x1  }
0xa1: {  	s23 =	simm.s32 $0x1B8B  }
0xa2: {  	_ =	swait.ge [sflag:s23], $0x1  }
0xa3: {  	[sflag:s23] =	ssyncset.done $0x0  }
0xa4: {  	s25 =	simm.s32 $0x1B8E;
	s24 =	sld [smem:$0x3FFE];
	[sflag:s23] =	ssyncadd.s32 $0xFFFFFFFF  }
0xa5: {  	s26 =	simm.s32 $execute0_lowered;
	[smem:$0x3FD2] =	sst s25  }
0xa6: {  	s4 =	sshll.u32 s26, $0x1;
	_ =	strace $0x80000049;
	[dreg:$0x1] =	wrdreg $0xFFFFFFFF  }
0xa7: {  	s28 =	simm.s32 $_size_execute0_lowered;
	s2 =	sadd.s32 s2, s4;
	[dreg:$0x0] =	wrdreg $0x0  }
0xa8: {  	s4 =	sshll.u32 s28, $0x1;
	[dreg:$0x2] =	wrdreg s2  }
0xa9: {  	[dreg:$0x3] =	wrdreg s4  }
0xaa: {  	[dreg:$0x4] =	wrdreg $0xC0  }
0xab: {  	_ =	task [dreg:s6], $0x5FFFF  }
0xac: {  	[dreg:$0x1] =	wrdreg $0xFFFFFFFF  }
0xad: {  	[dreg:$0x0] =	wrdreg $0x60  }
0xae: {  	[dreg:$0x2] =	wrdreg s24  }
0xaf: {  	[dreg:$0x3] =	wrdreg $0xA8000  }
0xb0: {  	[dreg:$0x4] =	wrdreg $0x9  }
0xb1: {  	_ =	task.clear_ibuf [dreg:s6], $0x5FFFF;
	_ =	strace $0x90000049  }
0xb2: {  	s29 =	simm.s32 $0x9;
	_ =	strace $0x8000004B  }
0xb3: {  	_ =	swait.ge [sflag:s29], $0x1  }
0xb4: {  	[sflag:s29] =	ssyncadd.s32 $0xFFFFFFFF  }
0xb5: {  	_ =	strace $0x9000004B  }
0xb6: {  	_ =	sfence  }
0xb7: {  	s30 =	sld [smem:$0x0];
	_ =	sdelay $0x2  }
0xb8: {  	s31 =	sshll.u32 s1, $0xD;
	s1 =	sshrl.u32 s1, $0x2  }
0xb9: {  	s3 =	sand.u32 $0x4000, s31;
	s1 =	sadd.s32 s1, s30  }
0xba: {  	s0 =	sor.u32 s3, s0;
	s1 =	sshll.u32 s1, $0x11  }
0xbb: {  	s0 =	sor.u32 s1, s0  }
0xbc: {  	s0 =	sadd.s32 $0x8F2B, s0  }
0xbd: {  	[sflag:s0] =	ssyncadd.remote.s32 $0x1  }
0xbe: {  	_ =	sfence.sel $0xFFFF  }
0xbf: {  	[dreg:$0x0] =	wrdreg $0xFFFFFFFF;
	(pc) =	sbr.abs _section_cstart, $3  }
0xc0: {  	[dreg:$0x1] =	wrdreg $0xFFFFFFFF  }
0xc1: {  	_ =	task.clear_ibuf [dreg:s6], $0x2FFFF;
	_ =	strace $0x9FFFFFFF  }
0xc2: {  	(tm) =	ssettm $0x7FFFFFFF  }
0xc3: {  	_ =	shalt  }
tec
execute0_lowered:
.L_overlay_start_1:
0x0: {  	(tag) =	ssettag $0x1  }
0x1: {  	s0 =	rddreg [dreg:$0x0];
	s1 =	srdreg.scid  }
0x2: {  	s2 =	rddreg [dreg:$0x1];
	s8 =	stileid.u32  }
0x3: {  	s3 =	simm.s32 $0x0;
	s16 =	simm.s32 $0x2800;
	s17 =	simm.s32 $0x5  }
0x4: {  	s28 =	simm.s32 $0x4;
	s29 =	simm.s32 $0x1380;
	s30 =	simm.s32 $0x13C0  }
0x5: {  	s31 =	simm.s32 $0x2700;
	s1 =	sand.u32 $0x1, s1;
	s6 =	smul.u32 $0x14000, s8  }
0x6: {  	[smem:$0x7FF] =	sst s3;
	s4 =	sadd.s32 $0x17600, s0;
	s18 =	sadd.s32 $0x3600, s0  }
0x7: {  	s7 =	smul.u32 $0x50000, s8;
	s13 =	sadd.s32 $0xD600, s0;
	s19 =	sshll.u32 s8, $0x1  }
0x8: {  	s5 =	smul.u32 $0x140000, s1;
	s20 =	ssub.s32 $0x2, s1;
	s1 =	sor.u32 s1, s19  }
0x9: {  	_ =	strace $0x8000004A;
	s19 =	simm.s32 $0x40;
	s9 =	smul.u32 $0x2800, s1  }
0xa: {  	s21 =	sshrl.u32 s7, $0x2;
	s22 =	sshrl.u32 s20, $0x1;
	s1 =	smul.u32 $0x500, s1  }
0xb: {  	s5 =	sadd.s32 s6, s5;
	s15 =	ssub.s32 s20, s22;
	s20 =	simm.s32 $0x4800  }
0xc: {  	s22 =	simm.s32 $0x8800;
	s5 =	sshrl.u32 s5, $0x3;
	s11 =	sshrl.u32 s9, $0x3  }
0xd: {  	s10 =	sadd.s32 s18, s1;
	s15 =	smax.u32 s15, $0x1;
	s0 =	sadd.s32 s5, s0  }
0xe: {  	s5 =	sadd.s32 s21, s2;
	s14 =	sadd.s32 $0x280, s11;
	s11 =	sadd.s32 s13, s1  }
0xf: {  	s21 =	simm.s32 $0x6800;
	s23 =	sadd.s32 $0x4000, s5;
	s24 =	sadd.s32 $0x8000, s5  }
0x10: {  	s25 =	sadd.s32 $0xC000, s5;
	s26 =	sadd.s32 $0x10000, s5;
	[dreg:$0x3] =	wrdreg s23  }
0x11: {  	s12 =	sadd.s32 s18, s14;
	s13 =	sadd.s32 s13, s14;
	[dreg:$0x4] =	wrdreg s24  }
0x12: {  	s14 =	sadd.s32 $0x3E800, s0;
	s18 =	simm.s32 $0x1400;
	[dreg:$0x5] =	wrdreg s25  }
0x13: {  	s0 =	simm.s32 $0x2780;
	[dreg:$0x6] =	wrdreg s26;
	s23 =	simm.s32 $0x1  }
0x14: {  	v0 =	vimm.f32 $0.0e+00;
	s24 =	simm.s32 $0x2;
	s25 =	simm.s32 $0x80;
	s26 =	simm.s32 $0x3  }
.LBB2_1:
0x15: {  	s1 =	simm.s32 $0x0;
	s6 =	simm.s32 $0x200  }
.LBB2_2:
0x16: {  	p0 =	sne.s32 s6, $0xFE00;
	[tilespmem:s1+$0x2870] =	vst v0  }
0x17: {  	[tilespmem:s1+$0x2800] =	vst v0  }
0x18: {  	[tilespmem:s1+$0x2810] =	vst v0  }
.Ltmp0:
0x19: {  	[tilespmem:s1+$0x2820] =	vst v0;
	(pc) =	sbr.rel @p0 .LBB2_2-.Ltmp0, $4  }
0x1a: {  	[tilespmem:s1+$0x2830] =	vst v0  }
0x1b: {  	[tilespmem:s1+$0x2840] =	vst v0  }
0x1c: {  	[tilespmem:s1+$0x2850] =	vst v0  }
0x1d: {  	[tilespmem:s1+$0x2860] =	vst v0;
	s1 =	sshra.s32 s6, $0x2;
	s6 =	sadd.s32 $0x200, s6  }
0x1e: {  	[tilespmem:s1+$0x2870] =	vst v0  }
0x1f: {  	[tilespmem:s1+$0x2800] =	vst v0  }
0x20: {  	[tilespmem:s1+$0x2810] =	vst v0  }
0x21: {  	[tilespmem:s1+$0x2820] =	vst v0  }
0x22: {  	[tilespmem:s1+$0x2830] =	vst v0  }
0x23: {  	[tilespmem:s1+$0x2840] =	vst v0  }
0x24: {  	[tilespmem:s1+$0x2850] =	vst v0  }
0x25: {  	[tilespmem:s1+$0x2860] =	vst v0  }
0x26: {  	[spmem:s5] =	stream.linear.scatter [tilespmem:s16], [sflag:$0x5], $0x4000, $0x38;
	[tilespmem:$0x1E800] =	vst v63  }
0x27: {  	_ =	swait.ge [sflag:s17], $0x4000  }
0x28: {  	[sflag:s17] =	ssyncset.done $0x0  }
0x29: {  	s7 =	rddreg [dreg:$0x3];
	[sflag:s17] =	ssyncadd.s32 $0xFFFFC000  }
0x2a: {  	[spmem:s7] =	stream.linear.scatter [tilespmem:s16], [sflag:$0x5], $0x4000, $0x38;
	[tilespmem:$0x1E800] =	vst v63  }
0x2b: {  	_ =	swait.ge [sflag:s17], $0x4000  }
0x2c: {  	[sflag:s17] =	ssyncset.done $0x0  }
0x2d: {  	s8 =	rddreg [dreg:$0x4];
	[sflag:s17] =	ssyncadd.s32 $0xFFFFC000  }
0x2e: {  	[spmem:s8] =	stream.linear.scatter [tilespmem:s16], [sflag:$0x5], $0x4000, $0x38;
	[tilespmem:$0x1E800] =	vst v63  }
0x2f: {  	_ =	swait.ge [sflag:s17], $0x4000  }
0x30: {  	[sflag:s17] =	ssyncset.done $0x0  }
0x31: {  	s9 =	rddreg [dreg:$0x5];
	[sflag:s17] =	ssyncadd.s32 $0xFFFFC000  }
0x32: {  	[spmem:s9] =	stream.linear.scatter [tilespmem:s16], [sflag:$0x5], $0x4000, $0x38;
	[tilespmem:$0x1E800] =	vst v63  }
0x33: {  	_ =	swait.ge [sflag:s17], $0x4000  }
0x34: {  	[sflag:s17] =	ssyncset.done $0x0  }
0x35: {  	s6 =	rddreg [dreg:$0x6];
	[sflag:s17] =	ssyncadd.s32 $0xFFFFC000  }
0x36: {  	[spmem:s6] =	stream.linear.scatter [tilespmem:s16], [sflag:$0x5], $0x4000, $0x38;
	[tilespmem:$0x1E800] =	vst v63  }
0x37: {  	_ =	swait.ge [sflag:s17], $0x4000  }
0x38: {  	[sflag:s17] =	ssyncset.done $0x0  }
0x39: {  	[sflag:s17] =	ssyncadd.s32 $0xFFFFC000  }
0x3a: {  	s7 =	simm.s32 $0x0;
	[bflag:$0x0] =	sbarrier.arrive $0xFFFF  }
0x3b: {  	[tilespmem:s7], [sflag:$0x5] =	stream.linear.gather [hbm4b:s10+s7], $0x1400, $0x38;
	[tilespmem:$0x1E800] =	vst v63  }
0x3c: {  	_ =	swait.ge [sflag:s17], $0x1400  }
0x3d: {  	[sflag:s17] =	ssyncset.done $0x0  }
0x3e: {  	[sflag:s17] =	ssyncadd.s32 $0xFFFFEC00  }
0x3f: {  	[tilespmem:s18], [sflag:$0x5] =	stream.linear.gather [hbm4b:s11+s7], $0x1400, $0x38;
	[tilespmem:$0x1E800] =	vst v63  }
0x40: {  	_ =	swait.ge [sflag:s17], $0x1400  }
0x41: {  	[sflag:s17] =	ssyncset.done $0x0  }
0x42: {  	[sflag:s17] =	ssyncadd.s32 $0xFFFFEC00  }
0x43: {  	[tilespmem:s16], [sflag:$0x1] =	stream.indirect.gather [hbm4b:s4+s19], $0x80, s7, s19, $0xb8;
	[tilespmem:$0x1E800] =	vst v63  }
0x44: {  	_ = 	snop  }
0x45: {  	[tilespmem:s20], [sflag:$0x2] =	stream.indirect.gather [hbm4b:s4+s19], $0x80, s19, s19, $0xb8;
	[tilespmem:$0x1E800] =	vst v63  }
0x46: {  	s8 =	simm.s32 $0x80  }
0x47: {  	[tilespmem:s21], [sflag:$0x3] =	stream.indirect.gather [hbm4b:s4+s19], $0x80, s8, s19, $0xb8;
	[tilespmem:$0x1E800] =	vst v63  }
0x48: {  	s9 =	simm.s32 $0xC0  }
0x49: {  	[tilespmem:s22], [sflag:$0x4] =	stream.indirect.gather [hbm4b:s4+s19], $0x80, s9, s19, $0xb8;
	[tilespmem:$0x1E800] =	vst v63  }
0x4a: {  	_ =	swait.ge [sflag:s23], $0x2000  }
0x4b: {  	[sflag:s23] =	ssyncset.done $0x0  }
0x4c: {  	[sflag:s23] =	ssyncadd.s32 $0xFFFFE000  }
0x4d: {  	_ =	swait.ge [sflag:s24], $0x2000  }
0x4e: {  	[sflag:s24] =	ssyncset.done $0x0  }
0x4f: {  	s6 =	simm.s32 $0x1400;
	[sflag:s24] =	ssyncadd.s32 $0xFFFFE000  }
0x50: {  	[spmem:s2] =	stream.indirect.scatter.add.f32 [tilespmem:s16], [sflag:$0x5], $0x80, s6, s25, $0xb8;
	[tilespmem:$0x1E800] =	vst v63  }
0x51: {  	_ =	swait.ge [sflag:s17], $0x4000  }
0x52: {  	[sflag:s17] =	ssyncset.done $0x0  }
0x53: {  	s7 =	simm.s32 $0x100;
	[sflag:s17] =	ssyncadd.s32 $0xFFFFC000  }
0x54: {  	[tilespmem:s16], [sflag:$0x1] =	stream.indirect.gather [hbm4b:s4+s19], $0x80, s7, s19, $0xb8;
	[tilespmem:$0x1E800] =	vst v63  }
0x55: {  	s8 =	simm.s32 $0x140  }
0x56: {  	[tilespmem:s20], [sflag:$0x2] =	stream.indirect.gather [hbm4b:s4+s19], $0x80, s8, s19, $0xb8;
	[tilespmem:$0x1E800] =	vst v63  }
0x57: {  	_ =	swait.ge [sflag:s26], $0x2000  }
0x58: {  	[sflag:s26] =	ssyncset.done $0x0  }
0x59: {  	[sflag:s26] =	ssyncadd.s32 $0xFFFFE000  }
0x5a: {  	_ =	swait.ge [sflag:s28], $0x2000  }
0x5b: {  	[sflag:s28] =	ssyncset.done $0x0  }
0x5c: {  	s9 =	simm.s32 $0x1480;
	[sflag:s28] =	ssyncadd.s32 $0xFFFFE000  }
0x5d: {  	[spmem:s2] =	stream.indirect.scatter.add.f32 [tilespmem:s21], [sflag:$0x5], $0x80, s9, s25, $0xb8;
	[tilespmem:$0x1E800] =	vst v63  }
0x5e: {  	_ =	swait.ge [sflag:s17], $0x4000  }
0x5f: {  	s1 =	simm.s32 $0x100;
	s6 =	simm.s32 $0x800;
	[sflag:s17] =	ssyncset.done $0x0  }
.LBB2_4:
0x60: {  	s7 =	sadd.s32 $0x80, s1  }
0x61: {  	[sflag:s17] =	ssyncadd.s32 $0xFFFFC000;
	s8 =	smov.u32 s6;
	s9 =	sadd.s32 $0x400, s6  }
0x62: {  	[tilespmem:s21], [sflag:$0x3] =	stream.indirect.gather [hbm4b:s4+s19], $0x80, s7, s19, $0xb8;
	[tilespmem:$0x1E800] =	vst v63  }
0x63: {  	p0 =	sne.s32 s6, $0x4800;
	s6 =	sadd.s32 $0xC0, s1  }
0x64: {  	[tilespmem:s22], [sflag:$0x4] =	stream.indirect.gather [hbm4b:s4+s19], $0x80, s6, s19, $0xb8;
	[tilespmem:$0x1E800] =	vst v63  }
0x65: {  	_ =	swait.ge [sflag:s23], $0x2000  }
0x66: {  	[sflag:s23] =	ssyncset.done $0x0  }
0x67: {  	[sflag:s23] =	ssyncadd.s32 $0xFFFFE000  }
0x68: {  	_ =	swait.ge [sflag:s24], $0x2000  }
0x69: {  	[sflag:s24] =	ssyncset.done $0x0  }
0x6a: {  	s6 =	sadd.s32 $0x1400, s1;
	[sflag:s24] =	ssyncadd.s32 $0xFFFFE000  }
0x6b: {  	[spmem:s2] =	stream.indirect.scatter.add.f32 [tilespmem:s16], [sflag:$0x5], $0x80, s6, s25, $0xb8;
	[tilespmem:$0x1E800] =	vst v63  }
0x6c: {  	_ =	swait.ge [sflag:s17], $0x4000  }
0x6d: {  	[sflag:s17] =	ssyncset.done $0x0  }
0x6e: {  	s6 =	sadd.s32 $0x100, s1;
	[sflag:s17] =	ssyncadd.s32 $0xFFFFC000  }
0x6f: {  	[tilespmem:s16], [sflag:$0x1] =	stream.indirect.gather [hbm4b:s4+s19], $0x80, s6, s19, $0xb8;
	[tilespmem:$0x1E800] =	vst v63  }
0x70: {  	s6 =	sadd.s32 $0x140, s1  }
0x71: {  	[tilespmem:s20], [sflag:$0x2] =	stream.indirect.gather [hbm4b:s4+s19], $0x80, s6, s19, $0xb8;
	[tilespmem:$0x1E800] =	vst v63  }
0x72: {  	_ =	swait.ge [sflag:s26], $0x2000  }
0x73: {  	[sflag:s26] =	ssyncset.done $0x0  }
0x74: {  	[sflag:s26] =	ssyncadd.s32 $0xFFFFE000  }
0x75: {  	_ =	swait.ge [sflag:s28], $0x2000  }
.Ltmp1:
0x76: {  	[sflag:s28] =	ssyncset.done $0x0;
	(pc) =	sbr.rel @p0 .LBB2_4-.Ltmp1, $4  }
0x77: {  	s1 =	sadd.s32 $0x1480, s1;
	[sflag:s28] =	ssyncadd.s32 $0xFFFFE000  }
0x78: {  	[spmem:s2] =	stream.indirect.scatter.add.f32 [tilespmem:s21], [sflag:$0x5], $0x80, s1, s25, $0xb8;
	[tilespmem:$0x1E800] =	vst v63  }
0x79: {  	_ =	swait.ge [sflag:s17], $0x4000  }
0x7a: {  	s6 =	smov.u32 s9;
	s1 =	sshra.s32 s8, $0x2;
	[sflag:s17] =	ssyncset.done $0x0  }
0x7b: {  	s6 =	sadd.s32 $0x80, s1;
	[sflag:s17] =	ssyncadd.s32 $0xFFFFC000  }
0x7c: {  	[tilespmem:s21], [sflag:$0x3] =	stream.indirect.gather [hbm4b:s4+s19], $0x80, s6, s19, $0xb8;
	[tilespmem:$0x1E800] =	vst v63  }
0x7d: {  	s9 =	sadd.s32 $0xC0, s1  }
0x7e: {  	[tilespmem:s22], [sflag:$0x4] =	stream.indirect.gather [hbm4b:s4+s19], $0x80, s9, s19, $0xb8;
	[tilespmem:$0x1E800] =	vst v63  }
0x7f: {  	_ =	swait.ge [sflag:s23], $0x2000  }
0x80: {  	[sflag:s23] =	ssyncset.done $0x0  }
0x81: {  	[sflag:s23] =	ssyncadd.s32 $0xFFFFE000  }
0x82: {  	_ =	swait.ge [sflag:s24], $0x2000  }
0x83: {  	[sflag:s24] =	ssyncset.done $0x0  }
0x84: {  	s7 =	sadd.s32 $0x1400, s1;
	[sflag:s24] =	ssyncadd.s32 $0xFFFFE000  }
0x85: {  	[spmem:s2] =	stream.indirect.scatter.add.f32 [tilespmem:s16], [sflag:$0x5], $0x80, s7, s25, $0xb8;
	[tilespmem:$0x1E800] =	vst v63  }
0x86: {  	_ =	swait.ge [sflag:s17], $0x4000  }
0x87: {  	[sflag:s17] =	ssyncset.done $0x0  }
0x88: {  	s8 =	sadd.s32 $0x100, s1;
	[sflag:s17] =	ssyncadd.s32 $0xFFFFC000  }
0x89: {  	[tilespmem:s16], [sflag:$0x1] =	stream.indirect.gather [hbm4b:s4+s19], $0x80, s8, s19, $0xb8;
	[tilespmem:$0x1E800] =	vst v63  }
0x8a: {  	s9 =	sadd.s32 $0x140, s1  }
0x8b: {  	[tilespmem:s20], [sflag:$0x2] =	stream.indirect.gather [hbm4b:s4+s19], $0x80, s9, s19, $0xb8;
	[tilespmem:$0x1E800] =	vst v63  }
0x8c: {  	_ =	swait.ge [sflag:s26], $0x2000  }
0x8d: {  	[sflag:s26] =	ssyncset.done $0x0  }
0x8e: {  	[sflag:s26] =	ssyncadd.s32 $0xFFFFE000  }
0x8f: {  	_ =	swait.ge [sflag:s28], $0x2000  }
0x90: {  	[sflag:s28] =	ssyncset.done $0x0  }
0x91: {  	s6 =	sadd.s32 $0x1480, s1;
	[sflag:s28] =	ssyncadd.s32 $0xFFFFE000  }
0x92: {  	[spmem:s2] =	stream.indirect.scatter.add.f32 [tilespmem:s21], [sflag:$0x5], $0x80, s6, s25, $0xb8;
	[tilespmem:$0x1E800] =	vst v63  }
0x93: {  	_ =	swait.ge [sflag:s17], $0x4000  }
0x94: {  	[sflag:s17] =	ssyncset.done $0x0  }
0x95: {  	[sflag:s17] =	ssyncadd.s32 $0xFFFFC000  }
0x96: {  	[tilespmem:s21], [sflag:$0x3] =	stream.indirect.gather [hbm4b:s4+s19], $0x80, s29, s19, $0xb8;
	[tilespmem:$0x1E800] =	vst v63  }
0x97: {  	_ = 	snop  }
0x98: {  	[tilespmem:s22], [sflag:$0x4] =	stream.indirect.gather [hbm4b:s4+s19], $0x80, s30, s19, $0xb8;
	[tilespmem:$0x1E800] =	vst v63  }
0x99: {  	_ =	swait.ge [sflag:s23], $0x2000  }
0x9a: {  	[sflag:s23] =	ssyncset.done $0x0  }
0x9b: {  	[sflag:s23] =	ssyncadd.s32 $0xFFFFE000  }
0x9c: {  	_ =	swait.ge [sflag:s24], $0x2000  }
0x9d: {  	[sflag:s24] =	ssyncset.done $0x0  }
0x9e: {  	[sflag:s24] =	ssyncadd.s32 $0xFFFFE000  }
0x9f: {  	[spmem:s2] =	stream.indirect.scatter.add.f32 [tilespmem:s16], [sflag:$0x5], $0x80, s31, s25, $0xb8;
	[tilespmem:$0x1E800] =	vst v63  }
0xa0: {  	_ =	swait.ge [sflag:s17], $0x4000  }
0xa1: {  	[sflag:s17] =	ssyncset.done $0x0  }
0xa2: {  	[sflag:s17] =	ssyncadd.s32 $0xFFFFC000  }
0xa3: {  	_ =	swait.ge [sflag:s26], $0x2000  }
0xa4: {  	[sflag:s26] =	ssyncset.done $0x0  }
0xa5: {  	[sflag:s26] =	ssyncadd.s32 $0xFFFFE000  }
0xa6: {  	_ =	swait.ge [sflag:s28], $0x2000  }
0xa7: {  	[sflag:s28] =	ssyncset.done $0x0  }
0xa8: {  	[sflag:s28] =	ssyncadd.s32 $0xFFFFE000  }
0xa9: {  	[spmem:s2] =	stream.indirect.scatter.add.f32 [tilespmem:s21], [sflag:$0x5], $0x80, s0, s25, $0xb8;
	[tilespmem:$0x1E800] =	vst v63  }
0xaa: {  	_ =	swait.ge [sflag:s17], $0x4000  }
0xab: {  	[sflag:s17] =	ssyncset.done $0x0  }
0xac: {  	s7 =	simm.s32 $0x0;
	[sflag:s17] =	ssyncadd.s32 $0xFFFFC000  }
0xad: {  	[tilespmem:s7], [sflag:$0x5] =	stream.linear.gather [hbm4b:s12+s7], $0x1400, $0x38;
	[tilespmem:$0x1E800] =	vst v63  }
0xae: {  	_ =	swait.ge [sflag:s17], $0x1400  }
0xaf: {  	[sflag:s17] =	ssyncset.done $0x0  }
0xb0: {  	[sflag:s17] =	ssyncadd.s32 $0xFFFFEC00  }
0xb1: {  	[tilespmem:s18], [sflag:$0x5] =	stream.linear.gather [hbm4b:s13+s7], $0x1400, $0x38;
	[tilespmem:$0x1E800] =	vst v63  }
0xb2: {  	_ =	swait.ge [sflag:s17], $0x1400  }
0xb3: {  	[sflag:s17] =	ssyncset.done $0x0  }
0xb4: {  	[sflag:s17] =	ssyncadd.s32 $0xFFFFEC00  }
0xb5: {  	[tilespmem:s16], [sflag:$0x1] =	stream.indirect.gather [hbm4b:s4+s19], $0x80, s7, s19, $0xb8;
	[tilespmem:$0x1E800] =	vst v63  }
0xb6: {  	_ = 	snop  }
0xb7: {  	[tilespmem:s20], [sflag:$0x2] =	stream.indirect.gather [hbm4b:s4+s19], $0x80, s19, s19, $0xb8;
	[tilespmem:$0x1E800] =	vst v63  }
0xb8: {  	s8 =	simm.s32 $0x80  }
0xb9: {  	[tilespmem:s21], [sflag:$0x3] =	stream.indirect.gather [hbm4b:s4+s19], $0x80, s8, s19, $0xb8;
	[tilespmem:$0x1E800] =	vst v63  }
0xba: {  	s9 =	simm.s32 $0xC0  }
0xbb: {  	[tilespmem:s22], [sflag:$0x4] =	stream.indirect.gather [hbm4b:s4+s19], $0x80, s9, s19, $0xb8;
	[tilespmem:$0x1E800] =	vst v63  }
0xbc: {  	_ =	swait.ge [sflag:s23], $0x2000  }
0xbd: {  	[sflag:s23] =	ssyncset.done $0x0  }
0xbe: {  	[sflag:s23] =	ssyncadd.s32 $0xFFFFE000  }
0xbf: {  	_ =	swait.ge [sflag:s24], $0x2000  }
0xc0: {  	[sflag:s24] =	ssyncset.done $0x0  }
0xc1: {  	s6 =	simm.s32 $0x1400;
	[sflag:s24] =	ssyncadd.s32 $0xFFFFE000  }
0xc2: {  	[spmem:s2] =	stream.indirect.scatter.add.f32 [tilespmem:s16], [sflag:$0x5], $0x80, s6, s25, $0xb8;
	[tilespmem:$0x1E800] =	vst v63  }
0xc3: {  	_ =	swait.ge [sflag:s17], $0x4000  }
0xc4: {  	[sflag:s17] =	ssyncset.done $0x0  }
0xc5: {  	s7 =	simm.s32 $0x100;
	[sflag:s17] =	ssyncadd.s32 $0xFFFFC000  }
0xc6: {  	[tilespmem:s16], [sflag:$0x1] =	stream.indirect.gather [hbm4b:s4+s19], $0x80, s7, s19, $0xb8;
	[tilespmem:$0x1E800] =	vst v63  }
0xc7: {  	s8 =	simm.s32 $0x140  }
0xc8: {  	[tilespmem:s20], [sflag:$0x2] =	stream.indirect.gather [hbm4b:s4+s19], $0x80, s8, s19, $0xb8;
	[tilespmem:$0x1E800] =	vst v63  }
0xc9: {  	_ =	swait.ge [sflag:s26], $0x2000  }
0xca: {  	[sflag:s26] =	ssyncset.done $0x0  }
0xcb: {  	[sflag:s26] =	ssyncadd.s32 $0xFFFFE000  }
0xcc: {  	_ =	swait.ge [sflag:s28], $0x2000  }
0xcd: {  	[sflag:s28] =	ssyncset.done $0x0  }
0xce: {  	s9 =	simm.s32 $0x1480;
	[sflag:s28] =	ssyncadd.s32 $0xFFFFE000  }
0xcf: {  	[spmem:s2] =	stream.indirect.scatter.add.f32 [tilespmem:s21], [sflag:$0x5], $0x80, s9, s25, $0xb8;
	[tilespmem:$0x1E800] =	vst v63  }
0xd0: {  	_ =	swait.ge [sflag:s17], $0x4000  }
0xd1: {  	s1 =	simm.s32 $0x100;
	s6 =	simm.s32 $0x800;
	[sflag:s17] =	ssyncset.done $0x0  }
.LBB2_6:
0xd2: {  	s7 =	sadd.s32 $0x80, s1  }
0xd3: {  	[sflag:s17] =	ssyncadd.s32 $0xFFFFC000;
	s8 =	smov.u32 s6;
	s9 =	sadd.s32 $0x400, s6  }
0xd4: {  	[tilespmem:s21], [sflag:$0x3] =	stream.indirect.gather [hbm4b:s4+s19], $0x80, s7, s19, $0xb8;
	[tilespmem:$0x1E800] =	vst v63  }
0xd5: {  	p0 =	sne.s32 s6, $0x4800;
	s6 =	sadd.s32 $0xC0, s1  }
0xd6: {  	[tilespmem:s22], [sflag:$0x4] =	stream.indirect.gather [hbm4b:s4+s19], $0x80, s6, s19, $0xb8;
	[tilespmem:$0x1E800] =	vst v63  }
0xd7: {  	_ =	swait.ge [sflag:s23], $0x2000  }
0xd8: {  	[sflag:s23] =	ssyncset.done $0x0  }
0xd9: {  	[sflag:s23] =	ssyncadd.s32 $0xFFFFE000  }
0xda: {  	_ =	swait.ge [sflag:s24], $0x2000  }
0xdb: {  	[sflag:s24] =	ssyncset.done $0x0  }
0xdc: {  	s6 =	sadd.s32 $0x1400, s1;
	[sflag:s24] =	ssyncadd.s32 $0xFFFFE000  }
0xdd: {  	[spmem:s2] =	stream.indirect.scatter.add.f32 [tilespmem:s16], [sflag:$0x5], $0x80, s6, s25, $0xb8;
	[tilespmem:$0x1E800] =	vst v63  }
0xde: {  	_ =	swait.ge [sflag:s17], $0x4000  }
0xdf: {  	[sflag:s17] =	ssyncset.done $0x0  }
0xe0: {  	s6 =	sadd.s32 $0x100, s1;
	[sflag:s17] =	ssyncadd.s32 $0xFFFFC000  }
0xe1: {  	[tilespmem:s16], [sflag:$0x1] =	stream.indirect.gather [hbm4b:s4+s19], $0x80, s6, s19, $0xb8;
	[tilespmem:$0x1E800] =	vst v63  }
0xe2: {  	s6 =	sadd.s32 $0x140, s1  }
0xe3: {  	[tilespmem:s20], [sflag:$0x2] =	stream.indirect.gather [hbm4b:s4+s19], $0x80, s6, s19, $0xb8;
	[tilespmem:$0x1E800] =	vst v63  }
0xe4: {  	_ =	swait.ge [sflag:s26], $0x2000  }
0xe5: {  	[sflag:s26] =	ssyncset.done $0x0  }
0xe6: {  	[sflag:s26] =	ssyncadd.s32 $0xFFFFE000  }
0xe7: {  	_ =	swait.ge [sflag:s28], $0x2000  }
.Ltmp2:
0xe8: {  	[sflag:s28] =	ssyncset.done $0x0;
	(pc) =	sbr.rel @p0 .LBB2_6-.Ltmp2, $4  }
0xe9: {  	s1 =	sadd.s32 $0x1480, s1;
	[sflag:s28] =	ssyncadd.s32 $0xFFFFE000  }
0xea: {  	[spmem:s2] =	stream.indirect.scatter.add.f32 [tilespmem:s21], [sflag:$0x5], $0x80, s1, s25, $0xb8;
	[tilespmem:$0x1E800] =	vst v63  }
0xeb: {  	_ =	swait.ge [sflag:s17], $0x4000  }
0xec: {  	s6 =	smov.u32 s9;
	s1 =	sshra.s32 s8, $0x2;
	[sflag:s17] =	ssyncset.done $0x0  }
0xed: {  	s6 =	sadd.s32 $0x80, s1;
	[sflag:s17] =	ssyncadd.s32 $0xFFFFC000  }
0xee: {  	[tilespmem:s21], [sflag:$0x3] =	stream.indirect.gather [hbm4b:s4+s19], $0x80, s6, s19, $0xb8;
	[tilespmem:$0x1E800] =	vst v63  }
0xef: {  	s9 =	sadd.s32 $0xC0, s1  }
0xf0: {  	[tilespmem:s22], [sflag:$0x4] =	stream.indirect.gather [hbm4b:s4+s19], $0x80, s9, s19, $0xb8;
	[tilespmem:$0x1E800] =	vst v63  }
0xf1: {  	_ =	swait.ge [sflag:s23], $0x2000  }
0xf2: {  	[sflag:s23] =	ssyncset.done $0x0  }
0xf3: {  	[sflag:s23] =	ssyncadd.s32 $0xFFFFE000  }
0xf4: {  	_ =	swait.ge [sflag:s24], $0x2000  }
0xf5: {  	[sflag:s24] =	ssyncset.done $0x0  }
0xf6: {  	s7 =	sadd.s32 $0x1400, s1;
	[sflag:s24] =	ssyncadd.s32 $0xFFFFE000  }
0xf7: {  	[spmem:s2] =	stream.indirect.scatter.add.f32 [tilespmem:s16], [sflag:$0x5], $0x80, s7, s25, $0xb8;
	[tilespmem:$0x1E800] =	vst v63  }
0xf8: {  	_ =	swait.ge [sflag:s17], $0x4000  }
0xf9: {  	[sflag:s17] =	ssyncset.done $0x0  }
0xfa: {  	s8 =	sadd.s32 $0x100, s1;
	[sflag:s17] =	ssyncadd.s32 $0xFFFFC000  }
0xfb: {  	[tilespmem:s16], [sflag:$0x1] =	stream.indirect.gather [hbm4b:s4+s19], $0x80, s8, s19, $0xb8;
	[tilespmem:$0x1E800] =	vst v63  }
0xfc: {  	s9 =	sadd.s32 $0x140, s1  }
0xfd: {  	[tilespmem:s20], [sflag:$0x2] =	stream.indirect.gather [hbm4b:s4+s19], $0x80, s9, s19, $0xb8;
	[tilespmem:$0x1E800] =	vst v63  }
0xfe: {  	_ =	swait.ge [sflag:s26], $0x2000  }
0xff: {  	[sflag:s26] =	ssyncset.done $0x0  }
0x100: {  	[sflag:s26] =	ssyncadd.s32 $0xFFFFE000  }
0x101: {  	_ =	swait.ge [sflag:s28], $0x2000  }
0x102: {  	[sflag:s28] =	ssyncset.done $0x0  }
0x103: {  	s7 =	sadd.s32 $0x1480, s1;
	[sflag:s28] =	ssyncadd.s32 $0xFFFFE000  }
0x104: {  	[spmem:s2] =	stream.indirect.scatter.add.f32 [tilespmem:s21], [sflag:$0x5], $0x80, s7, s25, $0xb8;
	[tilespmem:$0x1E800] =	vst v63  }
0x105: {  	_ =	swait.ge [sflag:s17], $0x4000  }
0x106: {  	[sflag:s17] =	ssyncset.done $0x0  }
0x107: {  	[sflag:s17] =	ssyncadd.s32 $0xFFFFC000  }
0x108: {  	[tilespmem:s21], [sflag:$0x3] =	stream.indirect.gather [hbm4b:s4+s19], $0x80, s29, s19, $0xb8;
	[tilespmem:$0x1E800] =	vst v63  }
0x109: {  	_ = 	snop  }
0x10a: {  	[tilespmem:s22], [sflag:$0x4] =	stream.indirect.gather [hbm4b:s4+s19], $0x80, s30, s19, $0xb8;
	[tilespmem:$0x1E800] =	vst v63  }
0x10b: {  	_ =	swait.ge [sflag:s23], $0x2000  }
0x10c: {  	[sflag:s23] =	ssyncset.done $0x0  }
0x10d: {  	[sflag:s23] =	ssyncadd.s32 $0xFFFFE000  }
0x10e: {  	_ =	swait.ge [sflag:s24], $0x2000  }
0x10f: {  	[sflag:s24] =	ssyncset.done $0x0  }
0x110: {  	[sflag:s24] =	ssyncadd.s32 $0xFFFFE000  }
0x111: {  	[spmem:s2] =	stream.indirect.scatter.add.f32 [tilespmem:s16], [sflag:$0x5], $0x80, s31, s25, $0xb8;
	[tilespmem:$0x1E800] =	vst v63  }
0x112: {  	_ =	swait.ge [sflag:s17], $0x4000  }
0x113: {  	[sflag:s17] =	ssyncset.done $0x0  }
0x114: {  	[sflag:s17] =	ssyncadd.s32 $0xFFFFC000  }
0x115: {  	_ =	swait.ge [sflag:s26], $0x2000  }
0x116: {  	[sflag:s26] =	ssyncset.done $0x0  }
0x117: {  	[sflag:s26] =	ssyncadd.s32 $0xFFFFE000  }
0x118: {  	_ =	swait.ge [sflag:s28], $0x2000  }
0x119: {  	[sflag:s28] =	ssyncset.done $0x0  }
0x11a: {  	[sflag:s28] =	ssyncadd.s32 $0xFFFFE000  }
0x11b: {  	[spmem:s2] =	stream.indirect.scatter.add.f32 [tilespmem:s21], [sflag:$0x5], $0x80, s0, s25, $0xb8;
	[tilespmem:$0x1E800] =	vst v63  }
0x11c: {  	s8 =	stileid.u32;
	_ =	swait.ge [sflag:s17], $0x4000  }
0x11d: {  	s3 =	sadd.s32 $0x1, s3;
	s1 =	sshll.u32 s8, $0x6;
	[sflag:s17] =	ssyncset.done $0x0  }
0x11e: {  	p0 =	sne.s32 s3, s15;
	s1 =	sor.u32 $0x1C05, s1;
	[sflag:s17] =	ssyncadd.s32 $0xFFFFC000  }
.Ltmp3:
0x11f: {  	s9 =	sshrl.u32 s5, $0x3;
	[bflag:$0x0] =	sbarrier.arrive $0xFFFF;
	(pc) =	sbr.rel @p0 .LBB2_1-.Ltmp3, $4  }
0x120: {  	[hbm:s14], [sflag:s1] =	dma.local [spmem:s9], $0x2800  }
0x121: {  	_ =	swait.ge [sflag:s17], $0x2800  }
0x122: {  	[sflag:s17] =	ssyncset.done $0x0  }
0x123: {  	[sflag:s17] =	ssyncadd.s32 $0xFFFFD800  }
0x124: {  	_ =	sfence.sel $0x180000  }
0x125: {  	[bflag:$0x0] =	sbarrier.arrive $0xFFFF  }
0x126: {  	_ =	strace $0x9000004A  }
0x127: {  	s0 =	stileid.u32;
	[bflag:$0x2] =	sbarrier.arrive $0xFFFF  }
0x128: {  	p0 =	sne.s32 s0, $0x0;
	s0 =	rddreg [dreg:$0x2]  }
0x129: {  	s0 =	sadd.s32 @!p0 $0x100000, s0  }
0x12a: {  	[sflag:s0] =	ssyncadd.tile.s32 @!p0 $0x1;
	_ =	shalt  }
.Lfunc_end2:
_tile_overlayer_lowered:
.L_overlay_start_2:
0x12b: {  	(tag) =	ssettag $0x2  }
0x12c: {  	s0 =	rddreg [dreg:$0x0];
	s2 =	stileid.u32  }
0x12d: {  	s1 =	rddreg [dreg:$0x1];
	p0 =	sne.s32 s2, $0x0  }
0x12e: {  	s3 =	rddreg [dreg:$0x2];
	[bflag:$0x3] =	sbarrier.arrive $0xFFFF;
	s2 =	simm.s32 @!p0 $0x1C05  }
0x12f: {  	[timem:s3], [sflag:s2] =	dma.local @!p0 [hbm:s0], s1  }
0x130: {  	s0 =	simm.s32 @!p0 $0x5  }
0x131: {  	_ =	swait.ge @!p0 [sflag:s0], s1  }
0x132: {  	s1 =	ssub.s32 @!p0 $0x0, s1;
	[sflag:s0] =	ssyncset.done @!p0 $0x0  }
0x133: {  	[sflag:s0] =	ssyncadd.s32 @!p0 s1  }
0x134: {  	[bflag:$0x3] =	sbarrier.arrive $0xFFFF  }
0x135: {  	_ =	shalt  }

// kernel: kernel.14.cloned.1.call-start
scs
__scs_entry_jumppad:
0x0: {  	(pc) =	sbr.rel $0x88, $3  }
0x1: {  	(tag) =	ssettag $0x0;
	lr =	simm.s32 $0x1  }
0x2: {  	[smem:$0x3F94] =	sst lr;
	_ =	strace $0xD0000000  }
0x3: {  	_ = 	snop  }
0x4: {  	_ = 	snop  }
0x5: {  	_ = 	snop  }
0x6: {  	_ = 	snop  }
0x7: {  	_ = 	snop  }
__scs_overlays_trampoline_lowered:
0x8: {  	[smem:$0x3FA3] =	sst s0  }
0x9: {  	[smem:$0x3FA4] =	sst s1  }
0xa: {  	[smem:$0x3FA5] =	sst s2  }
0xb: {  	[smem:$0x3FA6] =	sst s3  }
0xc: {  	[smem:$0x3FA7] =	sst s4  }
0xd: {  	[smem:$0x3FA8] =	sst s5  }
0xe: {  	[smem:$0x3FA9] =	sst s6  }
0xf: {  	[smem:$0x3FAA] =	sst s7  }
0x10: {  	[smem:$0x3FAB] =	sst s8  }
0x11: {  	[smem:$0x3FAC] =	sst s9;
	s0 =	simm.s32 @!p0 $0x0  }
0x12: {  	s1 =	sld [smem:$0x3F92];
	s0 =	simm.s32 @p0 $0x1  }
0x13: {  	[smem:$0x3FAD] =	sst s0;
	s0 =	simm.s32 @!p1 $0x0  }
0x14: {  	s2 =	sld [smem:$0x3F91];
	s0 =	simm.s32 @p1 $0x1  }
0x15: {  	[smem:$0x3FAE] =	sst s0;
	s0 =	simm.s32 @!p2 $0x0  }
0x16: {  	s3 =	sld [smem:$0x3FDB];
	s0 =	simm.s32 @p2 $0x1  }
0x17: {  	s4 =	simm.s32 $0x1BF5;
	[smem:$0x3FB0] =	sst s0  }
0x18: {  	s0 =	sld [smem:$0x3F93];
	_ =	swait.ge [sflag:s4], $0x0  }
0x19: {  	s7 =	sld [smem:$0x3F94]  }
0x1a: {  	s8 =	sadd.s32 $0xFFFFE003, lr  }
0x1b: {  	s9 =	sadd.s32 $0xFFFFFEF7, lr;
	s5 =	simm.s32 $0xFFFFFFFF;
	p2 =	slt.u32 s8, $0xFFFFF086  }
0x1c: {  	p1 =	slt.u32 s9, $0xF7A;
	s5 =	simm.s32 @!p2 $0x0  }
0x1d: {  	s5 =	simm.s32 @p1 $0x1;
	p0 =	seq.s32 s7, s2  }
0x1e: {  	s7 =	smul.u32 @!p0 $0xF7A, s2;
	p2 =	seq.s32 @!p0 s5, $0x0  }
0x1f: {  	s9 =	smul.u32 $0xF7A, s1;
	s8 =	simm.s32 @!p0 $0x1BF5;
	p2 =	por !p2, p0  }
0x20: {  	[sflag:s8] =	ssyncset.s32 @!p0 $0xFFFFF086;
	s6 =	sadd.s32 @!p0 s3, s7;
	s7 =	simm.s32 @!p0 $0x108  }
0x21: {  	s3 =	sadd.s32 s3, s9;
	s6 =	sadd.s32 @!p0 $0x88, s6;
	s7 =	simm.s32 @p2 $0x1082  }
0x22: {  	[simem:s7], [sflag:s8] =	dma.local @!p0 [hbm:s6], $0xF7A  }
0x23: {  	s9 =	sor.u32 $0xD0000000, s2;
	s6 =	simm.s32 $0x108;
	_ =	swait.ge @!p0 [sflag:s8], $0x0  }
0x24: {  	s3 =	sadd.s32 $0x88, s3;
	s6 =	simm.s32 @!p1 $0x1082;
	[sflag:s4] =	ssyncset.s32 $0xFFFFF086  }
0x25: {  	[simem:s6], [sflag:s4] =	dma.local [hbm:s3], $0xF7A  }
0x26: {  	[smem:$0x3F94] =	sst s1;
	(tag) =	ssettag s2;
	_ =	strace s9  }
0x27: {  	s1 =	sld [smem:$0x3FA4]  }
0x28: {  	s2 =	sld [smem:$0x3FA5]  }
0x29: {  	s4 =	sld [smem:$0x3FA7]  }
0x2a: {  	p0 =	seq.s32 s5, $0x0;
	s5 =	sld [smem:$0x3FA8]  }
0x2b: {  	s6 =	sld [smem:$0x3FA9]  }
0x2c: {  	s7 =	sld [smem:$0x3FAA]  }
0x2d: {  	s3 =	simm.s32 $0x108;
	s8 =	sld [smem:$0x3FAB]  }
0x2e: {  	s3 =	simm.s32 @!p0 $0x1082;
	s9 =	sld [smem:$0x3FAC]  }
0x2f: {  	lr =	sadd.s32 s0, s3;
	s0 =	sld [smem:$0x3FA3]  }
0x30: {  	s3 =	sld [smem:$0x3FA6]  }
0x31: {  	[smem:$0x3FAF] =	sst s10  }
0x32: {  	s10 =	sld [smem:$0x3FAD];
	_ =	sdelay $0x3  }
0x33: {  	p0 =	seq.s32 s10, $0x1;
	s10 =	sld [smem:$0x3FAF];
	_ =	sdelay $0x3  }
0x34: {  	[smem:$0x3FAF] =	sst s10  }
0x35: {  	s10 =	sld [smem:$0x3FAE];
	_ =	sdelay $0x3  }
0x36: {  	p1 =	seq.s32 s10, $0x1;
	s10 =	sld [smem:$0x3FAF];
	_ =	sdelay $0x3  }
0x37: {  	[smem:$0x3FAF] =	sst s10  }
0x38: {  	s10 =	sld [smem:$0x3FB0]  }
0x39: {  	_ = 	snop;
	(pc) =	sbr.ind lr, $3  }
0x3a: {  	_ = 	snop  }
0x3b: {  	_ = 	snop  }
0x3c: {  	p2 =	seq.s32 s10, $0x1;
	s10 =	sld [smem:$0x3FAF]  }
0x3d: {  	_ =	shalt  }
0x3e: {  	_ =	shalt  }
0x3f: {  	_ =	shalt  }
0x40: {  	_ =	shalt  }
0x41: {  	_ =	shalt  }
0x42: {  	_ =	shalt  }
0x43: {  	_ =	shalt  }
0x44: {  	_ =	shalt  }
0x45: {  	_ =	shalt  }
0x46: {  	_ =	shalt  }
0x47: {  	_ =	shalt  }
0x48: {  	_ =	shalt  }
0x49: {  	_ =	shalt  }
0x4a: {  	_ =	shalt  }
0x4b: {  	_ =	shalt  }
0x4c: {  	_ =	shalt  }
0x4d: {  	_ =	shalt  }
0x4e: {  	_ =	shalt  }
0x4f: {  	_ =	shalt  }
0x50: {  	_ =	shalt  }
0x51: {  	_ =	shalt  }
0x52: {  	_ =	shalt  }
0x53: {  	_ =	shalt  }
0x54: {  	_ =	shalt  }
0x55: {  	_ =	shalt  }
0x56: {  	_ =	shalt  }
0x57: {  	_ =	shalt  }
0x58: {  	_ =	shalt  }
0x59: {  	_ =	shalt  }
0x5a: {  	_ =	shalt  }
0x5b: {  	_ =	shalt  }
0x5c: {  	_ =	shalt  }
0x5d: {  	_ =	shalt  }
0x5e: {  	_ =	shalt  }
0x5f: {  	_ =	shalt  }
0x60: {  	_ =	shalt  }
0x61: {  	_ =	shalt  }
0x62: {  	_ =	shalt  }
0x63: {  	_ =	shalt  }
0x64: {  	_ =	shalt  }
0x65: {  	_ =	shalt  }
0x66: {  	_ =	shalt  }
0x67: {  	_ =	shalt  }
0x68: {  	_ =	shalt  }
0x69: {  	_ =	shalt  }
0x6a: {  	_ =	shalt  }
0x6b: {  	_ =	shalt  }
0x6c: {  	_ =	shalt  }
0x6d: {  	_ =	shalt  }
0x6e: {  	_ =	shalt  }
0x6f: {  	_ =	shalt  }
0x70: {  	_ =	shalt  }
0x71: {  	_ =	shalt  }
0x72: {  	_ =	shalt  }
0x73: {  	_ =	shalt  }
0x74: {  	_ =	shalt  }
0x75: {  	_ =	shalt  }
0x76: {  	_ =	shalt  }
0x77: {  	_ =	shalt  }
0x78: {  	_ =	shalt  }
0x79: {  	_ =	shalt  }
0x7a: {  	_ =	shalt  }
0x7b: {  	_ =	shalt  }
0x7c: {  	_ =	shalt  }
0x7d: {  	_ =	shalt  }
0x7e: {  	_ =	shalt  }
0x7f: {  	_ =	shalt  }
0x80: {  	_ =	shalt  }
0x81: {  	_ =	shalt  }
0x82: {  	_ =	shalt  }
0x83: {  	_ =	shalt  }
0x84: {  	_ =	shalt  }
0x85: {  	_ =	shalt  }
0x86: {  	_ =	shalt  }
0x87: {  	_ =	shalt  }
.Lfunc_end0:
.L_simem_size_0:
called_computation.2_lowered:
.L_overlay_start_0:
0x88: {  	s2 =	sld [smem:$0x3FD9]  }
0x89: {  	s3 =	sld [smem:$0x3FFE];
	_ =	sdelay $0x1  }
0x8a: {  	s1 =	srdreg.scid  }
0x8b: {  	s0 =	sand.u32 $0x1, s1  }
0x8c: {  	s16 =	sshll.u32 s0, $0xA;
	s2 =	sadd.s32 s3, s2  }
0x8d: {  	s2 =	sadd.s32 s2, s16  }
0x8e: {  	[smem:$0x3FBB] =	sst s2  }
0x8f: {  	_ = 	snop  }
0x90: {  	(tm) =	ssettm $0x1  }
0x91: {  	s17 =	sld [smem:$0x3FFB];
	_ =	sdelay $0x3  }
0x92: {  	_ =	strace s17  }
0x93: {  	s2 =	sld [smem:$0x3FFC];
	_ =	sdelay $0x3  }
0x94: {  	_ =	strace s2  }
0x95: {  	s2 =	sld [smem:$0x3FFD];
	_ =	sdelay $0x3  }
0x96: {  	_ =	strace s2  }
0x97: {  	_ =	strace $0x8FFFFFFF  }
0x98: {  	s18 =	sld [smem:$0x3FDB];
	_ =	sdelay $0x1  }
0x99: {  	s19 =	simm.s32 $_scs_section_size  }
0x9a: {  	s4 =	simm.s32 $_size__tile_overlayer_lowered;
	s5 =	simm.s32 $_tile_overlayer_lowered  }
0x9b: {  	s22 =	simm.s32 $0x1BFF;
	s21 =	sshll.u32 s5, $0x1;
	s2 =	sadd.s32 s19, s18  }
0x9c: {  	s6 =	simm.s32 $0x0;
	s20 =	sshll.u32 s4, $0x1;
	s4 =	sadd.s32 s21, s2  }
0x9d: {  	[timem:s6], [sflag:s22] =	dma.local [hbm:s4], s20  }
0x9e: {  	_ =	swait.ge [sflag:s22], s20  }
0x9f: {  	s3 =	ssub.s32 $0x0, s20;
	[sflag:s22] =	ssyncset.done $0x0  }
0xa0: {  	[sflag:s22] =	ssyncadd.s32 s3;
	_ =	sdelay $0x1  }
0xa1: {  	s23 =	simm.s32 $0x1B8B  }
0xa2: {  	_ =	swait.ge [sflag:s23], $0x1  }
0xa3: {  	[sflag:s23] =	ssyncset.done $0x0  }
0xa4: {  	s25 =	simm.s32 $0x1B8E;
	s24 =	sld [smem:$0x3FFE];
	[sflag:s23] =	ssyncadd.s32 $0xFFFFFFFF  }
0xa5: {  	s26 =	simm.s32 $execute0_lowered;
	[smem:$0x3FD2] =	sst s25  }
0xa6: {  	s4 =	sshll.u32 s26, $0x1;
	_ =	strace $0x8000004C;
	[dreg:$0x1] =	wrdreg $0xFFFFFFFF  }
0xa7: {  	s28 =	simm.s32 $_size_execute0_lowered;
	s2 =	sadd.s32 s2, s4;
	[dreg:$0x0] =	wrdreg $0x0  }
0xa8: {  	s4 =	sshll.u32 s28, $0x1;
	[dreg:$0x2] =	wrdreg s2  }
0xa9: {  	[dreg:$0x3] =	wrdreg s4  }
0xaa: {  	[dreg:$0x4] =	wrdreg $0xC0  }
0xab: {  	_ =	task [dreg:s6], $0x5FFFF  }
0xac: {  	[dreg:$0x1] =	wrdreg $0xFFFFFFFF  }
0xad: {  	[dreg:$0x0] =	wrdreg $0x60  }
0xae: {  	[dreg:$0x2] =	wrdreg s24  }
0xaf: {  	[dreg:$0x3] =	wrdreg $0xA8000  }
0xb0: {  	[dreg:$0x4] =	wrdreg $0x9  }
0xb1: {  	_ =	task.clear_ibuf [dreg:s6], $0x5FFFF;
	_ =	strace $0x9000004C  }
0xb2: {  	s29 =	simm.s32 $0x9;
	_ =	strace $0x8000004E  }
0xb3: {  	_ =	swait.ge [sflag:s29], $0x1  }
0xb4: {  	[sflag:s29] =	ssyncadd.s32 $0xFFFFFFFF  }
0xb5: {  	_ =	strace $0x9000004E  }
0xb6: {  	_ =	sfence  }
0xb7: {  	s30 =	sld [smem:$0x0];
	_ =	sdelay $0x2  }
0xb8: {  	s31 =	sshll.u32 s1, $0xD;
	s1 =	sshrl.u32 s1, $0x2  }
0xb9: {  	s3 =	sand.u32 $0x4000, s31;
	s1 =	sadd.s32 s1, s30  }
0xba: {  	s0 =	sor.u32 s3, s0;
	s1 =	sshll.u32 s1, $0x11  }
0xbb: {  	s0 =	sor.u32 s1, s0  }
0xbc: {  	s0 =	sadd.s32 $0x8F2B, s0  }
0xbd: {  	[sflag:s0] =	ssyncadd.remote.s32 $0x1  }
0xbe: {  	_ =	sfence.sel $0xFFFF  }
0xbf: {  	[dreg:$0x0] =	wrdreg $0xFFFFFFFF;
	(pc) =	sbr.abs _section_cstart, $3  }
0xc0: {  	[dreg:$0x1] =	wrdreg $0xFFFFFFFF  }
0xc1: {  	_ =	task.clear_ibuf [dreg:s6], $0x2FFFF;
	_ =	strace $0x9FFFFFFF  }
0xc2: {  	(tm) =	ssettm $0x7FFFFFFF  }
0xc3: {  	_ =	shalt  }
tec
execute0_lowered:
.L_overlay_start_1:
0x0: {  	(tag) =	ssettag $0x1  }
0x1: {  	s0 =	rddreg [dreg:$0x0];
	s1 =	srdreg.scid  }
0x2: {  	s2 =	rddreg [dreg:$0x1];
	s8 =	stileid.u32  }
0x3: {  	s3 =	simm.s32 $0x0;
	s16 =	simm.s32 $0x2800;
	s17 =	simm.s32 $0x5  }
0x4: {  	s28 =	simm.s32 $0x4;
	s29 =	simm.s32 $0x1380;
	s30 =	simm.s32 $0x13C0  }
0x5: {  	s31 =	simm.s32 $0x2700;
	s1 =	sand.u32 $0x1, s1;
	s6 =	smul.u32 $0x14000, s8  }
0x6: {  	[smem:$0x7FF] =	sst s3;
	s4 =	sadd.s32 $0x17600, s0;
	s18 =	sadd.s32 $0x3600, s0  }
0x7: {  	s7 =	smul.u32 $0x50000, s8;
	s13 =	sadd.s32 $0xD600, s0;
	s19 =	sshll.u32 s8, $0x1  }
0x8: {  	s5 =	smul.u32 $0x140000, s1;
	s20 =	ssub.s32 $0x2, s1;
	s1 =	sor.u32 s1, s19  }
0x9: {  	_ =	strace $0x8000004D;
	s19 =	simm.s32 $0x40;
	s9 =	smul.u32 $0x2800, s1  }
0xa: {  	s21 =	sshrl.u32 s7, $0x2;
	s22 =	sshrl.u32 s20, $0x1;
	s1 =	smul.u32 $0x500, s1  }
0xb: {  	s5 =	sadd.s32 s6, s5;
	s15 =	ssub.s32 s20, s22;
	s20 =	simm.s32 $0x4800  }
0xc: {  	s22 =	simm.s32 $0x8800;
	s5 =	sshrl.u32 s5, $0x3;
	s11 =	sshrl.u32 s9, $0x3  }
0xd: {  	s10 =	sadd.s32 s18, s1;
	s15 =	smax.u32 s15, $0x1;
	s0 =	sadd.s32 s5, s0  }
0xe: {  	s5 =	sadd.s32 s21, s2;
	s14 =	sadd.s32 $0x280, s11;
	s11 =	sadd.s32 s13, s1  }
0xf: {  	s21 =	simm.s32 $0x6800;
	s23 =	sadd.s32 $0x4000, s5;
	s24 =	sadd.s32 $0x8000, s5  }
0x10: {  	s25 =	sadd.s32 $0xC000, s5;
	s26 =	sadd.s32 $0x10000, s5;
	[dreg:$0x3] =	wrdreg s23  }
0x11: {  	s12 =	sadd.s32 s18, s14;
	s13 =	sadd.s32 s13, s14;
	[dreg:$0x4] =	wrdreg s24  }
0x12: {  	s14 =	sadd.s32 $0x3E800, s0;
	s18 =	simm.s32 $0x1400;
	[dreg:$0x5] =	wrdreg s25  }
0x13: {  	s0 =	simm.s32 $0x2780;
	[dreg:$0x6] =	wrdreg s26;
	s23 =	simm.s32 $0x1  }
0x14: {  	v0 =	vimm.f32 $0.0e+00;
	s24 =	simm.s32 $0x2;
	s25 =	simm.s32 $0x80;
	s26 =	simm.s32 $0x3  }
.LBB2_1:
0x15: {  	s1 =	simm.s32 $0x0;
	s6 =	simm.s32 $0x200  }
.LBB2_2:
0x16: {  	p0 =	sne.s32 s6, $0xFE00;
	[tilespmem:s1+$0x2870] =	vst v0  }
0x17: {  	[tilespmem:s1+$0x2800] =	vst v0  }
0x18: {  	[tilespmem:s1+$0x2810] =	vst v0  }
.Ltmp0:
0x19: {  	[tilespmem:s1+$0x2820] =	vst v0;
	(pc) =	sbr.rel @p0 .LBB2_2-.Ltmp0, $4  }
0x1a: {  	[tilespmem:s1+$0x2830] =	vst v0  }
0x1b: {  	[tilespmem:s1+$0x2840] =	vst v0  }
0x1c: {  	[tilespmem:s1+$0x2850] =	vst v0  }
0x1d: {  	[tilespmem:s1+$0x2860] =	vst v0;
	s1 =	sshra.s32 s6, $0x2;
	s6 =	sadd.s32 $0x200, s6  }
0x1e: {  	[tilespmem:s1+$0x2870] =	vst v0  }
0x1f: {  	[tilespmem:s1+$0x2800] =	vst v0  }
0x20: {  	[tilespmem:s1+$0x2810] =	vst v0  }
0x21: {  	[tilespmem:s1+$0x2820] =	vst v0  }
0x22: {  	[tilespmem:s1+$0x2830] =	vst v0  }
0x23: {  	[tilespmem:s1+$0x2840] =	vst v0  }
0x24: {  	[tilespmem:s1+$0x2850] =	vst v0  }
0x25: {  	[tilespmem:s1+$0x2860] =	vst v0  }
0x26: {  	[spmem:s5] =	stream.linear.scatter [tilespmem:s16], [sflag:$0x5], $0x4000, $0x38;
	[tilespmem:$0x1E800] =	vst v63  }
0x27: {  	_ =	swait.ge [sflag:s17], $0x4000  }
0x28: {  	[sflag:s17] =	ssyncset.done $0x0  }
0x29: {  	s7 =	rddreg [dreg:$0x3];
	[sflag:s17] =	ssyncadd.s32 $0xFFFFC000  }
0x2a: {  	[spmem:s7] =	stream.linear.scatter [tilespmem:s16], [sflag:$0x5], $0x4000, $0x38;
	[tilespmem:$0x1E800] =	vst v63  }
0x2b: {  	_ =	swait.ge [sflag:s17], $0x4000  }
0x2c: {  	[sflag:s17] =	ssyncset.done $0x0  }
0x2d: {  	s8 =	rddreg [dreg:$0x4];
	[sflag:s17] =	ssyncadd.s32 $0xFFFFC000  }
0x2e: {  	[spmem:s8] =	stream.linear.scatter [tilespmem:s16], [sflag:$0x5], $0x4000, $0x38;
	[tilespmem:$0x1E800] =	vst v63  }
0x2f: {  	_ =	swait.ge [sflag:s17], $0x4000  }
0x30: {  	[sflag:s17] =	ssyncset.done $0x0  }
0x31: {  	s9 =	rddreg [dreg:$0x5];
	[sflag:s17] =	ssyncadd.s32 $0xFFFFC000  }
0x32: {  	[spmem:s9] =	stream.linear.scatter [tilespmem:s16], [sflag:$0x5], $0x4000, $0x38;
	[tilespmem:$0x1E800] =	vst v63  }
0x33: {  	_ =	swait.ge [sflag:s17], $0x4000  }
0x34: {  	[sflag:s17] =	ssyncset.done $0x0  }
0x35: {  	s6 =	rddreg [dreg:$0x6];
	[sflag:s17] =	ssyncadd.s32 $0xFFFFC000  }
0x36: {  	[spmem:s6] =	stream.linear.scatter [tilespmem:s16], [sflag:$0x5], $0x4000, $0x38;
	[tilespmem:$0x1E800] =	vst v63  }
0x37: {  	_ =	swait.ge [sflag:s17], $0x4000  }
0x38: {  	[sflag:s17] =	ssyncset.done $0x0  }
0x39: {  	[sflag:s17] =	ssyncadd.s32 $0xFFFFC000  }
0x3a: {  	s7 =	simm.s32 $0x0;
	[bflag:$0x0] =	sbarrier.arrive $0xFFFF  }
0x3b: {  	[tilespmem:s7], [sflag:$0x5] =	stream.linear.gather [hbm4b:s10+s7], $0x1400, $0x38;
	[tilespmem:$0x1E800] =	vst v63  }
0x3c: {  	_ =	swait.ge [sflag:s17], $0x1400  }
0x3d: {  	[sflag:s17] =	ssyncset.done $0x0  }
0x3e: {  	[sflag:s17] =	ssyncadd.s32 $0xFFFFEC00  }
0x3f: {  	[tilespmem:s18], [sflag:$0x5] =	stream.linear.gather [hbm4b:s11+s7], $0x1400, $0x38;
	[tilespmem:$0x1E800] =	vst v63  }
0x40: {  	_ =	swait.ge [sflag:s17], $0x1400  }
0x41: {  	[sflag:s17] =	ssyncset.done $0x0  }
0x42: {  	[sflag:s17] =	ssyncadd.s32 $0xFFFFEC00  }
0x43: {  	[tilespmem:s16], [sflag:$0x1] =	stream.indirect.gather [hbm4b:s4+s19], $0x80, s7, s19, $0xb8;
	[tilespmem:$0x1E800] =	vst v63  }
0x44: {  	_ = 	snop  }
0x45: {  	[tilespmem:s20], [sflag:$0x2] =	stream.indirect.gather [hbm4b:s4+s19], $0x80, s19, s19, $0xb8;
	[tilespmem:$0x1E800] =	vst v63  }
0x46: {  	s8 =	simm.s32 $0x80  }
0x47: {  	[tilespmem:s21], [sflag:$0x3] =	stream.indirect.gather [hbm4b:s4+s19], $0x80, s8, s19, $0xb8;
	[tilespmem:$0x1E800] =	vst v63  }
0x48: {  	s9 =	simm.s32 $0xC0  }
0x49: {  	[tilespmem:s22], [sflag:$0x4] =	stream.indirect.gather [hbm4b:s4+s19], $0x80, s9, s19, $0xb8;
	[tilespmem:$0x1E800] =	vst v63  }
0x4a: {  	_ =	swait.ge [sflag:s23], $0x2000  }
0x4b: {  	[sflag:s23] =	ssyncset.done $0x0  }
0x4c: {  	[sflag:s23] =	ssyncadd.s32 $0xFFFFE000  }
0x4d: {  	_ =	swait.ge [sflag:s24], $0x2000  }
0x4e: {  	[sflag:s24] =	ssyncset.done $0x0  }
0x4f: {  	s6 =	simm.s32 $0x1400;
	[sflag:s24] =	ssyncadd.s32 $0xFFFFE000  }
0x50: {  	[spmem:s2] =	stream.indirect.scatter.add.f32 [tilespmem:s16], [sflag:$0x5], $0x80, s6, s25, $0xb8;
	[tilespmem:$0x1E800] =	vst v63  }
0x51: {  	_ =	swait.ge [sflag:s17], $0x4000  }
0x52: {  	[sflag:s17] =	ssyncset.done $0x0  }
0x53: {  	s7 =	simm.s32 $0x100;
	[sflag:s17] =	ssyncadd.s32 $0xFFFFC000  }
0x54: {  	[tilespmem:s16], [sflag:$0x1] =	stream.indirect.gather [hbm4b:s4+s19], $0x80, s7, s19, $0xb8;
	[tilespmem:$0x1E800] =	vst v63  }
0x55: {  	s8 =	simm.s32 $0x140  }
0x56: {  	[tilespmem:s20], [sflag:$0x2] =	stream.indirect.gather [hbm4b:s4+s19], $0x80, s8, s19, $0xb8;
	[tilespmem:$0x1E800] =	vst v63  }
0x57: {  	_ =	swait.ge [sflag:s26], $0x2000  }
0x58: {  	[sflag:s26] =	ssyncset.done $0x0  }
0x59: {  	[sflag:s26] =	ssyncadd.s32 $0xFFFFE000  }
0x5a: {  	_ =	swait.ge [sflag:s28], $0x2000  }
0x5b: {  	[sflag:s28] =	ssyncset.done $0x0  }
0x5c: {  	s9 =	simm.s32 $0x1480;
	[sflag:s28] =	ssyncadd.s32 $0xFFFFE000  }
0x5d: {  	[spmem:s2] =	stream.indirect.scatter.add.f32 [tilespmem:s21], [sflag:$0x5], $0x80, s9, s25, $0xb8;
	[tilespmem:$0x1E800] =	vst v63  }
0x5e: {  	_ =	swait.ge [sflag:s17], $0x4000  }
0x5f: {  	s1 =	simm.s32 $0x100;
	s6 =	simm.s32 $0x800;
	[sflag:s17] =	ssyncset.done $0x0  }
.LBB2_4:
0x60: {  	s7 =	sadd.s32 $0x80, s1  }
0x61: {  	[sflag:s17] =	ssyncadd.s32 $0xFFFFC000;
	s8 =	smov.u32 s6;
	s9 =	sadd.s32 $0x400, s6  }
0x62: {  	[tilespmem:s21], [sflag:$0x3] =	stream.indirect.gather [hbm4b:s4+s19], $0x80, s7, s19, $0xb8;
	[tilespmem:$0x1E800] =	vst v63  }
0x63: {  	p0 =	sne.s32 s6, $0x4800;
	s6 =	sadd.s32 $0xC0, s1  }
0x64: {  	[tilespmem:s22], [sflag:$0x4] =	stream.indirect.gather [hbm4b:s4+s19], $0x80, s6, s19, $0xb8;
	[tilespmem:$0x1E800] =	vst v63  }
0x65: {  	_ =	swait.ge [sflag:s23], $0x2000  }
0x66: {  	[sflag:s23] =	ssyncset.done $0x0  }
0x67: {  	[sflag:s23] =	ssyncadd.s32 $0xFFFFE000  }
0x68: {  	_ =	swait.ge [sflag:s24], $0x2000  }
0x69: {  	[sflag:s24] =	ssyncset.done $0x0  }
0x6a: {  	s6 =	sadd.s32 $0x1400, s1;
	[sflag:s24] =	ssyncadd.s32 $0xFFFFE000  }
0x6b: {  	[spmem:s2] =	stream.indirect.scatter.add.f32 [tilespmem:s16], [sflag:$0x5], $0x80, s6, s25, $0xb8;
	[tilespmem:$0x1E800] =	vst v63  }
0x6c: {  	_ =	swait.ge [sflag:s17], $0x4000  }
0x6d: {  	[sflag:s17] =	ssyncset.done $0x0  }
0x6e: {  	s6 =	sadd.s32 $0x100, s1;
	[sflag:s17] =	ssyncadd.s32 $0xFFFFC000  }
0x6f: {  	[tilespmem:s16], [sflag:$0x1] =	stream.indirect.gather [hbm4b:s4+s19], $0x80, s6, s19, $0xb8;
	[tilespmem:$0x1E800] =	vst v63  }
0x70: {  	s6 =	sadd.s32 $0x140, s1  }
0x71: {  	[tilespmem:s20], [sflag:$0x2] =	stream.indirect.gather [hbm4b:s4+s19], $0x80, s6, s19, $0xb8;
	[tilespmem:$0x1E800] =	vst v63  }
0x72: {  	_ =	swait.ge [sflag:s26], $0x2000  }
0x73: {  	[sflag:s26] =	ssyncset.done $0x0  }
0x74: {  	[sflag:s26] =	ssyncadd.s32 $0xFFFFE000  }
0x75: {  	_ =	swait.ge [sflag:s28], $0x2000  }
.Ltmp1:
0x76: {  	[sflag:s28] =	ssyncset.done $0x0;
	(pc) =	sbr.rel @p0 .LBB2_4-.Ltmp1, $4  }
0x77: {  	s1 =	sadd.s32 $0x1480, s1;
	[sflag:s28] =	ssyncadd.s32 $0xFFFFE000  }
0x78: {  	[spmem:s2] =	stream.indirect.scatter.add.f32 [tilespmem:s21], [sflag:$0x5], $0x80, s1, s25, $0xb8;
	[tilespmem:$0x1E800] =	vst v63  }
0x79: {  	_ =	swait.ge [sflag:s17], $0x4000  }
0x7a: {  	s6 =	smov.u32 s9;
	s1 =	sshra.s32 s8, $0x2;
	[sflag:s17] =	ssyncset.done $0x0  }
0x7b: {  	s6 =	sadd.s32 $0x80, s1;
	[sflag:s17] =	ssyncadd.s32 $0xFFFFC000  }
0x7c: {  	[tilespmem:s21], [sflag:$0x3] =	stream.indirect.gather [hbm4b:s4+s19], $0x80, s6, s19, $0xb8;
	[tilespmem:$0x1E800] =	vst v63  }
0x7d: {  	s9 =	sadd.s32 $0xC0, s1  }
0x7e: {  	[tilespmem:s22], [sflag:$0x4] =	stream.indirect.gather [hbm4b:s4+s19], $0x80, s9, s19, $0xb8;
	[tilespmem:$0x1E800] =	vst v63  }
0x7f: {  	_ =	swait.ge [sflag:s23], $0x2000  }
0x80: {  	[sflag:s23] =	ssyncset.done $0x0  }
0x81: {  	[sflag:s23] =	ssyncadd.s32 $0xFFFFE000  }
0x82: {  	_ =	swait.ge [sflag:s24], $0x2000  }
0x83: {  	[sflag:s24] =	ssyncset.done $0x0  }
0x84: {  	s7 =	sadd.s32 $0x1400, s1;
	[sflag:s24] =	ssyncadd.s32 $0xFFFFE000  }
0x85: {  	[spmem:s2] =	stream.indirect.scatter.add.f32 [tilespmem:s16], [sflag:$0x5], $0x80, s7, s25, $0xb8;
	[tilespmem:$0x1E800] =	vst v63  }
0x86: {  	_ =	swait.ge [sflag:s17], $0x4000  }
0x87: {  	[sflag:s17] =	ssyncset.done $0x0  }
0x88: {  	s8 =	sadd.s32 $0x100, s1;
	[sflag:s17] =	ssyncadd.s32 $0xFFFFC000  }
0x89: {  	[tilespmem:s16], [sflag:$0x1] =	stream.indirect.gather [hbm4b:s4+s19], $0x80, s8, s19, $0xb8;
	[tilespmem:$0x1E800] =	vst v63  }
0x8a: {  	s9 =	sadd.s32 $0x140, s1  }
0x8b: {  	[tilespmem:s20], [sflag:$0x2] =	stream.indirect.gather [hbm4b:s4+s19], $0x80, s9, s19, $0xb8;
	[tilespmem:$0x1E800] =	vst v63  }
0x8c: {  	_ =	swait.ge [sflag:s26], $0x2000  }
0x8d: {  	[sflag:s26] =	ssyncset.done $0x0  }
0x8e: {  	[sflag:s26] =	ssyncadd.s32 $0xFFFFE000  }
0x8f: {  	_ =	swait.ge [sflag:s28], $0x2000  }
0x90: {  	[sflag:s28] =	ssyncset.done $0x0  }
0x91: {  	s6 =	sadd.s32 $0x1480, s1;
	[sflag:s28] =	ssyncadd.s32 $0xFFFFE000  }
0x92: {  	[spmem:s2] =	stream.indirect.scatter.add.f32 [tilespmem:s21], [sflag:$0x5], $0x80, s6, s25, $0xb8;
	[tilespmem:$0x1E800] =	vst v63  }
0x93: {  	_ =	swait.ge [sflag:s17], $0x4000  }
0x94: {  	[sflag:s17] =	ssyncset.done $0x0  }
0x95: {  	[sflag:s17] =	ssyncadd.s32 $0xFFFFC000  }
0x96: {  	[tilespmem:s21], [sflag:$0x3] =	stream.indirect.gather [hbm4b:s4+s19], $0x80, s29, s19, $0xb8;
	[tilespmem:$0x1E800] =	vst v63  }
0x97: {  	_ = 	snop  }
0x98: {  	[tilespmem:s22], [sflag:$0x4] =	stream.indirect.gather [hbm4b:s4+s19], $0x80, s30, s19, $0xb8;
	[tilespmem:$0x1E800] =	vst v63  }
0x99: {  	_ =	swait.ge [sflag:s23], $0x2000  }
0x9a: {  	[sflag:s23] =	ssyncset.done $0x0  }
0x9b: {  	[sflag:s23] =	ssyncadd.s32 $0xFFFFE000  }
0x9c: {  	_ =	swait.ge [sflag:s24], $0x2000  }
0x9d: {  	[sflag:s24] =	ssyncset.done $0x0  }
0x9e: {  	[sflag:s24] =	ssyncadd.s32 $0xFFFFE000  }
0x9f: {  	[spmem:s2] =	stream.indirect.scatter.add.f32 [tilespmem:s16], [sflag:$0x5], $0x80, s31, s25, $0xb8;
	[tilespmem:$0x1E800] =	vst v63  }
0xa0: {  	_ =	swait.ge [sflag:s17], $0x4000  }
0xa1: {  	[sflag:s17] =	ssyncset.done $0x0  }
0xa2: {  	[sflag:s17] =	ssyncadd.s32 $0xFFFFC000  }
0xa3: {  	_ =	swait.ge [sflag:s26], $0x2000  }
0xa4: {  	[sflag:s26] =	ssyncset.done $0x0  }
0xa5: {  	[sflag:s26] =	ssyncadd.s32 $0xFFFFE000  }
0xa6: {  	_ =	swait.ge [sflag:s28], $0x2000  }
0xa7: {  	[sflag:s28] =	ssyncset.done $0x0  }
0xa8: {  	[sflag:s28] =	ssyncadd.s32 $0xFFFFE000  }
0xa9: {  	[spmem:s2] =	stream.indirect.scatter.add.f32 [tilespmem:s21], [sflag:$0x5], $0x80, s0, s25, $0xb8;
	[tilespmem:$0x1E800] =	vst v63  }
0xaa: {  	_ =	swait.ge [sflag:s17], $0x4000  }
0xab: {  	[sflag:s17] =	ssyncset.done $0x0  }
0xac: {  	s7 =	simm.s32 $0x0;
	[sflag:s17] =	ssyncadd.s32 $0xFFFFC000  }
0xad: {  	[tilespmem:s7], [sflag:$0x5] =	stream.linear.gather [hbm4b:s12+s7], $0x1400, $0x38;
	[tilespmem:$0x1E800] =	vst v63  }
0xae: {  	_ =	swait.ge [sflag:s17], $0x1400  }
0xaf: {  	[sflag:s17] =	ssyncset.done $0x0  }
0xb0: {  	[sflag:s17] =	ssyncadd.s32 $0xFFFFEC00  }
0xb1: {  	[tilespmem:s18], [sflag:$0x5] =	stream.linear.gather [hbm4b:s13+s7], $0x1400, $0x38;
	[tilespmem:$0x1E800] =	vst v63  }
0xb2: {  	_ =	swait.ge [sflag:s17], $0x1400  }
0xb3: {  	[sflag:s17] =	ssyncset.done $0x0  }
0xb4: {  	[sflag:s17] =	ssyncadd.s32 $0xFFFFEC00  }
0xb5: {  	[tilespmem:s16], [sflag:$0x1] =	stream.indirect.gather [hbm4b:s4+s19], $0x80, s7, s19, $0xb8;
	[tilespmem:$0x1E800] =	vst v63  }
0xb6: {  	_ = 	snop  }
0xb7: {  	[tilespmem:s20], [sflag:$0x2] =	stream.indirect.gather [hbm4b:s4+s19], $0x80, s19, s19, $0xb8;
	[tilespmem:$0x1E800] =	vst v63  }
0xb8: {  	s8 =	simm.s32 $0x80  }
0xb9: {  	[tilespmem:s21], [sflag:$0x3] =	stream.indirect.gather [hbm4b:s4+s19], $0x80, s8, s19, $0xb8;
	[tilespmem:$0x1E800] =	vst v63  }
0xba: {  	s9 =	simm.s32 $0xC0  }
0xbb: {  	[tilespmem:s22], [sflag:$0x4] =	stream.indirect.gather [hbm4b:s4+s19], $0x80, s9, s19, $0xb8;
	[tilespmem:$0x1E800] =	vst v63  }
0xbc: {  	_ =	swait.ge [sflag:s23], $0x2000  }
0xbd: {  	[sflag:s23] =	ssyncset.done $0x0  }
0xbe: {  	[sflag:s23] =	ssyncadd.s32 $0xFFFFE000  }
0xbf: {  	_ =	swait.ge [sflag:s24], $0x2000  }
0xc0: {  	[sflag:s24] =	ssyncset.done $0x0  }
0xc1: {  	s6 =	simm.s32 $0x1400;
	[sflag:s24] =	ssyncadd.s32 $0xFFFFE000  }
0xc2: {  	[spmem:s2] =	stream.indirect.scatter.add.f32 [tilespmem:s16], [sflag:$0x5], $0x80, s6, s25, $0xb8;
	[tilespmem:$0x1E800] =	vst v63  }
0xc3: {  	_ =	swait.ge [sflag:s17], $0x4000  }
0xc4: {  	[sflag:s17] =	ssyncset.done $0x0  }
0xc5: {  	s7 =	simm.s32 $0x100;
	[sflag:s17] =	ssyncadd.s32 $0xFFFFC000  }
0xc6: {  	[tilespmem:s16], [sflag:$0x1] =	stream.indirect.gather [hbm4b:s4+s19], $0x80, s7, s19, $0xb8;
	[tilespmem:$0x1E800] =	vst v63  }
0xc7: {  	s8 =	simm.s32 $0x140  }
0xc8: {  	[tilespmem:s20], [sflag:$0x2] =	stream.indirect.gather [hbm4b:s4+s19], $0x80, s8, s19, $0xb8;
	[tilespmem:$0x1E800] =	vst v63  }
0xc9: {  	_ =	swait.ge [sflag:s26], $0x2000  }
0xca: {  	[sflag:s26] =	ssyncset.done $0x0  }
0xcb: {  	[sflag:s26] =	ssyncadd.s32 $0xFFFFE000  }
0xcc: {  	_ =	swait.ge [sflag:s28], $0x2000  }
0xcd: {  	[sflag:s28] =	ssyncset.done $0x0  }
0xce: {  	s9 =	simm.s32 $0x1480;
	[sflag:s28] =	ssyncadd.s32 $0xFFFFE000  }
0xcf: {  	[spmem:s2] =	stream.indirect.scatter.add.f32 [tilespmem:s21], [sflag:$0x5], $0x80, s9, s25, $0xb8;
	[tilespmem:$0x1E800] =	vst v63  }
0xd0: {  	_ =	swait.ge [sflag:s17], $0x4000  }
0xd1: {  	s1 =	simm.s32 $0x100;
	s6 =	simm.s32 $0x800;
	[sflag:s17] =	ssyncset.done $0x0  }
.LBB2_6:
0xd2: {  	s7 =	sadd.s32 $0x80, s1  }
0xd3: {  	[sflag:s17] =	ssyncadd.s32 $0xFFFFC000;
	s8 =	smov.u32 s6;
	s9 =	sadd.s32 $0x400, s6  }
0xd4: {  	[tilespmem:s21], [sflag:$0x3] =	stream.indirect.gather [hbm4b:s4+s19], $0x80, s7, s19, $0xb8;
	[tilespmem:$0x1E800] =	vst v63  }
0xd5: {  	p0 =	sne.s32 s6, $0x4800;
	s6 =	sadd.s32 $0xC0, s1  }
0xd6: {  	[tilespmem:s22], [sflag:$0x4] =	stream.indirect.gather [hbm4b:s4+s19], $0x80, s6, s19, $0xb8;
	[tilespmem:$0x1E800] =	vst v63  }
0xd7: {  	_ =	swait.ge [sflag:s23], $0x2000  }
0xd8: {  	[sflag:s23] =	ssyncset.done $0x0  }
0xd9: {  	[sflag:s23] =	ssyncadd.s32 $0xFFFFE000  }
0xda: {  	_ =	swait.ge [sflag:s24], $0x2000  }
0xdb: {  	[sflag:s24] =	ssyncset.done $0x0  }
0xdc: {  	s6 =	sadd.s32 $0x1400, s1;
	[sflag:s24] =	ssyncadd.s32 $0xFFFFE000  }
0xdd: {  	[spmem:s2] =	stream.indirect.scatter.add.f32 [tilespmem:s16], [sflag:$0x5], $0x80, s6, s25, $0xb8;
	[tilespmem:$0x1E800] =	vst v63  }
0xde: {  	_ =	swait.ge [sflag:s17], $0x4000  }
0xdf: {  	[sflag:s17] =	ssyncset.done $0x0  }
0xe0: {  	s6 =	sadd.s32 $0x100, s1;
	[sflag:s17] =	ssyncadd.s32 $0xFFFFC000  }
0xe1: {  	[tilespmem:s16], [sflag:$0x1] =	stream.indirect.gather [hbm4b:s4+s19], $0x80, s6, s19, $0xb8;
	[tilespmem:$0x1E800] =	vst v63  }
0xe2: {  	s6 =	sadd.s32 $0x140, s1  }
0xe3: {  	[tilespmem:s20], [sflag:$0x2] =	stream.indirect.gather [hbm4b:s4+s19], $0x80, s6, s19, $0xb8;
	[tilespmem:$0x1E800] =	vst v63  }
0xe4: {  	_ =	swait.ge [sflag:s26], $0x2000  }
0xe5: {  	[sflag:s26] =	ssyncset.done $0x0  }
0xe6: {  	[sflag:s26] =	ssyncadd.s32 $0xFFFFE000  }
0xe7: {  	_ =	swait.ge [sflag:s28], $0x2000  }
.Ltmp2:
0xe8: {  	[sflag:s28] =	ssyncset.done $0x0;
	(pc) =	sbr.rel @p0 .LBB2_6-.Ltmp2, $4  }
0xe9: {  	s1 =	sadd.s32 $0x1480, s1;
	[sflag:s28] =	ssyncadd.s32 $0xFFFFE000  }
0xea: {  	[spmem:s2] =	stream.indirect.scatter.add.f32 [tilespmem:s21], [sflag:$0x5], $0x80, s1, s25, $0xb8;
	[tilespmem:$0x1E800] =	vst v63  }
0xeb: {  	_ =	swait.ge [sflag:s17], $0x4000  }
0xec: {  	s6 =	smov.u32 s9;
	s1 =	sshra.s32 s8, $0x2;
	[sflag:s17] =	ssyncset.done $0x0  }
0xed: {  	s6 =	sadd.s32 $0x80, s1;
	[sflag:s17] =	ssyncadd.s32 $0xFFFFC000  }
0xee: {  	[tilespmem:s21], [sflag:$0x3] =	stream.indirect.gather [hbm4b:s4+s19], $0x80, s6, s19, $0xb8;
	[tilespmem:$0x1E800] =	vst v63  }
0xef: {  	s9 =	sadd.s32 $0xC0, s1  }
0xf0: {  	[tilespmem:s22], [sflag:$0x4] =	stream.indirect.gather [hbm4b:s4+s19], $0x80, s9, s19, $0xb8;
	[tilespmem:$0x1E800] =	vst v63  }
0xf1: {  	_ =	swait.ge [sflag:s23], $0x2000  }
0xf2: {  	[sflag:s23] =	ssyncset.done $0x0  }
0xf3: {  	[sflag:s23] =	ssyncadd.s32 $0xFFFFE000  }
0xf4: {  	_ =	swait.ge [sflag:s24], $0x2000  }
0xf5: {  	[sflag:s24] =	ssyncset.done $0x0  }
0xf6: {  	s7 =	sadd.s32 $0x1400, s1;
	[sflag:s24] =	ssyncadd.s32 $0xFFFFE000  }
0xf7: {  	[spmem:s2] =	stream.indirect.scatter.add.f32 [tilespmem:s16], [sflag:$0x5], $0x80, s7, s25, $0xb8;
	[tilespmem:$0x1E800] =	vst v63  }
0xf8: {  	_ =	swait.ge [sflag:s17], $0x4000  }
0xf9: {  	[sflag:s17] =	ssyncset.done $0x0  }
0xfa: {  	s8 =	sadd.s32 $0x100, s1;
	[sflag:s17] =	ssyncadd.s32 $0xFFFFC000  }
0xfb: {  	[tilespmem:s16], [sflag:$0x1] =	stream.indirect.gather [hbm4b:s4+s19], $0x80, s8, s19, $0xb8;
	[tilespmem:$0x1E800] =	vst v63  }
0xfc: {  	s9 =	sadd.s32 $0x140, s1  }
0xfd: {  	[tilespmem:s20], [sflag:$0x2] =	stream.indirect.gather [hbm4b:s4+s19], $0x80, s9, s19, $0xb8;
	[tilespmem:$0x1E800] =	vst v63  }
0xfe: {  	_ =	swait.ge [sflag:s26], $0x2000  }
0xff: {  	[sflag:s26] =	ssyncset.done $0x0  }
0x100: {  	[sflag:s26] =	ssyncadd.s32 $0xFFFFE000  }
0x101: {  	_ =	swait.ge [sflag:s28], $0x2000  }
0x102: {  	[sflag:s28] =	ssyncset.done $0x0  }
0x103: {  	s7 =	sadd.s32 $0x1480, s1;
	[sflag:s28] =	ssyncadd.s32 $0xFFFFE000  }
0x104: {  	[spmem:s2] =	stream.indirect.scatter.add.f32 [tilespmem:s21], [sflag:$0x5], $0x80, s7, s25, $0xb8;
	[tilespmem:$0x1E800] =	vst v63  }
0x105: {  	_ =	swait.ge [sflag:s17], $0x4000  }
0x106: {  	[sflag:s17] =	ssyncset.done $0x0  }
0x107: {  	[sflag:s17] =	ssyncadd.s32 $0xFFFFC000  }
0x108: {  	[tilespmem:s21], [sflag:$0x3] =	stream.indirect.gather [hbm4b:s4+s19], $0x80, s29, s19, $0xb8;
	[tilespmem:$0x1E800] =	vst v63  }
0x109: {  	_ = 	snop  }
0x10a: {  	[tilespmem:s22], [sflag:$0x4] =	stream.indirect.gather [hbm4b:s4+s19], $0x80, s30, s19, $0xb8;
	[tilespmem:$0x1E800] =	vst v63  }
0x10b: {  	_ =	swait.ge [sflag:s23], $0x2000  }
0x10c: {  	[sflag:s23] =	ssyncset.done $0x0  }
0x10d: {  	[sflag:s23] =	ssyncadd.s32 $0xFFFFE000  }
0x10e: {  	_ =	swait.ge [sflag:s24], $0x2000  }
0x10f: {  	[sflag:s24] =	ssyncset.done $0x0  }
0x110: {  	[sflag:s24] =	ssyncadd.s32 $0xFFFFE000  }
0x111: {  	[spmem:s2] =	stream.indirect.scatter.add.f32 [tilespmem:s16], [sflag:$0x5], $0x80, s31, s25, $0xb8;
	[tilespmem:$0x1E800] =	vst v63  }
0x112: {  	_ =	swait.ge [sflag:s17], $0x4000  }
0x113: {  	[sflag:s17] =	ssyncset.done $0x0  }
0x114: {  	[sflag:s17] =	ssyncadd.s32 $0xFFFFC000  }
0x115: {  	_ =	swait.ge [sflag:s26], $0x2000  }
0x116: {  	[sflag:s26] =	ssyncset.done $0x0  }
0x117: {  	[sflag:s26] =	ssyncadd.s32 $0xFFFFE000  }
0x118: {  	_ =	swait.ge [sflag:s28], $0x2000  }
0x119: {  	[sflag:s28] =	ssyncset.done $0x0  }
0x11a: {  	[sflag:s28] =	ssyncadd.s32 $0xFFFFE000  }
0x11b: {  	[spmem:s2] =	stream.indirect.scatter.add.f32 [tilespmem:s21], [sflag:$0x5], $0x80, s0, s25, $0xb8;
	[tilespmem:$0x1E800] =	vst v63  }
0x11c: {  	s8 =	stileid.u32;
	_ =	swait.ge [sflag:s17], $0x4000  }
0x11d: {  	s3 =	sadd.s32 $0x1, s3;
	s1 =	sshll.u32 s8, $0x6;
	[sflag:s17] =	ssyncset.done $0x0  }
0x11e: {  	p0 =	sne.s32 s3, s15;
	s1 =	sor.u32 $0x1C05, s1;
	[sflag:s17] =	ssyncadd.s32 $0xFFFFC000  }
.Ltmp3:
0x11f: {  	s9 =	sshrl.u32 s5, $0x3;
	[bflag:$0x0] =	sbarrier.arrive $0xFFFF;
	(pc) =	sbr.rel @p0 .LBB2_1-.Ltmp3, $4  }
0x120: {  	[hbm:s14], [sflag:s1] =	dma.local [spmem:s9], $0x2800  }
0x121: {  	_ =	swait.ge [sflag:s17], $0x2800  }
0x122: {  	[sflag:s17] =	ssyncset.done $0x0  }
0x123: {  	[sflag:s17] =	ssyncadd.s32 $0xFFFFD800  }
0x124: {  	_ =	sfence.sel $0x180000  }
0x125: {  	[bflag:$0x0] =	sbarrier.arrive $0xFFFF  }
0x126: {  	_ =	strace $0x9000004D  }
0x127: {  	s0 =	stileid.u32;
	[bflag:$0x2] =	sbarrier.arrive $0xFFFF  }
0x128: {  	p0 =	sne.s32 s0, $0x0;
	s0 =	rddreg [dreg:$0x2]  }
0x129: {  	s0 =	sadd.s32 @!p0 $0x100000, s0  }
0x12a: {  	[sflag:s0] =	ssyncadd.tile.s32 @!p0 $0x1;
	_ =	shalt  }
.Lfunc_end2:
_tile_overlayer_lowered:
.L_overlay_start_2:
0x12b: {  	(tag) =	ssettag $0x2  }
0x12c: {  	s0 =	rddreg [dreg:$0x0];
	s2 =	stileid.u32  }
0x12d: {  	s1 =	rddreg [dreg:$0x1];
	p0 =	sne.s32 s2, $0x0  }
0x12e: {  	s3 =	rddreg [dreg:$0x2];
	[bflag:$0x3] =	sbarrier.arrive $0xFFFF;
	s2 =	simm.s32 @!p0 $0x1C05  }
0x12f: {  	[timem:s3], [sflag:s2] =	dma.local @!p0 [hbm:s0], s1  }
0x130: {  	s0 =	simm.s32 @!p0 $0x5  }
0x131: {  	_ =	swait.ge @!p0 [sflag:s0], s1  }
0x132: {  	s1 =	ssub.s32 @!p0 $0x0, s1;
	[sflag:s0] =	ssyncset.done @!p0 $0x0  }
0x133: {  	[sflag:s0] =	ssyncadd.s32 @!p0 s1  }
0x134: {  	[bflag:$0x3] =	sbarrier.arrive $0xFFFF  }
0x135: {  	_ =	shalt  }

// kernel: kernel.8.cloned.1.call-start
scs
__scs_entry_jumppad:
0x0: {  	(pc) =	sbr.rel $0x88, $3  }
0x1: {  	(tag) =	ssettag $0x0;
	lr =	simm.s32 $0x1  }
0x2: {  	[smem:$0x3F94] =	sst lr;
	_ =	strace $0xD0000000  }
0x3: {  	_ = 	snop  }
0x4: {  	_ = 	snop  }
0x5: {  	_ = 	snop  }
0x6: {  	_ = 	snop  }
0x7: {  	_ = 	snop  }
__scs_overlays_trampoline_lowered:
0x8: {  	[smem:$0x3FA3] =	sst s0  }
0x9: {  	[smem:$0x3FA4] =	sst s1  }
0xa: {  	[smem:$0x3FA5] =	sst s2  }
0xb: {  	[smem:$0x3FA6] =	sst s3  }
0xc: {  	[smem:$0x3FA7] =	sst s4  }
0xd: {  	[smem:$0x3FA8] =	sst s5  }
0xe: {  	[smem:$0x3FA9] =	sst s6  }
0xf: {  	[smem:$0x3FAA] =	sst s7  }
0x10: {  	[smem:$0x3FAB] =	sst s8  }
0x11: {  	[smem:$0x3FAC] =	sst s9;
	s0 =	simm.s32 @!p0 $0x0  }
0x12: {  	s1 =	sld [smem:$0x3F92];
	s0 =	simm.s32 @p0 $0x1  }
0x13: {  	[smem:$0x3FAD] =	sst s0;
	s0 =	simm.s32 @!p1 $0x0  }
0x14: {  	s2 =	sld [smem:$0x3F91];
	s0 =	simm.s32 @p1 $0x1  }
0x15: {  	[smem:$0x3FAE] =	sst s0;
	s0 =	simm.s32 @!p2 $0x0  }
0x16: {  	s3 =	sld [smem:$0x3FDB];
	s0 =	simm.s32 @p2 $0x1  }
0x17: {  	s4 =	simm.s32 $0x1BF5;
	[smem:$0x3FB0] =	sst s0  }
0x18: {  	s0 =	sld [smem:$0x3F93];
	_ =	swait.ge [sflag:s4], $0x0  }
0x19: {  	s7 =	sld [smem:$0x3F94]  }
0x1a: {  	s8 =	sadd.s32 $0xFFFFE003, lr  }
0x1b: {  	s9 =	sadd.s32 $0xFFFFFEF7, lr;
	s5 =	simm.s32 $0xFFFFFFFF;
	p2 =	slt.u32 s8, $0xFFFFF086  }
0x1c: {  	p1 =	slt.u32 s9, $0xF7A;
	s5 =	simm.s32 @!p2 $0x0  }
0x1d: {  	s5 =	simm.s32 @p1 $0x1;
	p0 =	seq.s32 s7, s2  }
0x1e: {  	s7 =	smul.u32 @!p0 $0xF7A, s2;
	p2 =	seq.s32 @!p0 s5, $0x0  }
0x1f: {  	s9 =	smul.u32 $0xF7A, s1;
	s8 =	simm.s32 @!p0 $0x1BF5;
	p2 =	por !p2, p0  }
0x20: {  	[sflag:s8] =	ssyncset.s32 @!p0 $0xFFFFF086;
	s6 =	sadd.s32 @!p0 s3, s7;
	s7 =	simm.s32 @!p0 $0x108  }
0x21: {  	s3 =	sadd.s32 s3, s9;
	s6 =	sadd.s32 @!p0 $0x88, s6;
	s7 =	simm.s32 @p2 $0x1082  }
0x22: {  	[simem:s7], [sflag:s8] =	dma.local @!p0 [hbm:s6], $0xF7A  }
0x23: {  	s9 =	sor.u32 $0xD0000000, s2;
	s6 =	simm.s32 $0x108;
	_ =	swait.ge @!p0 [sflag:s8], $0x0  }
0x24: {  	s3 =	sadd.s32 $0x88, s3;
	s6 =	simm.s32 @!p1 $0x1082;
	[sflag:s4] =	ssyncset.s32 $0xFFFFF086  }
0x25: {  	[simem:s6], [sflag:s4] =	dma.local [hbm:s3], $0xF7A  }
0x26: {  	[smem:$0x3F94] =	sst s1;
	(tag) =	ssettag s2;
	_ =	strace s9  }
0x27: {  	s1 =	sld [smem:$0x3FA4]  }
0x28: {  	s2 =	sld [smem:$0x3FA5]  }
0x29: {  	s4 =	sld [smem:$0x3FA7]  }
0x2a: {  	p0 =	seq.s32 s5, $0x0;
	s5 =	sld [smem:$0x3FA8]  }
0x2b: {  	s6 =	sld [smem:$0x3FA9]  }
0x2c: {  	s7 =	sld [smem:$0x3FAA]  }
0x2d: {  	s3 =	simm.s32 $0x108;
	s8 =	sld [smem:$0x3FAB]  }
0x2e: {  	s3 =	simm.s32 @!p0 $0x1082;
	s9 =	sld [smem:$0x3FAC]  }
0x2f: {  	lr =	sadd.s32 s0, s3;
	s0 =	sld [smem:$0x3FA3]  }
0x30: {  	s3 =	sld [smem:$0x3FA6]  }
0x31: {  	[smem:$0x3FAF] =	sst s10  }
0x32: {  	s10 =	sld [smem:$0x3FAD];
	_ =	sdelay $0x3  }
0x33: {  	p0 =	seq.s32 s10, $0x1;
	s10 =	sld [smem:$0x3FAF];
	_ =	sdelay $0x3  }
0x34: {  	[smem:$0x3FAF] =	sst s10  }
0x35: {  	s10 =	sld [smem:$0x3FAE];
	_ =	sdelay $0x3  }
0x36: {  	p1 =	seq.s32 s10, $0x1;
	s10 =	sld [smem:$0x3FAF];
	_ =	sdelay $0x3  }
0x37: {  	[smem:$0x3FAF] =	sst s10  }
0x38: {  	s10 =	sld [smem:$0x3FB0]  }
0x39: {  	_ = 	snop;
	(pc) =	sbr.ind lr, $3  }
0x3a: {  	_ = 	snop  }
0x3b: {  	_ = 	snop  }
0x3c: {  	p2 =	seq.s32 s10, $0x1;
	s10 =	sld [smem:$0x3FAF]  }
0x3d: {  	_ =	shalt  }
0x3e: {  	_ =	shalt  }
0x3f: {  	_ =	shalt  }
0x40: {  	_ =	shalt  }
0x41: {  	_ =	shalt  }
0x42: {  	_ =	shalt  }
0x43: {  	_ =	shalt  }
0x44: {  	_ =	shalt  }
0x45: {  	_ =	shalt  }
0x46: {  	_ =	shalt  }
0x47: {  	_ =	shalt  }
0x48: {  	_ =	shalt  }
0x49: {  	_ =	shalt  }
0x4a: {  	_ =	shalt  }
0x4b: {  	_ =	shalt  }
0x4c: {  	_ =	shalt  }
0x4d: {  	_ =	shalt  }
0x4e: {  	_ =	shalt  }
0x4f: {  	_ =	shalt  }
0x50: {  	_ =	shalt  }
0x51: {  	_ =	shalt  }
0x52: {  	_ =	shalt  }
0x53: {  	_ =	shalt  }
0x54: {  	_ =	shalt  }
0x55: {  	_ =	shalt  }
0x56: {  	_ =	shalt  }
0x57: {  	_ =	shalt  }
0x58: {  	_ =	shalt  }
0x59: {  	_ =	shalt  }
0x5a: {  	_ =	shalt  }
0x5b: {  	_ =	shalt  }
0x5c: {  	_ =	shalt  }
0x5d: {  	_ =	shalt  }
0x5e: {  	_ =	shalt  }
0x5f: {  	_ =	shalt  }
0x60: {  	_ =	shalt  }
0x61: {  	_ =	shalt  }
0x62: {  	_ =	shalt  }
0x63: {  	_ =	shalt  }
0x64: {  	_ =	shalt  }
0x65: {  	_ =	shalt  }
0x66: {  	_ =	shalt  }
0x67: {  	_ =	shalt  }
0x68: {  	_ =	shalt  }
0x69: {  	_ =	shalt  }
0x6a: {  	_ =	shalt  }
0x6b: {  	_ =	shalt  }
0x6c: {  	_ =	shalt  }
0x6d: {  	_ =	shalt  }
0x6e: {  	_ =	shalt  }
0x6f: {  	_ =	shalt  }
0x70: {  	_ =	shalt  }
0x71: {  	_ =	shalt  }
0x72: {  	_ =	shalt  }
0x73: {  	_ =	shalt  }
0x74: {  	_ =	shalt  }
0x75: {  	_ =	shalt  }
0x76: {  	_ =	shalt  }
0x77: {  	_ =	shalt  }
0x78: {  	_ =	shalt  }
0x79: {  	_ =	shalt  }
0x7a: {  	_ =	shalt  }
0x7b: {  	_ =	shalt  }
0x7c: {  	_ =	shalt  }
0x7d: {  	_ =	shalt  }
0x7e: {  	_ =	shalt  }
0x7f: {  	_ =	shalt  }
0x80: {  	_ =	shalt  }
0x81: {  	_ =	shalt  }
0x82: {  	_ =	shalt  }
0x83: {  	_ =	shalt  }
0x84: {  	_ =	shalt  }
0x85: {  	_ =	shalt  }
0x86: {  	_ =	shalt  }
0x87: {  	_ =	shalt  }
.Lfunc_end0:
.L_simem_size_0:
called_computation_lowered:
.L_overlay_start_0:
0x88: {  	s2 =	sld [smem:$0x3FD9]  }
0x89: {  	s3 =	sld [smem:$0x3FFE];
	_ =	sdelay $0x1  }
0x8a: {  	s1 =	srdreg.scid  }
0x8b: {  	s0 =	sand.u32 $0x1, s1  }
0x8c: {  	s16 =	sshll.u32 s0, $0xA;
	s2 =	sadd.s32 s3, s2  }
0x8d: {  	s2 =	sadd.s32 s2, s16  }
0x8e: {  	[smem:$0x3FBB] =	sst s2  }
0x8f: {  	_ = 	snop  }
0x90: {  	(tm) =	ssettm $0x1  }
0x91: {  	s17 =	sld [smem:$0x3FFB];
	_ =	sdelay $0x3  }
0x92: {  	_ =	strace s17  }
0x93: {  	s2 =	sld [smem:$0x3FFC];
	_ =	sdelay $0x3  }
0x94: {  	_ =	strace s2  }
0x95: {  	s2 =	sld [smem:$0x3FFD];
	_ =	sdelay $0x3  }
0x96: {  	_ =	strace s2  }
0x97: {  	_ =	strace $0x8FFFFFFF  }
0x98: {  	s18 =	sld [smem:$0x3FDB];
	_ =	sdelay $0x1  }
0x99: {  	s19 =	simm.s32 $_scs_section_size  }
0x9a: {  	s4 =	simm.s32 $_size__tile_overlayer_lowered;
	s5 =	simm.s32 $_tile_overlayer_lowered  }
0x9b: {  	s22 =	simm.s32 $0x1BFF;
	s21 =	sshll.u32 s5, $0x1;
	s2 =	sadd.s32 s19, s18  }
0x9c: {  	s6 =	simm.s32 $0x0;
	s20 =	sshll.u32 s4, $0x1;
	s4 =	sadd.s32 s21, s2  }
0x9d: {  	[timem:s6], [sflag:s22] =	dma.local [hbm:s4], s20  }
0x9e: {  	_ =	swait.ge [sflag:s22], s20  }
0x9f: {  	s3 =	ssub.s32 $0x0, s20;
	[sflag:s22] =	ssyncset.done $0x0  }
0xa0: {  	[sflag:s22] =	ssyncadd.s32 s3;
	_ =	sdelay $0x1  }
0xa1: {  	s23 =	simm.s32 $0x1B8B  }
0xa2: {  	_ =	swait.ge [sflag:s23], $0x1  }
0xa3: {  	[sflag:s23] =	ssyncset.done $0x0  }
0xa4: {  	s25 =	simm.s32 $0x1B8E;
	s24 =	sld [smem:$0x3FFE];
	[sflag:s23] =	ssyncadd.s32 $0xFFFFFFFF  }
0xa5: {  	s26 =	simm.s32 $execute0_lowered;
	[smem:$0x3FD2] =	sst s25  }
0xa6: {  	s4 =	sshll.u32 s26, $0x1;
	_ =	strace $0x80000046;
	[dreg:$0x1] =	wrdreg $0xFFFFFFFF  }
0xa7: {  	s28 =	simm.s32 $_size_execute0_lowered;
	s2 =	sadd.s32 s2, s4;
	[dreg:$0x0] =	wrdreg $0x0  }
0xa8: {  	s4 =	sshll.u32 s28, $0x1;
	[dreg:$0x2] =	wrdreg s2  }
0xa9: {  	[dreg:$0x3] =	wrdreg s4  }
0xaa: {  	[dreg:$0x4] =	wrdreg $0xC0  }
0xab: {  	_ =	task [dreg:s6], $0x5FFFF  }
0xac: {  	[dreg:$0x1] =	wrdreg $0xFFFFFFFF  }
0xad: {  	[dreg:$0x0] =	wrdreg $0x60  }
0xae: {  	[dreg:$0x2] =	wrdreg s24  }
0xaf: {  	[dreg:$0x3] =	wrdreg $0x68000  }
0xb0: {  	[dreg:$0x4] =	wrdreg $0x9  }
0xb1: {  	_ =	task.clear_ibuf [dreg:s6], $0x5FFFF;
	_ =	strace $0x90000046  }
0xb2: {  	s29 =	simm.s32 $0x9;
	_ =	strace $0x80000048  }
0xb3: {  	_ =	swait.ge [sflag:s29], $0x1  }
0xb4: {  	[sflag:s29] =	ssyncadd.s32 $0xFFFFFFFF  }
0xb5: {  	_ =	strace $0x90000048  }
0xb6: {  	_ =	sfence  }
0xb7: {  	s30 =	sld [smem:$0x0];
	_ =	sdelay $0x2  }
0xb8: {  	s31 =	sshll.u32 s1, $0xD;
	s1 =	sshrl.u32 s1, $0x2  }
0xb9: {  	s3 =	sand.u32 $0x4000, s31;
	s1 =	sadd.s32 s1, s30  }
0xba: {  	s0 =	sor.u32 s3, s0;
	s1 =	sshll.u32 s1, $0x11  }
0xbb: {  	s0 =	sor.u32 s1, s0  }
0xbc: {  	s0 =	sadd.s32 $0x8F2B, s0  }
0xbd: {  	[sflag:s0] =	ssyncadd.remote.s32 $0x1  }
0xbe: {  	_ =	sfence.sel $0xFFFF  }
0xbf: {  	[dreg:$0x0] =	wrdreg $0xFFFFFFFF;
	(pc) =	sbr.abs _section_cstart, $3  }
0xc0: {  	[dreg:$0x1] =	wrdreg $0xFFFFFFFF  }
0xc1: {  	_ =	task.clear_ibuf [dreg:s6], $0x2FFFF;
	_ =	strace $0x9FFFFFFF  }
0xc2: {  	(tm) =	ssettm $0x7FFFFFFF  }
0xc3: {  	_ =	shalt  }
tec
execute0_lowered:
.L_overlay_start_1:
0x0: {  	(tag) =	ssettag $0x1  }
0x1: {  	s1 =	srdreg.scid;
	s5 =	rddreg [dreg:$0x0]  }
0x2: {  	s0 =	stileid.u32;
	s2 =	rddreg [dreg:$0x1];
	s3 =	simm.s32 $0x0  }
0x3: {  	s13 =	simm.s32 $0x2;
	s14 =	simm.s32 $0x80;
	s15 =	simm.s32 $0x1  }
0x4: {  	s4 =	sand.u32 $0x1, s1;
	s26 =	sshll.u32 s0, $0x1;
	s8 =	smul.u32 $0x14000, s0  }
0x5: {  	[smem:$0x7FF] =	sst s3;
	s9 =	smul.u32 $0x50000, s0;
	s16 =	sshll.u32 s0, $0x6  }
0x6: {  	s1 =	sor.u32 s4, s26;
	s7 =	smul.u32 $0x140000, s4;
	s29 =	ssub.s32 $0x2, s4  }
0x7: {  	s16 =	sor.u32 $0x1C02, s16;
	s6 =	smul.u32 $0x500, s1;
	s1 =	rddreg [dreg:$0x2]  }
0x8: {  	_ =	strace $0x80000047;
	s30 =	sshrl.u32 s9, $0x2;
	s31 =	sshrl.u32 s29, $0x1  }
0x9: {  	s28 =	sadd.s32 s8, s7;
	s4 =	sadd.s32 s30, s2;
	s12 =	ssub.s32 s29, s31  }
0xa: {  	s10 =	sadd.s32 s6, s5;
	s6 =	sshrl.u32 s28, $0x3;
	s7 =	sadd.s32 $0xC000, s4  }
0xb: {  	s8 =	sadd.s32 $0x10000, s4;
	s17 =	sshrl.u32 s4, $0x3;
	s11 =	sadd.s32 s6, s5  }
0xc: {  	s5 =	sadd.s32 $0x4000, s4;
	s6 =	sadd.s32 $0x8000, s4;
	s9 =	sadd.s32 $0xD600, s10  }
0xd: {  	v0 =	vimm.f32 $0.0e+00;
	v1 =	vimm.f32 $1.000000000e+00;
	s10 =	sadd.s32 $0x17600, s11;
	s11 =	smax.u32 s12, $0x1;
	s12 =	simm.s32 $0x2800  }
.LBB2_1:
0xe: {  	s18 =	simm.s32 $0x200;
	s19 =	simm.s32 $0x0  }
.LBB2_2:
0xf: {  	p0 =	sne.s32 s18, $0xFE00;
	[tilespmem:s19+$0x2800] =	vst v0;
	s19 =	smov.u32 s18;
	s18 =	sadd.s32 $0x200, s18  }
.Ltmp0:
0x10: {  	(pc) =	sbr.rel @p0 .LBB2_2-.Ltmp0, $2  }
0x11: {  	_ =	sdelay $0x2  }
0x12: {  	s19 =	sshra.s32 s19, $0x2  }
0x13: {  	[tilespmem:s19+$0x2800] =	vst v0  }
0x14: {  	[spmem:s4] =	stream.linear.scatter [tilespmem:s12], [sflag:$0x2], $0x4000, $0x38;
	[tilespmem:$0x9000] =	vst v63  }
0x15: {  	_ =	swait.ge [sflag:s13], $0x4000  }
0x16: {  	[sflag:s13] =	ssyncset.done $0x0  }
0x17: {  	[sflag:s13] =	ssyncadd.s32 $0xFFFFC000  }
0x18: {  	[spmem:s5] =	stream.linear.scatter [tilespmem:s12], [sflag:$0x2], $0x4000, $0x38;
	[tilespmem:$0x9000] =	vst v63  }
0x19: {  	_ =	swait.ge [sflag:s13], $0x4000  }
0x1a: {  	[sflag:s13] =	ssyncset.done $0x0  }
0x1b: {  	[sflag:s13] =	ssyncadd.s32 $0xFFFFC000  }
0x1c: {  	[spmem:s6] =	stream.linear.scatter [tilespmem:s12], [sflag:$0x2], $0x4000, $0x38;
	[tilespmem:$0x9000] =	vst v63  }
0x1d: {  	_ =	swait.ge [sflag:s13], $0x4000  }
0x1e: {  	[sflag:s13] =	ssyncset.done $0x0  }
0x1f: {  	[sflag:s13] =	ssyncadd.s32 $0xFFFFC000  }
0x20: {  	[spmem:s7] =	stream.linear.scatter [tilespmem:s12], [sflag:$0x2], $0x4000, $0x38;
	[tilespmem:$0x9000] =	vst v63  }
0x21: {  	_ =	swait.ge [sflag:s13], $0x4000  }
0x22: {  	[sflag:s13] =	ssyncset.done $0x0  }
0x23: {  	[sflag:s13] =	ssyncadd.s32 $0xFFFFC000  }
0x24: {  	[spmem:s8] =	stream.linear.scatter [tilespmem:s12], [sflag:$0x2], $0x4000, $0x38;
	[tilespmem:$0x9000] =	vst v63  }
0x25: {  	_ =	swait.ge [sflag:s13], $0x4000  }
0x26: {  	[sflag:s13] =	ssyncset.done $0x0  }
0x27: {  	s18 =	simm.s32 $0x200;
	s19 =	simm.s32 $0x0;
	[sflag:s13] =	ssyncadd.s32 $0xFFFFC000  }
.LBB2_4:
0x28: {  	p0 =	sne.s32 s18, $0xFE00;
	[tilespmem:s19+$0x2800] =	vst v1;
	s19 =	smov.u32 s18;
	s18 =	sadd.s32 $0x200, s18  }
.Ltmp1:
0x29: {  	(pc) =	sbr.rel @p0 .LBB2_4-.Ltmp1, $2  }
0x2a: {  	_ =	sdelay $0x2  }
0x2b: {  	s19 =	sshra.s32 s19, $0x2  }
0x2c: {  	[tilespmem:s19+$0x2800] =	vst v1;
	s18 =	simm.s32 $0x0  }
0x2d: {  	[tilespmem:s18], [sflag:$0x2] =	stream.linear.gather [hbm4b:s9+s18], $0x2800, $0x38;
	[tilespmem:$0x9000] =	vst v63  }
0x2e: {  	_ =	swait.ge [sflag:s13], $0x2800  }
0x2f: {  	[sflag:s13] =	ssyncset.done $0x0  }
0x30: {  	[sflag:s13] =	ssyncadd.s32 $0xFFFFD800  }
0x31: {  	s23 =	simm.s32 $0x0;
	[bflag:$0x0] =	sbarrier.arrive $0xFFFF  }
0x32: {  	[spmem:s2] =	stream.indirect.scatter.add.f32 [tilespmem:s12], [sflag:$0x1], $0x10, s23, s14, $0xb8;
	[tilespmem:$0x9000] =	vst v63  }
0x33: {  	s24 =	simm.s32 $0x80  }
0x34: {  	[spmem:s2] =	stream.indirect.scatter.add.f32 [tilespmem:s12], [sflag:$0x1], $0x10, s24, s14, $0xb8;
	[tilespmem:$0x9000] =	vst v63  }
0x35: {  	s25 =	simm.s32 $0x100  }
0x36: {  	[spmem:s2] =	stream.indirect.scatter.add.f32 [tilespmem:s12], [sflag:$0x1], $0x10, s25, s14, $0xb8;
	[tilespmem:$0x9000] =	vst v63  }
0x37: {  	s26 =	simm.s32 $0x180  }
0x38: {  	[spmem:s2] =	stream.indirect.scatter.add.f32 [tilespmem:s12], [sflag:$0x1], $0x10, s26, s14, $0xb8;
	[tilespmem:$0x9000] =	vst v63  }
0x39: {  	s28 =	simm.s32 $0x200  }
0x3a: {  	[spmem:s2] =	stream.indirect.scatter.add.f32 [tilespmem:s12], [sflag:$0x1], $0x10, s28, s14, $0xb8;
	[tilespmem:$0x9000] =	vst v63  }
0x3b: {  	s29 =	simm.s32 $0x280  }
0x3c: {  	[spmem:s2] =	stream.indirect.scatter.add.f32 [tilespmem:s12], [sflag:$0x1], $0x10, s29, s14, $0xb8;
	[tilespmem:$0x9000] =	vst v63  }
0x3d: {  	s30 =	simm.s32 $0x300  }
0x3e: {  	[spmem:s2] =	stream.indirect.scatter.add.f32 [tilespmem:s12], [sflag:$0x1], $0x10, s30, s14, $0xb8;
	[tilespmem:$0x9000] =	vst v63  }
0x3f: {  	s31 =	simm.s32 $0x380  }
0x40: {  	[spmem:s2] =	stream.indirect.scatter.add.f32 [tilespmem:s12], [sflag:$0x1], $0x10, s31, s14, $0xb8;
	[tilespmem:$0x9000] =	vst v63  }
0x41: {  	_ =	swait.ge [sflag:s15], $0x800  }
0x42: {  	[sflag:s15] =	ssyncset.done $0x0  }
0x43: {  	[sflag:s15] =	ssyncadd.s32 $0xFFFFF800  }
0x44: {  	_ =	swait.ge [sflag:s15], $0x800  }
0x45: {  	[sflag:s15] =	ssyncset.done $0x0  }
0x46: {  	[sflag:s15] =	ssyncadd.s32 $0xFFFFF800  }
0x47: {  	_ =	swait.ge [sflag:s15], $0x800  }
0x48: {  	[sflag:s15] =	ssyncset.done $0x0  }
0x49: {  	[sflag:s15] =	ssyncadd.s32 $0xFFFFF800  }
0x4a: {  	_ =	swait.ge [sflag:s15], $0x800  }
0x4b: {  	[sflag:s15] =	ssyncset.done $0x0  }
0x4c: {  	[sflag:s15] =	ssyncadd.s32 $0xFFFFF800  }
0x4d: {  	_ =	swait.ge [sflag:s15], $0x800  }
0x4e: {  	[sflag:s15] =	ssyncset.done $0x0  }
0x4f: {  	[sflag:s15] =	ssyncadd.s32 $0xFFFFF800  }
0x50: {  	_ =	swait.ge [sflag:s15], $0x800  }
0x51: {  	[sflag:s15] =	ssyncset.done $0x0  }
0x52: {  	[sflag:s15] =	ssyncadd.s32 $0xFFFFF800  }
0x53: {  	_ =	swait.ge [sflag:s15], $0x800  }
0x54: {  	[sflag:s15] =	ssyncset.done $0x0  }
0x55: {  	[sflag:s15] =	ssyncadd.s32 $0xFFFFF800  }
0x56: {  	_ =	swait.ge [sflag:s15], $0x800  }
0x57: {  	s20 =	simm.s32 $0x2000;
	s18 =	simm.s32 $0x1000;
	[sflag:s15] =	ssyncset.done $0x0  }
.LBB2_6:
0x58: {  	s21 =	sshra.s32 s18, $0x2  }
0x59: {  	[sflag:s15] =	ssyncadd.s32 $0xFFFFF800;
	s18 =	smov.u32 s20;
	s19 =	sadd.s32 $0x1000, s20  }
0x5a: {  	[spmem:s2] =	stream.indirect.scatter.add.f32 [tilespmem:s12], [sflag:$0x1], $0x10, s21, s14, $0xb8;
	[tilespmem:$0x9000] =	vst v63  }
0x5b: {  	p0 =	sne.s32 s20, $0x9000;
	s20 =	sadd.s32 $0x80, s21  }
0x5c: {  	[spmem:s2] =	stream.indirect.scatter.add.f32 [tilespmem:s12], [sflag:$0x1], $0x10, s20, s14, $0xb8;
	[tilespmem:$0x9000] =	vst v63  }
0x5d: {  	s20 =	sadd.s32 $0x100, s21  }
0x5e: {  	[spmem:s2] =	stream.indirect.scatter.add.f32 [tilespmem:s12], [sflag:$0x1], $0x10, s20, s14, $0xb8;
	[tilespmem:$0x9000] =	vst v63  }
0x5f: {  	s20 =	sadd.s32 $0x180, s21  }
0x60: {  	[spmem:s2] =	stream.indirect.scatter.add.f32 [tilespmem:s12], [sflag:$0x1], $0x10, s20, s14, $0xb8;
	[tilespmem:$0x9000] =	vst v63  }
0x61: {  	s20 =	sadd.s32 $0x200, s21  }
0x62: {  	[spmem:s2] =	stream.indirect.scatter.add.f32 [tilespmem:s12], [sflag:$0x1], $0x10, s20, s14, $0xb8;
	[tilespmem:$0x9000] =	vst v63  }
0x63: {  	s20 =	sadd.s32 $0x280, s21  }
0x64: {  	[spmem:s2] =	stream.indirect.scatter.add.f32 [tilespmem:s12], [sflag:$0x1], $0x10, s20, s14, $0xb8;
	[tilespmem:$0x9000] =	vst v63  }
0x65: {  	s20 =	sadd.s32 $0x300, s21  }
0x66: {  	[spmem:s2] =	stream.indirect.scatter.add.f32 [tilespmem:s12], [sflag:$0x1], $0x10, s20, s14, $0xb8;
	[tilespmem:$0x9000] =	vst v63  }
0x67: {  	s20 =	sadd.s32 $0x380, s21  }
0x68: {  	[spmem:s2] =	stream.indirect.scatter.add.f32 [tilespmem:s12], [sflag:$0x1], $0x10, s20, s14, $0xb8;
	[tilespmem:$0x9000] =	vst v63  }
0x69: {  	_ =	swait.ge [sflag:s15], $0x800  }
0x6a: {  	[sflag:s15] =	ssyncset.done $0x0  }
0x6b: {  	[sflag:s15] =	ssyncadd.s32 $0xFFFFF800  }
0x6c: {  	_ =	swait.ge [sflag:s15], $0x800  }
0x6d: {  	[sflag:s15] =	ssyncset.done $0x0  }
0x6e: {  	[sflag:s15] =	ssyncadd.s32 $0xFFFFF800  }
0x6f: {  	_ =	swait.ge [sflag:s15], $0x800  }
0x70: {  	[sflag:s15] =	ssyncset.done $0x0  }
0x71: {  	[sflag:s15] =	ssyncadd.s32 $0xFFFFF800  }
0x72: {  	_ =	swait.ge [sflag:s15], $0x800  }
0x73: {  	[sflag:s15] =	ssyncset.done $0x0  }
0x74: {  	[sflag:s15] =	ssyncadd.s32 $0xFFFFF800  }
0x75: {  	_ =	swait.ge [sflag:s15], $0x800  }
0x76: {  	[sflag:s15] =	ssyncset.done $0x0  }
0x77: {  	[sflag:s15] =	ssyncadd.s32 $0xFFFFF800  }
0x78: {  	_ =	swait.ge [sflag:s15], $0x800  }
0x79: {  	[sflag:s15] =	ssyncset.done $0x0  }
0x7a: {  	[sflag:s15] =	ssyncadd.s32 $0xFFFFF800  }
.Ltmp2:
0x7b: {  	_ =	swait.ge [sflag:s15], $0x800;
	(pc) =	sbr.rel @p0 .LBB2_6-.Ltmp2, $4  }
0x7c: {  	[sflag:s15] =	ssyncset.done $0x0  }
0x7d: {  	[sflag:s15] =	ssyncadd.s32 $0xFFFFF800  }
0x7e: {  	_ =	swait.ge [sflag:s15], $0x800  }
0x7f: {  	s20 =	smov.u32 s19;
	[sflag:s15] =	ssyncset.done $0x0  }
0x80: {  	s18 =	sshra.s32 s18, $0x2;
	[sflag:s15] =	ssyncadd.s32 $0xFFFFF800  }
0x81: {  	[spmem:s2] =	stream.indirect.scatter.add.f32 [tilespmem:s12], [sflag:$0x1], $0x10, s18, s14, $0xb8;
	[tilespmem:$0x9000] =	vst v63  }
0x82: {  	s19 =	sadd.s32 $0x80, s18  }
0x83: {  	[spmem:s2] =	stream.indirect.scatter.add.f32 [tilespmem:s12], [sflag:$0x1], $0x10, s19, s14, $0xb8;
	[tilespmem:$0x9000] =	vst v63  }
0x84: {  	s26 =	sadd.s32 $0x100, s18  }
0x85: {  	[spmem:s2] =	stream.indirect.scatter.add.f32 [tilespmem:s12], [sflag:$0x1], $0x10, s26, s14, $0xb8;
	[tilespmem:$0x9000] =	vst v63  }
0x86: {  	s28 =	sadd.s32 $0x180, s18  }
0x87: {  	[spmem:s2] =	stream.indirect.scatter.add.f32 [tilespmem:s12], [sflag:$0x1], $0x10, s28, s14, $0xb8;
	[tilespmem:$0x9000] =	vst v63  }
0x88: {  	s29 =	sadd.s32 $0x200, s18  }
0x89: {  	[spmem:s2] =	stream.indirect.scatter.add.f32 [tilespmem:s12], [sflag:$0x1], $0x10, s29, s14, $0xb8;
	[tilespmem:$0x9000] =	vst v63  }
0x8a: {  	s30 =	sadd.s32 $0x280, s18  }
0x8b: {  	[spmem:s2] =	stream.indirect.scatter.add.f32 [tilespmem:s12], [sflag:$0x1], $0x10, s30, s14, $0xb8;
	[tilespmem:$0x9000] =	vst v63  }
0x8c: {  	s31 =	sadd.s32 $0x300, s18  }
0x8d: {  	[spmem:s2] =	stream.indirect.scatter.add.f32 [tilespmem:s12], [sflag:$0x1], $0x10, s31, s14, $0xb8;
	[tilespmem:$0x9000] =	vst v63  }
0x8e: {  	s18 =	sadd.s32 $0x380, s18  }
0x8f: {  	[spmem:s2] =	stream.indirect.scatter.add.f32 [tilespmem:s12], [sflag:$0x1], $0x10, s18, s14, $0xb8;
	[tilespmem:$0x9000] =	vst v63  }
0x90: {  	_ =	swait.ge [sflag:s15], $0x800  }
0x91: {  	[sflag:s15] =	ssyncset.done $0x0  }
0x92: {  	[sflag:s15] =	ssyncadd.s32 $0xFFFFF800  }
0x93: {  	_ =	swait.ge [sflag:s15], $0x800  }
0x94: {  	[sflag:s15] =	ssyncset.done $0x0  }
0x95: {  	[sflag:s15] =	ssyncadd.s32 $0xFFFFF800  }
0x96: {  	_ =	swait.ge [sflag:s15], $0x800  }
0x97: {  	[sflag:s15] =	ssyncset.done $0x0  }
0x98: {  	[sflag:s15] =	ssyncadd.s32 $0xFFFFF800  }
0x99: {  	_ =	swait.ge [sflag:s15], $0x800  }
0x9a: {  	[sflag:s15] =	ssyncset.done $0x0  }
0x9b: {  	[sflag:s15] =	ssyncadd.s32 $0xFFFFF800  }
0x9c: {  	_ =	swait.ge [sflag:s15], $0x800  }
0x9d: {  	[sflag:s15] =	ssyncset.done $0x0  }
0x9e: {  	[sflag:s15] =	ssyncadd.s32 $0xFFFFF800  }
0x9f: {  	_ =	swait.ge [sflag:s15], $0x800  }
0xa0: {  	[sflag:s15] =	ssyncset.done $0x0  }
0xa1: {  	[sflag:s15] =	ssyncadd.s32 $0xFFFFF800  }
0xa2: {  	_ =	swait.ge [sflag:s15], $0x800  }
0xa3: {  	[sflag:s15] =	ssyncset.done $0x0  }
0xa4: {  	[sflag:s15] =	ssyncadd.s32 $0xFFFFF800  }
0xa5: {  	_ =	swait.ge [sflag:s15], $0x800  }
0xa6: {  	s3 =	sadd.s32 $0x1, s3;
	[sflag:s15] =	ssyncset.done $0x0  }
0xa7: {  	p0 =	sne.s32 s3, s11;
	[sflag:s15] =	ssyncadd.s32 $0xFFFFF800  }
.Ltmp3:
0xa8: {  	[bflag:$0x0] =	sbarrier.arrive $0xFFFF;
	(pc) =	sbr.rel @p0 .LBB2_1-.Ltmp3, $4  }
0xa9: {  	[hbm:s10], [sflag:s16] =	dma.local [spmem:s17], $0x2800  }
0xaa: {  	_ =	swait.ge [sflag:s13], $0x2800  }
0xab: {  	[sflag:s13] =	ssyncset.done $0x0  }
0xac: {  	[sflag:s13] =	ssyncadd.s32 $0xFFFFD800  }
0xad: {  	_ =	sfence.sel $0x180000  }
0xae: {  	[bflag:$0x0] =	sbarrier.arrive $0xFFFF  }
0xaf: {  	p0 =	sne.s32 s0, $0x0;
	_ =	strace $0x90000047  }
0xb0: {  	s0 =	sadd.s32 @!p0 $0x100000, s1;
	[bflag:$0x2] =	sbarrier.arrive $0xFFFF  }
0xb1: {  	[sflag:s0] =	ssyncadd.tile.s32 @!p0 $0x1;
	_ =	shalt  }
.Lfunc_end2:
_tile_overlayer_lowered:
.L_overlay_start_2:
0xb2: {  	(tag) =	ssettag $0x2  }
0xb3: {  	s0 =	rddreg [dreg:$0x0];
	s2 =	stileid.u32  }
0xb4: {  	s1 =	rddreg [dreg:$0x1];
	p0 =	sne.s32 s2, $0x0  }
0xb5: {  	s3 =	rddreg [dreg:$0x2];
	[bflag:$0x3] =	sbarrier.arrive $0xFFFF;
	s2 =	simm.s32 @!p0 $0x1C02  }
0xb6: {  	[timem:s3], [sflag:s2] =	dma.local @!p0 [hbm:s0], s1  }
0xb7: {  	s0 =	simm.s32 @!p0 $0x2  }
0xb8: {  	_ =	swait.ge @!p0 [sflag:s0], s1  }
0xb9: {  	s1 =	ssub.s32 @!p0 $0x0, s1;
	[sflag:s0] =	ssyncset.done @!p0 $0x0  }
0xba: {  	[sflag:s0] =	ssyncadd.s32 @!p0 s1  }
0xbb: {  	[bflag:$0x3] =	sbarrier.arrive $0xFFFF  }
0xbc: {  	_ =	shalt  }

</sc_bundles>
